<compile_context>
chip_gen: v7x
topology: tpu7x:2x2x1
jax: 0.10.2.dev20260603
libtpu: 0.0.44.dev20260713+nightly
codegen_flags: <defaults>
</compile_context>

<pallas_src>
import jax
import jax.numpy as jnp
from jax import lax
from jax.experimental import pallas as pl
from jax.experimental.pallas import tpu as pltpu
from jax.experimental.pallas import tpu_sc as plsc

VOCAB = 1000
PADC = 1024
N_TOK = 51200
NC, NS = 2, 16
NW = NC * NS
PER_W = N_TOK // NW
RC = 16
N_RCHUNK = PER_W // RC
IDX_ROWS = 13


def _lse_body(t_ref, o_ref):
    t = t_ref[...]
    m = jnp.max(t, axis=1, keepdims=True)
    s = jnp.sum(jnp.exp(t - m), axis=1, keepdims=True)
    o_ref[...] = m + jnp.log(s)


def _cost_body(p_ref, o_ref):
    o_ref[...] = jnp.reshape(-jnp.sum(p_ref[...]) * (1.0 / N_TOK), (1, 1))


def _sc_body(table_hbm, idx_hbm, tgt_hbm, lse_hbm,
             out_hbm, part_hbm,
             idx_v, tgt_v, lse_v, rows_pad, rows_out, acc_v,
             semg0, semg1, semo0, semo1):
    wid = lax.axis_index("s") * NC + lax.axis_index("c")
    base = wid * PER_W
    gsems = (semg0, semg1)
    osems = (semo0, semo1)

    pltpu.sync_copy(idx_hbm.at[wid], idx_v)
    pltpu.sync_copy(tgt_hbm.at[wid], tgt_v)
    pltpu.sync_copy(lse_hbm, lse_v)
    acc_v[0, :] = jnp.zeros((16,), jnp.float32)

    iota16 = lax.iota(jnp.int32, 16)
    tail_r = iota16 // 8
    tail_c = (iota16 % 8) + (VOCAB - 8)

    def idxvec(g):
        return idx_v[g // 8, pl.ds((g % 8) * 16, 16)]

    def tgtvec(g):
        return tgt_v[g // 8, pl.ds((g % 8) * 16, 16)]

    def gstart(g, b):
        pltpu.async_copy(table_hbm.at[idxvec(g)], rows_pad.at[b], gsems[b])

    def gwait(g, b):
        pltpu.make_async_copy(table_hbm.at[idxvec(g)], rows_pad.at[b],
                              gsems[b]).wait()

    def ostart(w, b):
        pltpu.async_copy(rows_out.at[b],
                         out_hbm.at[pl.ds(base + w * (2 * RC), 2 * RC)],
                         osems[b])

    def owait(w, b):
        pltpu.make_async_copy(rows_out.at[b],
                              out_hbm.at[pl.ds(base + w * (2 * RC), 2 * RC)],
                              osems[b]).wait()

    gstart(0, 0)
    gstart(1, 1)

    def body(k, carry):
        for half in range(2):
            w = 2 * k + half
            wb = half
            @pl.when(w >= 2)
            def _():
                owait(w - 2, wb)

            for sub in range(2):
                g = 2 * w + sub
                gwait(g, sub)

                def crow(r, c):
                    for j in range(62):
                        rows_out[wb, sub * RC + r, pl.ds(j * 16, 16)] = \
                            rows_pad[sub, r, pl.ds(j * 16, 16)]
                    return c

                lax.fori_loop(0, RC, crow, 0)
                for rr in range(8):
                    tv = plsc.load_gather(rows_pad.at[sub],
                                          [tail_r + 2 * rr, tail_c])
                    plsc.store_scatter(
                        rows_out.at[wb],
                        [tail_r + 2 * rr + sub * RC, tail_c], tv)

                vals = plsc.load_gather(rows_pad.at[sub], [iota16, tgtvec(g)])
                lsegs = plsc.load_gather(lse_v, [idxvec(g)])
                acc_v[0, :] = acc_v[0, :] + (vals - lsegs)

                @pl.when(g + 2 < N_RCHUNK)
                def _():
                    gstart(g + 2, sub)

            ostart(w, wb)
        return carry

    lax.fori_loop(0, N_RCHUNK // 4, body, 0)
    owait(N_RCHUNK // 2 - 2, 0)
    owait(N_RCHUNK // 2 - 1, 1)
    pltpu.sync_copy(acc_v, part_hbm.at[wid])


def _make_sc_gather():
    mesh = plsc.VectorSubcoreMesh(core_axis_name="c", subcore_axis_name="s",
                                  num_cores=NC, num_subcores=NS)
    return pl.kernel(
        _sc_body,
        out_type=[
            jax.ShapeDtypeStruct((N_TOK, VOCAB), jnp.float32),
            jax.ShapeDtypeStruct((NW, 1, 16), jnp.float32),
        ],
        mesh=mesh,
        compiler_params=pltpu.CompilerParams(use_tc_tiling_on_sc=True,
                                             needs_layout_passes=False),
        scratch_types=[
            pltpu.VMEM((IDX_ROWS, 128), jnp.int32),
            pltpu.VMEM((IDX_ROWS, 128), jnp.int32),
            pltpu.VMEM((VOCAB,), jnp.float32),
            pltpu.VMEM((2, RC, PADC), jnp.float32),
            pltpu.VMEM((2, 2 * RC, VOCAB), jnp.float32),
            pltpu.VMEM((1, 16), jnp.float32),
            pltpu.SemaphoreType.DMA,
            pltpu.SemaphoreType.DMA,
            pltpu.SemaphoreType.DMA,
            pltpu.SemaphoreType.DMA,
        ],
    )


_sc_gather = _make_sc_gather()


def kernel(idx, targets, table):
    idx32 = idx.reshape(-1).astype(jnp.int32)
    tgt32 = targets.reshape(-1).astype(jnp.int32)
    table = table.astype(jnp.float32)

    lse = pl.pallas_call(
        _lse_body,
        out_shape=jax.ShapeDtypeStruct((VOCAB, 1), jnp.float32),
    )(table)

    table_pad = jnp.pad(table, ((0, 0), (0, PADC - VOCAB)))
    pad_tok = IDX_ROWS * 128 - PER_W
    idx_pad = jnp.pad(idx32.reshape(NW, PER_W), ((0, 0), (0, pad_tok)))
    tgt_pad = jnp.pad(tgt32.reshape(NW, PER_W), ((0, 0), (0, pad_tok)))

    logits2, partials = _sc_gather(
        table_pad,
        idx_pad.reshape(NW, IDX_ROWS, 128),
        tgt_pad.reshape(NW, IDX_ROWS, 128),
        lse.reshape(-1),
    )

    cost = pl.pallas_call(
        _cost_body,
        out_shape=jax.ShapeDtypeStruct((1, 1), jnp.float32),
    )(partials.reshape(NW, 16))[0, 0]

    return (logits2, cost)

# --- scband reference (transcript-rebuilt; emitter-appended) ---
"""Pipeline reference for scband-model-11012296147117 (READ-ONLY COPY).

The authoritative reference and input builder live on the scoring server;
editing this copy changes nothing except your own understanding.
"""

import jax, jax.numpy as jnp
import numpy as np

VOCAB = 1000
B, T = 1024, 50

def setup_inputs(seed: int = 0) -> dict:
    key = jax.random.key(seed)
    k1, k2, k3 = jax.random.split(key, 3)
    idx = jax.random.randint(k1, (B, T), 0, VOCAB, dtype=jnp.int64 if jax.config.jax_enable_x64 else jnp.int32)
    targets = jax.random.randint(k2, (B, T), 0, VOCAB, dtype=jnp.int64 if jax.config.jax_enable_x64 else jnp.int32)
    table = jax.random.normal(k3, (VOCAB, VOCAB), dtype=jnp.float32)
    return {"idx": idx, "targets": targets, "table": table}

def reference(idx, targets, table):
    # logits = token_embedding_table(idx)
    logits = jnp.take(table, idx, axis=0)  # [B, T, C]
    Bx, Tx, C = logits.shape
    logits2 = logits.reshape(Bx * Tx, C)
    tgt = targets.reshape(Bx * Tx)
    # cross_entropy with mean reduction
    logprobs = jax.nn.log_softmax(logits2, axis=-1)
    cost = -jnp.mean(logprobs[jnp.arange(Bx * Tx), tgt])
    return (logits2, cost)

if __name__ == "__main__":
    import jax
    _d = setup_inputs()
    print(jax.jit(kernel)(*tuple(_d.values())))

</pallas_src>

<mosaic_0001>
#map = affine_map<(d0, d1) -> (0, 0)>
#map1 = affine_map<(d0, d1) -> (0, 0, 0)>
#map2 = affine_map<(d0, d1) -> (0)>
module attributes {stable_mosaic.version = 14 : i64} {
  func.func @_sc_body(%arg0: i32, %arg1: i32, %arg2: memref<1000x1024xf32, #tpu.memory_space<hbm>>, %arg3: memref<32x13x128xi32, #tpu.memory_space<hbm>>, %arg4: memref<32x13x128xi32, #tpu.memory_space<hbm>>, %arg5: memref<1000xf32, #tpu.memory_space<hbm>>, %arg6: memref<51200x1000xf32, #tpu.memory_space<hbm>>, %arg7: memref<32x1x16xf32, #tpu.memory_space<hbm>>, %arg8: memref<13x128xi32, #tpu.memory_space<vmem>>, %arg9: memref<13x128xi32, #tpu.memory_space<vmem>>, %arg10: memref<1000xf32, #tpu.memory_space<vmem>>, %arg11: memref<2x16x1024xf32, #tpu.memory_space<vmem>>, %arg12: memref<2x32x1000xf32, #tpu.memory_space<vmem>>, %arg13: memref<1x16xf32, #tpu.memory_space<vmem>>, %arg14: memref<!tpu.dma_semaphore, #tpu.memory_space<semaphore_mem>>, %arg15: memref<!tpu.dma_semaphore, #tpu.memory_space<semaphore_mem>>, %arg16: memref<!tpu.dma_semaphore, #tpu.memory_space<semaphore_mem>>, %arg17: memref<!tpu.dma_semaphore, #tpu.memory_space<semaphore_mem>>) attributes {dimension_semantics = [#tpu.dimension_semantics<core_parallel>, #tpu.dimension_semantics<subcore_parallel>], iteration_bounds = array<i64: 2, 16>, scalar_prefetch = 0 : i64, scratch_operands = 10 : i64, tpu.core_type = #tpu.core_type<sc_vector_subcore>, window_params = [{transform_indices = #map}, {transform_indices = #map1}, {transform_indices = #map1}, {transform_indices = #map2}, {transform_indices = #map}, {transform_indices = #map1}]} {
    %mul3A = arith.constant 2 : i32
    %mul3A_0 = arith.muli %arg1, %mul3A : i32
    %add3A = arith.addi %mul3A_0, %arg0 : i32
    %mul3A_1 = arith.constant 1600 : i32
    %mul3A_2 = arith.muli %add3A, %mul3A_1 : i32
    "tpu.region"() ({
      %run_scoped3A = tpu.sem_alloc : memref<!tpu.dma_semaphore, #tpu.memory_space<semaphore_mem>>
      %dma_start3A_109 = arith.constant 0 : i32
      %dma_start3A_110 = arith.constant 0 : i32
      %dma_start3A_111 = tpu.memref_slice %arg3[%add3A, %dma_start3A_109, %dma_start3A_110] : memref<32x13x128xi32, #tpu.memory_space<hbm>> -> memref<1x13x128xi32, #tpu.memory_space<hbm>>
      %dma_start3A_112 = tpu.memref_squeeze %dma_start3A_111 : memref<1x13x128xi32, #tpu.memory_space<hbm>> -> memref<13x128xi32, #tpu.memory_space<hbm>>
      %dma_start3A_113 = arith.constant 0 : i32
      %dma_start3A_114 = arith.constant 0 : i32
      %dma_start3A_115 = tpu.memref_slice %arg3[%add3A, %dma_start3A_113, %dma_start3A_114] : memref<32x13x128xi32, #tpu.memory_space<hbm>> -> memref<1x13x128xi32, #tpu.memory_space<hbm>>
      %dma_start3A_116 = tpu.memref_squeeze %dma_start3A_115 : memref<1x13x128xi32, #tpu.memory_space<hbm>> -> memref<13x128xi32, #tpu.memory_space<hbm>>
      tpu.enqueue_dma source(%dma_start3A_116 : memref<13x128xi32, #tpu.memory_space<hbm>>) target(%arg8 : memref<13x128xi32, #tpu.memory_space<vmem>>) target_semaphore(%run_scoped3A : memref<!tpu.dma_semaphore, #tpu.memory_space<semaphore_mem>>)
      %dma_wait3A_117 = arith.constant 0 : i32
      %dma_wait3A_118 = arith.constant 0 : i32
      %dma_wait3A_119 = tpu.memref_slice %arg3[%add3A, %dma_wait3A_117, %dma_wait3A_118] : memref<32x13x128xi32, #tpu.memory_space<hbm>> -> memref<1x13x128xi32, #tpu.memory_space<hbm>>
      %dma_wait3A_120 = tpu.memref_squeeze %dma_wait3A_119 : memref<1x13x128xi32, #tpu.memory_space<hbm>> -> memref<13x128xi32, #tpu.memory_space<hbm>>
      %dma_wait3A_121 = arith.constant 0 : i32
      %dma_wait3A_122 = arith.constant 0 : i32
      %dma_wait3A_123 = tpu.memref_slice %arg3[%add3A, %dma_wait3A_121, %dma_wait3A_122] : memref<32x13x128xi32, #tpu.memory_space<hbm>> -> memref<1x13x128xi32, #tpu.memory_space<hbm>>
      %dma_wait3A_124 = tpu.memref_squeeze %dma_wait3A_123 : memref<1x13x128xi32, #tpu.memory_space<hbm>> -> memref<13x128xi32, #tpu.memory_space<hbm>>
      tpu.wait_dma2 semaphore(%run_scoped3A : memref<!tpu.dma_semaphore, #tpu.memory_space<semaphore_mem>>) src(%dma_wait3A_124 : memref<13x128xi32, #tpu.memory_space<hbm>>) dst(%arg8 : memref<13x128xi32, #tpu.memory_space<vmem>>)
      tpu.yield
    }) : () -> ()
    "tpu.region"() ({
      %run_scoped3A = tpu.sem_alloc : memref<!tpu.dma_semaphore, #tpu.memory_space<semaphore_mem>>
      %dma_start3A_109 = arith.constant 0 : i32
      %dma_start3A_110 = arith.constant 0 : i32
      %dma_start3A_111 = tpu.memref_slice %arg4[%add3A, %dma_start3A_109, %dma_start3A_110] : memref<32x13x128xi32, #tpu.memory_space<hbm>> -> memref<1x13x128xi32, #tpu.memory_space<hbm>>
      %dma_start3A_112 = tpu.memref_squeeze %dma_start3A_111 : memref<1x13x128xi32, #tpu.memory_space<hbm>> -> memref<13x128xi32, #tpu.memory_space<hbm>>
      %dma_start3A_113 = arith.constant 0 : i32
      %dma_start3A_114 = arith.constant 0 : i32
      %dma_start3A_115 = tpu.memref_slice %arg4[%add3A, %dma_start3A_113, %dma_start3A_114] : memref<32x13x128xi32, #tpu.memory_space<hbm>> -> memref<1x13x128xi32, #tpu.memory_space<hbm>>
      %dma_start3A_116 = tpu.memref_squeeze %dma_start3A_115 : memref<1x13x128xi32, #tpu.memory_space<hbm>> -> memref<13x128xi32, #tpu.memory_space<hbm>>
      tpu.enqueue_dma source(%dma_start3A_116 : memref<13x128xi32, #tpu.memory_space<hbm>>) target(%arg9 : memref<13x128xi32, #tpu.memory_space<vmem>>) target_semaphore(%run_scoped3A : memref<!tpu.dma_semaphore, #tpu.memory_space<semaphore_mem>>)
      %dma_wait3A_117 = arith.constant 0 : i32
      %dma_wait3A_118 = arith.constant 0 : i32
      %dma_wait3A_119 = tpu.memref_slice %arg4[%add3A, %dma_wait3A_117, %dma_wait3A_118] : memref<32x13x128xi32, #tpu.memory_space<hbm>> -> memref<1x13x128xi32, #tpu.memory_space<hbm>>
      %dma_wait3A_120 = tpu.memref_squeeze %dma_wait3A_119 : memref<1x13x128xi32, #tpu.memory_space<hbm>> -> memref<13x128xi32, #tpu.memory_space<hbm>>
      %dma_wait3A_121 = arith.constant 0 : i32
      %dma_wait3A_122 = arith.constant 0 : i32
      %dma_wait3A_123 = tpu.memref_slice %arg4[%add3A, %dma_wait3A_121, %dma_wait3A_122] : memref<32x13x128xi32, #tpu.memory_space<hbm>> -> memref<1x13x128xi32, #tpu.memory_space<hbm>>
      %dma_wait3A_124 = tpu.memref_squeeze %dma_wait3A_123 : memref<1x13x128xi32, #tpu.memory_space<hbm>> -> memref<13x128xi32, #tpu.memory_space<hbm>>
      tpu.wait_dma2 semaphore(%run_scoped3A : memref<!tpu.dma_semaphore, #tpu.memory_space<semaphore_mem>>) src(%dma_wait3A_124 : memref<13x128xi32, #tpu.memory_space<hbm>>) dst(%arg9 : memref<13x128xi32, #tpu.memory_space<vmem>>)
      tpu.yield
    }) : () -> ()
    "tpu.region"() ({
      %run_scoped3A = tpu.sem_alloc : memref<!tpu.dma_semaphore, #tpu.memory_space<semaphore_mem>>
      tpu.enqueue_dma source(%arg5 : memref<1000xf32, #tpu.memory_space<hbm>>) target(%arg10 : memref<1000xf32, #tpu.memory_space<vmem>>) target_semaphore(%run_scoped3A : memref<!tpu.dma_semaphore, #tpu.memory_space<semaphore_mem>>)
      tpu.wait_dma2 semaphore(%run_scoped3A : memref<!tpu.dma_semaphore, #tpu.memory_space<semaphore_mem>>) src(%arg5 : memref<1000xf32, #tpu.memory_space<hbm>>) dst(%arg10 : memref<1000xf32, #tpu.memory_space<vmem>>)
      tpu.yield
    }) : () -> ()
    %broadcast_in_dim3A = arith.constant 0.000000e+00 : f32
    %broadcast_in_dim3A_3 = vector.broadcast %broadcast_in_dim3A : f32 to vector<16xf32>
    %swap3A = arith.constant 0 : i32
    %swap3A_4 = arith.index_cast %swap3A : i32 to index
    %swap3A_5 = arith.constant 0 : index
    %swap3A_6 = tpu.vector_load %arg13[%swap3A_4, %swap3A_5] {strides = array<i32>} : memref<1x16xf32, #tpu.memory_space<vmem>>, vector<16xf32>,
    tpu.vector_store %arg13[%swap3A_4, %swap3A_5], %broadcast_in_dim3A_3 {strides = array<i32>} : memref<1x16xf32, #tpu.memory_space<vmem>>, vector<16xf32>,
    %iota3A = tpu.iota {dimensions = array<i32: 0>} : vector<16xi32>
    %jit3A = arith.constant 8 : i32
    %div3A = vector.broadcast %jit3A : i32 to vector<16xi32>
    %div3A_7 = arith.divsi %iota3A, %div3A : vector<16xi32>
    %sign3A = arith.constant 0 : i32
    %sign3A_8 = vector.broadcast %sign3A : i32 to vector<16xi32>
    %sign3A_9 = arith.cmpi sgt, %iota3A, %sign3A_8 : vector<16xi32>
    %sign3A_10 = arith.extui %sign3A_9 : vector<16xi1> to vector<16xi32>
    %sign3A_11 = arith.constant 0 : i32
    %sign3A_12 = vector.broadcast %sign3A_11 : i32 to vector<16xi32>
    %sign3A_13 = arith.cmpi slt, %iota3A, %sign3A_12 : vector<16xi32>
    %sign3A_14 = arith.extui %sign3A_13 : vector<16xi1> to vector<16xi32>
    %sign3A_15 = arith.subi %sign3A_10, %sign3A_14 : vector<16xi32>
    %sign3A_16 = arith.constant 0 : i32
    %sign3A_17 = arith.cmpi sgt, %jit3A, %sign3A_16 : i32
    %sign3A_18 = arith.extui %sign3A_17 : i1 to i32
    %sign3A_19 = arith.constant 0 : i32
    %sign3A_20 = arith.cmpi slt, %jit3A, %sign3A_19 : i32
    %sign3A_21 = arith.extui %sign3A_20 : i1 to i32
    %sign3A_22 = arith.subi %sign3A_18, %sign3A_21 : i32
    %ne3A = vector.broadcast %sign3A_22 : i32 to vector<16xi32>
    %ne3A_23 = arith.cmpi ne, %sign3A_15, %ne3A : vector<16xi32>
    %rem3A = vector.broadcast %jit3A : i32 to vector<16xi32>
    %rem3A_24 = arith.remsi %iota3A, %rem3A : vector<16xi32>
    %ne3A_25 = arith.constant 0 : i32
    %ne3A_26 = vector.broadcast %ne3A_25 : i32 to vector<16xi32>
    %ne3A_27 = arith.cmpi ne, %rem3A_24, %ne3A_26 : vector<16xi32>
    %and3A = arith.andi %ne3A_23, %ne3A_27 : vector<16xi1>
    %sub3A = arith.constant 1 : i32
    %sub3A_28 = vector.broadcast %sub3A : i32 to vector<16xi32>
    %sub3A_29 = arith.subi %div3A_7, %sub3A_28 : vector<16xi32>
    %select_n3A = arith.select %and3A, %sub3A_29, %div3A_7 : vector<16xi1>, vector<16xi32>
    %jit3A_30 = arith.constant 8 : i32
    %eq3A = arith.constant 0 : i32
    %eq3A_31 = arith.cmpi eq, %jit3A_30, %eq3A : i32
    %jit3A_32 = arith.constant 1 : i32
    %select_n3A_33 = arith.select %eq3A_31, %jit3A_32, %jit3A_30 : i32
    %rem3A_34 = vector.broadcast %select_n3A_33 : i32 to vector<16xi32>
    %rem3A_35 = arith.remsi %iota3A, %rem3A_34 : vector<16xi32>
    %ne3A_36 = arith.constant 0 : i32
    %ne3A_37 = vector.broadcast %ne3A_36 : i32 to vector<16xi32>
    %ne3A_38 = arith.cmpi ne, %rem3A_35, %ne3A_37 : vector<16xi32>
    %lt3A = arith.constant 0 : i32
    %lt3A_39 = vector.broadcast %lt3A : i32 to vector<16xi32>
    %lt3A_40 = arith.cmpi slt, %rem3A_35, %lt3A_39 : vector<16xi32>
    %lt3A_41 = arith.constant 0 : i32
    %lt3A_42 = arith.cmpi slt, %select_n3A_33, %lt3A_41 : i32
    %ne3A_43 = vector.broadcast %lt3A_42 : i1 to vector<16xi1>
    %ne3A_44 = vector.broadcast %ne3A_43 : vector<16xi1> to vector<16xi1>
    %ne3A_45 = arith.xori %lt3A_40, %ne3A_44 : vector<16xi1>
    %and3A_46 = arith.andi %ne3A_45, %ne3A_38 : vector<16xi1>
    %add3A_47 = vector.broadcast %select_n3A_33 : i32 to vector<16xi32>
    %add3A_48 = arith.addi %rem3A_35, %add3A_47 : vector<16xi32>
    %select_n3A_49 = arith.select %and3A_46, %add3A_48, %rem3A_35 : vector<16xi1>, vector<16xi32>
    %add3A_50 = arith.constant 992 : i32
    %add3A_51 = vector.broadcast %add3A_50 : i32 to vector<16xi32>
    %add3A_52 = arith.addi %select_n3A_49, %add3A_51 : vector<16xi32>
    %get3A = arith.constant 0 : i32
    %get3A_53 = arith.index_cast %get3A : i32 to index
    %get3A_54 = arith.constant 0 : index
    %get3A_55 = tpu.vector_load %arg8[%get3A_53, %get3A_54] {strides = array<i32>} : memref<13x128xi32, #tpu.memory_space<vmem>>, vector<16xi32>,
    %dma_start3A = arith.constant 0 : i32
    %dma_start3A_56 = arith.constant 0 : i32
    %dma_start3A_57 = arith.constant 0 : i32
    %dma_start3A_58 = tpu.memref_slice %arg11[%dma_start3A, %dma_start3A_56, %dma_start3A_57] : memref<2x16x1024xf32, #tpu.memory_space<vmem>> -> memref<1x16x1024xf32, #tpu.memory_space<vmem>>
    %dma_start3A_59 = tpu.memref_squeeze %dma_start3A_58 : memref<1x16x1024xf32, #tpu.memory_space<vmem>> -> memref<16x1024xf32, #tpu.memory_space<vmem>>
    %dma_start3A_60 = arith.constant 0 : i32
    %dma_start3A_61 = arith.constant 0 : i32
    %dma_start3A_62 = tpu.memref_slice %arg2[%dma_start3A_60, %dma_start3A_61] : memref<1000x1024xf32, #tpu.memory_space<hbm>> -> memref<1000x1024xf32, #tpu.memory_space<hbm>>
    tpu.enqueue_indirect_dma source(%dma_start3A_62 : memref<1000x1024xf32, #tpu.memory_space<hbm>>) target(%dma_start3A_59 : memref<16x1024xf32, #tpu.memory_space<vmem>>) offsets(%get3A_55 : vector<16xi32>) semaphore(%arg14 : memref<!tpu.dma_semaphore, #tpu.memory_space<semaphore_mem>>)
    %get3A_63 = arith.constant 0 : i32
    %get3A_64 = arith.index_cast %get3A_63 : i32 to index
    %get3A_65 = arith.constant 16 : index
    %get3A_66 = tpu.vector_load %arg8[%get3A_64, %get3A_65] {strides = array<i32>} : memref<13x128xi32, #tpu.memory_space<vmem>>, vector<16xi32>,
    %dma_start3A_67 = arith.constant 1 : i32
    %dma_start3A_68 = arith.constant 0 : i32
    %dma_start3A_69 = arith.constant 0 : i32
    %dma_start3A_70 = tpu.memref_slice %arg11[%dma_start3A_67, %dma_start3A_68, %dma_start3A_69] : memref<2x16x1024xf32, #tpu.memory_space<vmem>> -> memref<1x16x1024xf32, #tpu.memory_space<vmem>>
    %dma_start3A_71 = tpu.memref_squeeze %dma_start3A_70 : memref<1x16x1024xf32, #tpu.memory_space<vmem>> -> memref<16x1024xf32, #tpu.memory_space<vmem>>
    %dma_start3A_72 = arith.constant 0 : i32
    %dma_start3A_73 = arith.constant 0 : i32
    %dma_start3A_74 = tpu.memref_slice %arg2[%dma_start3A_72, %dma_start3A_73] : memref<1000x1024xf32, #tpu.memory_space<hbm>> -> memref<1000x1024xf32, #tpu.memory_space<hbm>>
    tpu.enqueue_indirect_dma source(%dma_start3A_74 : memref<1000x1024xf32, #tpu.memory_space<hbm>>) target(%dma_start3A_71 : memref<16x1024xf32, #tpu.memory_space<vmem>>) offsets(%get3A_66 : vector<16xi32>) semaphore(%arg15 : memref<!tpu.dma_semaphore, #tpu.memory_space<semaphore_mem>>)
    %scan3A = arith.constant 0 : i32
    %scan3A_75 = arith.constant 0 : i32
    %scan3A_76 = arith.constant 25 : i32
    %scan3A_77 = arith.addi %scan3A_75, %scan3A_76 : i32
    %scan3A_78 = arith.constant 1 : i32
    scf.for %scan3A_109 = %scan3A_75 to %scan3A_77 step %scan3A_78  : i32 {
      %mul3A_110 = arith.constant 2 : i32
      %mul3A_111 = arith.muli %mul3A_110, %scan3A_109 : i32
      %add3A_112 = arith.constant 0 : i32
      %add3A_113 = arith.addi %mul3A_111, %add3A_112 : i32
      %ge3A = arith.constant 2 : i32
      %ge3A_114 = arith.cmpi sge, %add3A_113, %ge3A : i32
      %convert_element_type3A = arith.extui %ge3A_114 : i1 to i32
      %cond3A = arith.constant 0 : i32
      %cond3A_115 = arith.cmpi ne, %convert_element_type3A, %cond3A : i32
      scf.if %cond3A_115 {
        %sub3A_1503 = arith.constant 2 : i32
        %sub3A_1504 = arith.subi %add3A_113, %sub3A_1503 : i32
        %mul3A_1505 = arith.constant 32 : i32
        %mul3A_1506 = arith.muli %sub3A_1504, %mul3A_1505 : i32
        %add3A_1507 = arith.addi %mul3A_2, %mul3A_1506 : i32
        %dma_wait3A_1508 = arith.constant 0 : i32
        %dma_wait3A_1509 = arith.constant 0 : i32
        %dma_wait3A_1510 = arith.constant 0 : i32
        %dma_wait3A_1511 = tpu.memref_slice %arg12[%dma_wait3A_1508, %dma_wait3A_1509, %dma_wait3A_1510] : memref<2x32x1000xf32, #tpu.memory_space<vmem>> -> memref<1x32x1000xf32, #tpu.memory_space<vmem>>
        %dma_wait3A_1512 = tpu.memref_squeeze %dma_wait3A_1511 : memref<1x32x1000xf32, #tpu.memory_space<vmem>> -> memref<32x1000xf32, #tpu.memory_space<vmem>>
        %dma_wait3A_1513 = arith.constant 0 : i32
        %dma_wait3A_1514 = tpu.memref_slice %arg6[%add3A_1507, %dma_wait3A_1513] : memref<51200x1000xf32, #tpu.memory_space<hbm>> -> memref<32x1000xf32, #tpu.memory_space<hbm>>
        %dma_wait3A_1515 = arith.constant 0 : i32
        %dma_wait3A_1516 = tpu.memref_slice %arg6[%add3A_1507, %dma_wait3A_1515] : memref<51200x1000xf32, #tpu.memory_space<hbm>> -> memref<32x1000xf32, #tpu.memory_space<hbm>>
        %dma_wait3A_1517 = arith.constant 0 : i32
        %dma_wait3A_1518 = arith.constant 0 : i32
        %dma_wait3A_1519 = tpu.memref_slice %arg12[%dma_wait3A_1508, %dma_wait3A_1517, %dma_wait3A_1518] : memref<2x32x1000xf32, #tpu.memory_space<vmem>> -> memref<1x32x1000xf32, #tpu.memory_space<vmem>>
        %dma_wait3A_1520 = tpu.memref_squeeze %dma_wait3A_1519 : memref<1x32x1000xf32, #tpu.memory_space<vmem>> -> memref<32x1000xf32, #tpu.memory_space<vmem>>
        tpu.wait_dma2 semaphore(%arg16 : memref<!tpu.dma_semaphore, #tpu.memory_space<semaphore_mem>>) src(%dma_wait3A_1520 : memref<32x1000xf32, #tpu.memory_space<vmem>>) dst(%dma_wait3A_1516 : memref<32x1000xf32, #tpu.memory_space<hbm>>)
      } else {
      }
      %mul3A_116 = arith.constant 2 : i32
      %mul3A_117 = arith.muli %mul3A_116, %add3A_113 : i32
      %add3A_118 = arith.constant 0 : i32
      %add3A_119 = arith.addi %mul3A_117, %add3A_118 : i32
      %jit3A_120 = arith.constant 8 : i32
      %div3A_121 = arith.divsi %add3A_119, %jit3A_120 : i32
      %sign3A_122 = arith.constant 0 : i32
      %sign3A_123 = arith.cmpi sgt, %add3A_119, %sign3A_122 : i32
      %sign3A_124 = arith.extui %sign3A_123 : i1 to i32
      %sign3A_125 = arith.constant 0 : i32
      %sign3A_126 = arith.cmpi slt, %add3A_119, %sign3A_125 : i32
      %sign3A_127 = arith.extui %sign3A_126 : i1 to i32
      %sign3A_128 = arith.subi %sign3A_124, %sign3A_127 : i32
      %sign3A_129 = arith.constant 0 : i32
      %sign3A_130 = arith.cmpi sgt, %jit3A_120, %sign3A_129 : i32
      %sign3A_131 = arith.extui %sign3A_130 : i1 to i32
      %sign3A_132 = arith.constant 0 : i32
      %sign3A_133 = arith.cmpi slt, %jit3A_120, %sign3A_132 : i32
      %sign3A_134 = arith.extui %sign3A_133 : i1 to i32
      %sign3A_135 = arith.subi %sign3A_131, %sign3A_134 : i32
      %ne3A_136 = arith.cmpi ne, %sign3A_128, %sign3A_135 : i32
      %rem3A_137 = arith.remsi %add3A_119, %jit3A_120 : i32
      %ne3A_138 = arith.constant 0 : i32
      %ne3A_139 = arith.cmpi ne, %rem3A_137, %ne3A_138 : i32
      %and3A_140 = arith.andi %ne3A_136, %ne3A_139 : i1
      %sub3A_141 = arith.constant 1 : i32
      %sub3A_142 = arith.subi %div3A_121, %sub3A_141 : i32
      %select_n3A_143 = arith.select %and3A_140, %sub3A_142, %div3A_121 : i32
      %jit3A_144 = arith.constant 8 : i32
      %eq3A_145 = arith.constant 0 : i32
      %eq3A_146 = arith.cmpi eq, %jit3A_144, %eq3A_145 : i32
      %jit3A_147 = arith.constant 1 : i32
      %select_n3A_148 = arith.select %eq3A_146, %jit3A_147, %jit3A_144 : i32
      %rem3A_149 = arith.remsi %add3A_119, %select_n3A_148 : i32
      %ne3A_150 = arith.constant 0 : i32
      %ne3A_151 = arith.cmpi ne, %rem3A_149, %ne3A_150 : i32
      %lt3A_152 = arith.constant 0 : i32
      %lt3A_153 = arith.cmpi slt, %rem3A_149, %lt3A_152 : i32
      %lt3A_154 = arith.constant 0 : i32
      %lt3A_155 = arith.cmpi slt, %select_n3A_148, %lt3A_154 : i32
      %ne3A_156 = arith.xori %lt3A_153, %lt3A_155 : i1
      %and3A_157 = arith.andi %ne3A_156, %ne3A_151 : i1
      %add3A_158 = arith.addi %rem3A_149, %select_n3A_148 : i32
      %select_n3A_159 = arith.select %and3A_157, %add3A_158, %rem3A_149 : i32
      %mul3A_160 = arith.constant 16 : i32
      %mul3A_161 = arith.muli %select_n3A_159, %mul3A_160 : i32
      %get3A_162 = arith.index_cast %select_n3A_143 : i32 to index
      %get3A_163 = arith.index_cast %mul3A_161 : i32 to index
      %get3A_164 = tpu.vector_load %arg8[%get3A_162, %get3A_163] {strides = array<i32>} : memref<13x128xi32, #tpu.memory_space<vmem>>, vector<16xi32>,
      %dma_wait3A_165 = arith.constant 0 : i32
      %dma_wait3A_166 = arith.constant 0 : i32
      %dma_wait3A_167 = arith.constant 0 : i32
      %dma_wait3A_168 = tpu.memref_slice %arg11[%dma_wait3A_165, %dma_wait3A_166, %dma_wait3A_167] : memref<2x16x1024xf32, #tpu.memory_space<vmem>> -> memref<1x16x1024xf32, #tpu.memory_space<vmem>>
      %dma_wait3A_169 = tpu.memref_squeeze %dma_wait3A_168 : memref<1x16x1024xf32, #tpu.memory_space<vmem>> -> memref<16x1024xf32, #tpu.memory_space<vmem>>
      %dma_wait3A_170 = arith.constant 0 : i32
      %dma_wait3A_171 = arith.constant 0 : i32
      %dma_wait3A_172 = tpu.memref_slice %arg2[%dma_wait3A_170, %dma_wait3A_171] : memref<1000x1024xf32, #tpu.memory_space<hbm>> -> memref<1000x1024xf32, #tpu.memory_space<hbm>>
      tpu.wait_indirect_dma semaphore(%arg14 : memref<!tpu.dma_semaphore, #tpu.memory_space<semaphore_mem>>) src(%dma_wait3A_172 : memref<1000x1024xf32, #tpu.memory_space<hbm>>) dst(%dma_wait3A_169 : memref<16x1024xf32, #tpu.memory_space<vmem>>)
      %scan3A_173 = arith.constant 0 : i32
      %scan3A_174 = arith.constant 0 : i32
      %scan3A_175 = arith.constant 16 : i32
      %scan3A_176 = arith.addi %scan3A_174, %scan3A_175 : i32
      %scan3A_177 = arith.constant 1 : i32
      scf.for %scan3A_1503 = %scan3A_174 to %scan3A_176 step %scan3A_177  : i32 {
        %get3A_1504 = arith.constant 0 : i32
        %get3A_1505 = arith.index_cast %get3A_1504 : i32 to index
        %get3A_1506 = arith.index_cast %scan3A_1503 : i32 to index
        %get3A_1507 = arith.constant 0 : index
        %get3A_1508 = tpu.vector_load %arg11[%get3A_1505, %get3A_1506, %get3A_1507] {strides = array<i32>} : memref<2x16x1024xf32, #tpu.memory_space<vmem>>, vector<16xf32>,
        %add3A_1509 = arith.constant 0 : i32
        %add3A_1510 = arith.addi %add3A_1509, %scan3A_1503 : i32
        %swap3A_1511 = arith.constant 0 : i32
        %swap3A_1512 = arith.index_cast %swap3A_1511 : i32 to index
        %swap3A_1513 = arith.index_cast %add3A_1510 : i32 to index
        %swap3A_1514 = arith.constant 0 : index
        %swap3A_1515 = tpu.vector_load %arg12[%swap3A_1512, %swap3A_1513, %swap3A_1514] {strides = array<i32>} : memref<2x32x1000xf32, #tpu.memory_space<vmem>>, vector<16xf32>,
        tpu.vector_store %arg12[%swap3A_1512, %swap3A_1513, %swap3A_1514], %get3A_1508 {strides = array<i32>} : memref<2x32x1000xf32, #tpu.memory_space<vmem>>, vector<16xf32>,
        %get3A_1516 = arith.constant 0 : i32
        %get3A_1517 = arith.index_cast %get3A_1516 : i32 to index
        %get3A_1518 = arith.index_cast %scan3A_1503 : i32 to index
        %get3A_1519 = arith.constant 16 : index
        %get3A_1520 = tpu.vector_load %arg11[%get3A_1517, %get3A_1518, %get3A_1519] {strides = array<i32>} : memref<2x16x1024xf32, #tpu.memory_space<vmem>>, vector<16xf32>,
        %add3A_1521 = arith.constant 0 : i32
        %add3A_1522 = arith.addi %add3A_1521, %scan3A_1503 : i32
        %swap3A_1523 = arith.constant 0 : i32
        %swap3A_1524 = arith.index_cast %swap3A_1523 : i32 to index
        %swap3A_1525 = arith.index_cast %add3A_1522 : i32 to index
        %swap3A_1526 = arith.constant 16 : index
        %swap3A_1527 = tpu.vector_load %arg12[%swap3A_1524, %swap3A_1525, %swap3A_1526] {strides = array<i32>} : memref<2x32x1000xf32, #tpu.memory_space<vmem>>, vector<16xf32>,
        tpu.vector_store %arg12[%swap3A_1524, %swap3A_1525, %swap3A_1526], %get3A_1520 {strides = array<i32>} : memref<2x32x1000xf32, #tpu.memory_space<vmem>>, vector<16xf32>,
        %get3A_1528 = arith.constant 0 : i32
        %get3A_1529 = arith.index_cast %get3A_1528 : i32 to index
        %get3A_1530 = arith.index_cast %scan3A_1503 : i32 to index
        %get3A_1531 = arith.constant 32 : index
        %get3A_1532 = tpu.vector_load %arg11[%get3A_1529, %get3A_1530, %get3A_1531] {strides = array<i32>} : memref<2x16x1024xf32, #tpu.memory_space<vmem>>, vector<16xf32>,
        %add3A_1533 = arith.constant 0 : i32
        %add3A_1534 = arith.addi %add3A_1533, %scan3A_1503 : i32
        %swap3A_1535 = arith.constant 0 : i32
        %swap3A_1536 = arith.index_cast %swap3A_1535 : i32 to index
        %swap3A_1537 = arith.index_cast %add3A_1534 : i32 to index
        %swap3A_1538 = arith.constant 32 : index
        %swap3A_1539 = tpu.vector_load %arg12[%swap3A_1536, %swap3A_1537, %swap3A_1538] {strides = array<i32>} : memref<2x32x1000xf32, #tpu.memory_space<vmem>>, vector<16xf32>,
        tpu.vector_store %arg12[%swap3A_1536, %swap3A_1537, %swap3A_1538], %get3A_1532 {strides = array<i32>} : memref<2x32x1000xf32, #tpu.memory_space<vmem>>, vector<16xf32>,
        %get3A_1540 = arith.constant 0 : i32
        %get3A_1541 = arith.index_cast %get3A_1540 : i32 to index
        %get3A_1542 = arith.index_cast %scan3A_1503 : i32 to index
        %get3A_1543 = arith.constant 48 : index
        %get3A_1544 = tpu.vector_load %arg11[%get3A_1541, %get3A_1542, %get3A_1543] {strides = array<i32>} : memref<2x16x1024xf32, #tpu.memory_space<vmem>>, vector<16xf32>,
        %add3A_1545 = arith.constant 0 : i32
        %add3A_1546 = arith.addi %add3A_1545, %scan3A_1503 : i32
        %swap3A_1547 = arith.constant 0 : i32
        %swap3A_1548 = arith.index_cast %swap3A_1547 : i32 to index
        %swap3A_1549 = arith.index_cast %add3A_1546 : i32 to index
        %swap3A_1550 = arith.constant 48 : index
        %swap3A_1551 = tpu.vector_load %arg12[%swap3A_1548, %swap3A_1549, %swap3A_1550] {strides = array<i32>} : memref<2x32x1000xf32, #tpu.memory_space<vmem>>, vector<16xf32>,
        tpu.vector_store %arg12[%swap3A_1548, %swap3A_1549, %swap3A_1550], %get3A_1544 {strides = array<i32>} : memref<2x32x1000xf32, #tpu.memory_space<vmem>>, vector<16xf32>,
        %get3A_1552 = arith.constant 0 : i32
        %get3A_1553 = arith.index_cast %get3A_1552 : i32 to index
        %get3A_1554 = arith.index_cast %scan3A_1503 : i32 to index
        %get3A_1555 = arith.constant 64 : index
        %get3A_1556 = tpu.vector_load %arg11[%get3A_1553, %get3A_1554, %get3A_1555] {strides = array<i32>} : memref<2x16x1024xf32, #tpu.memory_space<vmem>>, vector<16xf32>,
        %add3A_1557 = arith.constant 0 : i32
        %add3A_1558 = arith.addi %add3A_1557, %scan3A_1503 : i32
        %swap3A_1559 = arith.constant 0 : i32
        %swap3A_1560 = arith.index_cast %swap3A_1559 : i32 to index
        %swap3A_1561 = arith.index_cast %add3A_1558 : i32 to index
        %swap3A_1562 = arith.constant 64 : index
        %swap3A_1563 = tpu.vector_load %arg12[%swap3A_1560, %swap3A_1561, %swap3A_1562] {strides = array<i32>} : memref<2x32x1000xf32, #tpu.memory_space<vmem>>, vector<16xf32>,
        tpu.vector_store %arg12[%swap3A_1560, %swap3A_1561, %swap3A_1562], %get3A_1556 {strides = array<i32>} : memref<2x32x1000xf32, #tpu.memory_space<vmem>>, vector<16xf32>,
        %get3A_1564 = arith.constant 0 : i32
        %get3A_1565 = arith.index_cast %get3A_1564 : i32 to index
        %get3A_1566 = arith.index_cast %scan3A_1503 : i32 to index
        %get3A_1567 = arith.constant 80 : index
        %get3A_1568 = tpu.vector_load %arg11[%get3A_1565, %get3A_1566, %get3A_1567] {strides = array<i32>} : memref<2x16x1024xf32, #tpu.memory_space<vmem>>, vector<16xf32>,
        %add3A_1569 = arith.constant 0 : i32
        %add3A_1570 = arith.addi %add3A_1569, %scan3A_1503 : i32
        %swap3A_1571 = arith.constant 0 : i32
        %swap3A_1572 = arith.index_cast %swap3A_1571 : i32 to index
        %swap3A_1573 = arith.index_cast %add3A_1570 : i32 to index
        %swap3A_1574 = arith.constant 80 : index
        %swap3A_1575 = tpu.vector_load %arg12[%swap3A_1572, %swap3A_1573, %swap3A_1574] {strides = array<i32>} : memref<2x32x1000xf32, #tpu.memory_space<vmem>>, vector<16xf32>,
        tpu.vector_store %arg12[%swap3A_1572, %swap3A_1573, %swap3A_1574], %get3A_1568 {strides = array<i32>} : memref<2x32x1000xf32, #tpu.memory_space<vmem>>, vector<16xf32>,
        %get3A_1576 = arith.constant 0 : i32
        %get3A_1577 = arith.index_cast %get3A_1576 : i32 to index
        %get3A_1578 = arith.index_cast %scan3A_1503 : i32 to index
        %get3A_1579 = arith.constant 96 : index
        %get3A_1580 = tpu.vector_load %arg11[%get3A_1577, %get3A_1578, %get3A_1579] {strides = array<i32>} : memref<2x16x1024xf32, #tpu.memory_space<vmem>>, vector<16xf32>,
        %add3A_1581 = arith.constant 0 : i32
        %add3A_1582 = arith.addi %add3A_1581, %scan3A_1503 : i32
        %swap3A_1583 = arith.constant 0 : i32
        %swap3A_1584 = arith.index_cast %swap3A_1583 : i32 to index
        %swap3A_1585 = arith.index_cast %add3A_1582 : i32 to index
        %swap3A_1586 = arith.constant 96 : index
        %swap3A_1587 = tpu.vector_load %arg12[%swap3A_1584, %swap3A_1585, %swap3A_1586] {strides = array<i32>} : memref<2x32x1000xf32, #tpu.memory_space<vmem>>, vector<16xf32>,
        tpu.vector_store %arg12[%swap3A_1584, %swap3A_1585, %swap3A_1586], %get3A_1580 {strides = array<i32>} : memref<2x32x1000xf32, #tpu.memory_space<vmem>>, vector<16xf32>,
        %get3A_1588 = arith.constant 0 : i32
        %get3A_1589 = arith.index_cast %get3A_1588 : i32 to index
        %get3A_1590 = arith.index_cast %scan3A_1503 : i32 to index
        %get3A_1591 = arith.constant 112 : index
        %get3A_1592 = tpu.vector_load %arg11[%get3A_1589, %get3A_1590, %get3A_1591] {strides = array<i32>} : memref<2x16x1024xf32, #tpu.memory_space<vmem>>, vector<16xf32>,
        %add3A_1593 = arith.constant 0 : i32
        %add3A_1594 = arith.addi %add3A_1593, %scan3A_1503 : i32
        %swap3A_1595 = arith.constant 0 : i32
        %swap3A_1596 = arith.index_cast %swap3A_1595 : i32 to index
        %swap3A_1597 = arith.index_cast %add3A_1594 : i32 to index
        %swap3A_1598 = arith.constant 112 : index
        %swap3A_1599 = tpu.vector_load %arg12[%swap3A_1596, %swap3A_1597, %swap3A_1598] {strides = array<i32>} : memref<2x32x1000xf32, #tpu.memory_space<vmem>>, vector<16xf32>,
        tpu.vector_store %arg12[%swap3A_1596, %swap3A_1597, %swap3A_1598], %get3A_1592 {strides = array<i32>} : memref<2x32x1000xf32, #tpu.memory_space<vmem>>, vector<16xf32>,
        %get3A_1600 = arith.constant 0 : i32
        %get3A_1601 = arith.index_cast %get3A_1600 : i32 to index
        %get3A_1602 = arith.index_cast %scan3A_1503 : i32 to index
        %get3A_1603 = arith.constant 128 : index
        %get3A_1604 = tpu.vector_load %arg11[%get3A_1601, %get3A_1602, %get3A_1603] {strides = array<i32>} : memref<2x16x1024xf32, #tpu.memory_space<vmem>>, vector<16xf32>,
        %add3A_1605 = arith.constant 0 : i32
        %add3A_1606 = arith.addi %add3A_1605, %scan3A_1503 : i32
        %swap3A_1607 = arith.constant 0 : i32
        %swap3A_1608 = arith.index_cast %swap3A_1607 : i32 to index
        %swap3A_1609 = arith.index_cast %add3A_1606 : i32 to index
        %swap3A_1610 = arith.constant 128 : index
        %swap3A_1611 = tpu.vector_load %arg12[%swap3A_1608, %swap3A_1609, %swap3A_1610] {strides = array<i32>} : memref<2x32x1000xf32, #tpu.memory_space<vmem>>, vector<16xf32>,
        tpu.vector_store %arg12[%swap3A_1608, %swap3A_1609, %swap3A_1610], %get3A_1604 {strides = array<i32>} : memref<2x32x1000xf32, #tpu.memory_space<vmem>>, vector<16xf32>,
        %get3A_1612 = arith.constant 0 : i32
        %get3A_1613 = arith.index_cast %get3A_1612 : i32 to index
        %get3A_1614 = arith.index_cast %scan3A_1503 : i32 to index
        %get3A_1615 = arith.constant 144 : index
        %get3A_1616 = tpu.vector_load %arg11[%get3A_1613, %get3A_1614, %get3A_1615] {strides = array<i32>} : memref<2x16x1024xf32, #tpu.memory_space<vmem>>, vector<16xf32>,
        %add3A_1617 = arith.constant 0 : i32
        %add3A_1618 = arith.addi %add3A_1617, %scan3A_1503 : i32
        %swap3A_1619 = arith.constant 0 : i32
        %swap3A_1620 = arith.index_cast %swap3A_1619 : i32 to index
        %swap3A_1621 = arith.index_cast %add3A_1618 : i32 to index
        %swap3A_1622 = arith.constant 144 : index
        %swap3A_1623 = tpu.vector_load %arg12[%swap3A_1620, %swap3A_1621, %swap3A_1622] {strides = array<i32>} : memref<2x32x1000xf32, #tpu.memory_space<vmem>>, vector<16xf32>,
        tpu.vector_store %arg12[%swap3A_1620, %swap3A_1621, %swap3A_1622], %get3A_1616 {strides = array<i32>} : memref<2x32x1000xf32, #tpu.memory_space<vmem>>, vector<16xf32>,
        %get3A_1624 = arith.constant 0 : i32
        %get3A_1625 = arith.index_cast %get3A_1624 : i32 to index
        %get3A_1626 = arith.index_cast %scan3A_1503 : i32 to index
        %get3A_1627 = arith.constant 160 : index
        %get3A_1628 = tpu.vector_load %arg11[%get3A_1625, %get3A_1626, %get3A_1627] {strides = array<i32>} : memref<2x16x1024xf32, #tpu.memory_space<vmem>>, vector<16xf32>,
        %add3A_1629 = arith.constant 0 : i32
        %add3A_1630 = arith.addi %add3A_1629, %scan3A_1503 : i32
        %swap3A_1631 = arith.constant 0 : i32
        %swap3A_1632 = arith.index_cast %swap3A_1631 : i32 to index
        %swap3A_1633 = arith.index_cast %add3A_1630 : i32 to index
        %swap3A_1634 = arith.constant 160 : index
        %swap3A_1635 = tpu.vector_load %arg12[%swap3A_1632, %swap3A_1633, %swap3A_1634] {strides = array<i32>} : memref<2x32x1000xf32, #tpu.memory_space<vmem>>, vector<16xf32>,
        tpu.vector_store %arg12[%swap3A_1632, %swap3A_1633, %swap3A_1634], %get3A_1628 {strides = array<i32>} : memref<2x32x1000xf32, #tpu.memory_space<vmem>>, vector<16xf32>,
        %get3A_1636 = arith.constant 0 : i32
        %get3A_1637 = arith.index_cast %get3A_1636 : i32 to index
        %get3A_1638 = arith.index_cast %scan3A_1503 : i32 to index
        %get3A_1639 = arith.constant 176 : index
        %get3A_1640 = tpu.vector_load %arg11[%get3A_1637, %get3A_1638, %get3A_1639] {strides = array<i32>} : memref<2x16x1024xf32, #tpu.memory_space<vmem>>, vector<16xf32>,
        %add3A_1641 = arith.constant 0 : i32
        %add3A_1642 = arith.addi %add3A_1641, %scan3A_1503 : i32
        %swap3A_1643 = arith.constant 0 : i32
        %swap3A_1644 = arith.index_cast %swap3A_1643 : i32 to index
        %swap3A_1645 = arith.index_cast %add3A_1642 : i32 to index
        %swap3A_1646 = arith.constant 176 : index
        %swap3A_1647 = tpu.vector_load %arg12[%swap3A_1644, %swap3A_1645, %swap3A_1646] {strides = array<i32>} : memref<2x32x1000xf32, #tpu.memory_space<vmem>>, vector<16xf32>,
        tpu.vector_store %arg12[%swap3A_1644, %swap3A_1645, %swap3A_1646], %get3A_1640 {strides = array<i32>} : memref<2x32x1000xf32, #tpu.memory_space<vmem>>, vector<16xf32>,
        %get3A_1648 = arith.constant 0 : i32
        %get3A_1649 = arith.index_cast %get3A_1648 : i32 to index
        %get3A_1650 = arith.index_cast %scan3A_1503 : i32 to index
        %get3A_1651 = arith.constant 192 : index
        %get3A_1652 = tpu.vector_load %arg11[%get3A_1649, %get3A_1650, %get3A_1651] {strides = array<i32>} : memref<2x16x1024xf32, #tpu.memory_space<vmem>>, vector<16xf32>,
        %add3A_1653 = arith.constant 0 : i32
        %add3A_1654 = arith.addi %add3A_1653, %scan3A_1503 : i32
        %swap3A_1655 = arith.constant 0 : i32
        %swap3A_1656 = arith.index_cast %swap3A_1655 : i32 to index
        %swap3A_1657 = arith.index_cast %add3A_1654 : i32 to index
        %swap3A_1658 = arith.constant 192 : index
        %swap3A_1659 = tpu.vector_load %arg12[%swap3A_1656, %swap3A_1657, %swap3A_1658] {strides = array<i32>} : memref<2x32x1000xf32, #tpu.memory_space<vmem>>, vector<16xf32>,
        tpu.vector_store %arg12[%swap3A_1656, %swap3A_1657, %swap3A_1658], %get3A_1652 {strides = array<i32>} : memref<2x32x1000xf32, #tpu.memory_space<vmem>>, vector<16xf32>,
        %get3A_1660 = arith.constant 0 : i32
        %get3A_1661 = arith.index_cast %get3A_1660 : i32 to index
        %get3A_1662 = arith.index_cast %scan3A_1503 : i32 to index
        %get3A_1663 = arith.constant 208 : index
        %get3A_1664 = tpu.vector_load %arg11[%get3A_1661, %get3A_1662, %get3A_1663] {strides = array<i32>} : memref<2x16x1024xf32, #tpu.memory_space<vmem>>, vector<16xf32>,
        %add3A_1665 = arith.constant 0 : i32
        %add3A_1666 = arith.addi %add3A_1665, %scan3A_1503 : i32
        %swap3A_1667 = arith.constant 0 : i32
        %swap3A_1668 = arith.index_cast %swap3A_1667 : i32 to index
        %swap3A_1669 = arith.index_cast %add3A_1666 : i32 to index
        %swap3A_1670 = arith.constant 208 : index
        %swap3A_1671 = tpu.vector_load %arg12[%swap3A_1668, %swap3A_1669, %swap3A_1670] {strides = array<i32>} : memref<2x32x1000xf32, #tpu.memory_space<vmem>>, vector<16xf32>,
        tpu.vector_store %arg12[%swap3A_1668, %swap3A_1669, %swap3A_1670], %get3A_1664 {strides = array<i32>} : memref<2x32x1000xf32, #tpu.memory_space<vmem>>, vector<16xf32>,
        %get3A_1672 = arith.constant 0 : i32
        %get3A_1673 = arith.index_cast %get3A_1672 : i32 to index
        %get3A_1674 = arith.index_cast %scan3A_1503 : i32 to index
        %get3A_1675 = arith.constant 224 : index
        %get3A_1676 = tpu.vector_load %arg11[%get3A_1673, %get3A_1674, %get3A_1675] {strides = array<i32>} : memref<2x16x1024xf32, #tpu.memory_space<vmem>>, vector<16xf32>,
        %add3A_1677 = arith.constant 0 : i32
        %add3A_1678 = arith.addi %add3A_1677, %scan3A_1503 : i32
        %swap3A_1679 = arith.constant 0 : i32
        %swap3A_1680 = arith.index_cast %swap3A_1679 : i32 to index
        %swap3A_1681 = arith.index_cast %add3A_1678 : i32 to index
        %swap3A_1682 = arith.constant 224 : index
        %swap3A_1683 = tpu.vector_load %arg12[%swap3A_1680, %swap3A_1681, %swap3A_1682] {strides = array<i32>} : memref<2x32x1000xf32, #tpu.memory_space<vmem>>, vector<16xf32>,
        tpu.vector_store %arg12[%swap3A_1680, %swap3A_1681, %swap3A_1682], %get3A_1676 {strides = array<i32>} : memref<2x32x1000xf32, #tpu.memory_space<vmem>>, vector<16xf32>,
        %get3A_1684 = arith.constant 0 : i32
        %get3A_1685 = arith.index_cast %get3A_1684 : i32 to index
        %get3A_1686 = arith.index_cast %scan3A_1503 : i32 to index
        %get3A_1687 = arith.constant 240 : index
        %get3A_1688 = tpu.vector_load %arg11[%get3A_1685, %get3A_1686, %get3A_1687] {strides = array<i32>} : memref<2x16x1024xf32, #tpu.memory_space<vmem>>, vector<16xf32>,
        %add3A_1689 = arith.constant 0 : i32
        %add3A_1690 = arith.addi %add3A_1689, %scan3A_1503 : i32
        %swap3A_1691 = arith.constant 0 : i32
        %swap3A_1692 = arith.index_cast %swap3A_1691 : i32 to index
        %swap3A_1693 = arith.index_cast %add3A_1690 : i32 to index
        %swap3A_1694 = arith.constant 240 : index
        %swap3A_1695 = tpu.vector_load %arg12[%swap3A_1692, %swap3A_1693, %swap3A_1694] {strides = array<i32>} : memref<2x32x1000xf32, #tpu.memory_space<vmem>>, vector<16xf32>,
        tpu.vector_store %arg12[%swap3A_1692, %swap3A_1693, %swap3A_1694], %get3A_1688 {strides = array<i32>} : memref<2x32x1000xf32, #tpu.memory_space<vmem>>, vector<16xf32>,
        %get3A_1696 = arith.constant 0 : i32
        %get3A_1697 = arith.index_cast %get3A_1696 : i32 to index
        %get3A_1698 = arith.index_cast %scan3A_1503 : i32 to index
        %get3A_1699 = arith.constant 256 : index
        %get3A_1700 = tpu.vector_load %arg11[%get3A_1697, %get3A_1698, %get3A_1699] {strides = array<i32>} : memref<2x16x1024xf32, #tpu.memory_space<vmem>>, vector<16xf32>,
        %add3A_1701 = arith.constant 0 : i32
        %add3A_1702 = arith.addi %add3A_1701, %scan3A_1503 : i32
        %swap3A_1703 = arith.constant 0 : i32
        %swap3A_1704 = arith.index_cast %swap3A_1703 : i32 to index
        %swap3A_1705 = arith.index_cast %add3A_1702 : i32 to index
        %swap3A_1706 = arith.constant 256 : index
        %swap3A_1707 = tpu.vector_load %arg12[%swap3A_1704, %swap3A_1705, %swap3A_1706] {strides = array<i32>} : memref<2x32x1000xf32, #tpu.memory_space<vmem>>, vector<16xf32>,
        tpu.vector_store %arg12[%swap3A_1704, %swap3A_1705, %swap3A_1706], %get3A_1700 {strides = array<i32>} : memref<2x32x1000xf32, #tpu.memory_space<vmem>>, vector<16xf32>,
        %get3A_1708 = arith.constant 0 : i32
        %get3A_1709 = arith.index_cast %get3A_1708 : i32 to index
        %get3A_1710 = arith.index_cast %scan3A_1503 : i32 to index
        %get3A_1711 = arith.constant 272 : index
        %get3A_1712 = tpu.vector_load %arg11[%get3A_1709, %get3A_1710, %get3A_1711] {strides = array<i32>} : memref<2x16x1024xf32, #tpu.memory_space<vmem>>, vector<16xf32>,
        %add3A_1713 = arith.constant 0 : i32
        %add3A_1714 = arith.addi %add3A_1713, %scan3A_1503 : i32
        %swap3A_1715 = arith.constant 0 : i32
        %swap3A_1716 = arith.index_cast %swap3A_1715 : i32 to index
        %swap3A_1717 = arith.index_cast %add3A_1714 : i32 to index
        %swap3A_1718 = arith.constant 272 : index
        %swap3A_1719 = tpu.vector_load %arg12[%swap3A_1716, %swap3A_1717, %swap3A_1718] {strides = array<i32>} : memref<2x32x1000xf32, #tpu.memory_space<vmem>>, vector<16xf32>,
        tpu.vector_store %arg12[%swap3A_1716, %swap3A_1717, %swap3A_1718], %get3A_1712 {strides = array<i32>} : memref<2x32x1000xf32, #tpu.memory_space<vmem>>, vector<16xf32>,
        %get3A_1720 = arith.constant 0 : i32
        %get3A_1721 = arith.index_cast %get3A_1720 : i32 to index
        %get3A_1722 = arith.index_cast %scan3A_1503 : i32 to index
        %get3A_1723 = arith.constant 288 : index
        %get3A_1724 = tpu.vector_load %arg11[%get3A_1721, %get3A_1722, %get3A_1723] {strides = array<i32>} : memref<2x16x1024xf32, #tpu.memory_space<vmem>>, vector<16xf32>,
        %add3A_1725 = arith.constant 0 : i32
        %add3A_1726 = arith.addi %add3A_1725, %scan3A_1503 : i32
        %swap3A_1727 = arith.constant 0 : i32
        %swap3A_1728 = arith.index_cast %swap3A_1727 : i32 to index
        %swap3A_1729 = arith.index_cast %add3A_1726 : i32 to index
        %swap3A_1730 = arith.constant 288 : index
        %swap3A_1731 = tpu.vector_load %arg12[%swap3A_1728, %swap3A_1729, %swap3A_1730] {strides = array<i32>} : memref<2x32x1000xf32, #tpu.memory_space<vmem>>, vector<16xf32>,
        tpu.vector_store %arg12[%swap3A_1728, %swap3A_1729, %swap3A_1730], %get3A_1724 {strides = array<i32>} : memref<2x32x1000xf32, #tpu.memory_space<vmem>>, vector<16xf32>,
        %get3A_1732 = arith.constant 0 : i32
        %get3A_1733 = arith.index_cast %get3A_1732 : i32 to index
        %get3A_1734 = arith.index_cast %scan3A_1503 : i32 to index
        %get3A_1735 = arith.constant 304 : index
        %get3A_1736 = tpu.vector_load %arg11[%get3A_1733, %get3A_1734, %get3A_1735] {strides = array<i32>} : memref<2x16x1024xf32, #tpu.memory_space<vmem>>, vector<16xf32>,
        %add3A_1737 = arith.constant 0 : i32
        %add3A_1738 = arith.addi %add3A_1737, %scan3A_1503 : i32
        %swap3A_1739 = arith.constant 0 : i32
        %swap3A_1740 = arith.index_cast %swap3A_1739 : i32 to index
        %swap3A_1741 = arith.index_cast %add3A_1738 : i32 to index
        %swap3A_1742 = arith.constant 304 : index
        %swap3A_1743 = tpu.vector_load %arg12[%swap3A_1740, %swap3A_1741, %swap3A_1742] {strides = array<i32>} : memref<2x32x1000xf32, #tpu.memory_space<vmem>>, vector<16xf32>,
        tpu.vector_store %arg12[%swap3A_1740, %swap3A_1741, %swap3A_1742], %get3A_1736 {strides = array<i32>} : memref<2x32x1000xf32, #tpu.memory_space<vmem>>, vector<16xf32>,
        %get3A_1744 = arith.constant 0 : i32
        %get3A_1745 = arith.index_cast %get3A_1744 : i32 to index
        %get3A_1746 = arith.index_cast %scan3A_1503 : i32 to index
        %get3A_1747 = arith.constant 320 : index
        %get3A_1748 = tpu.vector_load %arg11[%get3A_1745, %get3A_1746, %get3A_1747] {strides = array<i32>} : memref<2x16x1024xf32, #tpu.memory_space<vmem>>, vector<16xf32>,
        %add3A_1749 = arith.constant 0 : i32
        %add3A_1750 = arith.addi %add3A_1749, %scan3A_1503 : i32
        %swap3A_1751 = arith.constant 0 : i32
        %swap3A_1752 = arith.index_cast %swap3A_1751 : i32 to index
        %swap3A_1753 = arith.index_cast %add3A_1750 : i32 to index
        %swap3A_1754 = arith.constant 320 : index
        %swap3A_1755 = tpu.vector_load %arg12[%swap3A_1752, %swap3A_1753, %swap3A_1754] {strides = array<i32>} : memref<2x32x1000xf32, #tpu.memory_space<vmem>>, vector<16xf32>,
        tpu.vector_store %arg12[%swap3A_1752, %swap3A_1753, %swap3A_1754], %get3A_1748 {strides = array<i32>} : memref<2x32x1000xf32, #tpu.memory_space<vmem>>, vector<16xf32>,
        %get3A_1756 = arith.constant 0 : i32
        %get3A_1757 = arith.index_cast %get3A_1756 : i32 to index
        %get3A_1758 = arith.index_cast %scan3A_1503 : i32 to index
        %get3A_1759 = arith.constant 336 : index
        %get3A_1760 = tpu.vector_load %arg11[%get3A_1757, %get3A_1758, %get3A_1759] {strides = array<i32>} : memref<2x16x1024xf32, #tpu.memory_space<vmem>>, vector<16xf32>,
        %add3A_1761 = arith.constant 0 : i32
        %add3A_1762 = arith.addi %add3A_1761, %scan3A_1503 : i32
        %swap3A_1763 = arith.constant 0 : i32
        %swap3A_1764 = arith.index_cast %swap3A_1763 : i32 to index
        %swap3A_1765 = arith.index_cast %add3A_1762 : i32 to index
        %swap3A_1766 = arith.constant 336 : index
        %swap3A_1767 = tpu.vector_load %arg12[%swap3A_1764, %swap3A_1765, %swap3A_1766] {strides = array<i32>} : memref<2x32x1000xf32, #tpu.memory_space<vmem>>, vector<16xf32>,
        tpu.vector_store %arg12[%swap3A_1764, %swap3A_1765, %swap3A_1766], %get3A_1760 {strides = array<i32>} : memref<2x32x1000xf32, #tpu.memory_space<vmem>>, vector<16xf32>,
        %get3A_1768 = arith.constant 0 : i32
        %get3A_1769 = arith.index_cast %get3A_1768 : i32 to index
        %get3A_1770 = arith.index_cast %scan3A_1503 : i32 to index
        %get3A_1771 = arith.constant 352 : index
        %get3A_1772 = tpu.vector_load %arg11[%get3A_1769, %get3A_1770, %get3A_1771] {strides = array<i32>} : memref<2x16x1024xf32, #tpu.memory_space<vmem>>, vector<16xf32>,
        %add3A_1773 = arith.constant 0 : i32
        %add3A_1774 = arith.addi %add3A_1773, %scan3A_1503 : i32
        %swap3A_1775 = arith.constant 0 : i32
        %swap3A_1776 = arith.index_cast %swap3A_1775 : i32 to index
        %swap3A_1777 = arith.index_cast %add3A_1774 : i32 to index
        %swap3A_1778 = arith.constant 352 : index
        %swap3A_1779 = tpu.vector_load %arg12[%swap3A_1776, %swap3A_1777, %swap3A_1778] {strides = array<i32>} : memref<2x32x1000xf32, #tpu.memory_space<vmem>>, vector<16xf32>,
        tpu.vector_store %arg12[%swap3A_1776, %swap3A_1777, %swap3A_1778], %get3A_1772 {strides = array<i32>} : memref<2x32x1000xf32, #tpu.memory_space<vmem>>, vector<16xf32>,
        %get3A_1780 = arith.constant 0 : i32
        %get3A_1781 = arith.index_cast %get3A_1780 : i32 to index
        %get3A_1782 = arith.index_cast %scan3A_1503 : i32 to index
        %get3A_1783 = arith.constant 368 : index
        %get3A_1784 = tpu.vector_load %arg11[%get3A_1781, %get3A_1782, %get3A_1783] {strides = array<i32>} : memref<2x16x1024xf32, #tpu.memory_space<vmem>>, vector<16xf32>,
        %add3A_1785 = arith.constant 0 : i32
        %add3A_1786 = arith.addi %add3A_1785, %scan3A_1503 : i32
        %swap3A_1787 = arith.constant 0 : i32
        %swap3A_1788 = arith.index_cast %swap3A_1787 : i32 to index
        %swap3A_1789 = arith.index_cast %add3A_1786 : i32 to index
        %swap3A_1790 = arith.constant 368 : index
        %swap3A_1791 = tpu.vector_load %arg12[%swap3A_1788, %swap3A_1789, %swap3A_1790] {strides = array<i32>} : memref<2x32x1000xf32, #tpu.memory_space<vmem>>, vector<16xf32>,
        tpu.vector_store %arg12[%swap3A_1788, %swap3A_1789, %swap3A_1790], %get3A_1784 {strides = array<i32>} : memref<2x32x1000xf32, #tpu.memory_space<vmem>>, vector<16xf32>,
        %get3A_1792 = arith.constant 0 : i32
        %get3A_1793 = arith.index_cast %get3A_1792 : i32 to index
        %get3A_1794 = arith.index_cast %scan3A_1503 : i32 to index
        %get3A_1795 = arith.constant 384 : index
        %get3A_1796 = tpu.vector_load %arg11[%get3A_1793, %get3A_1794, %get3A_1795] {strides = array<i32>} : memref<2x16x1024xf32, #tpu.memory_space<vmem>>, vector<16xf32>,
        %add3A_1797 = arith.constant 0 : i32
        %add3A_1798 = arith.addi %add3A_1797, %scan3A_1503 : i32
        %swap3A_1799 = arith.constant 0 : i32
        %swap3A_1800 = arith.index_cast %swap3A_1799 : i32 to index
        %swap3A_1801 = arith.index_cast %add3A_1798 : i32 to index
        %swap3A_1802 = arith.constant 384 : index
        %swap3A_1803 = tpu.vector_load %arg12[%swap3A_1800, %swap3A_1801, %swap3A_1802] {strides = array<i32>} : memref<2x32x1000xf32, #tpu.memory_space<vmem>>, vector<16xf32>,
        tpu.vector_store %arg12[%swap3A_1800, %swap3A_1801, %swap3A_1802], %get3A_1796 {strides = array<i32>} : memref<2x32x1000xf32, #tpu.memory_space<vmem>>, vector<16xf32>,
        %get3A_1804 = arith.constant 0 : i32
        %get3A_1805 = arith.index_cast %get3A_1804 : i32 to index
        %get3A_1806 = arith.index_cast %scan3A_1503 : i32 to index
        %get3A_1807 = arith.constant 400 : index
        %get3A_1808 = tpu.vector_load %arg11[%get3A_1805, %get3A_1806, %get3A_1807] {strides = array<i32>} : memref<2x16x1024xf32, #tpu.memory_space<vmem>>, vector<16xf32>,
        %add3A_1809 = arith.constant 0 : i32
        %add3A_1810 = arith.addi %add3A_1809, %scan3A_1503 : i32
        %swap3A_1811 = arith.constant 0 : i32
        %swap3A_1812 = arith.index_cast %swap3A_1811 : i32 to index
        %swap3A_1813 = arith.index_cast %add3A_1810 : i32 to index
        %swap3A_1814 = arith.constant 400 : index
        %swap3A_1815 = tpu.vector_load %arg12[%swap3A_1812, %swap3A_1813, %swap3A_1814] {strides = array<i32>} : memref<2x32x1000xf32, #tpu.memory_space<vmem>>, vector<16xf32>,
        tpu.vector_store %arg12[%swap3A_1812, %swap3A_1813, %swap3A_1814], %get3A_1808 {strides = array<i32>} : memref<2x32x1000xf32, #tpu.memory_space<vmem>>, vector<16xf32>,
        %get3A_1816 = arith.constant 0 : i32
        %get3A_1817 = arith.index_cast %get3A_1816 : i32 to index
        %get3A_1818 = arith.index_cast %scan3A_1503 : i32 to index
        %get3A_1819 = arith.constant 416 : index
        %get3A_1820 = tpu.vector_load %arg11[%get3A_1817, %get3A_1818, %get3A_1819] {strides = array<i32>} : memref<2x16x1024xf32, #tpu.memory_space<vmem>>, vector<16xf32>,
        %add3A_1821 = arith.constant 0 : i32
        %add3A_1822 = arith.addi %add3A_1821, %scan3A_1503 : i32
        %swap3A_1823 = arith.constant 0 : i32
        %swap3A_1824 = arith.index_cast %swap3A_1823 : i32 to index
        %swap3A_1825 = arith.index_cast %add3A_1822 : i32 to index
        %swap3A_1826 = arith.constant 416 : index
        %swap3A_1827 = tpu.vector_load %arg12[%swap3A_1824, %swap3A_1825, %swap3A_1826] {strides = array<i32>} : memref<2x32x1000xf32, #tpu.memory_space<vmem>>, vector<16xf32>,
        tpu.vector_store %arg12[%swap3A_1824, %swap3A_1825, %swap3A_1826], %get3A_1820 {strides = array<i32>} : memref<2x32x1000xf32, #tpu.memory_space<vmem>>, vector<16xf32>,
        %get3A_1828 = arith.constant 0 : i32
        %get3A_1829 = arith.index_cast %get3A_1828 : i32 to index
        %get3A_1830 = arith.index_cast %scan3A_1503 : i32 to index
        %get3A_1831 = arith.constant 432 : index
        %get3A_1832 = tpu.vector_load %arg11[%get3A_1829, %get3A_1830, %get3A_1831] {strides = array<i32>} : memref<2x16x1024xf32, #tpu.memory_space<vmem>>, vector<16xf32>,
        %add3A_1833 = arith.constant 0 : i32
        %add3A_1834 = arith.addi %add3A_1833, %scan3A_1503 : i32
        %swap3A_1835 = arith.constant 0 : i32
        %swap3A_1836 = arith.index_cast %swap3A_1835 : i32 to index
        %swap3A_1837 = arith.index_cast %add3A_1834 : i32 to index
        %swap3A_1838 = arith.constant 432 : index
        %swap3A_1839 = tpu.vector_load %arg12[%swap3A_1836, %swap3A_1837, %swap3A_1838] {strides = array<i32>} : memref<2x32x1000xf32, #tpu.memory_space<vmem>>, vector<16xf32>,
        tpu.vector_store %arg12[%swap3A_1836, %swap3A_1837, %swap3A_1838], %get3A_1832 {strides = array<i32>} : memref<2x32x1000xf32, #tpu.memory_space<vmem>>, vector<16xf32>,
        %get3A_1840 = arith.constant 0 : i32
        %get3A_1841 = arith.index_cast %get3A_1840 : i32 to index
        %get3A_1842 = arith.index_cast %scan3A_1503 : i32 to index
        %get3A_1843 = arith.constant 448 : index
        %get3A_1844 = tpu.vector_load %arg11[%get3A_1841, %get3A_1842, %get3A_1843] {strides = array<i32>} : memref<2x16x1024xf32, #tpu.memory_space<vmem>>, vector<16xf32>,
        %add3A_1845 = arith.constant 0 : i32
        %add3A_1846 = arith.addi %add3A_1845, %scan3A_1503 : i32
        %swap3A_1847 = arith.constant 0 : i32
        %swap3A_1848 = arith.index_cast %swap3A_1847 : i32 to index
        %swap3A_1849 = arith.index_cast %add3A_1846 : i32 to index
        %swap3A_1850 = arith.constant 448 : index
        %swap3A_1851 = tpu.vector_load %arg12[%swap3A_1848, %swap3A_1849, %swap3A_1850] {strides = array<i32>} : memref<2x32x1000xf32, #tpu.memory_space<vmem>>, vector<16xf32>,
        tpu.vector_store %arg12[%swap3A_1848, %swap3A_1849, %swap3A_1850], %get3A_1844 {strides = array<i32>} : memref<2x32x1000xf32, #tpu.memory_space<vmem>>, vector<16xf32>,
        %get3A_1852 = arith.constant 0 : i32
        %get3A_1853 = arith.index_cast %get3A_1852 : i32 to index
        %get3A_1854 = arith.index_cast %scan3A_1503 : i32 to index
        %get3A_1855 = arith.constant 464 : index
        %get3A_1856 = tpu.vector_load %arg11[%get3A_1853, %get3A_1854, %get3A_1855] {strides = array<i32>} : memref<2x16x1024xf32, #tpu.memory_space<vmem>>, vector<16xf32>,
        %add3A_1857 = arith.constant 0 : i32
        %add3A_1858 = arith.addi %add3A_1857, %scan3A_1503 : i32
        %swap3A_1859 = arith.constant 0 : i32
        %swap3A_1860 = arith.index_cast %swap3A_1859 : i32 to index
        %swap3A_1861 = arith.index_cast %add3A_1858 : i32 to index
        %swap3A_1862 = arith.constant 464 : index
        %swap3A_1863 = tpu.vector_load %arg12[%swap3A_1860, %swap3A_1861, %swap3A_1862] {strides = array<i32>} : memref<2x32x1000xf32, #tpu.memory_space<vmem>>, vector<16xf32>,
        tpu.vector_store %arg12[%swap3A_1860, %swap3A_1861, %swap3A_1862], %get3A_1856 {strides = array<i32>} : memref<2x32x1000xf32, #tpu.memory_space<vmem>>, vector<16xf32>,
        %get3A_1864 = arith.constant 0 : i32
        %get3A_1865 = arith.index_cast %get3A_1864 : i32 to index
        %get3A_1866 = arith.index_cast %scan3A_1503 : i32 to index
        %get3A_1867 = arith.constant 480 : index
        %get3A_1868 = tpu.vector_load %arg11[%get3A_1865, %get3A_1866, %get3A_1867] {strides = array<i32>} : memref<2x16x1024xf32, #tpu.memory_space<vmem>>, vector<16xf32>,
        %add3A_1869 = arith.constant 0 : i32
        %add3A_1870 = arith.addi %add3A_1869, %scan3A_1503 : i32
        %swap3A_1871 = arith.constant 0 : i32
        %swap3A_1872 = arith.index_cast %swap3A_1871 : i32 to index
        %swap3A_1873 = arith.index_cast %add3A_1870 : i32 to index
        %swap3A_1874 = arith.constant 480 : index
        %swap3A_1875 = tpu.vector_load %arg12[%swap3A_1872, %swap3A_1873, %swap3A_1874] {strides = array<i32>} : memref<2x32x1000xf32, #tpu.memory_space<vmem>>, vector<16xf32>,
        tpu.vector_store %arg12[%swap3A_1872, %swap3A_1873, %swap3A_1874], %get3A_1868 {strides = array<i32>} : memref<2x32x1000xf32, #tpu.memory_space<vmem>>, vector<16xf32>,
        %get3A_1876 = arith.constant 0 : i32
        %get3A_1877 = arith.index_cast %get3A_1876 : i32 to index
        %get3A_1878 = arith.index_cast %scan3A_1503 : i32 to index
        %get3A_1879 = arith.constant 496 : index
        %get3A_1880 = tpu.vector_load %arg11[%get3A_1877, %get3A_1878, %get3A_1879] {strides = array<i32>} : memref<2x16x1024xf32, #tpu.memory_space<vmem>>, vector<16xf32>,
        %add3A_1881 = arith.constant 0 : i32
        %add3A_1882 = arith.addi %add3A_1881, %scan3A_1503 : i32
        %swap3A_1883 = arith.constant 0 : i32
        %swap3A_1884 = arith.index_cast %swap3A_1883 : i32 to index
        %swap3A_1885 = arith.index_cast %add3A_1882 : i32 to index
        %swap3A_1886 = arith.constant 496 : index
        %swap3A_1887 = tpu.vector_load %arg12[%swap3A_1884, %swap3A_1885, %swap3A_1886] {strides = array<i32>} : memref<2x32x1000xf32, #tpu.memory_space<vmem>>, vector<16xf32>,
        tpu.vector_store %arg12[%swap3A_1884, %swap3A_1885, %swap3A_1886], %get3A_1880 {strides = array<i32>} : memref<2x32x1000xf32, #tpu.memory_space<vmem>>, vector<16xf32>,
        %get3A_1888 = arith.constant 0 : i32
        %get3A_1889 = arith.index_cast %get3A_1888 : i32 to index
        %get3A_1890 = arith.index_cast %scan3A_1503 : i32 to index
        %get3A_1891 = arith.constant 512 : index
        %get3A_1892 = tpu.vector_load %arg11[%get3A_1889, %get3A_1890, %get3A_1891] {strides = array<i32>} : memref<2x16x1024xf32, #tpu.memory_space<vmem>>, vector<16xf32>,
        %add3A_1893 = arith.constant 0 : i32
        %add3A_1894 = arith.addi %add3A_1893, %scan3A_1503 : i32
        %swap3A_1895 = arith.constant 0 : i32
        %swap3A_1896 = arith.index_cast %swap3A_1895 : i32 to index
        %swap3A_1897 = arith.index_cast %add3A_1894 : i32 to index
        %swap3A_1898 = arith.constant 512 : index
        %swap3A_1899 = tpu.vector_load %arg12[%swap3A_1896, %swap3A_1897, %swap3A_1898] {strides = array<i32>} : memref<2x32x1000xf32, #tpu.memory_space<vmem>>, vector<16xf32>,
        tpu.vector_store %arg12[%swap3A_1896, %swap3A_1897, %swap3A_1898], %get3A_1892 {strides = array<i32>} : memref<2x32x1000xf32, #tpu.memory_space<vmem>>, vector<16xf32>,
        %get3A_1900 = arith.constant 0 : i32
        %get3A_1901 = arith.index_cast %get3A_1900 : i32 to index
        %get3A_1902 = arith.index_cast %scan3A_1503 : i32 to index
        %get3A_1903 = arith.constant 528 : index
        %get3A_1904 = tpu.vector_load %arg11[%get3A_1901, %get3A_1902, %get3A_1903] {strides = array<i32>} : memref<2x16x1024xf32, #tpu.memory_space<vmem>>, vector<16xf32>,
        %add3A_1905 = arith.constant 0 : i32
        %add3A_1906 = arith.addi %add3A_1905, %scan3A_1503 : i32
        %swap3A_1907 = arith.constant 0 : i32
        %swap3A_1908 = arith.index_cast %swap3A_1907 : i32 to index
        %swap3A_1909 = arith.index_cast %add3A_1906 : i32 to index
        %swap3A_1910 = arith.constant 528 : index
        %swap3A_1911 = tpu.vector_load %arg12[%swap3A_1908, %swap3A_1909, %swap3A_1910] {strides = array<i32>} : memref<2x32x1000xf32, #tpu.memory_space<vmem>>, vector<16xf32>,
        tpu.vector_store %arg12[%swap3A_1908, %swap3A_1909, %swap3A_1910], %get3A_1904 {strides = array<i32>} : memref<2x32x1000xf32, #tpu.memory_space<vmem>>, vector<16xf32>,
        %get3A_1912 = arith.constant 0 : i32
        %get3A_1913 = arith.index_cast %get3A_1912 : i32 to index
        %get3A_1914 = arith.index_cast %scan3A_1503 : i32 to index
        %get3A_1915 = arith.constant 544 : index
        %get3A_1916 = tpu.vector_load %arg11[%get3A_1913, %get3A_1914, %get3A_1915] {strides = array<i32>} : memref<2x16x1024xf32, #tpu.memory_space<vmem>>, vector<16xf32>,
        %add3A_1917 = arith.constant 0 : i32
        %add3A_1918 = arith.addi %add3A_1917, %scan3A_1503 : i32
        %swap3A_1919 = arith.constant 0 : i32
        %swap3A_1920 = arith.index_cast %swap3A_1919 : i32 to index
        %swap3A_1921 = arith.index_cast %add3A_1918 : i32 to index
        %swap3A_1922 = arith.constant 544 : index
        %swap3A_1923 = tpu.vector_load %arg12[%swap3A_1920, %swap3A_1921, %swap3A_1922] {strides = array<i32>} : memref<2x32x1000xf32, #tpu.memory_space<vmem>>, vector<16xf32>,
        tpu.vector_store %arg12[%swap3A_1920, %swap3A_1921, %swap3A_1922], %get3A_1916 {strides = array<i32>} : memref<2x32x1000xf32, #tpu.memory_space<vmem>>, vector<16xf32>,
        %get3A_1924 = arith.constant 0 : i32
        %get3A_1925 = arith.index_cast %get3A_1924 : i32 to index
        %get3A_1926 = arith.index_cast %scan3A_1503 : i32 to index
        %get3A_1927 = arith.constant 560 : index
        %get3A_1928 = tpu.vector_load %arg11[%get3A_1925, %get3A_1926, %get3A_1927] {strides = array<i32>} : memref<2x16x1024xf32, #tpu.memory_space<vmem>>, vector<16xf32>,
        %add3A_1929 = arith.constant 0 : i32
        %add3A_1930 = arith.addi %add3A_1929, %scan3A_1503 : i32
        %swap3A_1931 = arith.constant 0 : i32
        %swap3A_1932 = arith.index_cast %swap3A_1931 : i32 to index
        %swap3A_1933 = arith.index_cast %add3A_1930 : i32 to index
        %swap3A_1934 = arith.constant 560 : index
        %swap3A_1935 = tpu.vector_load %arg12[%swap3A_1932, %swap3A_1933, %swap3A_1934] {strides = array<i32>} : memref<2x32x1000xf32, #tpu.memory_space<vmem>>, vector<16xf32>,
        tpu.vector_store %arg12[%swap3A_1932, %swap3A_1933, %swap3A_1934], %get3A_1928 {strides = array<i32>} : memref<2x32x1000xf32, #tpu.memory_space<vmem>>, vector<16xf32>,
        %get3A_1936 = arith.constant 0 : i32
        %get3A_1937 = arith.index_cast %get3A_1936 : i32 to index
        %get3A_1938 = arith.index_cast %scan3A_1503 : i32 to index
        %get3A_1939 = arith.constant 576 : index
        %get3A_1940 = tpu.vector_load %arg11[%get3A_1937, %get3A_1938, %get3A_1939] {strides = array<i32>} : memref<2x16x1024xf32, #tpu.memory_space<vmem>>, vector<16xf32>,
        %add3A_1941 = arith.constant 0 : i32
        %add3A_1942 = arith.addi %add3A_1941, %scan3A_1503 : i32
        %swap3A_1943 = arith.constant 0 : i32
        %swap3A_1944 = arith.index_cast %swap3A_1943 : i32 to index
        %swap3A_1945 = arith.index_cast %add3A_1942 : i32 to index
        %swap3A_1946 = arith.constant 576 : index
        %swap3A_1947 = tpu.vector_load %arg12[%swap3A_1944, %swap3A_1945, %swap3A_1946] {strides = array<i32>} : memref<2x32x1000xf32, #tpu.memory_space<vmem>>, vector<16xf32>,
        tpu.vector_store %arg12[%swap3A_1944, %swap3A_1945, %swap3A_1946], %get3A_1940 {strides = array<i32>} : memref<2x32x1000xf32, #tpu.memory_space<vmem>>, vector<16xf32>,
        %get3A_1948 = arith.constant 0 : i32
        %get3A_1949 = arith.index_cast %get3A_1948 : i32 to index
        %get3A_1950 = arith.index_cast %scan3A_1503 : i32 to index
        %get3A_1951 = arith.constant 592 : index
        %get3A_1952 = tpu.vector_load %arg11[%get3A_1949, %get3A_1950, %get3A_1951] {strides = array<i32>} : memref<2x16x1024xf32, #tpu.memory_space<vmem>>, vector<16xf32>,
        %add3A_1953 = arith.constant 0 : i32
        %add3A_1954 = arith.addi %add3A_1953, %scan3A_1503 : i32
        %swap3A_1955 = arith.constant 0 : i32
        %swap3A_1956 = arith.index_cast %swap3A_1955 : i32 to index
        %swap3A_1957 = arith.index_cast %add3A_1954 : i32 to index
        %swap3A_1958 = arith.constant 592 : index
        %swap3A_1959 = tpu.vector_load %arg12[%swap3A_1956, %swap3A_1957, %swap3A_1958] {strides = array<i32>} : memref<2x32x1000xf32, #tpu.memory_space<vmem>>, vector<16xf32>,
        tpu.vector_store %arg12[%swap3A_1956, %swap3A_1957, %swap3A_1958], %get3A_1952 {strides = array<i32>} : memref<2x32x1000xf32, #tpu.memory_space<vmem>>, vector<16xf32>,
        %get3A_1960 = arith.constant 0 : i32
        %get3A_1961 = arith.index_cast %get3A_1960 : i32 to index
        %get3A_1962 = arith.index_cast %scan3A_1503 : i32 to index
        %get3A_1963 = arith.constant 608 : index
        %get3A_1964 = tpu.vector_load %arg11[%get3A_1961, %get3A_1962, %get3A_1963] {strides = array<i32>} : memref<2x16x1024xf32, #tpu.memory_space<vmem>>, vector<16xf32>,
        %add3A_1965 = arith.constant 0 : i32
        %add3A_1966 = arith.addi %add3A_1965, %scan3A_1503 : i32
        %swap3A_1967 = arith.constant 0 : i32
        %swap3A_1968 = arith.index_cast %swap3A_1967 : i32 to index
        %swap3A_1969 = arith.index_cast %add3A_1966 : i32 to index
        %swap3A_1970 = arith.constant 608 : index
        %swap3A_1971 = tpu.vector_load %arg12[%swap3A_1968, %swap3A_1969, %swap3A_1970] {strides = array<i32>} : memref<2x32x1000xf32, #tpu.memory_space<vmem>>, vector<16xf32>,
        tpu.vector_store %arg12[%swap3A_1968, %swap3A_1969, %swap3A_1970], %get3A_1964 {strides = array<i32>} : memref<2x32x1000xf32, #tpu.memory_space<vmem>>, vector<16xf32>,
        %get3A_1972 = arith.constant 0 : i32
        %get3A_1973 = arith.index_cast %get3A_1972 : i32 to index
        %get3A_1974 = arith.index_cast %scan3A_1503 : i32 to index
        %get3A_1975 = arith.constant 624 : index
        %get3A_1976 = tpu.vector_load %arg11[%get3A_1973, %get3A_1974, %get3A_1975] {strides = array<i32>} : memref<2x16x1024xf32, #tpu.memory_space<vmem>>, vector<16xf32>,
        %add3A_1977 = arith.constant 0 : i32
        %add3A_1978 = arith.addi %add3A_1977, %scan3A_1503 : i32
        %swap3A_1979 = arith.constant 0 : i32
        %swap3A_1980 = arith.index_cast %swap3A_1979 : i32 to index
        %swap3A_1981 = arith.index_cast %add3A_1978 : i32 to index
        %swap3A_1982 = arith.constant 624 : index
        %swap3A_1983 = tpu.vector_load %arg12[%swap3A_1980, %swap3A_1981, %swap3A_1982] {strides = array<i32>} : memref<2x32x1000xf32, #tpu.memory_space<vmem>>, vector<16xf32>,
        tpu.vector_store %arg12[%swap3A_1980, %swap3A_1981, %swap3A_1982], %get3A_1976 {strides = array<i32>} : memref<2x32x1000xf32, #tpu.memory_space<vmem>>, vector<16xf32>,
        %get3A_1984 = arith.constant 0 : i32
        %get3A_1985 = arith.index_cast %get3A_1984 : i32 to index
        %get3A_1986 = arith.index_cast %scan3A_1503 : i32 to index
        %get3A_1987 = arith.constant 640 : index
        %get3A_1988 = tpu.vector_load %arg11[%get3A_1985, %get3A_1986, %get3A_1987] {strides = array<i32>} : memref<2x16x1024xf32, #tpu.memory_space<vmem>>, vector<16xf32>,
        %add3A_1989 = arith.constant 0 : i32
        %add3A_1990 = arith.addi %add3A_1989, %scan3A_1503 : i32
        %swap3A_1991 = arith.constant 0 : i32
        %swap3A_1992 = arith.index_cast %swap3A_1991 : i32 to index
        %swap3A_1993 = arith.index_cast %add3A_1990 : i32 to index
        %swap3A_1994 = arith.constant 640 : index
        %swap3A_1995 = tpu.vector_load %arg12[%swap3A_1992, %swap3A_1993, %swap3A_1994] {strides = array<i32>} : memref<2x32x1000xf32, #tpu.memory_space<vmem>>, vector<16xf32>,
        tpu.vector_store %arg12[%swap3A_1992, %swap3A_1993, %swap3A_1994], %get3A_1988 {strides = array<i32>} : memref<2x32x1000xf32, #tpu.memory_space<vmem>>, vector<16xf32>,
        %get3A_1996 = arith.constant 0 : i32
        %get3A_1997 = arith.index_cast %get3A_1996 : i32 to index
        %get3A_1998 = arith.index_cast %scan3A_1503 : i32 to index
        %get3A_1999 = arith.constant 656 : index
        %get3A_2000 = tpu.vector_load %arg11[%get3A_1997, %get3A_1998, %get3A_1999] {strides = array<i32>} : memref<2x16x1024xf32, #tpu.memory_space<vmem>>, vector<16xf32>,
        %add3A_2001 = arith.constant 0 : i32
        %add3A_2002 = arith.addi %add3A_2001, %scan3A_1503 : i32
        %swap3A_2003 = arith.constant 0 : i32
        %swap3A_2004 = arith.index_cast %swap3A_2003 : i32 to index
        %swap3A_2005 = arith.index_cast %add3A_2002 : i32 to index
        %swap3A_2006 = arith.constant 656 : index
        %swap3A_2007 = tpu.vector_load %arg12[%swap3A_2004, %swap3A_2005, %swap3A_2006] {strides = array<i32>} : memref<2x32x1000xf32, #tpu.memory_space<vmem>>, vector<16xf32>,
        tpu.vector_store %arg12[%swap3A_2004, %swap3A_2005, %swap3A_2006], %get3A_2000 {strides = array<i32>} : memref<2x32x1000xf32, #tpu.memory_space<vmem>>, vector<16xf32>,
        %get3A_2008 = arith.constant 0 : i32
        %get3A_2009 = arith.index_cast %get3A_2008 : i32 to index
        %get3A_2010 = arith.index_cast %scan3A_1503 : i32 to index
        %get3A_2011 = arith.constant 672 : index
        %get3A_2012 = tpu.vector_load %arg11[%get3A_2009, %get3A_2010, %get3A_2011] {strides = array<i32>} : memref<2x16x1024xf32, #tpu.memory_space<vmem>>, vector<16xf32>,
        %add3A_2013 = arith.constant 0 : i32
        %add3A_2014 = arith.addi %add3A_2013, %scan3A_1503 : i32
        %swap3A_2015 = arith.constant 0 : i32
        %swap3A_2016 = arith.index_cast %swap3A_2015 : i32 to index
        %swap3A_2017 = arith.index_cast %add3A_2014 : i32 to index
        %swap3A_2018 = arith.constant 672 : index
        %swap3A_2019 = tpu.vector_load %arg12[%swap3A_2016, %swap3A_2017, %swap3A_2018] {strides = array<i32>} : memref<2x32x1000xf32, #tpu.memory_space<vmem>>, vector<16xf32>,
        tpu.vector_store %arg12[%swap3A_2016, %swap3A_2017, %swap3A_2018], %get3A_2012 {strides = array<i32>} : memref<2x32x1000xf32, #tpu.memory_space<vmem>>, vector<16xf32>,
        %get3A_2020 = arith.constant 0 : i32
        %get3A_2021 = arith.index_cast %get3A_2020 : i32 to index
        %get3A_2022 = arith.index_cast %scan3A_1503 : i32 to index
        %get3A_2023 = arith.constant 688 : index
        %get3A_2024 = tpu.vector_load %arg11[%get3A_2021, %get3A_2022, %get3A_2023] {strides = array<i32>} : memref<2x16x1024xf32, #tpu.memory_space<vmem>>, vector<16xf32>,
        %add3A_2025 = arith.constant 0 : i32
        %add3A_2026 = arith.addi %add3A_2025, %scan3A_1503 : i32
        %swap3A_2027 = arith.constant 0 : i32
        %swap3A_2028 = arith.index_cast %swap3A_2027 : i32 to index
        %swap3A_2029 = arith.index_cast %add3A_2026 : i32 to index
        %swap3A_2030 = arith.constant 688 : index
        %swap3A_2031 = tpu.vector_load %arg12[%swap3A_2028, %swap3A_2029, %swap3A_2030] {strides = array<i32>} : memref<2x32x1000xf32, #tpu.memory_space<vmem>>, vector<16xf32>,
        tpu.vector_store %arg12[%swap3A_2028, %swap3A_2029, %swap3A_2030], %get3A_2024 {strides = array<i32>} : memref<2x32x1000xf32, #tpu.memory_space<vmem>>, vector<16xf32>,
        %get3A_2032 = arith.constant 0 : i32
        %get3A_2033 = arith.index_cast %get3A_2032 : i32 to index
        %get3A_2034 = arith.index_cast %scan3A_1503 : i32 to index
        %get3A_2035 = arith.constant 704 : index
        %get3A_2036 = tpu.vector_load %arg11[%get3A_2033, %get3A_2034, %get3A_2035] {strides = array<i32>} : memref<2x16x1024xf32, #tpu.memory_space<vmem>>, vector<16xf32>,
        %add3A_2037 = arith.constant 0 : i32
        %add3A_2038 = arith.addi %add3A_2037, %scan3A_1503 : i32
        %swap3A_2039 = arith.constant 0 : i32
        %swap3A_2040 = arith.index_cast %swap3A_2039 : i32 to index
        %swap3A_2041 = arith.index_cast %add3A_2038 : i32 to index
        %swap3A_2042 = arith.constant 704 : index
        %swap3A_2043 = tpu.vector_load %arg12[%swap3A_2040, %swap3A_2041, %swap3A_2042] {strides = array<i32>} : memref<2x32x1000xf32, #tpu.memory_space<vmem>>, vector<16xf32>,
        tpu.vector_store %arg12[%swap3A_2040, %swap3A_2041, %swap3A_2042], %get3A_2036 {strides = array<i32>} : memref<2x32x1000xf32, #tpu.memory_space<vmem>>, vector<16xf32>,
        %get3A_2044 = arith.constant 0 : i32
        %get3A_2045 = arith.index_cast %get3A_2044 : i32 to index
        %get3A_2046 = arith.index_cast %scan3A_1503 : i32 to index
        %get3A_2047 = arith.constant 720 : index
        %get3A_2048 = tpu.vector_load %arg11[%get3A_2045, %get3A_2046, %get3A_2047] {strides = array<i32>} : memref<2x16x1024xf32, #tpu.memory_space<vmem>>, vector<16xf32>,
        %add3A_2049 = arith.constant 0 : i32
        %add3A_2050 = arith.addi %add3A_2049, %scan3A_1503 : i32
        %swap3A_2051 = arith.constant 0 : i32
        %swap3A_2052 = arith.index_cast %swap3A_2051 : i32 to index
        %swap3A_2053 = arith.index_cast %add3A_2050 : i32 to index
        %swap3A_2054 = arith.constant 720 : index
        %swap3A_2055 = tpu.vector_load %arg12[%swap3A_2052, %swap3A_2053, %swap3A_2054] {strides = array<i32>} : memref<2x32x1000xf32, #tpu.memory_space<vmem>>, vector<16xf32>,
        tpu.vector_store %arg12[%swap3A_2052, %swap3A_2053, %swap3A_2054], %get3A_2048 {strides = array<i32>} : memref<2x32x1000xf32, #tpu.memory_space<vmem>>, vector<16xf32>,
        %get3A_2056 = arith.constant 0 : i32
        %get3A_2057 = arith.index_cast %get3A_2056 : i32 to index
        %get3A_2058 = arith.index_cast %scan3A_1503 : i32 to index
        %get3A_2059 = arith.constant 736 : index
        %get3A_2060 = tpu.vector_load %arg11[%get3A_2057, %get3A_2058, %get3A_2059] {strides = array<i32>} : memref<2x16x1024xf32, #tpu.memory_space<vmem>>, vector<16xf32>,
        %add3A_2061 = arith.constant 0 : i32
        %add3A_2062 = arith.addi %add3A_2061, %scan3A_1503 : i32
        %swap3A_2063 = arith.constant 0 : i32
        %swap3A_2064 = arith.index_cast %swap3A_2063 : i32 to index
        %swap3A_2065 = arith.index_cast %add3A_2062 : i32 to index
        %swap3A_2066 = arith.constant 736 : index
        %swap3A_2067 = tpu.vector_load %arg12[%swap3A_2064, %swap3A_2065, %swap3A_2066] {strides = array<i32>} : memref<2x32x1000xf32, #tpu.memory_space<vmem>>, vector<16xf32>,
        tpu.vector_store %arg12[%swap3A_2064, %swap3A_2065, %swap3A_2066], %get3A_2060 {strides = array<i32>} : memref<2x32x1000xf32, #tpu.memory_space<vmem>>, vector<16xf32>,
        %get3A_2068 = arith.constant 0 : i32
        %get3A_2069 = arith.index_cast %get3A_2068 : i32 to index
        %get3A_2070 = arith.index_cast %scan3A_1503 : i32 to index
        %get3A_2071 = arith.constant 752 : index
        %get3A_2072 = tpu.vector_load %arg11[%get3A_2069, %get3A_2070, %get3A_2071] {strides = array<i32>} : memref<2x16x1024xf32, #tpu.memory_space<vmem>>, vector<16xf32>,
        %add3A_2073 = arith.constant 0 : i32
        %add3A_2074 = arith.addi %add3A_2073, %scan3A_1503 : i32
        %swap3A_2075 = arith.constant 0 : i32
        %swap3A_2076 = arith.index_cast %swap3A_2075 : i32 to index
        %swap3A_2077 = arith.index_cast %add3A_2074 : i32 to index
        %swap3A_2078 = arith.constant 752 : index
        %swap3A_2079 = tpu.vector_load %arg12[%swap3A_2076, %swap3A_2077, %swap3A_2078] {strides = array<i32>} : memref<2x32x1000xf32, #tpu.memory_space<vmem>>, vector<16xf32>,
        tpu.vector_store %arg12[%swap3A_2076, %swap3A_2077, %swap3A_2078], %get3A_2072 {strides = array<i32>} : memref<2x32x1000xf32, #tpu.memory_space<vmem>>, vector<16xf32>,
        %get3A_2080 = arith.constant 0 : i32
        %get3A_2081 = arith.index_cast %get3A_2080 : i32 to index
        %get3A_2082 = arith.index_cast %scan3A_1503 : i32 to index
        %get3A_2083 = arith.constant 768 : index
        %get3A_2084 = tpu.vector_load %arg11[%get3A_2081, %get3A_2082, %get3A_2083] {strides = array<i32>} : memref<2x16x1024xf32, #tpu.memory_space<vmem>>, vector<16xf32>,
        %add3A_2085 = arith.constant 0 : i32
        %add3A_2086 = arith.addi %add3A_2085, %scan3A_1503 : i32
        %swap3A_2087 = arith.constant 0 : i32
        %swap3A_2088 = arith.index_cast %swap3A_2087 : i32 to index
        %swap3A_2089 = arith.index_cast %add3A_2086 : i32 to index
        %swap3A_2090 = arith.constant 768 : index
        %swap3A_2091 = tpu.vector_load %arg12[%swap3A_2088, %swap3A_2089, %swap3A_2090] {strides = array<i32>} : memref<2x32x1000xf32, #tpu.memory_space<vmem>>, vector<16xf32>,
        tpu.vector_store %arg12[%swap3A_2088, %swap3A_2089, %swap3A_2090], %get3A_2084 {strides = array<i32>} : memref<2x32x1000xf32, #tpu.memory_space<vmem>>, vector<16xf32>,
        %get3A_2092 = arith.constant 0 : i32
        %get3A_2093 = arith.index_cast %get3A_2092 : i32 to index
        %get3A_2094 = arith.index_cast %scan3A_1503 : i32 to index
        %get3A_2095 = arith.constant 784 : index
        %get3A_2096 = tpu.vector_load %arg11[%get3A_2093, %get3A_2094, %get3A_2095] {strides = array<i32>} : memref<2x16x1024xf32, #tpu.memory_space<vmem>>, vector<16xf32>,
        %add3A_2097 = arith.constant 0 : i32
        %add3A_2098 = arith.addi %add3A_2097, %scan3A_1503 : i32
        %swap3A_2099 = arith.constant 0 : i32
        %swap3A_2100 = arith.index_cast %swap3A_2099 : i32 to index
        %swap3A_2101 = arith.index_cast %add3A_2098 : i32 to index
        %swap3A_2102 = arith.constant 784 : index
        %swap3A_2103 = tpu.vector_load %arg12[%swap3A_2100, %swap3A_2101, %swap3A_2102] {strides = array<i32>} : memref<2x32x1000xf32, #tpu.memory_space<vmem>>, vector<16xf32>,
        tpu.vector_store %arg12[%swap3A_2100, %swap3A_2101, %swap3A_2102], %get3A_2096 {strides = array<i32>} : memref<2x32x1000xf32, #tpu.memory_space<vmem>>, vector<16xf32>,
        %get3A_2104 = arith.constant 0 : i32
        %get3A_2105 = arith.index_cast %get3A_2104 : i32 to index
        %get3A_2106 = arith.index_cast %scan3A_1503 : i32 to index
        %get3A_2107 = arith.constant 800 : index
        %get3A_2108 = tpu.vector_load %arg11[%get3A_2105, %get3A_2106, %get3A_2107] {strides = array<i32>} : memref<2x16x1024xf32, #tpu.memory_space<vmem>>, vector<16xf32>,
        %add3A_2109 = arith.constant 0 : i32
        %add3A_2110 = arith.addi %add3A_2109, %scan3A_1503 : i32
        %swap3A_2111 = arith.constant 0 : i32
        %swap3A_2112 = arith.index_cast %swap3A_2111 : i32 to index
        %swap3A_2113 = arith.index_cast %add3A_2110 : i32 to index
        %swap3A_2114 = arith.constant 800 : index
        %swap3A_2115 = tpu.vector_load %arg12[%swap3A_2112, %swap3A_2113, %swap3A_2114] {strides = array<i32>} : memref<2x32x1000xf32, #tpu.memory_space<vmem>>, vector<16xf32>,
        tpu.vector_store %arg12[%swap3A_2112, %swap3A_2113, %swap3A_2114], %get3A_2108 {strides = array<i32>} : memref<2x32x1000xf32, #tpu.memory_space<vmem>>, vector<16xf32>,
        %get3A_2116 = arith.constant 0 : i32
        %get3A_2117 = arith.index_cast %get3A_2116 : i32 to index
        %get3A_2118 = arith.index_cast %scan3A_1503 : i32 to index
        %get3A_2119 = arith.constant 816 : index
        %get3A_2120 = tpu.vector_load %arg11[%get3A_2117, %get3A_2118, %get3A_2119] {strides = array<i32>} : memref<2x16x1024xf32, #tpu.memory_space<vmem>>, vector<16xf32>,
        %add3A_2121 = arith.constant 0 : i32
        %add3A_2122 = arith.addi %add3A_2121, %scan3A_1503 : i32
        %swap3A_2123 = arith.constant 0 : i32
        %swap3A_2124 = arith.index_cast %swap3A_2123 : i32 to index
        %swap3A_2125 = arith.index_cast %add3A_2122 : i32 to index
        %swap3A_2126 = arith.constant 816 : index
        %swap3A_2127 = tpu.vector_load %arg12[%swap3A_2124, %swap3A_2125, %swap3A_2126] {strides = array<i32>} : memref<2x32x1000xf32, #tpu.memory_space<vmem>>, vector<16xf32>,
        tpu.vector_store %arg12[%swap3A_2124, %swap3A_2125, %swap3A_2126], %get3A_2120 {strides = array<i32>} : memref<2x32x1000xf32, #tpu.memory_space<vmem>>, vector<16xf32>,
        %get3A_2128 = arith.constant 0 : i32
        %get3A_2129 = arith.index_cast %get3A_2128 : i32 to index
        %get3A_2130 = arith.index_cast %scan3A_1503 : i32 to index
        %get3A_2131 = arith.constant 832 : index
        %get3A_2132 = tpu.vector_load %arg11[%get3A_2129, %get3A_2130, %get3A_2131] {strides = array<i32>} : memref<2x16x1024xf32, #tpu.memory_space<vmem>>, vector<16xf32>,
        %add3A_2133 = arith.constant 0 : i32
        %add3A_2134 = arith.addi %add3A_2133, %scan3A_1503 : i32
        %swap3A_2135 = arith.constant 0 : i32
        %swap3A_2136 = arith.index_cast %swap3A_2135 : i32 to index
        %swap3A_2137 = arith.index_cast %add3A_2134 : i32 to index
        %swap3A_2138 = arith.constant 832 : index
        %swap3A_2139 = tpu.vector_load %arg12[%swap3A_2136, %swap3A_2137, %swap3A_2138] {strides = array<i32>} : memref<2x32x1000xf32, #tpu.memory_space<vmem>>, vector<16xf32>,
        tpu.vector_store %arg12[%swap3A_2136, %swap3A_2137, %swap3A_2138], %get3A_2132 {strides = array<i32>} : memref<2x32x1000xf32, #tpu.memory_space<vmem>>, vector<16xf32>,
        %get3A_2140 = arith.constant 0 : i32
        %get3A_2141 = arith.index_cast %get3A_2140 : i32 to index
        %get3A_2142 = arith.index_cast %scan3A_1503 : i32 to index
        %get3A_2143 = arith.constant 848 : index
        %get3A_2144 = tpu.vector_load %arg11[%get3A_2141, %get3A_2142, %get3A_2143] {strides = array<i32>} : memref<2x16x1024xf32, #tpu.memory_space<vmem>>, vector<16xf32>,
        %add3A_2145 = arith.constant 0 : i32
        %add3A_2146 = arith.addi %add3A_2145, %scan3A_1503 : i32
        %swap3A_2147 = arith.constant 0 : i32
        %swap3A_2148 = arith.index_cast %swap3A_2147 : i32 to index
        %swap3A_2149 = arith.index_cast %add3A_2146 : i32 to index
        %swap3A_2150 = arith.constant 848 : index
        %swap3A_2151 = tpu.vector_load %arg12[%swap3A_2148, %swap3A_2149, %swap3A_2150] {strides = array<i32>} : memref<2x32x1000xf32, #tpu.memory_space<vmem>>, vector<16xf32>,
        tpu.vector_store %arg12[%swap3A_2148, %swap3A_2149, %swap3A_2150], %get3A_2144 {strides = array<i32>} : memref<2x32x1000xf32, #tpu.memory_space<vmem>>, vector<16xf32>,
        %get3A_2152 = arith.constant 0 : i32
        %get3A_2153 = arith.index_cast %get3A_2152 : i32 to index
        %get3A_2154 = arith.index_cast %scan3A_1503 : i32 to index
        %get3A_2155 = arith.constant 864 : index
        %get3A_2156 = tpu.vector_load %arg11[%get3A_2153, %get3A_2154, %get3A_2155] {strides = array<i32>} : memref<2x16x1024xf32, #tpu.memory_space<vmem>>, vector<16xf32>,
        %add3A_2157 = arith.constant 0 : i32
        %add3A_2158 = arith.addi %add3A_2157, %scan3A_1503 : i32
        %swap3A_2159 = arith.constant 0 : i32
        %swap3A_2160 = arith.index_cast %swap3A_2159 : i32 to index
        %swap3A_2161 = arith.index_cast %add3A_2158 : i32 to index
        %swap3A_2162 = arith.constant 864 : index
        %swap3A_2163 = tpu.vector_load %arg12[%swap3A_2160, %swap3A_2161, %swap3A_2162] {strides = array<i32>} : memref<2x32x1000xf32, #tpu.memory_space<vmem>>, vector<16xf32>,
        tpu.vector_store %arg12[%swap3A_2160, %swap3A_2161, %swap3A_2162], %get3A_2156 {strides = array<i32>} : memref<2x32x1000xf32, #tpu.memory_space<vmem>>, vector<16xf32>,
        %get3A_2164 = arith.constant 0 : i32
        %get3A_2165 = arith.index_cast %get3A_2164 : i32 to index
        %get3A_2166 = arith.index_cast %scan3A_1503 : i32 to index
        %get3A_2167 = arith.constant 880 : index
        %get3A_2168 = tpu.vector_load %arg11[%get3A_2165, %get3A_2166, %get3A_2167] {strides = array<i32>} : memref<2x16x1024xf32, #tpu.memory_space<vmem>>, vector<16xf32>,
        %add3A_2169 = arith.constant 0 : i32
        %add3A_2170 = arith.addi %add3A_2169, %scan3A_1503 : i32
        %swap3A_2171 = arith.constant 0 : i32
        %swap3A_2172 = arith.index_cast %swap3A_2171 : i32 to index
        %swap3A_2173 = arith.index_cast %add3A_2170 : i32 to index
        %swap3A_2174 = arith.constant 880 : index
        %swap3A_2175 = tpu.vector_load %arg12[%swap3A_2172, %swap3A_2173, %swap3A_2174] {strides = array<i32>} : memref<2x32x1000xf32, #tpu.memory_space<vmem>>, vector<16xf32>,
        tpu.vector_store %arg12[%swap3A_2172, %swap3A_2173, %swap3A_2174], %get3A_2168 {strides = array<i32>} : memref<2x32x1000xf32, #tpu.memory_space<vmem>>, vector<16xf32>,
        %get3A_2176 = arith.constant 0 : i32
        %get3A_2177 = arith.index_cast %get3A_2176 : i32 to index
        %get3A_2178 = arith.index_cast %scan3A_1503 : i32 to index
        %get3A_2179 = arith.constant 896 : index
        %get3A_2180 = tpu.vector_load %arg11[%get3A_2177, %get3A_2178, %get3A_2179] {strides = array<i32>} : memref<2x16x1024xf32, #tpu.memory_space<vmem>>, vector<16xf32>,
        %add3A_2181 = arith.constant 0 : i32
        %add3A_2182 = arith.addi %add3A_2181, %scan3A_1503 : i32
        %swap3A_2183 = arith.constant 0 : i32
        %swap3A_2184 = arith.index_cast %swap3A_2183 : i32 to index
        %swap3A_2185 = arith.index_cast %add3A_2182 : i32 to index
        %swap3A_2186 = arith.constant 896 : index
        %swap3A_2187 = tpu.vector_load %arg12[%swap3A_2184, %swap3A_2185, %swap3A_2186] {strides = array<i32>} : memref<2x32x1000xf32, #tpu.memory_space<vmem>>, vector<16xf32>,
        tpu.vector_store %arg12[%swap3A_2184, %swap3A_2185, %swap3A_2186], %get3A_2180 {strides = array<i32>} : memref<2x32x1000xf32, #tpu.memory_space<vmem>>, vector<16xf32>,
        %get3A_2188 = arith.constant 0 : i32
        %get3A_2189 = arith.index_cast %get3A_2188 : i32 to index
        %get3A_2190 = arith.index_cast %scan3A_1503 : i32 to index
        %get3A_2191 = arith.constant 912 : index
        %get3A_2192 = tpu.vector_load %arg11[%get3A_2189, %get3A_2190, %get3A_2191] {strides = array<i32>} : memref<2x16x1024xf32, #tpu.memory_space<vmem>>, vector<16xf32>,
        %add3A_2193 = arith.constant 0 : i32
        %add3A_2194 = arith.addi %add3A_2193, %scan3A_1503 : i32
        %swap3A_2195 = arith.constant 0 : i32
        %swap3A_2196 = arith.index_cast %swap3A_2195 : i32 to index
        %swap3A_2197 = arith.index_cast %add3A_2194 : i32 to index
        %swap3A_2198 = arith.constant 912 : index
        %swap3A_2199 = tpu.vector_load %arg12[%swap3A_2196, %swap3A_2197, %swap3A_2198] {strides = array<i32>} : memref<2x32x1000xf32, #tpu.memory_space<vmem>>, vector<16xf32>,
        tpu.vector_store %arg12[%swap3A_2196, %swap3A_2197, %swap3A_2198], %get3A_2192 {strides = array<i32>} : memref<2x32x1000xf32, #tpu.memory_space<vmem>>, vector<16xf32>,
        %get3A_2200 = arith.constant 0 : i32
        %get3A_2201 = arith.index_cast %get3A_2200 : i32 to index
        %get3A_2202 = arith.index_cast %scan3A_1503 : i32 to index
        %get3A_2203 = arith.constant 928 : index
        %get3A_2204 = tpu.vector_load %arg11[%get3A_2201, %get3A_2202, %get3A_2203] {strides = array<i32>} : memref<2x16x1024xf32, #tpu.memory_space<vmem>>, vector<16xf32>,
        %add3A_2205 = arith.constant 0 : i32
        %add3A_2206 = arith.addi %add3A_2205, %scan3A_1503 : i32
        %swap3A_2207 = arith.constant 0 : i32
        %swap3A_2208 = arith.index_cast %swap3A_2207 : i32 to index
        %swap3A_2209 = arith.index_cast %add3A_2206 : i32 to index
        %swap3A_2210 = arith.constant 928 : index
        %swap3A_2211 = tpu.vector_load %arg12[%swap3A_2208, %swap3A_2209, %swap3A_2210] {strides = array<i32>} : memref<2x32x1000xf32, #tpu.memory_space<vmem>>, vector<16xf32>,
        tpu.vector_store %arg12[%swap3A_2208, %swap3A_2209, %swap3A_2210], %get3A_2204 {strides = array<i32>} : memref<2x32x1000xf32, #tpu.memory_space<vmem>>, vector<16xf32>,
        %get3A_2212 = arith.constant 0 : i32
        %get3A_2213 = arith.index_cast %get3A_2212 : i32 to index
        %get3A_2214 = arith.index_cast %scan3A_1503 : i32 to index
        %get3A_2215 = arith.constant 944 : index
        %get3A_2216 = tpu.vector_load %arg11[%get3A_2213, %get3A_2214, %get3A_2215] {strides = array<i32>} : memref<2x16x1024xf32, #tpu.memory_space<vmem>>, vector<16xf32>,
        %add3A_2217 = arith.constant 0 : i32
        %add3A_2218 = arith.addi %add3A_2217, %scan3A_1503 : i32
        %swap3A_2219 = arith.constant 0 : i32
        %swap3A_2220 = arith.index_cast %swap3A_2219 : i32 to index
        %swap3A_2221 = arith.index_cast %add3A_2218 : i32 to index
        %swap3A_2222 = arith.constant 944 : index
        %swap3A_2223 = tpu.vector_load %arg12[%swap3A_2220, %swap3A_2221, %swap3A_2222] {strides = array<i32>} : memref<2x32x1000xf32, #tpu.memory_space<vmem>>, vector<16xf32>,
        tpu.vector_store %arg12[%swap3A_2220, %swap3A_2221, %swap3A_2222], %get3A_2216 {strides = array<i32>} : memref<2x32x1000xf32, #tpu.memory_space<vmem>>, vector<16xf32>,
        %get3A_2224 = arith.constant 0 : i32
        %get3A_2225 = arith.index_cast %get3A_2224 : i32 to index
        %get3A_2226 = arith.index_cast %scan3A_1503 : i32 to index
        %get3A_2227 = arith.constant 960 : index
        %get3A_2228 = tpu.vector_load %arg11[%get3A_2225, %get3A_2226, %get3A_2227] {strides = array<i32>} : memref<2x16x1024xf32, #tpu.memory_space<vmem>>, vector<16xf32>,
        %add3A_2229 = arith.constant 0 : i32
        %add3A_2230 = arith.addi %add3A_2229, %scan3A_1503 : i32
        %swap3A_2231 = arith.constant 0 : i32
        %swap3A_2232 = arith.index_cast %swap3A_2231 : i32 to index
        %swap3A_2233 = arith.index_cast %add3A_2230 : i32 to index
        %swap3A_2234 = arith.constant 960 : index
        %swap3A_2235 = tpu.vector_load %arg12[%swap3A_2232, %swap3A_2233, %swap3A_2234] {strides = array<i32>} : memref<2x32x1000xf32, #tpu.memory_space<vmem>>, vector<16xf32>,
        tpu.vector_store %arg12[%swap3A_2232, %swap3A_2233, %swap3A_2234], %get3A_2228 {strides = array<i32>} : memref<2x32x1000xf32, #tpu.memory_space<vmem>>, vector<16xf32>,
        %get3A_2236 = arith.constant 0 : i32
        %get3A_2237 = arith.index_cast %get3A_2236 : i32 to index
        %get3A_2238 = arith.index_cast %scan3A_1503 : i32 to index
        %get3A_2239 = arith.constant 976 : index
        %get3A_2240 = tpu.vector_load %arg11[%get3A_2237, %get3A_2238, %get3A_2239] {strides = array<i32>} : memref<2x16x1024xf32, #tpu.memory_space<vmem>>, vector<16xf32>,
        %add3A_2241 = arith.constant 0 : i32
        %add3A_2242 = arith.addi %add3A_2241, %scan3A_1503 : i32
        %swap3A_2243 = arith.constant 0 : i32
        %swap3A_2244 = arith.index_cast %swap3A_2243 : i32 to index
        %swap3A_2245 = arith.index_cast %add3A_2242 : i32 to index
        %swap3A_2246 = arith.constant 976 : index
        %swap3A_2247 = tpu.vector_load %arg12[%swap3A_2244, %swap3A_2245, %swap3A_2246] {strides = array<i32>} : memref<2x32x1000xf32, #tpu.memory_space<vmem>>, vector<16xf32>,
        tpu.vector_store %arg12[%swap3A_2244, %swap3A_2245, %swap3A_2246], %get3A_2240 {strides = array<i32>} : memref<2x32x1000xf32, #tpu.memory_space<vmem>>, vector<16xf32>,
      }
      %scan3A_178 = arith.constant 16 : i32
      %add3A_179 = arith.constant 0 : i32
      %add3A_180 = vector.broadcast %add3A_179 : i32 to vector<16xi32>
      %add3A_181 = arith.addi %select_n3A, %add3A_180 : vector<16xi32>
      %gather3A = arith.constant 0 : i32
      %gather3A_182 = arith.constant 0 : i32
      %gather3A_183 = arith.constant 0 : i32
      %gather3A_184 = tpu.memref_slice %arg11[%gather3A, %gather3A_182, %gather3A_183] : memref<2x16x1024xf32, #tpu.memory_space<vmem>> -> memref<1x16x1024xf32, #tpu.memory_space<vmem>>
      %gather3A_185 = tpu.memref_squeeze %gather3A_184 : memref<1x16x1024xf32, #tpu.memory_space<vmem>> -> memref<16x1024xf32, #tpu.memory_space<vmem>>
      %gather3A_186 = tpu.vector_load_idx %gather3A_185[%add3A_181, %add3A_52] : memref<16x1024xf32, #tpu.memory_space<vmem>>[vector<16xi32>, vector<16xi32>], vector<16xf32>,
      %add3A_187 = arith.constant 0 : i32
      %add3A_188 = vector.broadcast %add3A_187 : i32 to vector<16xi32>
      %add3A_189 = arith.addi %select_n3A, %add3A_188 : vector<16xi32>
      %add3A_190 = arith.constant 0 : i32
      %add3A_191 = vector.broadcast %add3A_190 : i32 to vector<16xi32>
      %add3A_192 = arith.addi %add3A_189, %add3A_191 : vector<16xi32>
      %scatter3A = arith.constant 0 : i32
      %scatter3A_193 = arith.constant 0 : i32
      %scatter3A_194 = arith.constant 0 : i32
      %scatter3A_195 = tpu.memref_slice %arg12[%scatter3A, %scatter3A_193, %scatter3A_194] : memref<2x32x1000xf32, #tpu.memory_space<vmem>> -> memref<1x32x1000xf32, #tpu.memory_space<vmem>>
      %scatter3A_196 = tpu.memref_squeeze %scatter3A_195 : memref<1x32x1000xf32, #tpu.memory_space<vmem>> -> memref<32x1000xf32, #tpu.memory_space<vmem>>
      tpu.vector_store_idx %scatter3A_196[%add3A_192, %add3A_52], %gather3A_186 : memref<32x1000xf32, #tpu.memory_space<vmem>>[vector<16xi32>, vector<16xi32>], vector<16xf32>,
      %add3A_197 = arith.constant 2 : i32
      %add3A_198 = vector.broadcast %add3A_197 : i32 to vector<16xi32>
      %add3A_199 = arith.addi %select_n3A, %add3A_198 : vector<16xi32>
      %gather3A_200 = arith.constant 0 : i32
      %gather3A_201 = arith.constant 0 : i32
      %gather3A_202 = arith.constant 0 : i32
      %gather3A_203 = tpu.memref_slice %arg11[%gather3A_200, %gather3A_201, %gather3A_202] : memref<2x16x1024xf32, #tpu.memory_space<vmem>> -> memref<1x16x1024xf32, #tpu.memory_space<vmem>>
      %gather3A_204 = tpu.memref_squeeze %gather3A_203 : memref<1x16x1024xf32, #tpu.memory_space<vmem>> -> memref<16x1024xf32, #tpu.memory_space<vmem>>
      %gather3A_205 = tpu.vector_load_idx %gather3A_204[%add3A_199, %add3A_52] : memref<16x1024xf32, #tpu.memory_space<vmem>>[vector<16xi32>, vector<16xi32>], vector<16xf32>,
      %add3A_206 = arith.constant 2 : i32
      %add3A_207 = vector.broadcast %add3A_206 : i32 to vector<16xi32>
      %add3A_208 = arith.addi %select_n3A, %add3A_207 : vector<16xi32>
      %add3A_209 = arith.constant 0 : i32
      %add3A_210 = vector.broadcast %add3A_209 : i32 to vector<16xi32>
      %add3A_211 = arith.addi %add3A_208, %add3A_210 : vector<16xi32>
      %scatter3A_212 = arith.constant 0 : i32
      %scatter3A_213 = arith.constant 0 : i32
      %scatter3A_214 = arith.constant 0 : i32
      %scatter3A_215 = tpu.memref_slice %arg12[%scatter3A_212, %scatter3A_213, %scatter3A_214] : memref<2x32x1000xf32, #tpu.memory_space<vmem>> -> memref<1x32x1000xf32, #tpu.memory_space<vmem>>
      %scatter3A_216 = tpu.memref_squeeze %scatter3A_215 : memref<1x32x1000xf32, #tpu.memory_space<vmem>> -> memref<32x1000xf32, #tpu.memory_space<vmem>>
      tpu.vector_store_idx %scatter3A_216[%add3A_211, %add3A_52], %gather3A_205 : memref<32x1000xf32, #tpu.memory_space<vmem>>[vector<16xi32>, vector<16xi32>], vector<16xf32>,
      %add3A_217 = arith.constant 4 : i32
      %add3A_218 = vector.broadcast %add3A_217 : i32 to vector<16xi32>
      %add3A_219 = arith.addi %select_n3A, %add3A_218 : vector<16xi32>
      %gather3A_220 = arith.constant 0 : i32
      %gather3A_221 = arith.constant 0 : i32
      %gather3A_222 = arith.constant 0 : i32
      %gather3A_223 = tpu.memref_slice %arg11[%gather3A_220, %gather3A_221, %gather3A_222] : memref<2x16x1024xf32, #tpu.memory_space<vmem>> -> memref<1x16x1024xf32, #tpu.memory_space<vmem>>
      %gather3A_224 = tpu.memref_squeeze %gather3A_223 : memref<1x16x1024xf32, #tpu.memory_space<vmem>> -> memref<16x1024xf32, #tpu.memory_space<vmem>>
      %gather3A_225 = tpu.vector_load_idx %gather3A_224[%add3A_219, %add3A_52] : memref<16x1024xf32, #tpu.memory_space<vmem>>[vector<16xi32>, vector<16xi32>], vector<16xf32>,
      %add3A_226 = arith.constant 4 : i32
      %add3A_227 = vector.broadcast %add3A_226 : i32 to vector<16xi32>
      %add3A_228 = arith.addi %select_n3A, %add3A_227 : vector<16xi32>
      %add3A_229 = arith.constant 0 : i32
      %add3A_230 = vector.broadcast %add3A_229 : i32 to vector<16xi32>
      %add3A_231 = arith.addi %add3A_228, %add3A_230 : vector<16xi32>
      %scatter3A_232 = arith.constant 0 : i32
      %scatter3A_233 = arith.constant 0 : i32
      %scatter3A_234 = arith.constant 0 : i32
      %scatter3A_235 = tpu.memref_slice %arg12[%scatter3A_232, %scatter3A_233, %scatter3A_234] : memref<2x32x1000xf32, #tpu.memory_space<vmem>> -> memref<1x32x1000xf32, #tpu.memory_space<vmem>>
      %scatter3A_236 = tpu.memref_squeeze %scatter3A_235 : memref<1x32x1000xf32, #tpu.memory_space<vmem>> -> memref<32x1000xf32, #tpu.memory_space<vmem>>
      tpu.vector_store_idx %scatter3A_236[%add3A_231, %add3A_52], %gather3A_225 : memref<32x1000xf32, #tpu.memory_space<vmem>>[vector<16xi32>, vector<16xi32>], vector<16xf32>,
      %add3A_237 = arith.constant 6 : i32
      %add3A_238 = vector.broadcast %add3A_237 : i32 to vector<16xi32>
      %add3A_239 = arith.addi %select_n3A, %add3A_238 : vector<16xi32>
      %gather3A_240 = arith.constant 0 : i32
      %gather3A_241 = arith.constant 0 : i32
      %gather3A_242 = arith.constant 0 : i32
      %gather3A_243 = tpu.memref_slice %arg11[%gather3A_240, %gather3A_241, %gather3A_242] : memref<2x16x1024xf32, #tpu.memory_space<vmem>> -> memref<1x16x1024xf32, #tpu.memory_space<vmem>>
      %gather3A_244 = tpu.memref_squeeze %gather3A_243 : memref<1x16x1024xf32, #tpu.memory_space<vmem>> -> memref<16x1024xf32, #tpu.memory_space<vmem>>
      %gather3A_245 = tpu.vector_load_idx %gather3A_244[%add3A_239, %add3A_52] : memref<16x1024xf32, #tpu.memory_space<vmem>>[vector<16xi32>, vector<16xi32>], vector<16xf32>,
      %add3A_246 = arith.constant 6 : i32
      %add3A_247 = vector.broadcast %add3A_246 : i32 to vector<16xi32>
      %add3A_248 = arith.addi %select_n3A, %add3A_247 : vector<16xi32>
      %add3A_249 = arith.constant 0 : i32
      %add3A_250 = vector.broadcast %add3A_249 : i32 to vector<16xi32>
      %add3A_251 = arith.addi %add3A_248, %add3A_250 : vector<16xi32>
      %scatter3A_252 = arith.constant 0 : i32
      %scatter3A_253 = arith.constant 0 : i32
      %scatter3A_254 = arith.constant 0 : i32
      %scatter3A_255 = tpu.memref_slice %arg12[%scatter3A_252, %scatter3A_253, %scatter3A_254] : memref<2x32x1000xf32, #tpu.memory_space<vmem>> -> memref<1x32x1000xf32, #tpu.memory_space<vmem>>
      %scatter3A_256 = tpu.memref_squeeze %scatter3A_255 : memref<1x32x1000xf32, #tpu.memory_space<vmem>> -> memref<32x1000xf32, #tpu.memory_space<vmem>>
      tpu.vector_store_idx %scatter3A_256[%add3A_251, %add3A_52], %gather3A_245 : memref<32x1000xf32, #tpu.memory_space<vmem>>[vector<16xi32>, vector<16xi32>], vector<16xf32>,
      %add3A_257 = arith.constant 8 : i32
      %add3A_258 = vector.broadcast %add3A_257 : i32 to vector<16xi32>
      %add3A_259 = arith.addi %select_n3A, %add3A_258 : vector<16xi32>
      %gather3A_260 = arith.constant 0 : i32
      %gather3A_261 = arith.constant 0 : i32
      %gather3A_262 = arith.constant 0 : i32
      %gather3A_263 = tpu.memref_slice %arg11[%gather3A_260, %gather3A_261, %gather3A_262] : memref<2x16x1024xf32, #tpu.memory_space<vmem>> -> memref<1x16x1024xf32, #tpu.memory_space<vmem>>
      %gather3A_264 = tpu.memref_squeeze %gather3A_263 : memref<1x16x1024xf32, #tpu.memory_space<vmem>> -> memref<16x1024xf32, #tpu.memory_space<vmem>>
      %gather3A_265 = tpu.vector_load_idx %gather3A_264[%add3A_259, %add3A_52] : memref<16x1024xf32, #tpu.memory_space<vmem>>[vector<16xi32>, vector<16xi32>], vector<16xf32>,
      %add3A_266 = arith.constant 8 : i32
      %add3A_267 = vector.broadcast %add3A_266 : i32 to vector<16xi32>
      %add3A_268 = arith.addi %select_n3A, %add3A_267 : vector<16xi32>
      %add3A_269 = arith.constant 0 : i32
      %add3A_270 = vector.broadcast %add3A_269 : i32 to vector<16xi32>
      %add3A_271 = arith.addi %add3A_268, %add3A_270 : vector<16xi32>
      %scatter3A_272 = arith.constant 0 : i32
      %scatter3A_273 = arith.constant 0 : i32
      %scatter3A_274 = arith.constant 0 : i32
      %scatter3A_275 = tpu.memref_slice %arg12[%scatter3A_272, %scatter3A_273, %scatter3A_274] : memref<2x32x1000xf32, #tpu.memory_space<vmem>> -> memref<1x32x1000xf32, #tpu.memory_space<vmem>>
      %scatter3A_276 = tpu.memref_squeeze %scatter3A_275 : memref<1x32x1000xf32, #tpu.memory_space<vmem>> -> memref<32x1000xf32, #tpu.memory_space<vmem>>
      tpu.vector_store_idx %scatter3A_276[%add3A_271, %add3A_52], %gather3A_265 : memref<32x1000xf32, #tpu.memory_space<vmem>>[vector<16xi32>, vector<16xi32>], vector<16xf32>,
      %add3A_277 = arith.constant 10 : i32
      %add3A_278 = vector.broadcast %add3A_277 : i32 to vector<16xi32>
      %add3A_279 = arith.addi %select_n3A, %add3A_278 : vector<16xi32>
      %gather3A_280 = arith.constant 0 : i32
      %gather3A_281 = arith.constant 0 : i32
      %gather3A_282 = arith.constant 0 : i32
      %gather3A_283 = tpu.memref_slice %arg11[%gather3A_280, %gather3A_281, %gather3A_282] : memref<2x16x1024xf32, #tpu.memory_space<vmem>> -> memref<1x16x1024xf32, #tpu.memory_space<vmem>>
      %gather3A_284 = tpu.memref_squeeze %gather3A_283 : memref<1x16x1024xf32, #tpu.memory_space<vmem>> -> memref<16x1024xf32, #tpu.memory_space<vmem>>
      %gather3A_285 = tpu.vector_load_idx %gather3A_284[%add3A_279, %add3A_52] : memref<16x1024xf32, #tpu.memory_space<vmem>>[vector<16xi32>, vector<16xi32>], vector<16xf32>,
      %add3A_286 = arith.constant 10 : i32
      %add3A_287 = vector.broadcast %add3A_286 : i32 to vector<16xi32>
      %add3A_288 = arith.addi %select_n3A, %add3A_287 : vector<16xi32>
      %add3A_289 = arith.constant 0 : i32
      %add3A_290 = vector.broadcast %add3A_289 : i32 to vector<16xi32>
      %add3A_291 = arith.addi %add3A_288, %add3A_290 : vector<16xi32>
      %scatter3A_292 = arith.constant 0 : i32
      %scatter3A_293 = arith.constant 0 : i32
      %scatter3A_294 = arith.constant 0 : i32
      %scatter3A_295 = tpu.memref_slice %arg12[%scatter3A_292, %scatter3A_293, %scatter3A_294] : memref<2x32x1000xf32, #tpu.memory_space<vmem>> -> memref<1x32x1000xf32, #tpu.memory_space<vmem>>
      %scatter3A_296 = tpu.memref_squeeze %scatter3A_295 : memref<1x32x1000xf32, #tpu.memory_space<vmem>> -> memref<32x1000xf32, #tpu.memory_space<vmem>>
      tpu.vector_store_idx %scatter3A_296[%add3A_291, %add3A_52], %gather3A_285 : memref<32x1000xf32, #tpu.memory_space<vmem>>[vector<16xi32>, vector<16xi32>], vector<16xf32>,
      %add3A_297 = arith.constant 12 : i32
      %add3A_298 = vector.broadcast %add3A_297 : i32 to vector<16xi32>
      %add3A_299 = arith.addi %select_n3A, %add3A_298 : vector<16xi32>
      %gather3A_300 = arith.constant 0 : i32
      %gather3A_301 = arith.constant 0 : i32
      %gather3A_302 = arith.constant 0 : i32
      %gather3A_303 = tpu.memref_slice %arg11[%gather3A_300, %gather3A_301, %gather3A_302] : memref<2x16x1024xf32, #tpu.memory_space<vmem>> -> memref<1x16x1024xf32, #tpu.memory_space<vmem>>
      %gather3A_304 = tpu.memref_squeeze %gather3A_303 : memref<1x16x1024xf32, #tpu.memory_space<vmem>> -> memref<16x1024xf32, #tpu.memory_space<vmem>>
      %gather3A_305 = tpu.vector_load_idx %gather3A_304[%add3A_299, %add3A_52] : memref<16x1024xf32, #tpu.memory_space<vmem>>[vector<16xi32>, vector<16xi32>], vector<16xf32>,
      %add3A_306 = arith.constant 12 : i32
      %add3A_307 = vector.broadcast %add3A_306 : i32 to vector<16xi32>
      %add3A_308 = arith.addi %select_n3A, %add3A_307 : vector<16xi32>
      %add3A_309 = arith.constant 0 : i32
      %add3A_310 = vector.broadcast %add3A_309 : i32 to vector<16xi32>
      %add3A_311 = arith.addi %add3A_308, %add3A_310 : vector<16xi32>
      %scatter3A_312 = arith.constant 0 : i32
      %scatter3A_313 = arith.constant 0 : i32
      %scatter3A_314 = arith.constant 0 : i32
      %scatter3A_315 = tpu.memref_slice %arg12[%scatter3A_312, %scatter3A_313, %scatter3A_314] : memref<2x32x1000xf32, #tpu.memory_space<vmem>> -> memref<1x32x1000xf32, #tpu.memory_space<vmem>>
      %scatter3A_316 = tpu.memref_squeeze %scatter3A_315 : memref<1x32x1000xf32, #tpu.memory_space<vmem>> -> memref<32x1000xf32, #tpu.memory_space<vmem>>
      tpu.vector_store_idx %scatter3A_316[%add3A_311, %add3A_52], %gather3A_305 : memref<32x1000xf32, #tpu.memory_space<vmem>>[vector<16xi32>, vector<16xi32>], vector<16xf32>,
      %add3A_317 = arith.constant 14 : i32
      %add3A_318 = vector.broadcast %add3A_317 : i32 to vector<16xi32>
      %add3A_319 = arith.addi %select_n3A, %add3A_318 : vector<16xi32>
      %gather3A_320 = arith.constant 0 : i32
      %gather3A_321 = arith.constant 0 : i32
      %gather3A_322 = arith.constant 0 : i32
      %gather3A_323 = tpu.memref_slice %arg11[%gather3A_320, %gather3A_321, %gather3A_322] : memref<2x16x1024xf32, #tpu.memory_space<vmem>> -> memref<1x16x1024xf32, #tpu.memory_space<vmem>>
      %gather3A_324 = tpu.memref_squeeze %gather3A_323 : memref<1x16x1024xf32, #tpu.memory_space<vmem>> -> memref<16x1024xf32, #tpu.memory_space<vmem>>
      %gather3A_325 = tpu.vector_load_idx %gather3A_324[%add3A_319, %add3A_52] : memref<16x1024xf32, #tpu.memory_space<vmem>>[vector<16xi32>, vector<16xi32>], vector<16xf32>,
      %add3A_326 = arith.constant 14 : i32
      %add3A_327 = vector.broadcast %add3A_326 : i32 to vector<16xi32>
      %add3A_328 = arith.addi %select_n3A, %add3A_327 : vector<16xi32>
      %add3A_329 = arith.constant 0 : i32
      %add3A_330 = vector.broadcast %add3A_329 : i32 to vector<16xi32>
      %add3A_331 = arith.addi %add3A_328, %add3A_330 : vector<16xi32>
      %scatter3A_332 = arith.constant 0 : i32
      %scatter3A_333 = arith.constant 0 : i32
      %scatter3A_334 = arith.constant 0 : i32
      %scatter3A_335 = tpu.memref_slice %arg12[%scatter3A_332, %scatter3A_333, %scatter3A_334] : memref<2x32x1000xf32, #tpu.memory_space<vmem>> -> memref<1x32x1000xf32, #tpu.memory_space<vmem>>
      %scatter3A_336 = tpu.memref_squeeze %scatter3A_335 : memref<1x32x1000xf32, #tpu.memory_space<vmem>> -> memref<32x1000xf32, #tpu.memory_space<vmem>>
      tpu.vector_store_idx %scatter3A_336[%add3A_331, %add3A_52], %gather3A_325 : memref<32x1000xf32, #tpu.memory_space<vmem>>[vector<16xi32>, vector<16xi32>], vector<16xf32>,
      %jit3A_337 = arith.constant 8 : i32
      %div3A_338 = arith.divsi %add3A_119, %jit3A_337 : i32
      %sign3A_339 = arith.constant 0 : i32
      %sign3A_340 = arith.cmpi sgt, %add3A_119, %sign3A_339 : i32
      %sign3A_341 = arith.extui %sign3A_340 : i1 to i32
      %sign3A_342 = arith.constant 0 : i32
      %sign3A_343 = arith.cmpi slt, %add3A_119, %sign3A_342 : i32
      %sign3A_344 = arith.extui %sign3A_343 : i1 to i32
      %sign3A_345 = arith.subi %sign3A_341, %sign3A_344 : i32
      %sign3A_346 = arith.constant 0 : i32
      %sign3A_347 = arith.cmpi sgt, %jit3A_337, %sign3A_346 : i32
      %sign3A_348 = arith.extui %sign3A_347 : i1 to i32
      %sign3A_349 = arith.constant 0 : i32
      %sign3A_350 = arith.cmpi slt, %jit3A_337, %sign3A_349 : i32
      %sign3A_351 = arith.extui %sign3A_350 : i1 to i32
      %sign3A_352 = arith.subi %sign3A_348, %sign3A_351 : i32
      %ne3A_353 = arith.cmpi ne, %sign3A_345, %sign3A_352 : i32
      %rem3A_354 = arith.remsi %add3A_119, %jit3A_337 : i32
      %ne3A_355 = arith.constant 0 : i32
      %ne3A_356 = arith.cmpi ne, %rem3A_354, %ne3A_355 : i32
      %and3A_357 = arith.andi %ne3A_353, %ne3A_356 : i1
      %sub3A_358 = arith.constant 1 : i32
      %sub3A_359 = arith.subi %div3A_338, %sub3A_358 : i32
      %select_n3A_360 = arith.select %and3A_357, %sub3A_359, %div3A_338 : i32
      %jit3A_361 = arith.constant 8 : i32
      %eq3A_362 = arith.constant 0 : i32
      %eq3A_363 = arith.cmpi eq, %jit3A_361, %eq3A_362 : i32
      %jit3A_364 = arith.constant 1 : i32
      %select_n3A_365 = arith.select %eq3A_363, %jit3A_364, %jit3A_361 : i32
      %rem3A_366 = arith.remsi %add3A_119, %select_n3A_365 : i32
      %ne3A_367 = arith.constant 0 : i32
      %ne3A_368 = arith.cmpi ne, %rem3A_366, %ne3A_367 : i32
      %lt3A_369 = arith.constant 0 : i32
      %lt3A_370 = arith.cmpi slt, %rem3A_366, %lt3A_369 : i32
      %lt3A_371 = arith.constant 0 : i32
      %lt3A_372 = arith.cmpi slt, %select_n3A_365, %lt3A_371 : i32
      %ne3A_373 = arith.xori %lt3A_370, %lt3A_372 : i1
      %and3A_374 = arith.andi %ne3A_373, %ne3A_368 : i1
      %add3A_375 = arith.addi %rem3A_366, %select_n3A_365 : i32
      %select_n3A_376 = arith.select %and3A_374, %add3A_375, %rem3A_366 : i32
      %mul3A_377 = arith.constant 16 : i32
      %mul3A_378 = arith.muli %select_n3A_376, %mul3A_377 : i32
      %get3A_379 = arith.index_cast %select_n3A_360 : i32 to index
      %get3A_380 = arith.index_cast %mul3A_378 : i32 to index
      %get3A_381 = tpu.vector_load %arg9[%get3A_379, %get3A_380] {strides = array<i32>} : memref<13x128xi32, #tpu.memory_space<vmem>>, vector<16xi32>,
      %gather3A_382 = arith.constant 0 : i32
      %gather3A_383 = arith.constant 0 : i32
      %gather3A_384 = arith.constant 0 : i32
      %gather3A_385 = tpu.memref_slice %arg11[%gather3A_382, %gather3A_383, %gather3A_384] : memref<2x16x1024xf32, #tpu.memory_space<vmem>> -> memref<1x16x1024xf32, #tpu.memory_space<vmem>>
      %gather3A_386 = tpu.memref_squeeze %gather3A_385 : memref<1x16x1024xf32, #tpu.memory_space<vmem>> -> memref<16x1024xf32, #tpu.memory_space<vmem>>
      %gather3A_387 = tpu.vector_load_idx %gather3A_386[%iota3A, %get3A_381] : memref<16x1024xf32, #tpu.memory_space<vmem>>[vector<16xi32>, vector<16xi32>], vector<16xf32>,
      %jit3A_388 = arith.constant 8 : i32
      %div3A_389 = arith.divsi %add3A_119, %jit3A_388 : i32
      %sign3A_390 = arith.constant 0 : i32
      %sign3A_391 = arith.cmpi sgt, %add3A_119, %sign3A_390 : i32
      %sign3A_392 = arith.extui %sign3A_391 : i1 to i32
      %sign3A_393 = arith.constant 0 : i32
      %sign3A_394 = arith.cmpi slt, %add3A_119, %sign3A_393 : i32
      %sign3A_395 = arith.extui %sign3A_394 : i1 to i32
      %sign3A_396 = arith.subi %sign3A_392, %sign3A_395 : i32
      %sign3A_397 = arith.constant 0 : i32
      %sign3A_398 = arith.cmpi sgt, %jit3A_388, %sign3A_397 : i32
      %sign3A_399 = arith.extui %sign3A_398 : i1 to i32
      %sign3A_400 = arith.constant 0 : i32
      %sign3A_401 = arith.cmpi slt, %jit3A_388, %sign3A_400 : i32
      %sign3A_402 = arith.extui %sign3A_401 : i1 to i32
      %sign3A_403 = arith.subi %sign3A_399, %sign3A_402 : i32
      %ne3A_404 = arith.cmpi ne, %sign3A_396, %sign3A_403 : i32
      %rem3A_405 = arith.remsi %add3A_119, %jit3A_388 : i32
      %ne3A_406 = arith.constant 0 : i32
      %ne3A_407 = arith.cmpi ne, %rem3A_405, %ne3A_406 : i32
      %and3A_408 = arith.andi %ne3A_404, %ne3A_407 : i1
      %sub3A_409 = arith.constant 1 : i32
      %sub3A_410 = arith.subi %div3A_389, %sub3A_409 : i32
      %select_n3A_411 = arith.select %and3A_408, %sub3A_410, %div3A_389 : i32
      %jit3A_412 = arith.constant 8 : i32
      %eq3A_413 = arith.constant 0 : i32
      %eq3A_414 = arith.cmpi eq, %jit3A_412, %eq3A_413 : i32
      %jit3A_415 = arith.constant 1 : i32
      %select_n3A_416 = arith.select %eq3A_414, %jit3A_415, %jit3A_412 : i32
      %rem3A_417 = arith.remsi %add3A_119, %select_n3A_416 : i32
      %ne3A_418 = arith.constant 0 : i32
      %ne3A_419 = arith.cmpi ne, %rem3A_417, %ne3A_418 : i32
      %lt3A_420 = arith.constant 0 : i32
      %lt3A_421 = arith.cmpi slt, %rem3A_417, %lt3A_420 : i32
      %lt3A_422 = arith.constant 0 : i32
      %lt3A_423 = arith.cmpi slt, %select_n3A_416, %lt3A_422 : i32
      %ne3A_424 = arith.xori %lt3A_421, %lt3A_423 : i1
      %and3A_425 = arith.andi %ne3A_424, %ne3A_419 : i1
      %add3A_426 = arith.addi %rem3A_417, %select_n3A_416 : i32
      %select_n3A_427 = arith.select %and3A_425, %add3A_426, %rem3A_417 : i32
      %mul3A_428 = arith.constant 16 : i32
      %mul3A_429 = arith.muli %select_n3A_427, %mul3A_428 : i32
      %get3A_430 = arith.index_cast %select_n3A_411 : i32 to index
      %get3A_431 = arith.index_cast %mul3A_429 : i32 to index
      %get3A_432 = tpu.vector_load %arg8[%get3A_430, %get3A_431] {strides = array<i32>} : memref<13x128xi32, #tpu.memory_space<vmem>>, vector<16xi32>,
      %gather3A_433 = tpu.vector_load_idx %arg10[%get3A_432] : memref<1000xf32, #tpu.memory_space<vmem>>[vector<16xi32>], vector<16xf32>,
      %get3A_434 = arith.constant 0 : i32
      %get3A_435 = arith.index_cast %get3A_434 : i32 to index
      %get3A_436 = arith.constant 0 : index
      %get3A_437 = tpu.vector_load %arg13[%get3A_435, %get3A_436] {strides = array<i32>} : memref<1x16xf32, #tpu.memory_space<vmem>>, vector<16xf32>,
      %sub3A_438 = arith.subf %gather3A_387, %gather3A_433 : vector<16xf32>
      %add3A_439 = arith.addf %get3A_437, %sub3A_438 : vector<16xf32>
      %swap3A_440 = arith.constant 0 : i32
      %swap3A_441 = arith.index_cast %swap3A_440 : i32 to index
      %swap3A_442 = arith.constant 0 : index
      %swap3A_443 = tpu.vector_load %arg13[%swap3A_441, %swap3A_442] {strides = array<i32>} : memref<1x16xf32, #tpu.memory_space<vmem>>, vector<16xf32>,
      tpu.vector_store %arg13[%swap3A_441, %swap3A_442], %add3A_439 {strides = array<i32>} : memref<1x16xf32, #tpu.memory_space<vmem>>, vector<16xf32>,
      %add3A_444 = arith.constant 2 : i32
      %add3A_445 = arith.addi %add3A_119, %add3A_444 : i32
      %lt3A_446 = arith.constant 100 : i32
      %lt3A_447 = arith.cmpi slt, %add3A_445, %lt3A_446 : i32
      %convert_element_type3A_448 = arith.extui %lt3A_447 : i1 to i32
      %cond3A_449 = arith.constant 0 : i32
      %cond3A_450 = arith.cmpi ne, %convert_element_type3A_448, %cond3A_449 : i32
      scf.if %cond3A_450 {
        %add3A_1503 = arith.constant 2 : i32
        %add3A_1504 = arith.addi %add3A_119, %add3A_1503 : i32
        %jit3A_1505 = arith.constant 8 : i32
        %div3A_1506 = arith.divsi %add3A_1504, %jit3A_1505 : i32
        %sign3A_1507 = arith.constant 0 : i32
        %sign3A_1508 = arith.cmpi sgt, %add3A_1504, %sign3A_1507 : i32
        %sign3A_1509 = arith.extui %sign3A_1508 : i1 to i32
        %sign3A_1510 = arith.constant 0 : i32
        %sign3A_1511 = arith.cmpi slt, %add3A_1504, %sign3A_1510 : i32
        %sign3A_1512 = arith.extui %sign3A_1511 : i1 to i32
        %sign3A_1513 = arith.subi %sign3A_1509, %sign3A_1512 : i32
        %sign3A_1514 = arith.constant 0 : i32
        %sign3A_1515 = arith.cmpi sgt, %jit3A_1505, %sign3A_1514 : i32
        %sign3A_1516 = arith.extui %sign3A_1515 : i1 to i32
        %sign3A_1517 = arith.constant 0 : i32
        %sign3A_1518 = arith.cmpi slt, %jit3A_1505, %sign3A_1517 : i32
        %sign3A_1519 = arith.extui %sign3A_1518 : i1 to i32
        %sign3A_1520 = arith.subi %sign3A_1516, %sign3A_1519 : i32
        %ne3A_1521 = arith.cmpi ne, %sign3A_1513, %sign3A_1520 : i32
        %rem3A_1522 = arith.remsi %add3A_1504, %jit3A_1505 : i32
        %ne3A_1523 = arith.constant 0 : i32
        %ne3A_1524 = arith.cmpi ne, %rem3A_1522, %ne3A_1523 : i32
        %and3A_1525 = arith.andi %ne3A_1521, %ne3A_1524 : i1
        %sub3A_1526 = arith.constant 1 : i32
        %sub3A_1527 = arith.subi %div3A_1506, %sub3A_1526 : i32
        %select_n3A_1528 = arith.select %and3A_1525, %sub3A_1527, %div3A_1506 : i32
        %jit3A_1529 = arith.constant 8 : i32
        %eq3A_1530 = arith.constant 0 : i32
        %eq3A_1531 = arith.cmpi eq, %jit3A_1529, %eq3A_1530 : i32
        %jit3A_1532 = arith.constant 1 : i32
        %select_n3A_1533 = arith.select %eq3A_1531, %jit3A_1532, %jit3A_1529 : i32
        %rem3A_1534 = arith.remsi %add3A_1504, %select_n3A_1533 : i32
        %ne3A_1535 = arith.constant 0 : i32
        %ne3A_1536 = arith.cmpi ne, %rem3A_1534, %ne3A_1535 : i32
        %lt3A_1537 = arith.constant 0 : i32
        %lt3A_1538 = arith.cmpi slt, %rem3A_1534, %lt3A_1537 : i32
        %lt3A_1539 = arith.constant 0 : i32
        %lt3A_1540 = arith.cmpi slt, %select_n3A_1533, %lt3A_1539 : i32
        %ne3A_1541 = arith.xori %lt3A_1538, %lt3A_1540 : i1
        %and3A_1542 = arith.andi %ne3A_1541, %ne3A_1536 : i1
        %add3A_1543 = arith.addi %rem3A_1534, %select_n3A_1533 : i32
        %select_n3A_1544 = arith.select %and3A_1542, %add3A_1543, %rem3A_1534 : i32
        %mul3A_1545 = arith.constant 16 : i32
        %mul3A_1546 = arith.muli %select_n3A_1544, %mul3A_1545 : i32
        %get3A_1547 = arith.index_cast %select_n3A_1528 : i32 to index
        %get3A_1548 = arith.index_cast %mul3A_1546 : i32 to index
        %get3A_1549 = tpu.vector_load %arg8[%get3A_1547, %get3A_1548] {strides = array<i32>} : memref<13x128xi32, #tpu.memory_space<vmem>>, vector<16xi32>,
        %dma_start3A_1550 = arith.constant 0 : i32
        %dma_start3A_1551 = arith.constant 0 : i32
        %dma_start3A_1552 = arith.constant 0 : i32
        %dma_start3A_1553 = tpu.memref_slice %arg11[%dma_start3A_1550, %dma_start3A_1551, %dma_start3A_1552] : memref<2x16x1024xf32, #tpu.memory_space<vmem>> -> memref<1x16x1024xf32, #tpu.memory_space<vmem>>
        %dma_start3A_1554 = tpu.memref_squeeze %dma_start3A_1553 : memref<1x16x1024xf32, #tpu.memory_space<vmem>> -> memref<16x1024xf32, #tpu.memory_space<vmem>>
        %dma_start3A_1555 = arith.constant 0 : i32
        %dma_start3A_1556 = arith.constant 0 : i32
        %dma_start3A_1557 = tpu.memref_slice %arg2[%dma_start3A_1555, %dma_start3A_1556] : memref<1000x1024xf32, #tpu.memory_space<hbm>> -> memref<1000x1024xf32, #tpu.memory_space<hbm>>
        tpu.enqueue_indirect_dma source(%dma_start3A_1557 : memref<1000x1024xf32, #tpu.memory_space<hbm>>) target(%dma_start3A_1554 : memref<16x1024xf32, #tpu.memory_space<vmem>>) offsets(%get3A_1549 : vector<16xi32>) semaphore(%arg14 : memref<!tpu.dma_semaphore, #tpu.memory_space<semaphore_mem>>)
      } else {
      }
      %mul3A_451 = arith.constant 2 : i32
      %mul3A_452 = arith.muli %mul3A_451, %add3A_113 : i32
      %add3A_453 = arith.constant 1 : i32
      %add3A_454 = arith.addi %mul3A_452, %add3A_453 : i32
      %jit3A_455 = arith.constant 8 : i32
      %div3A_456 = arith.divsi %add3A_454, %jit3A_455 : i32
      %sign3A_457 = arith.constant 0 : i32
      %sign3A_458 = arith.cmpi sgt, %add3A_454, %sign3A_457 : i32
      %sign3A_459 = arith.extui %sign3A_458 : i1 to i32
      %sign3A_460 = arith.constant 0 : i32
      %sign3A_461 = arith.cmpi slt, %add3A_454, %sign3A_460 : i32
      %sign3A_462 = arith.extui %sign3A_461 : i1 to i32
      %sign3A_463 = arith.subi %sign3A_459, %sign3A_462 : i32
      %sign3A_464 = arith.constant 0 : i32
      %sign3A_465 = arith.cmpi sgt, %jit3A_455, %sign3A_464 : i32
      %sign3A_466 = arith.extui %sign3A_465 : i1 to i32
      %sign3A_467 = arith.constant 0 : i32
      %sign3A_468 = arith.cmpi slt, %jit3A_455, %sign3A_467 : i32
      %sign3A_469 = arith.extui %sign3A_468 : i1 to i32
      %sign3A_470 = arith.subi %sign3A_466, %sign3A_469 : i32
      %ne3A_471 = arith.cmpi ne, %sign3A_463, %sign3A_470 : i32
      %rem3A_472 = arith.remsi %add3A_454, %jit3A_455 : i32
      %ne3A_473 = arith.constant 0 : i32
      %ne3A_474 = arith.cmpi ne, %rem3A_472, %ne3A_473 : i32
      %and3A_475 = arith.andi %ne3A_471, %ne3A_474 : i1
      %sub3A_476 = arith.constant 1 : i32
      %sub3A_477 = arith.subi %div3A_456, %sub3A_476 : i32
      %select_n3A_478 = arith.select %and3A_475, %sub3A_477, %div3A_456 : i32
      %jit3A_479 = arith.constant 8 : i32
      %eq3A_480 = arith.constant 0 : i32
      %eq3A_481 = arith.cmpi eq, %jit3A_479, %eq3A_480 : i32
      %jit3A_482 = arith.constant 1 : i32
      %select_n3A_483 = arith.select %eq3A_481, %jit3A_482, %jit3A_479 : i32
      %rem3A_484 = arith.remsi %add3A_454, %select_n3A_483 : i32
      %ne3A_485 = arith.constant 0 : i32
      %ne3A_486 = arith.cmpi ne, %rem3A_484, %ne3A_485 : i32
      %lt3A_487 = arith.constant 0 : i32
      %lt3A_488 = arith.cmpi slt, %rem3A_484, %lt3A_487 : i32
      %lt3A_489 = arith.constant 0 : i32
      %lt3A_490 = arith.cmpi slt, %select_n3A_483, %lt3A_489 : i32
      %ne3A_491 = arith.xori %lt3A_488, %lt3A_490 : i1
      %and3A_492 = arith.andi %ne3A_491, %ne3A_486 : i1
      %add3A_493 = arith.addi %rem3A_484, %select_n3A_483 : i32
      %select_n3A_494 = arith.select %and3A_492, %add3A_493, %rem3A_484 : i32
      %mul3A_495 = arith.constant 16 : i32
      %mul3A_496 = arith.muli %select_n3A_494, %mul3A_495 : i32
      %get3A_497 = arith.index_cast %select_n3A_478 : i32 to index
      %get3A_498 = arith.index_cast %mul3A_496 : i32 to index
      %get3A_499 = tpu.vector_load %arg8[%get3A_497, %get3A_498] {strides = array<i32>} : memref<13x128xi32, #tpu.memory_space<vmem>>, vector<16xi32>,
      %dma_wait3A_500 = arith.constant 1 : i32
      %dma_wait3A_501 = arith.constant 0 : i32
      %dma_wait3A_502 = arith.constant 0 : i32
      %dma_wait3A_503 = tpu.memref_slice %arg11[%dma_wait3A_500, %dma_wait3A_501, %dma_wait3A_502] : memref<2x16x1024xf32, #tpu.memory_space<vmem>> -> memref<1x16x1024xf32, #tpu.memory_space<vmem>>
      %dma_wait3A_504 = tpu.memref_squeeze %dma_wait3A_503 : memref<1x16x1024xf32, #tpu.memory_space<vmem>> -> memref<16x1024xf32, #tpu.memory_space<vmem>>
      %dma_wait3A_505 = arith.constant 0 : i32
      %dma_wait3A_506 = arith.constant 0 : i32
      %dma_wait3A_507 = tpu.memref_slice %arg2[%dma_wait3A_505, %dma_wait3A_506] : memref<1000x1024xf32, #tpu.memory_space<hbm>> -> memref<1000x1024xf32, #tpu.memory_space<hbm>>
      tpu.wait_indirect_dma semaphore(%arg15 : memref<!tpu.dma_semaphore, #tpu.memory_space<semaphore_mem>>) src(%dma_wait3A_507 : memref<1000x1024xf32, #tpu.memory_space<hbm>>) dst(%dma_wait3A_504 : memref<16x1024xf32, #tpu.memory_space<vmem>>)
      %scan3A_508 = arith.constant 0 : i32
      %scan3A_509 = arith.constant 0 : i32
      %scan3A_510 = arith.constant 16 : i32
      %scan3A_511 = arith.addi %scan3A_509, %scan3A_510 : i32
      %scan3A_512 = arith.constant 1 : i32
      scf.for %scan3A_1503 = %scan3A_509 to %scan3A_511 step %scan3A_512  : i32 {
        %get3A_1504 = arith.constant 1 : i32
        %get3A_1505 = arith.index_cast %get3A_1504 : i32 to index
        %get3A_1506 = arith.index_cast %scan3A_1503 : i32 to index
        %get3A_1507 = arith.constant 0 : index
        %get3A_1508 = tpu.vector_load %arg11[%get3A_1505, %get3A_1506, %get3A_1507] {strides = array<i32>} : memref<2x16x1024xf32, #tpu.memory_space<vmem>>, vector<16xf32>,
        %add3A_1509 = arith.constant 16 : i32
        %add3A_1510 = arith.addi %add3A_1509, %scan3A_1503 : i32
        %swap3A_1511 = arith.constant 0 : i32
        %swap3A_1512 = arith.index_cast %swap3A_1511 : i32 to index
        %swap3A_1513 = arith.index_cast %add3A_1510 : i32 to index
        %swap3A_1514 = arith.constant 0 : index
        %swap3A_1515 = tpu.vector_load %arg12[%swap3A_1512, %swap3A_1513, %swap3A_1514] {strides = array<i32>} : memref<2x32x1000xf32, #tpu.memory_space<vmem>>, vector<16xf32>,
        tpu.vector_store %arg12[%swap3A_1512, %swap3A_1513, %swap3A_1514], %get3A_1508 {strides = array<i32>} : memref<2x32x1000xf32, #tpu.memory_space<vmem>>, vector<16xf32>,
        %get3A_1516 = arith.constant 1 : i32
        %get3A_1517 = arith.index_cast %get3A_1516 : i32 to index
        %get3A_1518 = arith.index_cast %scan3A_1503 : i32 to index
        %get3A_1519 = arith.constant 16 : index
        %get3A_1520 = tpu.vector_load %arg11[%get3A_1517, %get3A_1518, %get3A_1519] {strides = array<i32>} : memref<2x16x1024xf32, #tpu.memory_space<vmem>>, vector<16xf32>,
        %add3A_1521 = arith.constant 16 : i32
        %add3A_1522 = arith.addi %add3A_1521, %scan3A_1503 : i32
        %swap3A_1523 = arith.constant 0 : i32
        %swap3A_1524 = arith.index_cast %swap3A_1523 : i32 to index
        %swap3A_1525 = arith.index_cast %add3A_1522 : i32 to index
        %swap3A_1526 = arith.constant 16 : index
        %swap3A_1527 = tpu.vector_load %arg12[%swap3A_1524, %swap3A_1525, %swap3A_1526] {strides = array<i32>} : memref<2x32x1000xf32, #tpu.memory_space<vmem>>, vector<16xf32>,
        tpu.vector_store %arg12[%swap3A_1524, %swap3A_1525, %swap3A_1526], %get3A_1520 {strides = array<i32>} : memref<2x32x1000xf32, #tpu.memory_space<vmem>>, vector<16xf32>,
        %get3A_1528 = arith.constant 1 : i32
        %get3A_1529 = arith.index_cast %get3A_1528 : i32 to index
        %get3A_1530 = arith.index_cast %scan3A_1503 : i32 to index
        %get3A_1531 = arith.constant 32 : index
        %get3A_1532 = tpu.vector_load %arg11[%get3A_1529, %get3A_1530, %get3A_1531] {strides = array<i32>} : memref<2x16x1024xf32, #tpu.memory_space<vmem>>, vector<16xf32>,
        %add3A_1533 = arith.constant 16 : i32
        %add3A_1534 = arith.addi %add3A_1533, %scan3A_1503 : i32
        %swap3A_1535 = arith.constant 0 : i32
        %swap3A_1536 = arith.index_cast %swap3A_1535 : i32 to index
        %swap3A_1537 = arith.index_cast %add3A_1534 : i32 to index
        %swap3A_1538 = arith.constant 32 : index
        %swap3A_1539 = tpu.vector_load %arg12[%swap3A_1536, %swap3A_1537, %swap3A_1538] {strides = array<i32>} : memref<2x32x1000xf32, #tpu.memory_space<vmem>>, vector<16xf32>,
        tpu.vector_store %arg12[%swap3A_1536, %swap3A_1537, %swap3A_1538], %get3A_1532 {strides = array<i32>} : memref<2x32x1000xf32, #tpu.memory_space<vmem>>, vector<16xf32>,
        %get3A_1540 = arith.constant 1 : i32
        %get3A_1541 = arith.index_cast %get3A_1540 : i32 to index
        %get3A_1542 = arith.index_cast %scan3A_1503 : i32 to index
        %get3A_1543 = arith.constant 48 : index
        %get3A_1544 = tpu.vector_load %arg11[%get3A_1541, %get3A_1542, %get3A_1543] {strides = array<i32>} : memref<2x16x1024xf32, #tpu.memory_space<vmem>>, vector<16xf32>,
        %add3A_1545 = arith.constant 16 : i32
        %add3A_1546 = arith.addi %add3A_1545, %scan3A_1503 : i32
        %swap3A_1547 = arith.constant 0 : i32
        %swap3A_1548 = arith.index_cast %swap3A_1547 : i32 to index
        %swap3A_1549 = arith.index_cast %add3A_1546 : i32 to index
        %swap3A_1550 = arith.constant 48 : index
        %swap3A_1551 = tpu.vector_load %arg12[%swap3A_1548, %swap3A_1549, %swap3A_1550] {strides = array<i32>} : memref<2x32x1000xf32, #tpu.memory_space<vmem>>, vector<16xf32>,
        tpu.vector_store %arg12[%swap3A_1548, %swap3A_1549, %swap3A_1550], %get3A_1544 {strides = array<i32>} : memref<2x32x1000xf32, #tpu.memory_space<vmem>>, vector<16xf32>,
        %get3A_1552 = arith.constant 1 : i32
        %get3A_1553 = arith.index_cast %get3A_1552 : i32 to index
        %get3A_1554 = arith.index_cast %scan3A_1503 : i32 to index
        %get3A_1555 = arith.constant 64 : index
        %get3A_1556 = tpu.vector_load %arg11[%get3A_1553, %get3A_1554, %get3A_1555] {strides = array<i32>} : memref<2x16x1024xf32, #tpu.memory_space<vmem>>, vector<16xf32>,
        %add3A_1557 = arith.constant 16 : i32
        %add3A_1558 = arith.addi %add3A_1557, %scan3A_1503 : i32
        %swap3A_1559 = arith.constant 0 : i32
        %swap3A_1560 = arith.index_cast %swap3A_1559 : i32 to index
        %swap3A_1561 = arith.index_cast %add3A_1558 : i32 to index
        %swap3A_1562 = arith.constant 64 : index
        %swap3A_1563 = tpu.vector_load %arg12[%swap3A_1560, %swap3A_1561, %swap3A_1562] {strides = array<i32>} : memref<2x32x1000xf32, #tpu.memory_space<vmem>>, vector<16xf32>,
        tpu.vector_store %arg12[%swap3A_1560, %swap3A_1561, %swap3A_1562], %get3A_1556 {strides = array<i32>} : memref<2x32x1000xf32, #tpu.memory_space<vmem>>, vector<16xf32>,
        %get3A_1564 = arith.constant 1 : i32
        %get3A_1565 = arith.index_cast %get3A_1564 : i32 to index
        %get3A_1566 = arith.index_cast %scan3A_1503 : i32 to index
        %get3A_1567 = arith.constant 80 : index
        %get3A_1568 = tpu.vector_load %arg11[%get3A_1565, %get3A_1566, %get3A_1567] {strides = array<i32>} : memref<2x16x1024xf32, #tpu.memory_space<vmem>>, vector<16xf32>,
        %add3A_1569 = arith.constant 16 : i32
        %add3A_1570 = arith.addi %add3A_1569, %scan3A_1503 : i32
        %swap3A_1571 = arith.constant 0 : i32
        %swap3A_1572 = arith.index_cast %swap3A_1571 : i32 to index
        %swap3A_1573 = arith.index_cast %add3A_1570 : i32 to index
        %swap3A_1574 = arith.constant 80 : index
        %swap3A_1575 = tpu.vector_load %arg12[%swap3A_1572, %swap3A_1573, %swap3A_1574] {strides = array<i32>} : memref<2x32x1000xf32, #tpu.memory_space<vmem>>, vector<16xf32>,
        tpu.vector_store %arg12[%swap3A_1572, %swap3A_1573, %swap3A_1574], %get3A_1568 {strides = array<i32>} : memref<2x32x1000xf32, #tpu.memory_space<vmem>>, vector<16xf32>,
        %get3A_1576 = arith.constant 1 : i32
        %get3A_1577 = arith.index_cast %get3A_1576 : i32 to index
        %get3A_1578 = arith.index_cast %scan3A_1503 : i32 to index
        %get3A_1579 = arith.constant 96 : index
        %get3A_1580 = tpu.vector_load %arg11[%get3A_1577, %get3A_1578, %get3A_1579] {strides = array<i32>} : memref<2x16x1024xf32, #tpu.memory_space<vmem>>, vector<16xf32>,
        %add3A_1581 = arith.constant 16 : i32
        %add3A_1582 = arith.addi %add3A_1581, %scan3A_1503 : i32
        %swap3A_1583 = arith.constant 0 : i32
        %swap3A_1584 = arith.index_cast %swap3A_1583 : i32 to index
        %swap3A_1585 = arith.index_cast %add3A_1582 : i32 to index
        %swap3A_1586 = arith.constant 96 : index
        %swap3A_1587 = tpu.vector_load %arg12[%swap3A_1584, %swap3A_1585, %swap3A_1586] {strides = array<i32>} : memref<2x32x1000xf32, #tpu.memory_space<vmem>>, vector<16xf32>,
        tpu.vector_store %arg12[%swap3A_1584, %swap3A_1585, %swap3A_1586], %get3A_1580 {strides = array<i32>} : memref<2x32x1000xf32, #tpu.memory_space<vmem>>, vector<16xf32>,
        %get3A_1588 = arith.constant 1 : i32
        %get3A_1589 = arith.index_cast %get3A_1588 : i32 to index
        %get3A_1590 = arith.index_cast %scan3A_1503 : i32 to index
        %get3A_1591 = arith.constant 112 : index
        %get3A_1592 = tpu.vector_load %arg11[%get3A_1589, %get3A_1590, %get3A_1591] {strides = array<i32>} : memref<2x16x1024xf32, #tpu.memory_space<vmem>>, vector<16xf32>,
        %add3A_1593 = arith.constant 16 : i32
        %add3A_1594 = arith.addi %add3A_1593, %scan3A_1503 : i32
        %swap3A_1595 = arith.constant 0 : i32
        %swap3A_1596 = arith.index_cast %swap3A_1595 : i32 to index
        %swap3A_1597 = arith.index_cast %add3A_1594 : i32 to index
        %swap3A_1598 = arith.constant 112 : index
        %swap3A_1599 = tpu.vector_load %arg12[%swap3A_1596, %swap3A_1597, %swap3A_1598] {strides = array<i32>} : memref<2x32x1000xf32, #tpu.memory_space<vmem>>, vector<16xf32>,
        tpu.vector_store %arg12[%swap3A_1596, %swap3A_1597, %swap3A_1598], %get3A_1592 {strides = array<i32>} : memref<2x32x1000xf32, #tpu.memory_space<vmem>>, vector<16xf32>,
        %get3A_1600 = arith.constant 1 : i32
        %get3A_1601 = arith.index_cast %get3A_1600 : i32 to index
        %get3A_1602 = arith.index_cast %scan3A_1503 : i32 to index
        %get3A_1603 = arith.constant 128 : index
        %get3A_1604 = tpu.vector_load %arg11[%get3A_1601, %get3A_1602, %get3A_1603] {strides = array<i32>} : memref<2x16x1024xf32, #tpu.memory_space<vmem>>, vector<16xf32>,
        %add3A_1605 = arith.constant 16 : i32
        %add3A_1606 = arith.addi %add3A_1605, %scan3A_1503 : i32
        %swap3A_1607 = arith.constant 0 : i32
        %swap3A_1608 = arith.index_cast %swap3A_1607 : i32 to index
        %swap3A_1609 = arith.index_cast %add3A_1606 : i32 to index
        %swap3A_1610 = arith.constant 128 : index
        %swap3A_1611 = tpu.vector_load %arg12[%swap3A_1608, %swap3A_1609, %swap3A_1610] {strides = array<i32>} : memref<2x32x1000xf32, #tpu.memory_space<vmem>>, vector<16xf32>,
        tpu.vector_store %arg12[%swap3A_1608, %swap3A_1609, %swap3A_1610], %get3A_1604 {strides = array<i32>} : memref<2x32x1000xf32, #tpu.memory_space<vmem>>, vector<16xf32>,
        %get3A_1612 = arith.constant 1 : i32
        %get3A_1613 = arith.index_cast %get3A_1612 : i32 to index
        %get3A_1614 = arith.index_cast %scan3A_1503 : i32 to index
        %get3A_1615 = arith.constant 144 : index
        %get3A_1616 = tpu.vector_load %arg11[%get3A_1613, %get3A_1614, %get3A_1615] {strides = array<i32>} : memref<2x16x1024xf32, #tpu.memory_space<vmem>>, vector<16xf32>,
        %add3A_1617 = arith.constant 16 : i32
        %add3A_1618 = arith.addi %add3A_1617, %scan3A_1503 : i32
        %swap3A_1619 = arith.constant 0 : i32
        %swap3A_1620 = arith.index_cast %swap3A_1619 : i32 to index
        %swap3A_1621 = arith.index_cast %add3A_1618 : i32 to index
        %swap3A_1622 = arith.constant 144 : index
        %swap3A_1623 = tpu.vector_load %arg12[%swap3A_1620, %swap3A_1621, %swap3A_1622] {strides = array<i32>} : memref<2x32x1000xf32, #tpu.memory_space<vmem>>, vector<16xf32>,
        tpu.vector_store %arg12[%swap3A_1620, %swap3A_1621, %swap3A_1622], %get3A_1616 {strides = array<i32>} : memref<2x32x1000xf32, #tpu.memory_space<vmem>>, vector<16xf32>,
        %get3A_1624 = arith.constant 1 : i32
        %get3A_1625 = arith.index_cast %get3A_1624 : i32 to index
        %get3A_1626 = arith.index_cast %scan3A_1503 : i32 to index
        %get3A_1627 = arith.constant 160 : index
        %get3A_1628 = tpu.vector_load %arg11[%get3A_1625, %get3A_1626, %get3A_1627] {strides = array<i32>} : memref<2x16x1024xf32, #tpu.memory_space<vmem>>, vector<16xf32>,
        %add3A_1629 = arith.constant 16 : i32
        %add3A_1630 = arith.addi %add3A_1629, %scan3A_1503 : i32
        %swap3A_1631 = arith.constant 0 : i32
        %swap3A_1632 = arith.index_cast %swap3A_1631 : i32 to index
        %swap3A_1633 = arith.index_cast %add3A_1630 : i32 to index
        %swap3A_1634 = arith.constant 160 : index
        %swap3A_1635 = tpu.vector_load %arg12[%swap3A_1632, %swap3A_1633, %swap3A_1634] {strides = array<i32>} : memref<2x32x1000xf32, #tpu.memory_space<vmem>>, vector<16xf32>,
        tpu.vector_store %arg12[%swap3A_1632, %swap3A_1633, %swap3A_1634], %get3A_1628 {strides = array<i32>} : memref<2x32x1000xf32, #tpu.memory_space<vmem>>, vector<16xf32>,
        %get3A_1636 = arith.constant 1 : i32
        %get3A_1637 = arith.index_cast %get3A_1636 : i32 to index
        %get3A_1638 = arith.index_cast %scan3A_1503 : i32 to index
        %get3A_1639 = arith.constant 176 : index
        %get3A_1640 = tpu.vector_load %arg11[%get3A_1637, %get3A_1638, %get3A_1639] {strides = array<i32>} : memref<2x16x1024xf32, #tpu.memory_space<vmem>>, vector<16xf32>,
        %add3A_1641 = arith.constant 16 : i32
        %add3A_1642 = arith.addi %add3A_1641, %scan3A_1503 : i32
        %swap3A_1643 = arith.constant 0 : i32
        %swap3A_1644 = arith.index_cast %swap3A_1643 : i32 to index
        %swap3A_1645 = arith.index_cast %add3A_1642 : i32 to index
        %swap3A_1646 = arith.constant 176 : index
        %swap3A_1647 = tpu.vector_load %arg12[%swap3A_1644, %swap3A_1645, %swap3A_1646] {strides = array<i32>} : memref<2x32x1000xf32, #tpu.memory_space<vmem>>, vector<16xf32>,
        tpu.vector_store %arg12[%swap3A_1644, %swap3A_1645, %swap3A_1646], %get3A_1640 {strides = array<i32>} : memref<2x32x1000xf32, #tpu.memory_space<vmem>>, vector<16xf32>,
        %get3A_1648 = arith.constant 1 : i32
        %get3A_1649 = arith.index_cast %get3A_1648 : i32 to index
        %get3A_1650 = arith.index_cast %scan3A_1503 : i32 to index
        %get3A_1651 = arith.constant 192 : index
        %get3A_1652 = tpu.vector_load %arg11[%get3A_1649, %get3A_1650, %get3A_1651] {strides = array<i32>} : memref<2x16x1024xf32, #tpu.memory_space<vmem>>, vector<16xf32>,
        %add3A_1653 = arith.constant 16 : i32
        %add3A_1654 = arith.addi %add3A_1653, %scan3A_1503 : i32
        %swap3A_1655 = arith.constant 0 : i32
        %swap3A_1656 = arith.index_cast %swap3A_1655 : i32 to index
        %swap3A_1657 = arith.index_cast %add3A_1654 : i32 to index
        %swap3A_1658 = arith.constant 192 : index
        %swap3A_1659 = tpu.vector_load %arg12[%swap3A_1656, %swap3A_1657, %swap3A_1658] {strides = array<i32>} : memref<2x32x1000xf32, #tpu.memory_space<vmem>>, vector<16xf32>,
        tpu.vector_store %arg12[%swap3A_1656, %swap3A_1657, %swap3A_1658], %get3A_1652 {strides = array<i32>} : memref<2x32x1000xf32, #tpu.memory_space<vmem>>, vector<16xf32>,
        %get3A_1660 = arith.constant 1 : i32
        %get3A_1661 = arith.index_cast %get3A_1660 : i32 to index
        %get3A_1662 = arith.index_cast %scan3A_1503 : i32 to index
        %get3A_1663 = arith.constant 208 : index
        %get3A_1664 = tpu.vector_load %arg11[%get3A_1661, %get3A_1662, %get3A_1663] {strides = array<i32>} : memref<2x16x1024xf32, #tpu.memory_space<vmem>>, vector<16xf32>,
        %add3A_1665 = arith.constant 16 : i32
        %add3A_1666 = arith.addi %add3A_1665, %scan3A_1503 : i32
        %swap3A_1667 = arith.constant 0 : i32
        %swap3A_1668 = arith.index_cast %swap3A_1667 : i32 to index
        %swap3A_1669 = arith.index_cast %add3A_1666 : i32 to index
        %swap3A_1670 = arith.constant 208 : index
        %swap3A_1671 = tpu.vector_load %arg12[%swap3A_1668, %swap3A_1669, %swap3A_1670] {strides = array<i32>} : memref<2x32x1000xf32, #tpu.memory_space<vmem>>, vector<16xf32>,
        tpu.vector_store %arg12[%swap3A_1668, %swap3A_1669, %swap3A_1670], %get3A_1664 {strides = array<i32>} : memref<2x32x1000xf32, #tpu.memory_space<vmem>>, vector<16xf32>,
        %get3A_1672 = arith.constant 1 : i32
        %get3A_1673 = arith.index_cast %get3A_1672 : i32 to index
        %get3A_1674 = arith.index_cast %scan3A_1503 : i32 to index
        %get3A_1675 = arith.constant 224 : index
        %get3A_1676 = tpu.vector_load %arg11[%get3A_1673, %get3A_1674, %get3A_1675] {strides = array<i32>} : memref<2x16x1024xf32, #tpu.memory_space<vmem>>, vector<16xf32>,
        %add3A_1677 = arith.constant 16 : i32
        %add3A_1678 = arith.addi %add3A_1677, %scan3A_1503 : i32
        %swap3A_1679 = arith.constant 0 : i32
        %swap3A_1680 = arith.index_cast %swap3A_1679 : i32 to index
        %swap3A_1681 = arith.index_cast %add3A_1678 : i32 to index
        %swap3A_1682 = arith.constant 224 : index
        %swap3A_1683 = tpu.vector_load %arg12[%swap3A_1680, %swap3A_1681, %swap3A_1682] {strides = array<i32>} : memref<2x32x1000xf32, #tpu.memory_space<vmem>>, vector<16xf32>,
        tpu.vector_store %arg12[%swap3A_1680, %swap3A_1681, %swap3A_1682], %get3A_1676 {strides = array<i32>} : memref<2x32x1000xf32, #tpu.memory_space<vmem>>, vector<16xf32>,
        %get3A_1684 = arith.constant 1 : i32
        %get3A_1685 = arith.index_cast %get3A_1684 : i32 to index
        %get3A_1686 = arith.index_cast %scan3A_1503 : i32 to index
        %get3A_1687 = arith.constant 240 : index
        %get3A_1688 = tpu.vector_load %arg11[%get3A_1685, %get3A_1686, %get3A_1687] {strides = array<i32>} : memref<2x16x1024xf32, #tpu.memory_space<vmem>>, vector<16xf32>,
        %add3A_1689 = arith.constant 16 : i32
        %add3A_1690 = arith.addi %add3A_1689, %scan3A_1503 : i32
        %swap3A_1691 = arith.constant 0 : i32
        %swap3A_1692 = arith.index_cast %swap3A_1691 : i32 to index
        %swap3A_1693 = arith.index_cast %add3A_1690 : i32 to index
        %swap3A_1694 = arith.constant 240 : index
        %swap3A_1695 = tpu.vector_load %arg12[%swap3A_1692, %swap3A_1693, %swap3A_1694] {strides = array<i32>} : memref<2x32x1000xf32, #tpu.memory_space<vmem>>, vector<16xf32>,
        tpu.vector_store %arg12[%swap3A_1692, %swap3A_1693, %swap3A_1694], %get3A_1688 {strides = array<i32>} : memref<2x32x1000xf32, #tpu.memory_space<vmem>>, vector<16xf32>,
        %get3A_1696 = arith.constant 1 : i32
        %get3A_1697 = arith.index_cast %get3A_1696 : i32 to index
        %get3A_1698 = arith.index_cast %scan3A_1503 : i32 to index
        %get3A_1699 = arith.constant 256 : index
        %get3A_1700 = tpu.vector_load %arg11[%get3A_1697, %get3A_1698, %get3A_1699] {strides = array<i32>} : memref<2x16x1024xf32, #tpu.memory_space<vmem>>, vector<16xf32>,
        %add3A_1701 = arith.constant 16 : i32
        %add3A_1702 = arith.addi %add3A_1701, %scan3A_1503 : i32
        %swap3A_1703 = arith.constant 0 : i32
        %swap3A_1704 = arith.index_cast %swap3A_1703 : i32 to index
        %swap3A_1705 = arith.index_cast %add3A_1702 : i32 to index
        %swap3A_1706 = arith.constant 256 : index
        %swap3A_1707 = tpu.vector_load %arg12[%swap3A_1704, %swap3A_1705, %swap3A_1706] {strides = array<i32>} : memref<2x32x1000xf32, #tpu.memory_space<vmem>>, vector<16xf32>,
        tpu.vector_store %arg12[%swap3A_1704, %swap3A_1705, %swap3A_1706], %get3A_1700 {strides = array<i32>} : memref<2x32x1000xf32, #tpu.memory_space<vmem>>, vector<16xf32>,
        %get3A_1708 = arith.constant 1 : i32
        %get3A_1709 = arith.index_cast %get3A_1708 : i32 to index
        %get3A_1710 = arith.index_cast %scan3A_1503 : i32 to index
        %get3A_1711 = arith.constant 272 : index
        %get3A_1712 = tpu.vector_load %arg11[%get3A_1709, %get3A_1710, %get3A_1711] {strides = array<i32>} : memref<2x16x1024xf32, #tpu.memory_space<vmem>>, vector<16xf32>,
        %add3A_1713 = arith.constant 16 : i32
        %add3A_1714 = arith.addi %add3A_1713, %scan3A_1503 : i32
        %swap3A_1715 = arith.constant 0 : i32
        %swap3A_1716 = arith.index_cast %swap3A_1715 : i32 to index
        %swap3A_1717 = arith.index_cast %add3A_1714 : i32 to index
        %swap3A_1718 = arith.constant 272 : index
        %swap3A_1719 = tpu.vector_load %arg12[%swap3A_1716, %swap3A_1717, %swap3A_1718] {strides = array<i32>} : memref<2x32x1000xf32, #tpu.memory_space<vmem>>, vector<16xf32>,
        tpu.vector_store %arg12[%swap3A_1716, %swap3A_1717, %swap3A_1718], %get3A_1712 {strides = array<i32>} : memref<2x32x1000xf32, #tpu.memory_space<vmem>>, vector<16xf32>,
        %get3A_1720 = arith.constant 1 : i32
        %get3A_1721 = arith.index_cast %get3A_1720 : i32 to index
        %get3A_1722 = arith.index_cast %scan3A_1503 : i32 to index
        %get3A_1723 = arith.constant 288 : index
        %get3A_1724 = tpu.vector_load %arg11[%get3A_1721, %get3A_1722, %get3A_1723] {strides = array<i32>} : memref<2x16x1024xf32, #tpu.memory_space<vmem>>, vector<16xf32>,
        %add3A_1725 = arith.constant 16 : i32
        %add3A_1726 = arith.addi %add3A_1725, %scan3A_1503 : i32
        %swap3A_1727 = arith.constant 0 : i32
        %swap3A_1728 = arith.index_cast %swap3A_1727 : i32 to index
        %swap3A_1729 = arith.index_cast %add3A_1726 : i32 to index
        %swap3A_1730 = arith.constant 288 : index
        %swap3A_1731 = tpu.vector_load %arg12[%swap3A_1728, %swap3A_1729, %swap3A_1730] {strides = array<i32>} : memref<2x32x1000xf32, #tpu.memory_space<vmem>>, vector<16xf32>,
        tpu.vector_store %arg12[%swap3A_1728, %swap3A_1729, %swap3A_1730], %get3A_1724 {strides = array<i32>} : memref<2x32x1000xf32, #tpu.memory_space<vmem>>, vector<16xf32>,
        %get3A_1732 = arith.constant 1 : i32
        %get3A_1733 = arith.index_cast %get3A_1732 : i32 to index
        %get3A_1734 = arith.index_cast %scan3A_1503 : i32 to index
        %get3A_1735 = arith.constant 304 : index
        %get3A_1736 = tpu.vector_load %arg11[%get3A_1733, %get3A_1734, %get3A_1735] {strides = array<i32>} : memref<2x16x1024xf32, #tpu.memory_space<vmem>>, vector<16xf32>,
        %add3A_1737 = arith.constant 16 : i32
        %add3A_1738 = arith.addi %add3A_1737, %scan3A_1503 : i32
        %swap3A_1739 = arith.constant 0 : i32
        %swap3A_1740 = arith.index_cast %swap3A_1739 : i32 to index
        %swap3A_1741 = arith.index_cast %add3A_1738 : i32 to index
        %swap3A_1742 = arith.constant 304 : index
        %swap3A_1743 = tpu.vector_load %arg12[%swap3A_1740, %swap3A_1741, %swap3A_1742] {strides = array<i32>} : memref<2x32x1000xf32, #tpu.memory_space<vmem>>, vector<16xf32>,
        tpu.vector_store %arg12[%swap3A_1740, %swap3A_1741, %swap3A_1742], %get3A_1736 {strides = array<i32>} : memref<2x32x1000xf32, #tpu.memory_space<vmem>>, vector<16xf32>,
        %get3A_1744 = arith.constant 1 : i32
        %get3A_1745 = arith.index_cast %get3A_1744 : i32 to index
        %get3A_1746 = arith.index_cast %scan3A_1503 : i32 to index
        %get3A_1747 = arith.constant 320 : index
        %get3A_1748 = tpu.vector_load %arg11[%get3A_1745, %get3A_1746, %get3A_1747] {strides = array<i32>} : memref<2x16x1024xf32, #tpu.memory_space<vmem>>, vector<16xf32>,
        %add3A_1749 = arith.constant 16 : i32
        %add3A_1750 = arith.addi %add3A_1749, %scan3A_1503 : i32
        %swap3A_1751 = arith.constant 0 : i32
        %swap3A_1752 = arith.index_cast %swap3A_1751 : i32 to index
        %swap3A_1753 = arith.index_cast %add3A_1750 : i32 to index
        %swap3A_1754 = arith.constant 320 : index
        %swap3A_1755 = tpu.vector_load %arg12[%swap3A_1752, %swap3A_1753, %swap3A_1754] {strides = array<i32>} : memref<2x32x1000xf32, #tpu.memory_space<vmem>>, vector<16xf32>,
        tpu.vector_store %arg12[%swap3A_1752, %swap3A_1753, %swap3A_1754], %get3A_1748 {strides = array<i32>} : memref<2x32x1000xf32, #tpu.memory_space<vmem>>, vector<16xf32>,
        %get3A_1756 = arith.constant 1 : i32
        %get3A_1757 = arith.index_cast %get3A_1756 : i32 to index
        %get3A_1758 = arith.index_cast %scan3A_1503 : i32 to index
        %get3A_1759 = arith.constant 336 : index
        %get3A_1760 = tpu.vector_load %arg11[%get3A_1757, %get3A_1758, %get3A_1759] {strides = array<i32>} : memref<2x16x1024xf32, #tpu.memory_space<vmem>>, vector<16xf32>,
        %add3A_1761 = arith.constant 16 : i32
        %add3A_1762 = arith.addi %add3A_1761, %scan3A_1503 : i32
        %swap3A_1763 = arith.constant 0 : i32
        %swap3A_1764 = arith.index_cast %swap3A_1763 : i32 to index
        %swap3A_1765 = arith.index_cast %add3A_1762 : i32 to index
        %swap3A_1766 = arith.constant 336 : index
        %swap3A_1767 = tpu.vector_load %arg12[%swap3A_1764, %swap3A_1765, %swap3A_1766] {strides = array<i32>} : memref<2x32x1000xf32, #tpu.memory_space<vmem>>, vector<16xf32>,
        tpu.vector_store %arg12[%swap3A_1764, %swap3A_1765, %swap3A_1766], %get3A_1760 {strides = array<i32>} : memref<2x32x1000xf32, #tpu.memory_space<vmem>>, vector<16xf32>,
        %get3A_1768 = arith.constant 1 : i32
        %get3A_1769 = arith.index_cast %get3A_1768 : i32 to index
        %get3A_1770 = arith.index_cast %scan3A_1503 : i32 to index
        %get3A_1771 = arith.constant 352 : index
        %get3A_1772 = tpu.vector_load %arg11[%get3A_1769, %get3A_1770, %get3A_1771] {strides = array<i32>} : memref<2x16x1024xf32, #tpu.memory_space<vmem>>, vector<16xf32>,
        %add3A_1773 = arith.constant 16 : i32
        %add3A_1774 = arith.addi %add3A_1773, %scan3A_1503 : i32
        %swap3A_1775 = arith.constant 0 : i32
        %swap3A_1776 = arith.index_cast %swap3A_1775 : i32 to index
        %swap3A_1777 = arith.index_cast %add3A_1774 : i32 to index
        %swap3A_1778 = arith.constant 352 : index
        %swap3A_1779 = tpu.vector_load %arg12[%swap3A_1776, %swap3A_1777, %swap3A_1778] {strides = array<i32>} : memref<2x32x1000xf32, #tpu.memory_space<vmem>>, vector<16xf32>,
        tpu.vector_store %arg12[%swap3A_1776, %swap3A_1777, %swap3A_1778], %get3A_1772 {strides = array<i32>} : memref<2x32x1000xf32, #tpu.memory_space<vmem>>, vector<16xf32>,
        %get3A_1780 = arith.constant 1 : i32
        %get3A_1781 = arith.index_cast %get3A_1780 : i32 to index
        %get3A_1782 = arith.index_cast %scan3A_1503 : i32 to index
        %get3A_1783 = arith.constant 368 : index
        %get3A_1784 = tpu.vector_load %arg11[%get3A_1781, %get3A_1782, %get3A_1783] {strides = array<i32>} : memref<2x16x1024xf32, #tpu.memory_space<vmem>>, vector<16xf32>,
        %add3A_1785 = arith.constant 16 : i32
        %add3A_1786 = arith.addi %add3A_1785, %scan3A_1503 : i32
        %swap3A_1787 = arith.constant 0 : i32
        %swap3A_1788 = arith.index_cast %swap3A_1787 : i32 to index
        %swap3A_1789 = arith.index_cast %add3A_1786 : i32 to index
        %swap3A_1790 = arith.constant 368 : index
        %swap3A_1791 = tpu.vector_load %arg12[%swap3A_1788, %swap3A_1789, %swap3A_1790] {strides = array<i32>} : memref<2x32x1000xf32, #tpu.memory_space<vmem>>, vector<16xf32>,
        tpu.vector_store %arg12[%swap3A_1788, %swap3A_1789, %swap3A_1790], %get3A_1784 {strides = array<i32>} : memref<2x32x1000xf32, #tpu.memory_space<vmem>>, vector<16xf32>,
        %get3A_1792 = arith.constant 1 : i32
        %get3A_1793 = arith.index_cast %get3A_1792 : i32 to index
        %get3A_1794 = arith.index_cast %scan3A_1503 : i32 to index
        %get3A_1795 = arith.constant 384 : index
        %get3A_1796 = tpu.vector_load %arg11[%get3A_1793, %get3A_1794, %get3A_1795] {strides = array<i32>} : memref<2x16x1024xf32, #tpu.memory_space<vmem>>, vector<16xf32>,
        %add3A_1797 = arith.constant 16 : i32
        %add3A_1798 = arith.addi %add3A_1797, %scan3A_1503 : i32
        %swap3A_1799 = arith.constant 0 : i32
        %swap3A_1800 = arith.index_cast %swap3A_1799 : i32 to index
        %swap3A_1801 = arith.index_cast %add3A_1798 : i32 to index
        %swap3A_1802 = arith.constant 384 : index
        %swap3A_1803 = tpu.vector_load %arg12[%swap3A_1800, %swap3A_1801, %swap3A_1802] {strides = array<i32>} : memref<2x32x1000xf32, #tpu.memory_space<vmem>>, vector<16xf32>,
        tpu.vector_store %arg12[%swap3A_1800, %swap3A_1801, %swap3A_1802], %get3A_1796 {strides = array<i32>} : memref<2x32x1000xf32, #tpu.memory_space<vmem>>, vector<16xf32>,
        %get3A_1804 = arith.constant 1 : i32
        %get3A_1805 = arith.index_cast %get3A_1804 : i32 to index
        %get3A_1806 = arith.index_cast %scan3A_1503 : i32 to index
        %get3A_1807 = arith.constant 400 : index
        %get3A_1808 = tpu.vector_load %arg11[%get3A_1805, %get3A_1806, %get3A_1807] {strides = array<i32>} : memref<2x16x1024xf32, #tpu.memory_space<vmem>>, vector<16xf32>,
        %add3A_1809 = arith.constant 16 : i32
        %add3A_1810 = arith.addi %add3A_1809, %scan3A_1503 : i32
        %swap3A_1811 = arith.constant 0 : i32
        %swap3A_1812 = arith.index_cast %swap3A_1811 : i32 to index
        %swap3A_1813 = arith.index_cast %add3A_1810 : i32 to index
        %swap3A_1814 = arith.constant 400 : index
        %swap3A_1815 = tpu.vector_load %arg12[%swap3A_1812, %swap3A_1813, %swap3A_1814] {strides = array<i32>} : memref<2x32x1000xf32, #tpu.memory_space<vmem>>, vector<16xf32>,
        tpu.vector_store %arg12[%swap3A_1812, %swap3A_1813, %swap3A_1814], %get3A_1808 {strides = array<i32>} : memref<2x32x1000xf32, #tpu.memory_space<vmem>>, vector<16xf32>,
        %get3A_1816 = arith.constant 1 : i32
        %get3A_1817 = arith.index_cast %get3A_1816 : i32 to index
        %get3A_1818 = arith.index_cast %scan3A_1503 : i32 to index
        %get3A_1819 = arith.constant 416 : index
        %get3A_1820 = tpu.vector_load %arg11[%get3A_1817, %get3A_1818, %get3A_1819] {strides = array<i32>} : memref<2x16x1024xf32, #tpu.memory_space<vmem>>, vector<16xf32>,
        %add3A_1821 = arith.constant 16 : i32
        %add3A_1822 = arith.addi %add3A_1821, %scan3A_1503 : i32
        %swap3A_1823 = arith.constant 0 : i32
        %swap3A_1824 = arith.index_cast %swap3A_1823 : i32 to index
        %swap3A_1825 = arith.index_cast %add3A_1822 : i32 to index
        %swap3A_1826 = arith.constant 416 : index
        %swap3A_1827 = tpu.vector_load %arg12[%swap3A_1824, %swap3A_1825, %swap3A_1826] {strides = array<i32>} : memref<2x32x1000xf32, #tpu.memory_space<vmem>>, vector<16xf32>,
        tpu.vector_store %arg12[%swap3A_1824, %swap3A_1825, %swap3A_1826], %get3A_1820 {strides = array<i32>} : memref<2x32x1000xf32, #tpu.memory_space<vmem>>, vector<16xf32>,
        %get3A_1828 = arith.constant 1 : i32
        %get3A_1829 = arith.index_cast %get3A_1828 : i32 to index
        %get3A_1830 = arith.index_cast %scan3A_1503 : i32 to index
        %get3A_1831 = arith.constant 432 : index
        %get3A_1832 = tpu.vector_load %arg11[%get3A_1829, %get3A_1830, %get3A_1831] {strides = array<i32>} : memref<2x16x1024xf32, #tpu.memory_space<vmem>>, vector<16xf32>,
        %add3A_1833 = arith.constant 16 : i32
        %add3A_1834 = arith.addi %add3A_1833, %scan3A_1503 : i32
        %swap3A_1835 = arith.constant 0 : i32
        %swap3A_1836 = arith.index_cast %swap3A_1835 : i32 to index
        %swap3A_1837 = arith.index_cast %add3A_1834 : i32 to index
        %swap3A_1838 = arith.constant 432 : index
        %swap3A_1839 = tpu.vector_load %arg12[%swap3A_1836, %swap3A_1837, %swap3A_1838] {strides = array<i32>} : memref<2x32x1000xf32, #tpu.memory_space<vmem>>, vector<16xf32>,
        tpu.vector_store %arg12[%swap3A_1836, %swap3A_1837, %swap3A_1838], %get3A_1832 {strides = array<i32>} : memref<2x32x1000xf32, #tpu.memory_space<vmem>>, vector<16xf32>,
        %get3A_1840 = arith.constant 1 : i32
        %get3A_1841 = arith.index_cast %get3A_1840 : i32 to index
        %get3A_1842 = arith.index_cast %scan3A_1503 : i32 to index
        %get3A_1843 = arith.constant 448 : index
        %get3A_1844 = tpu.vector_load %arg11[%get3A_1841, %get3A_1842, %get3A_1843] {strides = array<i32>} : memref<2x16x1024xf32, #tpu.memory_space<vmem>>, vector<16xf32>,
        %add3A_1845 = arith.constant 16 : i32
        %add3A_1846 = arith.addi %add3A_1845, %scan3A_1503 : i32
        %swap3A_1847 = arith.constant 0 : i32
        %swap3A_1848 = arith.index_cast %swap3A_1847 : i32 to index
        %swap3A_1849 = arith.index_cast %add3A_1846 : i32 to index
        %swap3A_1850 = arith.constant 448 : index
        %swap3A_1851 = tpu.vector_load %arg12[%swap3A_1848, %swap3A_1849, %swap3A_1850] {strides = array<i32>} : memref<2x32x1000xf32, #tpu.memory_space<vmem>>, vector<16xf32>,
        tpu.vector_store %arg12[%swap3A_1848, %swap3A_1849, %swap3A_1850], %get3A_1844 {strides = array<i32>} : memref<2x32x1000xf32, #tpu.memory_space<vmem>>, vector<16xf32>,
        %get3A_1852 = arith.constant 1 : i32
        %get3A_1853 = arith.index_cast %get3A_1852 : i32 to index
        %get3A_1854 = arith.index_cast %scan3A_1503 : i32 to index
        %get3A_1855 = arith.constant 464 : index
        %get3A_1856 = tpu.vector_load %arg11[%get3A_1853, %get3A_1854, %get3A_1855] {strides = array<i32>} : memref<2x16x1024xf32, #tpu.memory_space<vmem>>, vector<16xf32>,
        %add3A_1857 = arith.constant 16 : i32
        %add3A_1858 = arith.addi %add3A_1857, %scan3A_1503 : i32
        %swap3A_1859 = arith.constant 0 : i32
        %swap3A_1860 = arith.index_cast %swap3A_1859 : i32 to index
        %swap3A_1861 = arith.index_cast %add3A_1858 : i32 to index
        %swap3A_1862 = arith.constant 464 : index
        %swap3A_1863 = tpu.vector_load %arg12[%swap3A_1860, %swap3A_1861, %swap3A_1862] {strides = array<i32>} : memref<2x32x1000xf32, #tpu.memory_space<vmem>>, vector<16xf32>,
        tpu.vector_store %arg12[%swap3A_1860, %swap3A_1861, %swap3A_1862], %get3A_1856 {strides = array<i32>} : memref<2x32x1000xf32, #tpu.memory_space<vmem>>, vector<16xf32>,
        %get3A_1864 = arith.constant 1 : i32
        %get3A_1865 = arith.index_cast %get3A_1864 : i32 to index
        %get3A_1866 = arith.index_cast %scan3A_1503 : i32 to index
        %get3A_1867 = arith.constant 480 : index
        %get3A_1868 = tpu.vector_load %arg11[%get3A_1865, %get3A_1866, %get3A_1867] {strides = array<i32>} : memref<2x16x1024xf32, #tpu.memory_space<vmem>>, vector<16xf32>,
        %add3A_1869 = arith.constant 16 : i32
        %add3A_1870 = arith.addi %add3A_1869, %scan3A_1503 : i32
        %swap3A_1871 = arith.constant 0 : i32
        %swap3A_1872 = arith.index_cast %swap3A_1871 : i32 to index
        %swap3A_1873 = arith.index_cast %add3A_1870 : i32 to index
        %swap3A_1874 = arith.constant 480 : index
        %swap3A_1875 = tpu.vector_load %arg12[%swap3A_1872, %swap3A_1873, %swap3A_1874] {strides = array<i32>} : memref<2x32x1000xf32, #tpu.memory_space<vmem>>, vector<16xf32>,
        tpu.vector_store %arg12[%swap3A_1872, %swap3A_1873, %swap3A_1874], %get3A_1868 {strides = array<i32>} : memref<2x32x1000xf32, #tpu.memory_space<vmem>>, vector<16xf32>,
        %get3A_1876 = arith.constant 1 : i32
        %get3A_1877 = arith.index_cast %get3A_1876 : i32 to index
        %get3A_1878 = arith.index_cast %scan3A_1503 : i32 to index
        %get3A_1879 = arith.constant 496 : index
        %get3A_1880 = tpu.vector_load %arg11[%get3A_1877, %get3A_1878, %get3A_1879] {strides = array<i32>} : memref<2x16x1024xf32, #tpu.memory_space<vmem>>, vector<16xf32>,
        %add3A_1881 = arith.constant 16 : i32
        %add3A_1882 = arith.addi %add3A_1881, %scan3A_1503 : i32
        %swap3A_1883 = arith.constant 0 : i32
        %swap3A_1884 = arith.index_cast %swap3A_1883 : i32 to index
        %swap3A_1885 = arith.index_cast %add3A_1882 : i32 to index
        %swap3A_1886 = arith.constant 496 : index
        %swap3A_1887 = tpu.vector_load %arg12[%swap3A_1884, %swap3A_1885, %swap3A_1886] {strides = array<i32>} : memref<2x32x1000xf32, #tpu.memory_space<vmem>>, vector<16xf32>,
        tpu.vector_store %arg12[%swap3A_1884, %swap3A_1885, %swap3A_1886], %get3A_1880 {strides = array<i32>} : memref<2x32x1000xf32, #tpu.memory_space<vmem>>, vector<16xf32>,
        %get3A_1888 = arith.constant 1 : i32
        %get3A_1889 = arith.index_cast %get3A_1888 : i32 to index
        %get3A_1890 = arith.index_cast %scan3A_1503 : i32 to index
        %get3A_1891 = arith.constant 512 : index
        %get3A_1892 = tpu.vector_load %arg11[%get3A_1889, %get3A_1890, %get3A_1891] {strides = array<i32>} : memref<2x16x1024xf32, #tpu.memory_space<vmem>>, vector<16xf32>,
        %add3A_1893 = arith.constant 16 : i32
        %add3A_1894 = arith.addi %add3A_1893, %scan3A_1503 : i32
        %swap3A_1895 = arith.constant 0 : i32
        %swap3A_1896 = arith.index_cast %swap3A_1895 : i32 to index
        %swap3A_1897 = arith.index_cast %add3A_1894 : i32 to index
        %swap3A_1898 = arith.constant 512 : index
        %swap3A_1899 = tpu.vector_load %arg12[%swap3A_1896, %swap3A_1897, %swap3A_1898] {strides = array<i32>} : memref<2x32x1000xf32, #tpu.memory_space<vmem>>, vector<16xf32>,
        tpu.vector_store %arg12[%swap3A_1896, %swap3A_1897, %swap3A_1898], %get3A_1892 {strides = array<i32>} : memref<2x32x1000xf32, #tpu.memory_space<vmem>>, vector<16xf32>,
        %get3A_1900 = arith.constant 1 : i32
        %get3A_1901 = arith.index_cast %get3A_1900 : i32 to index
        %get3A_1902 = arith.index_cast %scan3A_1503 : i32 to index
        %get3A_1903 = arith.constant 528 : index
        %get3A_1904 = tpu.vector_load %arg11[%get3A_1901, %get3A_1902, %get3A_1903] {strides = array<i32>} : memref<2x16x1024xf32, #tpu.memory_space<vmem>>, vector<16xf32>,
        %add3A_1905 = arith.constant 16 : i32
        %add3A_1906 = arith.addi %add3A_1905, %scan3A_1503 : i32
        %swap3A_1907 = arith.constant 0 : i32
        %swap3A_1908 = arith.index_cast %swap3A_1907 : i32 to index
        %swap3A_1909 = arith.index_cast %add3A_1906 : i32 to index
        %swap3A_1910 = arith.constant 528 : index
        %swap3A_1911 = tpu.vector_load %arg12[%swap3A_1908, %swap3A_1909, %swap3A_1910] {strides = array<i32>} : memref<2x32x1000xf32, #tpu.memory_space<vmem>>, vector<16xf32>,
        tpu.vector_store %arg12[%swap3A_1908, %swap3A_1909, %swap3A_1910], %get3A_1904 {strides = array<i32>} : memref<2x32x1000xf32, #tpu.memory_space<vmem>>, vector<16xf32>,
        %get3A_1912 = arith.constant 1 : i32
        %get3A_1913 = arith.index_cast %get3A_1912 : i32 to index
        %get3A_1914 = arith.index_cast %scan3A_1503 : i32 to index
        %get3A_1915 = arith.constant 544 : index
        %get3A_1916 = tpu.vector_load %arg11[%get3A_1913, %get3A_1914, %get3A_1915] {strides = array<i32>} : memref<2x16x1024xf32, #tpu.memory_space<vmem>>, vector<16xf32>,
        %add3A_1917 = arith.constant 16 : i32
        %add3A_1918 = arith.addi %add3A_1917, %scan3A_1503 : i32
        %swap3A_1919 = arith.constant 0 : i32
        %swap3A_1920 = arith.index_cast %swap3A_1919 : i32 to index
        %swap3A_1921 = arith.index_cast %add3A_1918 : i32 to index
        %swap3A_1922 = arith.constant 544 : index
        %swap3A_1923 = tpu.vector_load %arg12[%swap3A_1920, %swap3A_1921, %swap3A_1922] {strides = array<i32>} : memref<2x32x1000xf32, #tpu.memory_space<vmem>>, vector<16xf32>,
        tpu.vector_store %arg12[%swap3A_1920, %swap3A_1921, %swap3A_1922], %get3A_1916 {strides = array<i32>} : memref<2x32x1000xf32, #tpu.memory_space<vmem>>, vector<16xf32>,
        %get3A_1924 = arith.constant 1 : i32
        %get3A_1925 = arith.index_cast %get3A_1924 : i32 to index
        %get3A_1926 = arith.index_cast %scan3A_1503 : i32 to index
        %get3A_1927 = arith.constant 560 : index
        %get3A_1928 = tpu.vector_load %arg11[%get3A_1925, %get3A_1926, %get3A_1927] {strides = array<i32>} : memref<2x16x1024xf32, #tpu.memory_space<vmem>>, vector<16xf32>,
        %add3A_1929 = arith.constant 16 : i32
        %add3A_1930 = arith.addi %add3A_1929, %scan3A_1503 : i32
        %swap3A_1931 = arith.constant 0 : i32
        %swap3A_1932 = arith.index_cast %swap3A_1931 : i32 to index
        %swap3A_1933 = arith.index_cast %add3A_1930 : i32 to index
        %swap3A_1934 = arith.constant 560 : index
        %swap3A_1935 = tpu.vector_load %arg12[%swap3A_1932, %swap3A_1933, %swap3A_1934] {strides = array<i32>} : memref<2x32x1000xf32, #tpu.memory_space<vmem>>, vector<16xf32>,
        tpu.vector_store %arg12[%swap3A_1932, %swap3A_1933, %swap3A_1934], %get3A_1928 {strides = array<i32>} : memref<2x32x1000xf32, #tpu.memory_space<vmem>>, vector<16xf32>,
        %get3A_1936 = arith.constant 1 : i32
        %get3A_1937 = arith.index_cast %get3A_1936 : i32 to index
        %get3A_1938 = arith.index_cast %scan3A_1503 : i32 to index
        %get3A_1939 = arith.constant 576 : index
        %get3A_1940 = tpu.vector_load %arg11[%get3A_1937, %get3A_1938, %get3A_1939] {strides = array<i32>} : memref<2x16x1024xf32, #tpu.memory_space<vmem>>, vector<16xf32>,
        %add3A_1941 = arith.constant 16 : i32
        %add3A_1942 = arith.addi %add3A_1941, %scan3A_1503 : i32
        %swap3A_1943 = arith.constant 0 : i32
        %swap3A_1944 = arith.index_cast %swap3A_1943 : i32 to index
        %swap3A_1945 = arith.index_cast %add3A_1942 : i32 to index
        %swap3A_1946 = arith.constant 576 : index
        %swap3A_1947 = tpu.vector_load %arg12[%swap3A_1944, %swap3A_1945, %swap3A_1946] {strides = array<i32>} : memref<2x32x1000xf32, #tpu.memory_space<vmem>>, vector<16xf32>,
        tpu.vector_store %arg12[%swap3A_1944, %swap3A_1945, %swap3A_1946], %get3A_1940 {strides = array<i32>} : memref<2x32x1000xf32, #tpu.memory_space<vmem>>, vector<16xf32>,
        %get3A_1948 = arith.constant 1 : i32
        %get3A_1949 = arith.index_cast %get3A_1948 : i32 to index
        %get3A_1950 = arith.index_cast %scan3A_1503 : i32 to index
        %get3A_1951 = arith.constant 592 : index
        %get3A_1952 = tpu.vector_load %arg11[%get3A_1949, %get3A_1950, %get3A_1951] {strides = array<i32>} : memref<2x16x1024xf32, #tpu.memory_space<vmem>>, vector<16xf32>,
        %add3A_1953 = arith.constant 16 : i32
        %add3A_1954 = arith.addi %add3A_1953, %scan3A_1503 : i32
        %swap3A_1955 = arith.constant 0 : i32
        %swap3A_1956 = arith.index_cast %swap3A_1955 : i32 to index
        %swap3A_1957 = arith.index_cast %add3A_1954 : i32 to index
        %swap3A_1958 = arith.constant 592 : index
        %swap3A_1959 = tpu.vector_load %arg12[%swap3A_1956, %swap3A_1957, %swap3A_1958] {strides = array<i32>} : memref<2x32x1000xf32, #tpu.memory_space<vmem>>, vector<16xf32>,
        tpu.vector_store %arg12[%swap3A_1956, %swap3A_1957, %swap3A_1958], %get3A_1952 {strides = array<i32>} : memref<2x32x1000xf32, #tpu.memory_space<vmem>>, vector<16xf32>,
        %get3A_1960 = arith.constant 1 : i32
        %get3A_1961 = arith.index_cast %get3A_1960 : i32 to index
        %get3A_1962 = arith.index_cast %scan3A_1503 : i32 to index
        %get3A_1963 = arith.constant 608 : index
        %get3A_1964 = tpu.vector_load %arg11[%get3A_1961, %get3A_1962, %get3A_1963] {strides = array<i32>} : memref<2x16x1024xf32, #tpu.memory_space<vmem>>, vector<16xf32>,
        %add3A_1965 = arith.constant 16 : i32
        %add3A_1966 = arith.addi %add3A_1965, %scan3A_1503 : i32
        %swap3A_1967 = arith.constant 0 : i32
        %swap3A_1968 = arith.index_cast %swap3A_1967 : i32 to index
        %swap3A_1969 = arith.index_cast %add3A_1966 : i32 to index
        %swap3A_1970 = arith.constant 608 : index
        %swap3A_1971 = tpu.vector_load %arg12[%swap3A_1968, %swap3A_1969, %swap3A_1970] {strides = array<i32>} : memref<2x32x1000xf32, #tpu.memory_space<vmem>>, vector<16xf32>,
        tpu.vector_store %arg12[%swap3A_1968, %swap3A_1969, %swap3A_1970], %get3A_1964 {strides = array<i32>} : memref<2x32x1000xf32, #tpu.memory_space<vmem>>, vector<16xf32>,
        %get3A_1972 = arith.constant 1 : i32
        %get3A_1973 = arith.index_cast %get3A_1972 : i32 to index
        %get3A_1974 = arith.index_cast %scan3A_1503 : i32 to index
        %get3A_1975 = arith.constant 624 : index
        %get3A_1976 = tpu.vector_load %arg11[%get3A_1973, %get3A_1974, %get3A_1975] {strides = array<i32>} : memref<2x16x1024xf32, #tpu.memory_space<vmem>>, vector<16xf32>,
        %add3A_1977 = arith.constant 16 : i32
        %add3A_1978 = arith.addi %add3A_1977, %scan3A_1503 : i32
        %swap3A_1979 = arith.constant 0 : i32
        %swap3A_1980 = arith.index_cast %swap3A_1979 : i32 to index
        %swap3A_1981 = arith.index_cast %add3A_1978 : i32 to index
        %swap3A_1982 = arith.constant 624 : index
        %swap3A_1983 = tpu.vector_load %arg12[%swap3A_1980, %swap3A_1981, %swap3A_1982] {strides = array<i32>} : memref<2x32x1000xf32, #tpu.memory_space<vmem>>, vector<16xf32>,
        tpu.vector_store %arg12[%swap3A_1980, %swap3A_1981, %swap3A_1982], %get3A_1976 {strides = array<i32>} : memref<2x32x1000xf32, #tpu.memory_space<vmem>>, vector<16xf32>,
        %get3A_1984 = arith.constant 1 : i32
        %get3A_1985 = arith.index_cast %get3A_1984 : i32 to index
        %get3A_1986 = arith.index_cast %scan3A_1503 : i32 to index
        %get3A_1987 = arith.constant 640 : index
        %get3A_1988 = tpu.vector_load %arg11[%get3A_1985, %get3A_1986, %get3A_1987] {strides = array<i32>} : memref<2x16x1024xf32, #tpu.memory_space<vmem>>, vector<16xf32>,
        %add3A_1989 = arith.constant 16 : i32
        %add3A_1990 = arith.addi %add3A_1989, %scan3A_1503 : i32
        %swap3A_1991 = arith.constant 0 : i32
        %swap3A_1992 = arith.index_cast %swap3A_1991 : i32 to index
        %swap3A_1993 = arith.index_cast %add3A_1990 : i32 to index
        %swap3A_1994 = arith.constant 640 : index
        %swap3A_1995 = tpu.vector_load %arg12[%swap3A_1992, %swap3A_1993, %swap3A_1994] {strides = array<i32>} : memref<2x32x1000xf32, #tpu.memory_space<vmem>>, vector<16xf32>,
        tpu.vector_store %arg12[%swap3A_1992, %swap3A_1993, %swap3A_1994], %get3A_1988 {strides = array<i32>} : memref<2x32x1000xf32, #tpu.memory_space<vmem>>, vector<16xf32>,
        %get3A_1996 = arith.constant 1 : i32
        %get3A_1997 = arith.index_cast %get3A_1996 : i32 to index
        %get3A_1998 = arith.index_cast %scan3A_1503 : i32 to index
        %get3A_1999 = arith.constant 656 : index
        %get3A_2000 = tpu.vector_load %arg11[%get3A_1997, %get3A_1998, %get3A_1999] {strides = array<i32>} : memref<2x16x1024xf32, #tpu.memory_space<vmem>>, vector<16xf32>,
        %add3A_2001 = arith.constant 16 : i32
        %add3A_2002 = arith.addi %add3A_2001, %scan3A_1503 : i32
        %swap3A_2003 = arith.constant 0 : i32
        %swap3A_2004 = arith.index_cast %swap3A_2003 : i32 to index
        %swap3A_2005 = arith.index_cast %add3A_2002 : i32 to index
        %swap3A_2006 = arith.constant 656 : index
        %swap3A_2007 = tpu.vector_load %arg12[%swap3A_2004, %swap3A_2005, %swap3A_2006] {strides = array<i32>} : memref<2x32x1000xf32, #tpu.memory_space<vmem>>, vector<16xf32>,
        tpu.vector_store %arg12[%swap3A_2004, %swap3A_2005, %swap3A_2006], %get3A_2000 {strides = array<i32>} : memref<2x32x1000xf32, #tpu.memory_space<vmem>>, vector<16xf32>,
        %get3A_2008 = arith.constant 1 : i32
        %get3A_2009 = arith.index_cast %get3A_2008 : i32 to index
        %get3A_2010 = arith.index_cast %scan3A_1503 : i32 to index
        %get3A_2011 = arith.constant 672 : index
        %get3A_2012 = tpu.vector_load %arg11[%get3A_2009, %get3A_2010, %get3A_2011] {strides = array<i32>} : memref<2x16x1024xf32, #tpu.memory_space<vmem>>, vector<16xf32>,
        %add3A_2013 = arith.constant 16 : i32
        %add3A_2014 = arith.addi %add3A_2013, %scan3A_1503 : i32
        %swap3A_2015 = arith.constant 0 : i32
        %swap3A_2016 = arith.index_cast %swap3A_2015 : i32 to index
        %swap3A_2017 = arith.index_cast %add3A_2014 : i32 to index
        %swap3A_2018 = arith.constant 672 : index
        %swap3A_2019 = tpu.vector_load %arg12[%swap3A_2016, %swap3A_2017, %swap3A_2018] {strides = array<i32>} : memref<2x32x1000xf32, #tpu.memory_space<vmem>>, vector<16xf32>,
        tpu.vector_store %arg12[%swap3A_2016, %swap3A_2017, %swap3A_2018], %get3A_2012 {strides = array<i32>} : memref<2x32x1000xf32, #tpu.memory_space<vmem>>, vector<16xf32>,
        %get3A_2020 = arith.constant 1 : i32
        %get3A_2021 = arith.index_cast %get3A_2020 : i32 to index
        %get3A_2022 = arith.index_cast %scan3A_1503 : i32 to index
        %get3A_2023 = arith.constant 688 : index
        %get3A_2024 = tpu.vector_load %arg11[%get3A_2021, %get3A_2022, %get3A_2023] {strides = array<i32>} : memref<2x16x1024xf32, #tpu.memory_space<vmem>>, vector<16xf32>,
        %add3A_2025 = arith.constant 16 : i32
        %add3A_2026 = arith.addi %add3A_2025, %scan3A_1503 : i32
        %swap3A_2027 = arith.constant 0 : i32
        %swap3A_2028 = arith.index_cast %swap3A_2027 : i32 to index
        %swap3A_2029 = arith.index_cast %add3A_2026 : i32 to index
        %swap3A_2030 = arith.constant 688 : index
        %swap3A_2031 = tpu.vector_load %arg12[%swap3A_2028, %swap3A_2029, %swap3A_2030] {strides = array<i32>} : memref<2x32x1000xf32, #tpu.memory_space<vmem>>, vector<16xf32>,
        tpu.vector_store %arg12[%swap3A_2028, %swap3A_2029, %swap3A_2030], %get3A_2024 {strides = array<i32>} : memref<2x32x1000xf32, #tpu.memory_space<vmem>>, vector<16xf32>,
        %get3A_2032 = arith.constant 1 : i32
        %get3A_2033 = arith.index_cast %get3A_2032 : i32 to index
        %get3A_2034 = arith.index_cast %scan3A_1503 : i32 to index
        %get3A_2035 = arith.constant 704 : index
        %get3A_2036 = tpu.vector_load %arg11[%get3A_2033, %get3A_2034, %get3A_2035] {strides = array<i32>} : memref<2x16x1024xf32, #tpu.memory_space<vmem>>, vector<16xf32>,
        %add3A_2037 = arith.constant 16 : i32
        %add3A_2038 = arith.addi %add3A_2037, %scan3A_1503 : i32
        %swap3A_2039 = arith.constant 0 : i32
        %swap3A_2040 = arith.index_cast %swap3A_2039 : i32 to index
        %swap3A_2041 = arith.index_cast %add3A_2038 : i32 to index
        %swap3A_2042 = arith.constant 704 : index
        %swap3A_2043 = tpu.vector_load %arg12[%swap3A_2040, %swap3A_2041, %swap3A_2042] {strides = array<i32>} : memref<2x32x1000xf32, #tpu.memory_space<vmem>>, vector<16xf32>,
        tpu.vector_store %arg12[%swap3A_2040, %swap3A_2041, %swap3A_2042], %get3A_2036 {strides = array<i32>} : memref<2x32x1000xf32, #tpu.memory_space<vmem>>, vector<16xf32>,
        %get3A_2044 = arith.constant 1 : i32
        %get3A_2045 = arith.index_cast %get3A_2044 : i32 to index
        %get3A_2046 = arith.index_cast %scan3A_1503 : i32 to index
        %get3A_2047 = arith.constant 720 : index
        %get3A_2048 = tpu.vector_load %arg11[%get3A_2045, %get3A_2046, %get3A_2047] {strides = array<i32>} : memref<2x16x1024xf32, #tpu.memory_space<vmem>>, vector<16xf32>,
        %add3A_2049 = arith.constant 16 : i32
        %add3A_2050 = arith.addi %add3A_2049, %scan3A_1503 : i32
        %swap3A_2051 = arith.constant 0 : i32
        %swap3A_2052 = arith.index_cast %swap3A_2051 : i32 to index
        %swap3A_2053 = arith.index_cast %add3A_2050 : i32 to index
        %swap3A_2054 = arith.constant 720 : index
        %swap3A_2055 = tpu.vector_load %arg12[%swap3A_2052, %swap3A_2053, %swap3A_2054] {strides = array<i32>} : memref<2x32x1000xf32, #tpu.memory_space<vmem>>, vector<16xf32>,
        tpu.vector_store %arg12[%swap3A_2052, %swap3A_2053, %swap3A_2054], %get3A_2048 {strides = array<i32>} : memref<2x32x1000xf32, #tpu.memory_space<vmem>>, vector<16xf32>,
        %get3A_2056 = arith.constant 1 : i32
        %get3A_2057 = arith.index_cast %get3A_2056 : i32 to index
        %get3A_2058 = arith.index_cast %scan3A_1503 : i32 to index
        %get3A_2059 = arith.constant 736 : index
        %get3A_2060 = tpu.vector_load %arg11[%get3A_2057, %get3A_2058, %get3A_2059] {strides = array<i32>} : memref<2x16x1024xf32, #tpu.memory_space<vmem>>, vector<16xf32>,
        %add3A_2061 = arith.constant 16 : i32
        %add3A_2062 = arith.addi %add3A_2061, %scan3A_1503 : i32
        %swap3A_2063 = arith.constant 0 : i32
        %swap3A_2064 = arith.index_cast %swap3A_2063 : i32 to index
        %swap3A_2065 = arith.index_cast %add3A_2062 : i32 to index
        %swap3A_2066 = arith.constant 736 : index
        %swap3A_2067 = tpu.vector_load %arg12[%swap3A_2064, %swap3A_2065, %swap3A_2066] {strides = array<i32>} : memref<2x32x1000xf32, #tpu.memory_space<vmem>>, vector<16xf32>,
        tpu.vector_store %arg12[%swap3A_2064, %swap3A_2065, %swap3A_2066], %get3A_2060 {strides = array<i32>} : memref<2x32x1000xf32, #tpu.memory_space<vmem>>, vector<16xf32>,
        %get3A_2068 = arith.constant 1 : i32
        %get3A_2069 = arith.index_cast %get3A_2068 : i32 to index
        %get3A_2070 = arith.index_cast %scan3A_1503 : i32 to index
        %get3A_2071 = arith.constant 752 : index
        %get3A_2072 = tpu.vector_load %arg11[%get3A_2069, %get3A_2070, %get3A_2071] {strides = array<i32>} : memref<2x16x1024xf32, #tpu.memory_space<vmem>>, vector<16xf32>,
        %add3A_2073 = arith.constant 16 : i32
        %add3A_2074 = arith.addi %add3A_2073, %scan3A_1503 : i32
        %swap3A_2075 = arith.constant 0 : i32
        %swap3A_2076 = arith.index_cast %swap3A_2075 : i32 to index
        %swap3A_2077 = arith.index_cast %add3A_2074 : i32 to index
        %swap3A_2078 = arith.constant 752 : index
        %swap3A_2079 = tpu.vector_load %arg12[%swap3A_2076, %swap3A_2077, %swap3A_2078] {strides = array<i32>} : memref<2x32x1000xf32, #tpu.memory_space<vmem>>, vector<16xf32>,
        tpu.vector_store %arg12[%swap3A_2076, %swap3A_2077, %swap3A_2078], %get3A_2072 {strides = array<i32>} : memref<2x32x1000xf32, #tpu.memory_space<vmem>>, vector<16xf32>,
        %get3A_2080 = arith.constant 1 : i32
        %get3A_2081 = arith.index_cast %get3A_2080 : i32 to index
        %get3A_2082 = arith.index_cast %scan3A_1503 : i32 to index
        %get3A_2083 = arith.constant 768 : index
        %get3A_2084 = tpu.vector_load %arg11[%get3A_2081, %get3A_2082, %get3A_2083] {strides = array<i32>} : memref<2x16x1024xf32, #tpu.memory_space<vmem>>, vector<16xf32>,
        %add3A_2085 = arith.constant 16 : i32
        %add3A_2086 = arith.addi %add3A_2085, %scan3A_1503 : i32
        %swap3A_2087 = arith.constant 0 : i32
        %swap3A_2088 = arith.index_cast %swap3A_2087 : i32 to index
        %swap3A_2089 = arith.index_cast %add3A_2086 : i32 to index
        %swap3A_2090 = arith.constant 768 : index
        %swap3A_2091 = tpu.vector_load %arg12[%swap3A_2088, %swap3A_2089, %swap3A_2090] {strides = array<i32>} : memref<2x32x1000xf32, #tpu.memory_space<vmem>>, vector<16xf32>,
        tpu.vector_store %arg12[%swap3A_2088, %swap3A_2089, %swap3A_2090], %get3A_2084 {strides = array<i32>} : memref<2x32x1000xf32, #tpu.memory_space<vmem>>, vector<16xf32>,
        %get3A_2092 = arith.constant 1 : i32
        %get3A_2093 = arith.index_cast %get3A_2092 : i32 to index
        %get3A_2094 = arith.index_cast %scan3A_1503 : i32 to index
        %get3A_2095 = arith.constant 784 : index
        %get3A_2096 = tpu.vector_load %arg11[%get3A_2093, %get3A_2094, %get3A_2095] {strides = array<i32>} : memref<2x16x1024xf32, #tpu.memory_space<vmem>>, vector<16xf32>,
        %add3A_2097 = arith.constant 16 : i32
        %add3A_2098 = arith.addi %add3A_2097, %scan3A_1503 : i32
        %swap3A_2099 = arith.constant 0 : i32
        %swap3A_2100 = arith.index_cast %swap3A_2099 : i32 to index
        %swap3A_2101 = arith.index_cast %add3A_2098 : i32 to index
        %swap3A_2102 = arith.constant 784 : index
        %swap3A_2103 = tpu.vector_load %arg12[%swap3A_2100, %swap3A_2101, %swap3A_2102] {strides = array<i32>} : memref<2x32x1000xf32, #tpu.memory_space<vmem>>, vector<16xf32>,
        tpu.vector_store %arg12[%swap3A_2100, %swap3A_2101, %swap3A_2102], %get3A_2096 {strides = array<i32>} : memref<2x32x1000xf32, #tpu.memory_space<vmem>>, vector<16xf32>,
        %get3A_2104 = arith.constant 1 : i32
        %get3A_2105 = arith.index_cast %get3A_2104 : i32 to index
        %get3A_2106 = arith.index_cast %scan3A_1503 : i32 to index
        %get3A_2107 = arith.constant 800 : index
        %get3A_2108 = tpu.vector_load %arg11[%get3A_2105, %get3A_2106, %get3A_2107] {strides = array<i32>} : memref<2x16x1024xf32, #tpu.memory_space<vmem>>, vector<16xf32>,
        %add3A_2109 = arith.constant 16 : i32
        %add3A_2110 = arith.addi %add3A_2109, %scan3A_1503 : i32
        %swap3A_2111 = arith.constant 0 : i32
        %swap3A_2112 = arith.index_cast %swap3A_2111 : i32 to index
        %swap3A_2113 = arith.index_cast %add3A_2110 : i32 to index
        %swap3A_2114 = arith.constant 800 : index
        %swap3A_2115 = tpu.vector_load %arg12[%swap3A_2112, %swap3A_2113, %swap3A_2114] {strides = array<i32>} : memref<2x32x1000xf32, #tpu.memory_space<vmem>>, vector<16xf32>,
        tpu.vector_store %arg12[%swap3A_2112, %swap3A_2113, %swap3A_2114], %get3A_2108 {strides = array<i32>} : memref<2x32x1000xf32, #tpu.memory_space<vmem>>, vector<16xf32>,
        %get3A_2116 = arith.constant 1 : i32
        %get3A_2117 = arith.index_cast %get3A_2116 : i32 to index
        %get3A_2118 = arith.index_cast %scan3A_1503 : i32 to index
        %get3A_2119 = arith.constant 816 : index
        %get3A_2120 = tpu.vector_load %arg11[%get3A_2117, %get3A_2118, %get3A_2119] {strides = array<i32>} : memref<2x16x1024xf32, #tpu.memory_space<vmem>>, vector<16xf32>,
        %add3A_2121 = arith.constant 16 : i32
        %add3A_2122 = arith.addi %add3A_2121, %scan3A_1503 : i32
        %swap3A_2123 = arith.constant 0 : i32
        %swap3A_2124 = arith.index_cast %swap3A_2123 : i32 to index
        %swap3A_2125 = arith.index_cast %add3A_2122 : i32 to index
        %swap3A_2126 = arith.constant 816 : index
        %swap3A_2127 = tpu.vector_load %arg12[%swap3A_2124, %swap3A_2125, %swap3A_2126] {strides = array<i32>} : memref<2x32x1000xf32, #tpu.memory_space<vmem>>, vector<16xf32>,
        tpu.vector_store %arg12[%swap3A_2124, %swap3A_2125, %swap3A_2126], %get3A_2120 {strides = array<i32>} : memref<2x32x1000xf32, #tpu.memory_space<vmem>>, vector<16xf32>,
        %get3A_2128 = arith.constant 1 : i32
        %get3A_2129 = arith.index_cast %get3A_2128 : i32 to index
        %get3A_2130 = arith.index_cast %scan3A_1503 : i32 to index
        %get3A_2131 = arith.constant 832 : index
        %get3A_2132 = tpu.vector_load %arg11[%get3A_2129, %get3A_2130, %get3A_2131] {strides = array<i32>} : memref<2x16x1024xf32, #tpu.memory_space<vmem>>, vector<16xf32>,
        %add3A_2133 = arith.constant 16 : i32
        %add3A_2134 = arith.addi %add3A_2133, %scan3A_1503 : i32
        %swap3A_2135 = arith.constant 0 : i32
        %swap3A_2136 = arith.index_cast %swap3A_2135 : i32 to index
        %swap3A_2137 = arith.index_cast %add3A_2134 : i32 to index
        %swap3A_2138 = arith.constant 832 : index
        %swap3A_2139 = tpu.vector_load %arg12[%swap3A_2136, %swap3A_2137, %swap3A_2138] {strides = array<i32>} : memref<2x32x1000xf32, #tpu.memory_space<vmem>>, vector<16xf32>,
        tpu.vector_store %arg12[%swap3A_2136, %swap3A_2137, %swap3A_2138], %get3A_2132 {strides = array<i32>} : memref<2x32x1000xf32, #tpu.memory_space<vmem>>, vector<16xf32>,
        %get3A_2140 = arith.constant 1 : i32
        %get3A_2141 = arith.index_cast %get3A_2140 : i32 to index
        %get3A_2142 = arith.index_cast %scan3A_1503 : i32 to index
        %get3A_2143 = arith.constant 848 : index
        %get3A_2144 = tpu.vector_load %arg11[%get3A_2141, %get3A_2142, %get3A_2143] {strides = array<i32>} : memref<2x16x1024xf32, #tpu.memory_space<vmem>>, vector<16xf32>,
        %add3A_2145 = arith.constant 16 : i32
        %add3A_2146 = arith.addi %add3A_2145, %scan3A_1503 : i32
        %swap3A_2147 = arith.constant 0 : i32
        %swap3A_2148 = arith.index_cast %swap3A_2147 : i32 to index
        %swap3A_2149 = arith.index_cast %add3A_2146 : i32 to index
        %swap3A_2150 = arith.constant 848 : index
        %swap3A_2151 = tpu.vector_load %arg12[%swap3A_2148, %swap3A_2149, %swap3A_2150] {strides = array<i32>} : memref<2x32x1000xf32, #tpu.memory_space<vmem>>, vector<16xf32>,
        tpu.vector_store %arg12[%swap3A_2148, %swap3A_2149, %swap3A_2150], %get3A_2144 {strides = array<i32>} : memref<2x32x1000xf32, #tpu.memory_space<vmem>>, vector<16xf32>,
        %get3A_2152 = arith.constant 1 : i32
        %get3A_2153 = arith.index_cast %get3A_2152 : i32 to index
        %get3A_2154 = arith.index_cast %scan3A_1503 : i32 to index
        %get3A_2155 = arith.constant 864 : index
        %get3A_2156 = tpu.vector_load %arg11[%get3A_2153, %get3A_2154, %get3A_2155] {strides = array<i32>} : memref<2x16x1024xf32, #tpu.memory_space<vmem>>, vector<16xf32>,
        %add3A_2157 = arith.constant 16 : i32
        %add3A_2158 = arith.addi %add3A_2157, %scan3A_1503 : i32
        %swap3A_2159 = arith.constant 0 : i32
        %swap3A_2160 = arith.index_cast %swap3A_2159 : i32 to index
        %swap3A_2161 = arith.index_cast %add3A_2158 : i32 to index
        %swap3A_2162 = arith.constant 864 : index
        %swap3A_2163 = tpu.vector_load %arg12[%swap3A_2160, %swap3A_2161, %swap3A_2162] {strides = array<i32>} : memref<2x32x1000xf32, #tpu.memory_space<vmem>>, vector<16xf32>,
        tpu.vector_store %arg12[%swap3A_2160, %swap3A_2161, %swap3A_2162], %get3A_2156 {strides = array<i32>} : memref<2x32x1000xf32, #tpu.memory_space<vmem>>, vector<16xf32>,
        %get3A_2164 = arith.constant 1 : i32
        %get3A_2165 = arith.index_cast %get3A_2164 : i32 to index
        %get3A_2166 = arith.index_cast %scan3A_1503 : i32 to index
        %get3A_2167 = arith.constant 880 : index
        %get3A_2168 = tpu.vector_load %arg11[%get3A_2165, %get3A_2166, %get3A_2167] {strides = array<i32>} : memref<2x16x1024xf32, #tpu.memory_space<vmem>>, vector<16xf32>,
        %add3A_2169 = arith.constant 16 : i32
        %add3A_2170 = arith.addi %add3A_2169, %scan3A_1503 : i32
        %swap3A_2171 = arith.constant 0 : i32
        %swap3A_2172 = arith.index_cast %swap3A_2171 : i32 to index
        %swap3A_2173 = arith.index_cast %add3A_2170 : i32 to index
        %swap3A_2174 = arith.constant 880 : index
        %swap3A_2175 = tpu.vector_load %arg12[%swap3A_2172, %swap3A_2173, %swap3A_2174] {strides = array<i32>} : memref<2x32x1000xf32, #tpu.memory_space<vmem>>, vector<16xf32>,
        tpu.vector_store %arg12[%swap3A_2172, %swap3A_2173, %swap3A_2174], %get3A_2168 {strides = array<i32>} : memref<2x32x1000xf32, #tpu.memory_space<vmem>>, vector<16xf32>,
        %get3A_2176 = arith.constant 1 : i32
        %get3A_2177 = arith.index_cast %get3A_2176 : i32 to index
        %get3A_2178 = arith.index_cast %scan3A_1503 : i32 to index
        %get3A_2179 = arith.constant 896 : index
        %get3A_2180 = tpu.vector_load %arg11[%get3A_2177, %get3A_2178, %get3A_2179] {strides = array<i32>} : memref<2x16x1024xf32, #tpu.memory_space<vmem>>, vector<16xf32>,
        %add3A_2181 = arith.constant 16 : i32
        %add3A_2182 = arith.addi %add3A_2181, %scan3A_1503 : i32
        %swap3A_2183 = arith.constant 0 : i32
        %swap3A_2184 = arith.index_cast %swap3A_2183 : i32 to index
        %swap3A_2185 = arith.index_cast %add3A_2182 : i32 to index
        %swap3A_2186 = arith.constant 896 : index
        %swap3A_2187 = tpu.vector_load %arg12[%swap3A_2184, %swap3A_2185, %swap3A_2186] {strides = array<i32>} : memref<2x32x1000xf32, #tpu.memory_space<vmem>>, vector<16xf32>,
        tpu.vector_store %arg12[%swap3A_2184, %swap3A_2185, %swap3A_2186], %get3A_2180 {strides = array<i32>} : memref<2x32x1000xf32, #tpu.memory_space<vmem>>, vector<16xf32>,
        %get3A_2188 = arith.constant 1 : i32
        %get3A_2189 = arith.index_cast %get3A_2188 : i32 to index
        %get3A_2190 = arith.index_cast %scan3A_1503 : i32 to index
        %get3A_2191 = arith.constant 912 : index
        %get3A_2192 = tpu.vector_load %arg11[%get3A_2189, %get3A_2190, %get3A_2191] {strides = array<i32>} : memref<2x16x1024xf32, #tpu.memory_space<vmem>>, vector<16xf32>,
        %add3A_2193 = arith.constant 16 : i32
        %add3A_2194 = arith.addi %add3A_2193, %scan3A_1503 : i32
        %swap3A_2195 = arith.constant 0 : i32
        %swap3A_2196 = arith.index_cast %swap3A_2195 : i32 to index
        %swap3A_2197 = arith.index_cast %add3A_2194 : i32 to index
        %swap3A_2198 = arith.constant 912 : index
        %swap3A_2199 = tpu.vector_load %arg12[%swap3A_2196, %swap3A_2197, %swap3A_2198] {strides = array<i32>} : memref<2x32x1000xf32, #tpu.memory_space<vmem>>, vector<16xf32>,
        tpu.vector_store %arg12[%swap3A_2196, %swap3A_2197, %swap3A_2198], %get3A_2192 {strides = array<i32>} : memref<2x32x1000xf32, #tpu.memory_space<vmem>>, vector<16xf32>,
        %get3A_2200 = arith.constant 1 : i32
        %get3A_2201 = arith.index_cast %get3A_2200 : i32 to index
        %get3A_2202 = arith.index_cast %scan3A_1503 : i32 to index
        %get3A_2203 = arith.constant 928 : index
        %get3A_2204 = tpu.vector_load %arg11[%get3A_2201, %get3A_2202, %get3A_2203] {strides = array<i32>} : memref<2x16x1024xf32, #tpu.memory_space<vmem>>, vector<16xf32>,
        %add3A_2205 = arith.constant 16 : i32
        %add3A_2206 = arith.addi %add3A_2205, %scan3A_1503 : i32
        %swap3A_2207 = arith.constant 0 : i32
        %swap3A_2208 = arith.index_cast %swap3A_2207 : i32 to index
        %swap3A_2209 = arith.index_cast %add3A_2206 : i32 to index
        %swap3A_2210 = arith.constant 928 : index
        %swap3A_2211 = tpu.vector_load %arg12[%swap3A_2208, %swap3A_2209, %swap3A_2210] {strides = array<i32>} : memref<2x32x1000xf32, #tpu.memory_space<vmem>>, vector<16xf32>,
        tpu.vector_store %arg12[%swap3A_2208, %swap3A_2209, %swap3A_2210], %get3A_2204 {strides = array<i32>} : memref<2x32x1000xf32, #tpu.memory_space<vmem>>, vector<16xf32>,
        %get3A_2212 = arith.constant 1 : i32
        %get3A_2213 = arith.index_cast %get3A_2212 : i32 to index
        %get3A_2214 = arith.index_cast %scan3A_1503 : i32 to index
        %get3A_2215 = arith.constant 944 : index
        %get3A_2216 = tpu.vector_load %arg11[%get3A_2213, %get3A_2214, %get3A_2215] {strides = array<i32>} : memref<2x16x1024xf32, #tpu.memory_space<vmem>>, vector<16xf32>,
        %add3A_2217 = arith.constant 16 : i32
        %add3A_2218 = arith.addi %add3A_2217, %scan3A_1503 : i32
        %swap3A_2219 = arith.constant 0 : i32
        %swap3A_2220 = arith.index_cast %swap3A_2219 : i32 to index
        %swap3A_2221 = arith.index_cast %add3A_2218 : i32 to index
        %swap3A_2222 = arith.constant 944 : index
        %swap3A_2223 = tpu.vector_load %arg12[%swap3A_2220, %swap3A_2221, %swap3A_2222] {strides = array<i32>} : memref<2x32x1000xf32, #tpu.memory_space<vmem>>, vector<16xf32>,
        tpu.vector_store %arg12[%swap3A_2220, %swap3A_2221, %swap3A_2222], %get3A_2216 {strides = array<i32>} : memref<2x32x1000xf32, #tpu.memory_space<vmem>>, vector<16xf32>,
        %get3A_2224 = arith.constant 1 : i32
        %get3A_2225 = arith.index_cast %get3A_2224 : i32 to index
        %get3A_2226 = arith.index_cast %scan3A_1503 : i32 to index
        %get3A_2227 = arith.constant 960 : index
        %get3A_2228 = tpu.vector_load %arg11[%get3A_2225, %get3A_2226, %get3A_2227] {strides = array<i32>} : memref<2x16x1024xf32, #tpu.memory_space<vmem>>, vector<16xf32>,
        %add3A_2229 = arith.constant 16 : i32
        %add3A_2230 = arith.addi %add3A_2229, %scan3A_1503 : i32
        %swap3A_2231 = arith.constant 0 : i32
        %swap3A_2232 = arith.index_cast %swap3A_2231 : i32 to index
        %swap3A_2233 = arith.index_cast %add3A_2230 : i32 to index
        %swap3A_2234 = arith.constant 960 : index
        %swap3A_2235 = tpu.vector_load %arg12[%swap3A_2232, %swap3A_2233, %swap3A_2234] {strides = array<i32>} : memref<2x32x1000xf32, #tpu.memory_space<vmem>>, vector<16xf32>,
        tpu.vector_store %arg12[%swap3A_2232, %swap3A_2233, %swap3A_2234], %get3A_2228 {strides = array<i32>} : memref<2x32x1000xf32, #tpu.memory_space<vmem>>, vector<16xf32>,
        %get3A_2236 = arith.constant 1 : i32
        %get3A_2237 = arith.index_cast %get3A_2236 : i32 to index
        %get3A_2238 = arith.index_cast %scan3A_1503 : i32 to index
        %get3A_2239 = arith.constant 976 : index
        %get3A_2240 = tpu.vector_load %arg11[%get3A_2237, %get3A_2238, %get3A_2239] {strides = array<i32>} : memref<2x16x1024xf32, #tpu.memory_space<vmem>>, vector<16xf32>,
        %add3A_2241 = arith.constant 16 : i32
        %add3A_2242 = arith.addi %add3A_2241, %scan3A_1503 : i32
        %swap3A_2243 = arith.constant 0 : i32
        %swap3A_2244 = arith.index_cast %swap3A_2243 : i32 to index
        %swap3A_2245 = arith.index_cast %add3A_2242 : i32 to index
        %swap3A_2246 = arith.constant 976 : index
        %swap3A_2247 = tpu.vector_load %arg12[%swap3A_2244, %swap3A_2245, %swap3A_2246] {strides = array<i32>} : memref<2x32x1000xf32, #tpu.memory_space<vmem>>, vector<16xf32>,
        tpu.vector_store %arg12[%swap3A_2244, %swap3A_2245, %swap3A_2246], %get3A_2240 {strides = array<i32>} : memref<2x32x1000xf32, #tpu.memory_space<vmem>>, vector<16xf32>,
      }
      %scan3A_513 = arith.constant 16 : i32
      %add3A_514 = arith.constant 0 : i32
      %add3A_515 = vector.broadcast %add3A_514 : i32 to vector<16xi32>
      %add3A_516 = arith.addi %select_n3A, %add3A_515 : vector<16xi32>
      %gather3A_517 = arith.constant 1 : i32
      %gather3A_518 = arith.constant 0 : i32
      %gather3A_519 = arith.constant 0 : i32
      %gather3A_520 = tpu.memref_slice %arg11[%gather3A_517, %gather3A_518, %gather3A_519] : memref<2x16x1024xf32, #tpu.memory_space<vmem>> -> memref<1x16x1024xf32, #tpu.memory_space<vmem>>
      %gather3A_521 = tpu.memref_squeeze %gather3A_520 : memref<1x16x1024xf32, #tpu.memory_space<vmem>> -> memref<16x1024xf32, #tpu.memory_space<vmem>>
      %gather3A_522 = tpu.vector_load_idx %gather3A_521[%add3A_516, %add3A_52] : memref<16x1024xf32, #tpu.memory_space<vmem>>[vector<16xi32>, vector<16xi32>], vector<16xf32>,
      %add3A_523 = arith.constant 0 : i32
      %add3A_524 = vector.broadcast %add3A_523 : i32 to vector<16xi32>
      %add3A_525 = arith.addi %select_n3A, %add3A_524 : vector<16xi32>
      %add3A_526 = arith.constant 16 : i32
      %add3A_527 = vector.broadcast %add3A_526 : i32 to vector<16xi32>
      %add3A_528 = arith.addi %add3A_525, %add3A_527 : vector<16xi32>
      %scatter3A_529 = arith.constant 0 : i32
      %scatter3A_530 = arith.constant 0 : i32
      %scatter3A_531 = arith.constant 0 : i32
      %scatter3A_532 = tpu.memref_slice %arg12[%scatter3A_529, %scatter3A_530, %scatter3A_531] : memref<2x32x1000xf32, #tpu.memory_space<vmem>> -> memref<1x32x1000xf32, #tpu.memory_space<vmem>>
      %scatter3A_533 = tpu.memref_squeeze %scatter3A_532 : memref<1x32x1000xf32, #tpu.memory_space<vmem>> -> memref<32x1000xf32, #tpu.memory_space<vmem>>
      tpu.vector_store_idx %scatter3A_533[%add3A_528, %add3A_52], %gather3A_522 : memref<32x1000xf32, #tpu.memory_space<vmem>>[vector<16xi32>, vector<16xi32>], vector<16xf32>,
      %add3A_534 = arith.constant 2 : i32
      %add3A_535 = vector.broadcast %add3A_534 : i32 to vector<16xi32>
      %add3A_536 = arith.addi %select_n3A, %add3A_535 : vector<16xi32>
      %gather3A_537 = arith.constant 1 : i32
      %gather3A_538 = arith.constant 0 : i32
      %gather3A_539 = arith.constant 0 : i32
      %gather3A_540 = tpu.memref_slice %arg11[%gather3A_537, %gather3A_538, %gather3A_539] : memref<2x16x1024xf32, #tpu.memory_space<vmem>> -> memref<1x16x1024xf32, #tpu.memory_space<vmem>>
      %gather3A_541 = tpu.memref_squeeze %gather3A_540 : memref<1x16x1024xf32, #tpu.memory_space<vmem>> -> memref<16x1024xf32, #tpu.memory_space<vmem>>
      %gather3A_542 = tpu.vector_load_idx %gather3A_541[%add3A_536, %add3A_52] : memref<16x1024xf32, #tpu.memory_space<vmem>>[vector<16xi32>, vector<16xi32>], vector<16xf32>,
      %add3A_543 = arith.constant 2 : i32
      %add3A_544 = vector.broadcast %add3A_543 : i32 to vector<16xi32>
      %add3A_545 = arith.addi %select_n3A, %add3A_544 : vector<16xi32>
      %add3A_546 = arith.constant 16 : i32
      %add3A_547 = vector.broadcast %add3A_546 : i32 to vector<16xi32>
      %add3A_548 = arith.addi %add3A_545, %add3A_547 : vector<16xi32>
      %scatter3A_549 = arith.constant 0 : i32
      %scatter3A_550 = arith.constant 0 : i32
      %scatter3A_551 = arith.constant 0 : i32
      %scatter3A_552 = tpu.memref_slice %arg12[%scatter3A_549, %scatter3A_550, %scatter3A_551] : memref<2x32x1000xf32, #tpu.memory_space<vmem>> -> memref<1x32x1000xf32, #tpu.memory_space<vmem>>
      %scatter3A_553 = tpu.memref_squeeze %scatter3A_552 : memref<1x32x1000xf32, #tpu.memory_space<vmem>> -> memref<32x1000xf32, #tpu.memory_space<vmem>>
      tpu.vector_store_idx %scatter3A_553[%add3A_548, %add3A_52], %gather3A_542 : memref<32x1000xf32, #tpu.memory_space<vmem>>[vector<16xi32>, vector<16xi32>], vector<16xf32>,
      %add3A_554 = arith.constant 4 : i32
      %add3A_555 = vector.broadcast %add3A_554 : i32 to vector<16xi32>
      %add3A_556 = arith.addi %select_n3A, %add3A_555 : vector<16xi32>
      %gather3A_557 = arith.constant 1 : i32
      %gather3A_558 = arith.constant 0 : i32
      %gather3A_559 = arith.constant 0 : i32
      %gather3A_560 = tpu.memref_slice %arg11[%gather3A_557, %gather3A_558, %gather3A_559] : memref<2x16x1024xf32, #tpu.memory_space<vmem>> -> memref<1x16x1024xf32, #tpu.memory_space<vmem>>
      %gather3A_561 = tpu.memref_squeeze %gather3A_560 : memref<1x16x1024xf32, #tpu.memory_space<vmem>> -> memref<16x1024xf32, #tpu.memory_space<vmem>>
      %gather3A_562 = tpu.vector_load_idx %gather3A_561[%add3A_556, %add3A_52] : memref<16x1024xf32, #tpu.memory_space<vmem>>[vector<16xi32>, vector<16xi32>], vector<16xf32>,
      %add3A_563 = arith.constant 4 : i32
      %add3A_564 = vector.broadcast %add3A_563 : i32 to vector<16xi32>
      %add3A_565 = arith.addi %select_n3A, %add3A_564 : vector<16xi32>
      %add3A_566 = arith.constant 16 : i32
      %add3A_567 = vector.broadcast %add3A_566 : i32 to vector<16xi32>
      %add3A_568 = arith.addi %add3A_565, %add3A_567 : vector<16xi32>
      %scatter3A_569 = arith.constant 0 : i32
      %scatter3A_570 = arith.constant 0 : i32
      %scatter3A_571 = arith.constant 0 : i32
      %scatter3A_572 = tpu.memref_slice %arg12[%scatter3A_569, %scatter3A_570, %scatter3A_571] : memref<2x32x1000xf32, #tpu.memory_space<vmem>> -> memref<1x32x1000xf32, #tpu.memory_space<vmem>>
      %scatter3A_573 = tpu.memref_squeeze %scatter3A_572 : memref<1x32x1000xf32, #tpu.memory_space<vmem>> -> memref<32x1000xf32, #tpu.memory_space<vmem>>
      tpu.vector_store_idx %scatter3A_573[%add3A_568, %add3A_52], %gather3A_562 : memref<32x1000xf32, #tpu.memory_space<vmem>>[vector<16xi32>, vector<16xi32>], vector<16xf32>,
      %add3A_574 = arith.constant 6 : i32
      %add3A_575 = vector.broadcast %add3A_574 : i32 to vector<16xi32>
      %add3A_576 = arith.addi %select_n3A, %add3A_575 : vector<16xi32>
      %gather3A_577 = arith.constant 1 : i32
      %gather3A_578 = arith.constant 0 : i32
      %gather3A_579 = arith.constant 0 : i32
      %gather3A_580 = tpu.memref_slice %arg11[%gather3A_577, %gather3A_578, %gather3A_579] : memref<2x16x1024xf32, #tpu.memory_space<vmem>> -> memref<1x16x1024xf32, #tpu.memory_space<vmem>>
      %gather3A_581 = tpu.memref_squeeze %gather3A_580 : memref<1x16x1024xf32, #tpu.memory_space<vmem>> -> memref<16x1024xf32, #tpu.memory_space<vmem>>
      %gather3A_582 = tpu.vector_load_idx %gather3A_581[%add3A_576, %add3A_52] : memref<16x1024xf32, #tpu.memory_space<vmem>>[vector<16xi32>, vector<16xi32>], vector<16xf32>,
      %add3A_583 = arith.constant 6 : i32
      %add3A_584 = vector.broadcast %add3A_583 : i32 to vector<16xi32>
      %add3A_585 = arith.addi %select_n3A, %add3A_584 : vector<16xi32>
      %add3A_586 = arith.constant 16 : i32
      %add3A_587 = vector.broadcast %add3A_586 : i32 to vector<16xi32>
      %add3A_588 = arith.addi %add3A_585, %add3A_587 : vector<16xi32>
      %scatter3A_589 = arith.constant 0 : i32
      %scatter3A_590 = arith.constant 0 : i32
      %scatter3A_591 = arith.constant 0 : i32
      %scatter3A_592 = tpu.memref_slice %arg12[%scatter3A_589, %scatter3A_590, %scatter3A_591] : memref<2x32x1000xf32, #tpu.memory_space<vmem>> -> memref<1x32x1000xf32, #tpu.memory_space<vmem>>
      %scatter3A_593 = tpu.memref_squeeze %scatter3A_592 : memref<1x32x1000xf32, #tpu.memory_space<vmem>> -> memref<32x1000xf32, #tpu.memory_space<vmem>>
      tpu.vector_store_idx %scatter3A_593[%add3A_588, %add3A_52], %gather3A_582 : memref<32x1000xf32, #tpu.memory_space<vmem>>[vector<16xi32>, vector<16xi32>], vector<16xf32>,
      %add3A_594 = arith.constant 8 : i32
      %add3A_595 = vector.broadcast %add3A_594 : i32 to vector<16xi32>
      %add3A_596 = arith.addi %select_n3A, %add3A_595 : vector<16xi32>
      %gather3A_597 = arith.constant 1 : i32
      %gather3A_598 = arith.constant 0 : i32
      %gather3A_599 = arith.constant 0 : i32
      %gather3A_600 = tpu.memref_slice %arg11[%gather3A_597, %gather3A_598, %gather3A_599] : memref<2x16x1024xf32, #tpu.memory_space<vmem>> -> memref<1x16x1024xf32, #tpu.memory_space<vmem>>
      %gather3A_601 = tpu.memref_squeeze %gather3A_600 : memref<1x16x1024xf32, #tpu.memory_space<vmem>> -> memref<16x1024xf32, #tpu.memory_space<vmem>>
      %gather3A_602 = tpu.vector_load_idx %gather3A_601[%add3A_596, %add3A_52] : memref<16x1024xf32, #tpu.memory_space<vmem>>[vector<16xi32>, vector<16xi32>], vector<16xf32>,
      %add3A_603 = arith.constant 8 : i32
      %add3A_604 = vector.broadcast %add3A_603 : i32 to vector<16xi32>
      %add3A_605 = arith.addi %select_n3A, %add3A_604 : vector<16xi32>
      %add3A_606 = arith.constant 16 : i32
      %add3A_607 = vector.broadcast %add3A_606 : i32 to vector<16xi32>
      %add3A_608 = arith.addi %add3A_605, %add3A_607 : vector<16xi32>
      %scatter3A_609 = arith.constant 0 : i32
      %scatter3A_610 = arith.constant 0 : i32
      %scatter3A_611 = arith.constant 0 : i32
      %scatter3A_612 = tpu.memref_slice %arg12[%scatter3A_609, %scatter3A_610, %scatter3A_611] : memref<2x32x1000xf32, #tpu.memory_space<vmem>> -> memref<1x32x1000xf32, #tpu.memory_space<vmem>>
      %scatter3A_613 = tpu.memref_squeeze %scatter3A_612 : memref<1x32x1000xf32, #tpu.memory_space<vmem>> -> memref<32x1000xf32, #tpu.memory_space<vmem>>
      tpu.vector_store_idx %scatter3A_613[%add3A_608, %add3A_52], %gather3A_602 : memref<32x1000xf32, #tpu.memory_space<vmem>>[vector<16xi32>, vector<16xi32>], vector<16xf32>,
      %add3A_614 = arith.constant 10 : i32
      %add3A_615 = vector.broadcast %add3A_614 : i32 to vector<16xi32>
      %add3A_616 = arith.addi %select_n3A, %add3A_615 : vector<16xi32>
      %gather3A_617 = arith.constant 1 : i32
      %gather3A_618 = arith.constant 0 : i32
      %gather3A_619 = arith.constant 0 : i32
      %gather3A_620 = tpu.memref_slice %arg11[%gather3A_617, %gather3A_618, %gather3A_619] : memref<2x16x1024xf32, #tpu.memory_space<vmem>> -> memref<1x16x1024xf32, #tpu.memory_space<vmem>>
      %gather3A_621 = tpu.memref_squeeze %gather3A_620 : memref<1x16x1024xf32, #tpu.memory_space<vmem>> -> memref<16x1024xf32, #tpu.memory_space<vmem>>
      %gather3A_622 = tpu.vector_load_idx %gather3A_621[%add3A_616, %add3A_52] : memref<16x1024xf32, #tpu.memory_space<vmem>>[vector<16xi32>, vector<16xi32>], vector<16xf32>,
      %add3A_623 = arith.constant 10 : i32
      %add3A_624 = vector.broadcast %add3A_623 : i32 to vector<16xi32>
      %add3A_625 = arith.addi %select_n3A, %add3A_624 : vector<16xi32>
      %add3A_626 = arith.constant 16 : i32
      %add3A_627 = vector.broadcast %add3A_626 : i32 to vector<16xi32>
      %add3A_628 = arith.addi %add3A_625, %add3A_627 : vector<16xi32>
      %scatter3A_629 = arith.constant 0 : i32
      %scatter3A_630 = arith.constant 0 : i32
      %scatter3A_631 = arith.constant 0 : i32
      %scatter3A_632 = tpu.memref_slice %arg12[%scatter3A_629, %scatter3A_630, %scatter3A_631] : memref<2x32x1000xf32, #tpu.memory_space<vmem>> -> memref<1x32x1000xf32, #tpu.memory_space<vmem>>
      %scatter3A_633 = tpu.memref_squeeze %scatter3A_632 : memref<1x32x1000xf32, #tpu.memory_space<vmem>> -> memref<32x1000xf32, #tpu.memory_space<vmem>>
      tpu.vector_store_idx %scatter3A_633[%add3A_628, %add3A_52], %gather3A_622 : memref<32x1000xf32, #tpu.memory_space<vmem>>[vector<16xi32>, vector<16xi32>], vector<16xf32>,
      %add3A_634 = arith.constant 12 : i32
      %add3A_635 = vector.broadcast %add3A_634 : i32 to vector<16xi32>
      %add3A_636 = arith.addi %select_n3A, %add3A_635 : vector<16xi32>
      %gather3A_637 = arith.constant 1 : i32
      %gather3A_638 = arith.constant 0 : i32
      %gather3A_639 = arith.constant 0 : i32
      %gather3A_640 = tpu.memref_slice %arg11[%gather3A_637, %gather3A_638, %gather3A_639] : memref<2x16x1024xf32, #tpu.memory_space<vmem>> -> memref<1x16x1024xf32, #tpu.memory_space<vmem>>
      %gather3A_641 = tpu.memref_squeeze %gather3A_640 : memref<1x16x1024xf32, #tpu.memory_space<vmem>> -> memref<16x1024xf32, #tpu.memory_space<vmem>>
      %gather3A_642 = tpu.vector_load_idx %gather3A_641[%add3A_636, %add3A_52] : memref<16x1024xf32, #tpu.memory_space<vmem>>[vector<16xi32>, vector<16xi32>], vector<16xf32>,
      %add3A_643 = arith.constant 12 : i32
      %add3A_644 = vector.broadcast %add3A_643 : i32 to vector<16xi32>
      %add3A_645 = arith.addi %select_n3A, %add3A_644 : vector<16xi32>
      %add3A_646 = arith.constant 16 : i32
      %add3A_647 = vector.broadcast %add3A_646 : i32 to vector<16xi32>
      %add3A_648 = arith.addi %add3A_645, %add3A_647 : vector<16xi32>
      %scatter3A_649 = arith.constant 0 : i32
      %scatter3A_650 = arith.constant 0 : i32
      %scatter3A_651 = arith.constant 0 : i32
      %scatter3A_652 = tpu.memref_slice %arg12[%scatter3A_649, %scatter3A_650, %scatter3A_651] : memref<2x32x1000xf32, #tpu.memory_space<vmem>> -> memref<1x32x1000xf32, #tpu.memory_space<vmem>>
      %scatter3A_653 = tpu.memref_squeeze %scatter3A_652 : memref<1x32x1000xf32, #tpu.memory_space<vmem>> -> memref<32x1000xf32, #tpu.memory_space<vmem>>
      tpu.vector_store_idx %scatter3A_653[%add3A_648, %add3A_52], %gather3A_642 : memref<32x1000xf32, #tpu.memory_space<vmem>>[vector<16xi32>, vector<16xi32>], vector<16xf32>,
      %add3A_654 = arith.constant 14 : i32
      %add3A_655 = vector.broadcast %add3A_654 : i32 to vector<16xi32>
      %add3A_656 = arith.addi %select_n3A, %add3A_655 : vector<16xi32>
      %gather3A_657 = arith.constant 1 : i32
      %gather3A_658 = arith.constant 0 : i32
      %gather3A_659 = arith.constant 0 : i32
      %gather3A_660 = tpu.memref_slice %arg11[%gather3A_657, %gather3A_658, %gather3A_659] : memref<2x16x1024xf32, #tpu.memory_space<vmem>> -> memref<1x16x1024xf32, #tpu.memory_space<vmem>>
      %gather3A_661 = tpu.memref_squeeze %gather3A_660 : memref<1x16x1024xf32, #tpu.memory_space<vmem>> -> memref<16x1024xf32, #tpu.memory_space<vmem>>
      %gather3A_662 = tpu.vector_load_idx %gather3A_661[%add3A_656, %add3A_52] : memref<16x1024xf32, #tpu.memory_space<vmem>>[vector<16xi32>, vector<16xi32>], vector<16xf32>,
      %add3A_663 = arith.constant 14 : i32
      %add3A_664 = vector.broadcast %add3A_663 : i32 to vector<16xi32>
      %add3A_665 = arith.addi %select_n3A, %add3A_664 : vector<16xi32>
      %add3A_666 = arith.constant 16 : i32
      %add3A_667 = vector.broadcast %add3A_666 : i32 to vector<16xi32>
      %add3A_668 = arith.addi %add3A_665, %add3A_667 : vector<16xi32>
      %scatter3A_669 = arith.constant 0 : i32
      %scatter3A_670 = arith.constant 0 : i32
      %scatter3A_671 = arith.constant 0 : i32
      %scatter3A_672 = tpu.memref_slice %arg12[%scatter3A_669, %scatter3A_670, %scatter3A_671] : memref<2x32x1000xf32, #tpu.memory_space<vmem>> -> memref<1x32x1000xf32, #tpu.memory_space<vmem>>
      %scatter3A_673 = tpu.memref_squeeze %scatter3A_672 : memref<1x32x1000xf32, #tpu.memory_space<vmem>> -> memref<32x1000xf32, #tpu.memory_space<vmem>>
      tpu.vector_store_idx %scatter3A_673[%add3A_668, %add3A_52], %gather3A_662 : memref<32x1000xf32, #tpu.memory_space<vmem>>[vector<16xi32>, vector<16xi32>], vector<16xf32>,
      %jit3A_674 = arith.constant 8 : i32
      %div3A_675 = arith.divsi %add3A_454, %jit3A_674 : i32
      %sign3A_676 = arith.constant 0 : i32
      %sign3A_677 = arith.cmpi sgt, %add3A_454, %sign3A_676 : i32
      %sign3A_678 = arith.extui %sign3A_677 : i1 to i32
      %sign3A_679 = arith.constant 0 : i32
      %sign3A_680 = arith.cmpi slt, %add3A_454, %sign3A_679 : i32
      %sign3A_681 = arith.extui %sign3A_680 : i1 to i32
      %sign3A_682 = arith.subi %sign3A_678, %sign3A_681 : i32
      %sign3A_683 = arith.constant 0 : i32
      %sign3A_684 = arith.cmpi sgt, %jit3A_674, %sign3A_683 : i32
      %sign3A_685 = arith.extui %sign3A_684 : i1 to i32
      %sign3A_686 = arith.constant 0 : i32
      %sign3A_687 = arith.cmpi slt, %jit3A_674, %sign3A_686 : i32
      %sign3A_688 = arith.extui %sign3A_687 : i1 to i32
      %sign3A_689 = arith.subi %sign3A_685, %sign3A_688 : i32
      %ne3A_690 = arith.cmpi ne, %sign3A_682, %sign3A_689 : i32
      %rem3A_691 = arith.remsi %add3A_454, %jit3A_674 : i32
      %ne3A_692 = arith.constant 0 : i32
      %ne3A_693 = arith.cmpi ne, %rem3A_691, %ne3A_692 : i32
      %and3A_694 = arith.andi %ne3A_690, %ne3A_693 : i1
      %sub3A_695 = arith.constant 1 : i32
      %sub3A_696 = arith.subi %div3A_675, %sub3A_695 : i32
      %select_n3A_697 = arith.select %and3A_694, %sub3A_696, %div3A_675 : i32
      %jit3A_698 = arith.constant 8 : i32
      %eq3A_699 = arith.constant 0 : i32
      %eq3A_700 = arith.cmpi eq, %jit3A_698, %eq3A_699 : i32
      %jit3A_701 = arith.constant 1 : i32
      %select_n3A_702 = arith.select %eq3A_700, %jit3A_701, %jit3A_698 : i32
      %rem3A_703 = arith.remsi %add3A_454, %select_n3A_702 : i32
      %ne3A_704 = arith.constant 0 : i32
      %ne3A_705 = arith.cmpi ne, %rem3A_703, %ne3A_704 : i32
      %lt3A_706 = arith.constant 0 : i32
      %lt3A_707 = arith.cmpi slt, %rem3A_703, %lt3A_706 : i32
      %lt3A_708 = arith.constant 0 : i32
      %lt3A_709 = arith.cmpi slt, %select_n3A_702, %lt3A_708 : i32
      %ne3A_710 = arith.xori %lt3A_707, %lt3A_709 : i1
      %and3A_711 = arith.andi %ne3A_710, %ne3A_705 : i1
      %add3A_712 = arith.addi %rem3A_703, %select_n3A_702 : i32
      %select_n3A_713 = arith.select %and3A_711, %add3A_712, %rem3A_703 : i32
      %mul3A_714 = arith.constant 16 : i32
      %mul3A_715 = arith.muli %select_n3A_713, %mul3A_714 : i32
      %get3A_716 = arith.index_cast %select_n3A_697 : i32 to index
      %get3A_717 = arith.index_cast %mul3A_715 : i32 to index
      %get3A_718 = tpu.vector_load %arg9[%get3A_716, %get3A_717] {strides = array<i32>} : memref<13x128xi32, #tpu.memory_space<vmem>>, vector<16xi32>,
      %gather3A_719 = arith.constant 1 : i32
      %gather3A_720 = arith.constant 0 : i32
      %gather3A_721 = arith.constant 0 : i32
      %gather3A_722 = tpu.memref_slice %arg11[%gather3A_719, %gather3A_720, %gather3A_721] : memref<2x16x1024xf32, #tpu.memory_space<vmem>> -> memref<1x16x1024xf32, #tpu.memory_space<vmem>>
      %gather3A_723 = tpu.memref_squeeze %gather3A_722 : memref<1x16x1024xf32, #tpu.memory_space<vmem>> -> memref<16x1024xf32, #tpu.memory_space<vmem>>
      %gather3A_724 = tpu.vector_load_idx %gather3A_723[%iota3A, %get3A_718] : memref<16x1024xf32, #tpu.memory_space<vmem>>[vector<16xi32>, vector<16xi32>], vector<16xf32>,
      %jit3A_725 = arith.constant 8 : i32
      %div3A_726 = arith.divsi %add3A_454, %jit3A_725 : i32
      %sign3A_727 = arith.constant 0 : i32
      %sign3A_728 = arith.cmpi sgt, %add3A_454, %sign3A_727 : i32
      %sign3A_729 = arith.extui %sign3A_728 : i1 to i32
      %sign3A_730 = arith.constant 0 : i32
      %sign3A_731 = arith.cmpi slt, %add3A_454, %sign3A_730 : i32
      %sign3A_732 = arith.extui %sign3A_731 : i1 to i32
      %sign3A_733 = arith.subi %sign3A_729, %sign3A_732 : i32
      %sign3A_734 = arith.constant 0 : i32
      %sign3A_735 = arith.cmpi sgt, %jit3A_725, %sign3A_734 : i32
      %sign3A_736 = arith.extui %sign3A_735 : i1 to i32
      %sign3A_737 = arith.constant 0 : i32
      %sign3A_738 = arith.cmpi slt, %jit3A_725, %sign3A_737 : i32
      %sign3A_739 = arith.extui %sign3A_738 : i1 to i32
      %sign3A_740 = arith.subi %sign3A_736, %sign3A_739 : i32
      %ne3A_741 = arith.cmpi ne, %sign3A_733, %sign3A_740 : i32
      %rem3A_742 = arith.remsi %add3A_454, %jit3A_725 : i32
      %ne3A_743 = arith.constant 0 : i32
      %ne3A_744 = arith.cmpi ne, %rem3A_742, %ne3A_743 : i32
      %and3A_745 = arith.andi %ne3A_741, %ne3A_744 : i1
      %sub3A_746 = arith.constant 1 : i32
      %sub3A_747 = arith.subi %div3A_726, %sub3A_746 : i32
      %select_n3A_748 = arith.select %and3A_745, %sub3A_747, %div3A_726 : i32
      %jit3A_749 = arith.constant 8 : i32
      %eq3A_750 = arith.constant 0 : i32
      %eq3A_751 = arith.cmpi eq, %jit3A_749, %eq3A_750 : i32
      %jit3A_752 = arith.constant 1 : i32
      %select_n3A_753 = arith.select %eq3A_751, %jit3A_752, %jit3A_749 : i32
      %rem3A_754 = arith.remsi %add3A_454, %select_n3A_753 : i32
      %ne3A_755 = arith.constant 0 : i32
      %ne3A_756 = arith.cmpi ne, %rem3A_754, %ne3A_755 : i32
      %lt3A_757 = arith.constant 0 : i32
      %lt3A_758 = arith.cmpi slt, %rem3A_754, %lt3A_757 : i32
      %lt3A_759 = arith.constant 0 : i32
      %lt3A_760 = arith.cmpi slt, %select_n3A_753, %lt3A_759 : i32
      %ne3A_761 = arith.xori %lt3A_758, %lt3A_760 : i1
      %and3A_762 = arith.andi %ne3A_761, %ne3A_756 : i1
      %add3A_763 = arith.addi %rem3A_754, %select_n3A_753 : i32
      %select_n3A_764 = arith.select %and3A_762, %add3A_763, %rem3A_754 : i32
      %mul3A_765 = arith.constant 16 : i32
      %mul3A_766 = arith.muli %select_n3A_764, %mul3A_765 : i32
      %get3A_767 = arith.index_cast %select_n3A_748 : i32 to index
      %get3A_768 = arith.index_cast %mul3A_766 : i32 to index
      %get3A_769 = tpu.vector_load %arg8[%get3A_767, %get3A_768] {strides = array<i32>} : memref<13x128xi32, #tpu.memory_space<vmem>>, vector<16xi32>,
      %gather3A_770 = tpu.vector_load_idx %arg10[%get3A_769] : memref<1000xf32, #tpu.memory_space<vmem>>[vector<16xi32>], vector<16xf32>,
      %get3A_771 = arith.constant 0 : i32
      %get3A_772 = arith.index_cast %get3A_771 : i32 to index
      %get3A_773 = arith.constant 0 : index
      %get3A_774 = tpu.vector_load %arg13[%get3A_772, %get3A_773] {strides = array<i32>} : memref<1x16xf32, #tpu.memory_space<vmem>>, vector<16xf32>,
      %sub3A_775 = arith.subf %gather3A_724, %gather3A_770 : vector<16xf32>
      %add3A_776 = arith.addf %get3A_774, %sub3A_775 : vector<16xf32>
      %swap3A_777 = arith.constant 0 : i32
      %swap3A_778 = arith.index_cast %swap3A_777 : i32 to index
      %swap3A_779 = arith.constant 0 : index
      %swap3A_780 = tpu.vector_load %arg13[%swap3A_778, %swap3A_779] {strides = array<i32>} : memref<1x16xf32, #tpu.memory_space<vmem>>, vector<16xf32>,
      tpu.vector_store %arg13[%swap3A_778, %swap3A_779], %add3A_776 {strides = array<i32>} : memref<1x16xf32, #tpu.memory_space<vmem>>, vector<16xf32>,
      %add3A_781 = arith.constant 2 : i32
      %add3A_782 = arith.addi %add3A_454, %add3A_781 : i32
      %lt3A_783 = arith.constant 100 : i32
      %lt3A_784 = arith.cmpi slt, %add3A_782, %lt3A_783 : i32
      %convert_element_type3A_785 = arith.extui %lt3A_784 : i1 to i32
      %cond3A_786 = arith.constant 0 : i32
      %cond3A_787 = arith.cmpi ne, %convert_element_type3A_785, %cond3A_786 : i32
      scf.if %cond3A_787 {
        %add3A_1503 = arith.constant 2 : i32
        %add3A_1504 = arith.addi %add3A_454, %add3A_1503 : i32
        %jit3A_1505 = arith.constant 8 : i32
        %div3A_1506 = arith.divsi %add3A_1504, %jit3A_1505 : i32
        %sign3A_1507 = arith.constant 0 : i32
        %sign3A_1508 = arith.cmpi sgt, %add3A_1504, %sign3A_1507 : i32
        %sign3A_1509 = arith.extui %sign3A_1508 : i1 to i32
        %sign3A_1510 = arith.constant 0 : i32
        %sign3A_1511 = arith.cmpi slt, %add3A_1504, %sign3A_1510 : i32
        %sign3A_1512 = arith.extui %sign3A_1511 : i1 to i32
        %sign3A_1513 = arith.subi %sign3A_1509, %sign3A_1512 : i32
        %sign3A_1514 = arith.constant 0 : i32
        %sign3A_1515 = arith.cmpi sgt, %jit3A_1505, %sign3A_1514 : i32
        %sign3A_1516 = arith.extui %sign3A_1515 : i1 to i32
        %sign3A_1517 = arith.constant 0 : i32
        %sign3A_1518 = arith.cmpi slt, %jit3A_1505, %sign3A_1517 : i32
        %sign3A_1519 = arith.extui %sign3A_1518 : i1 to i32
        %sign3A_1520 = arith.subi %sign3A_1516, %sign3A_1519 : i32
        %ne3A_1521 = arith.cmpi ne, %sign3A_1513, %sign3A_1520 : i32
        %rem3A_1522 = arith.remsi %add3A_1504, %jit3A_1505 : i32
        %ne3A_1523 = arith.constant 0 : i32
        %ne3A_1524 = arith.cmpi ne, %rem3A_1522, %ne3A_1523 : i32
        %and3A_1525 = arith.andi %ne3A_1521, %ne3A_1524 : i1
        %sub3A_1526 = arith.constant 1 : i32
        %sub3A_1527 = arith.subi %div3A_1506, %sub3A_1526 : i32
        %select_n3A_1528 = arith.select %and3A_1525, %sub3A_1527, %div3A_1506 : i32
        %jit3A_1529 = arith.constant 8 : i32
        %eq3A_1530 = arith.constant 0 : i32
        %eq3A_1531 = arith.cmpi eq, %jit3A_1529, %eq3A_1530 : i32
        %jit3A_1532 = arith.constant 1 : i32
        %select_n3A_1533 = arith.select %eq3A_1531, %jit3A_1532, %jit3A_1529 : i32
        %rem3A_1534 = arith.remsi %add3A_1504, %select_n3A_1533 : i32
        %ne3A_1535 = arith.constant 0 : i32
        %ne3A_1536 = arith.cmpi ne, %rem3A_1534, %ne3A_1535 : i32
        %lt3A_1537 = arith.constant 0 : i32
        %lt3A_1538 = arith.cmpi slt, %rem3A_1534, %lt3A_1537 : i32
        %lt3A_1539 = arith.constant 0 : i32
        %lt3A_1540 = arith.cmpi slt, %select_n3A_1533, %lt3A_1539 : i32
        %ne3A_1541 = arith.xori %lt3A_1538, %lt3A_1540 : i1
        %and3A_1542 = arith.andi %ne3A_1541, %ne3A_1536 : i1
        %add3A_1543 = arith.addi %rem3A_1534, %select_n3A_1533 : i32
        %select_n3A_1544 = arith.select %and3A_1542, %add3A_1543, %rem3A_1534 : i32
        %mul3A_1545 = arith.constant 16 : i32
        %mul3A_1546 = arith.muli %select_n3A_1544, %mul3A_1545 : i32
        %get3A_1547 = arith.index_cast %select_n3A_1528 : i32 to index
        %get3A_1548 = arith.index_cast %mul3A_1546 : i32 to index
        %get3A_1549 = tpu.vector_load %arg8[%get3A_1547, %get3A_1548] {strides = array<i32>} : memref<13x128xi32, #tpu.memory_space<vmem>>, vector<16xi32>,
        %dma_start3A_1550 = arith.constant 1 : i32
        %dma_start3A_1551 = arith.constant 0 : i32
        %dma_start3A_1552 = arith.constant 0 : i32
        %dma_start3A_1553 = tpu.memref_slice %arg11[%dma_start3A_1550, %dma_start3A_1551, %dma_start3A_1552] : memref<2x16x1024xf32, #tpu.memory_space<vmem>> -> memref<1x16x1024xf32, #tpu.memory_space<vmem>>
        %dma_start3A_1554 = tpu.memref_squeeze %dma_start3A_1553 : memref<1x16x1024xf32, #tpu.memory_space<vmem>> -> memref<16x1024xf32, #tpu.memory_space<vmem>>
        %dma_start3A_1555 = arith.constant 0 : i32
        %dma_start3A_1556 = arith.constant 0 : i32
        %dma_start3A_1557 = tpu.memref_slice %arg2[%dma_start3A_1555, %dma_start3A_1556] : memref<1000x1024xf32, #tpu.memory_space<hbm>> -> memref<1000x1024xf32, #tpu.memory_space<hbm>>
        tpu.enqueue_indirect_dma source(%dma_start3A_1557 : memref<1000x1024xf32, #tpu.memory_space<hbm>>) target(%dma_start3A_1554 : memref<16x1024xf32, #tpu.memory_space<vmem>>) offsets(%get3A_1549 : vector<16xi32>) semaphore(%arg15 : memref<!tpu.dma_semaphore, #tpu.memory_space<semaphore_mem>>)
      } else {
      }
      %mul3A_788 = arith.constant 32 : i32
      %mul3A_789 = arith.muli %add3A_113, %mul3A_788 : i32
      %add3A_790 = arith.addi %mul3A_2, %mul3A_789 : i32
      %dma_start3A_791 = arith.constant 0 : i32
      %dma_start3A_792 = arith.constant 0 : i32
      %dma_start3A_793 = arith.constant 0 : i32
      %dma_start3A_794 = tpu.memref_slice %arg12[%dma_start3A_791, %dma_start3A_792, %dma_start3A_793] : memref<2x32x1000xf32, #tpu.memory_space<vmem>> -> memref<1x32x1000xf32, #tpu.memory_space<vmem>>
      %dma_start3A_795 = tpu.memref_squeeze %dma_start3A_794 : memref<1x32x1000xf32, #tpu.memory_space<vmem>> -> memref<32x1000xf32, #tpu.memory_space<vmem>>
      %dma_start3A_796 = arith.constant 0 : i32
      %dma_start3A_797 = tpu.memref_slice %arg6[%add3A_790, %dma_start3A_796] : memref<51200x1000xf32, #tpu.memory_space<hbm>> -> memref<32x1000xf32, #tpu.memory_space<hbm>>
      %dma_start3A_798 = arith.constant 0 : i32
      %dma_start3A_799 = tpu.memref_slice %arg6[%add3A_790, %dma_start3A_798] : memref<51200x1000xf32, #tpu.memory_space<hbm>> -> memref<32x1000xf32, #tpu.memory_space<hbm>>
      %dma_start3A_800 = arith.constant 0 : i32
      %dma_start3A_801 = arith.constant 0 : i32
      %dma_start3A_802 = tpu.memref_slice %arg12[%dma_start3A_791, %dma_start3A_800, %dma_start3A_801] : memref<2x32x1000xf32, #tpu.memory_space<vmem>> -> memref<1x32x1000xf32, #tpu.memory_space<vmem>>
      %dma_start3A_803 = tpu.memref_squeeze %dma_start3A_802 : memref<1x32x1000xf32, #tpu.memory_space<vmem>> -> memref<32x1000xf32, #tpu.memory_space<vmem>>
      tpu.enqueue_dma source(%dma_start3A_803 : memref<32x1000xf32, #tpu.memory_space<vmem>>) target(%dma_start3A_799 : memref<32x1000xf32, #tpu.memory_space<hbm>>) target_semaphore(%arg16 : memref<!tpu.dma_semaphore, #tpu.memory_space<semaphore_mem>>)
      %mul3A_804 = arith.constant 2 : i32
      %mul3A_805 = arith.muli %mul3A_804, %scan3A_109 : i32
      %add3A_806 = arith.constant 1 : i32
      %add3A_807 = arith.addi %mul3A_805, %add3A_806 : i32
      %ge3A_808 = arith.constant 2 : i32
      %ge3A_809 = arith.cmpi sge, %add3A_807, %ge3A_808 : i32
      %convert_element_type3A_810 = arith.extui %ge3A_809 : i1 to i32
      %cond3A_811 = arith.constant 0 : i32
      %cond3A_812 = arith.cmpi ne, %convert_element_type3A_810, %cond3A_811 : i32
      scf.if %cond3A_812 {
        %sub3A_1503 = arith.constant 2 : i32
        %sub3A_1504 = arith.subi %add3A_807, %sub3A_1503 : i32
        %mul3A_1505 = arith.constant 32 : i32
        %mul3A_1506 = arith.muli %sub3A_1504, %mul3A_1505 : i32
        %add3A_1507 = arith.addi %mul3A_2, %mul3A_1506 : i32
        %dma_wait3A_1508 = arith.constant 1 : i32
        %dma_wait3A_1509 = arith.constant 0 : i32
        %dma_wait3A_1510 = arith.constant 0 : i32
        %dma_wait3A_1511 = tpu.memref_slice %arg12[%dma_wait3A_1508, %dma_wait3A_1509, %dma_wait3A_1510] : memref<2x32x1000xf32, #tpu.memory_space<vmem>> -> memref<1x32x1000xf32, #tpu.memory_space<vmem>>
        %dma_wait3A_1512 = tpu.memref_squeeze %dma_wait3A_1511 : memref<1x32x1000xf32, #tpu.memory_space<vmem>> -> memref<32x1000xf32, #tpu.memory_space<vmem>>
        %dma_wait3A_1513 = arith.constant 0 : i32
        %dma_wait3A_1514 = tpu.memref_slice %arg6[%add3A_1507, %dma_wait3A_1513] : memref<51200x1000xf32, #tpu.memory_space<hbm>> -> memref<32x1000xf32, #tpu.memory_space<hbm>>
        %dma_wait3A_1515 = arith.constant 0 : i32
        %dma_wait3A_1516 = tpu.memref_slice %arg6[%add3A_1507, %dma_wait3A_1515] : memref<51200x1000xf32, #tpu.memory_space<hbm>> -> memref<32x1000xf32, #tpu.memory_space<hbm>>
        %dma_wait3A_1517 = arith.constant 0 : i32
        %dma_wait3A_1518 = arith.constant 0 : i32
        %dma_wait3A_1519 = tpu.memref_slice %arg12[%dma_wait3A_1508, %dma_wait3A_1517, %dma_wait3A_1518] : memref<2x32x1000xf32, #tpu.memory_space<vmem>> -> memref<1x32x1000xf32, #tpu.memory_space<vmem>>
        %dma_wait3A_1520 = tpu.memref_squeeze %dma_wait3A_1519 : memref<1x32x1000xf32, #tpu.memory_space<vmem>> -> memref<32x1000xf32, #tpu.memory_space<vmem>>
        tpu.wait_dma2 semaphore(%arg17 : memref<!tpu.dma_semaphore, #tpu.memory_space<semaphore_mem>>) src(%dma_wait3A_1520 : memref<32x1000xf32, #tpu.memory_space<vmem>>) dst(%dma_wait3A_1516 : memref<32x1000xf32, #tpu.memory_space<hbm>>)
      } else {
      }
      %mul3A_813 = arith.constant 2 : i32
      %mul3A_814 = arith.muli %mul3A_813, %add3A_807 : i32
      %add3A_815 = arith.constant 0 : i32
      %add3A_816 = arith.addi %mul3A_814, %add3A_815 : i32
      %jit3A_817 = arith.constant 8 : i32
      %div3A_818 = arith.divsi %add3A_816, %jit3A_817 : i32
      %sign3A_819 = arith.constant 0 : i32
      %sign3A_820 = arith.cmpi sgt, %add3A_816, %sign3A_819 : i32
      %sign3A_821 = arith.extui %sign3A_820 : i1 to i32
      %sign3A_822 = arith.constant 0 : i32
      %sign3A_823 = arith.cmpi slt, %add3A_816, %sign3A_822 : i32
      %sign3A_824 = arith.extui %sign3A_823 : i1 to i32
      %sign3A_825 = arith.subi %sign3A_821, %sign3A_824 : i32
      %sign3A_826 = arith.constant 0 : i32
      %sign3A_827 = arith.cmpi sgt, %jit3A_817, %sign3A_826 : i32
      %sign3A_828 = arith.extui %sign3A_827 : i1 to i32
      %sign3A_829 = arith.constant 0 : i32
      %sign3A_830 = arith.cmpi slt, %jit3A_817, %sign3A_829 : i32
      %sign3A_831 = arith.extui %sign3A_830 : i1 to i32
      %sign3A_832 = arith.subi %sign3A_828, %sign3A_831 : i32
      %ne3A_833 = arith.cmpi ne, %sign3A_825, %sign3A_832 : i32
      %rem3A_834 = arith.remsi %add3A_816, %jit3A_817 : i32
      %ne3A_835 = arith.constant 0 : i32
      %ne3A_836 = arith.cmpi ne, %rem3A_834, %ne3A_835 : i32
      %and3A_837 = arith.andi %ne3A_833, %ne3A_836 : i1
      %sub3A_838 = arith.constant 1 : i32
      %sub3A_839 = arith.subi %div3A_818, %sub3A_838 : i32
      %select_n3A_840 = arith.select %and3A_837, %sub3A_839, %div3A_818 : i32
      %jit3A_841 = arith.constant 8 : i32
      %eq3A_842 = arith.constant 0 : i32
      %eq3A_843 = arith.cmpi eq, %jit3A_841, %eq3A_842 : i32
      %jit3A_844 = arith.constant 1 : i32
      %select_n3A_845 = arith.select %eq3A_843, %jit3A_844, %jit3A_841 : i32
      %rem3A_846 = arith.remsi %add3A_816, %select_n3A_845 : i32
      %ne3A_847 = arith.constant 0 : i32
      %ne3A_848 = arith.cmpi ne, %rem3A_846, %ne3A_847 : i32
      %lt3A_849 = arith.constant 0 : i32
      %lt3A_850 = arith.cmpi slt, %rem3A_846, %lt3A_849 : i32
      %lt3A_851 = arith.constant 0 : i32
      %lt3A_852 = arith.cmpi slt, %select_n3A_845, %lt3A_851 : i32
      %ne3A_853 = arith.xori %lt3A_850, %lt3A_852 : i1
      %and3A_854 = arith.andi %ne3A_853, %ne3A_848 : i1
      %add3A_855 = arith.addi %rem3A_846, %select_n3A_845 : i32
      %select_n3A_856 = arith.select %and3A_854, %add3A_855, %rem3A_846 : i32
      %mul3A_857 = arith.constant 16 : i32
      %mul3A_858 = arith.muli %select_n3A_856, %mul3A_857 : i32
      %get3A_859 = arith.index_cast %select_n3A_840 : i32 to index
      %get3A_860 = arith.index_cast %mul3A_858 : i32 to index
      %get3A_861 = tpu.vector_load %arg8[%get3A_859, %get3A_860] {strides = array<i32>} : memref<13x128xi32, #tpu.memory_space<vmem>>, vector<16xi32>,
      %dma_wait3A_862 = arith.constant 0 : i32
      %dma_wait3A_863 = arith.constant 0 : i32
      %dma_wait3A_864 = arith.constant 0 : i32
      %dma_wait3A_865 = tpu.memref_slice %arg11[%dma_wait3A_862, %dma_wait3A_863, %dma_wait3A_864] : memref<2x16x1024xf32, #tpu.memory_space<vmem>> -> memref<1x16x1024xf32, #tpu.memory_space<vmem>>
      %dma_wait3A_866 = tpu.memref_squeeze %dma_wait3A_865 : memref<1x16x1024xf32, #tpu.memory_space<vmem>> -> memref<16x1024xf32, #tpu.memory_space<vmem>>
      %dma_wait3A_867 = arith.constant 0 : i32
      %dma_wait3A_868 = arith.constant 0 : i32
      %dma_wait3A_869 = tpu.memref_slice %arg2[%dma_wait3A_867, %dma_wait3A_868] : memref<1000x1024xf32, #tpu.memory_space<hbm>> -> memref<1000x1024xf32, #tpu.memory_space<hbm>>
      tpu.wait_indirect_dma semaphore(%arg14 : memref<!tpu.dma_semaphore, #tpu.memory_space<semaphore_mem>>) src(%dma_wait3A_869 : memref<1000x1024xf32, #tpu.memory_space<hbm>>) dst(%dma_wait3A_866 : memref<16x1024xf32, #tpu.memory_space<vmem>>)
      %scan3A_870 = arith.constant 0 : i32
      %scan3A_871 = arith.constant 0 : i32
      %scan3A_872 = arith.constant 16 : i32
      %scan3A_873 = arith.addi %scan3A_871, %scan3A_872 : i32
      %scan3A_874 = arith.constant 1 : i32
      scf.for %scan3A_1503 = %scan3A_871 to %scan3A_873 step %scan3A_874  : i32 {
        %get3A_1504 = arith.constant 0 : i32
        %get3A_1505 = arith.index_cast %get3A_1504 : i32 to index
        %get3A_1506 = arith.index_cast %scan3A_1503 : i32 to index
        %get3A_1507 = arith.constant 0 : index
        %get3A_1508 = tpu.vector_load %arg11[%get3A_1505, %get3A_1506, %get3A_1507] {strides = array<i32>} : memref<2x16x1024xf32, #tpu.memory_space<vmem>>, vector<16xf32>,
        %add3A_1509 = arith.constant 0 : i32
        %add3A_1510 = arith.addi %add3A_1509, %scan3A_1503 : i32
        %swap3A_1511 = arith.constant 1 : i32
        %swap3A_1512 = arith.index_cast %swap3A_1511 : i32 to index
        %swap3A_1513 = arith.index_cast %add3A_1510 : i32 to index
        %swap3A_1514 = arith.constant 0 : index
        %swap3A_1515 = tpu.vector_load %arg12[%swap3A_1512, %swap3A_1513, %swap3A_1514] {strides = array<i32>} : memref<2x32x1000xf32, #tpu.memory_space<vmem>>, vector<16xf32>,
        tpu.vector_store %arg12[%swap3A_1512, %swap3A_1513, %swap3A_1514], %get3A_1508 {strides = array<i32>} : memref<2x32x1000xf32, #tpu.memory_space<vmem>>, vector<16xf32>,
        %get3A_1516 = arith.constant 0 : i32
        %get3A_1517 = arith.index_cast %get3A_1516 : i32 to index
        %get3A_1518 = arith.index_cast %scan3A_1503 : i32 to index
        %get3A_1519 = arith.constant 16 : index
        %get3A_1520 = tpu.vector_load %arg11[%get3A_1517, %get3A_1518, %get3A_1519] {strides = array<i32>} : memref<2x16x1024xf32, #tpu.memory_space<vmem>>, vector<16xf32>,
        %add3A_1521 = arith.constant 0 : i32
        %add3A_1522 = arith.addi %add3A_1521, %scan3A_1503 : i32
        %swap3A_1523 = arith.constant 1 : i32
        %swap3A_1524 = arith.index_cast %swap3A_1523 : i32 to index
        %swap3A_1525 = arith.index_cast %add3A_1522 : i32 to index
        %swap3A_1526 = arith.constant 16 : index
        %swap3A_1527 = tpu.vector_load %arg12[%swap3A_1524, %swap3A_1525, %swap3A_1526] {strides = array<i32>} : memref<2x32x1000xf32, #tpu.memory_space<vmem>>, vector<16xf32>,
        tpu.vector_store %arg12[%swap3A_1524, %swap3A_1525, %swap3A_1526], %get3A_1520 {strides = array<i32>} : memref<2x32x1000xf32, #tpu.memory_space<vmem>>, vector<16xf32>,
        %get3A_1528 = arith.constant 0 : i32
        %get3A_1529 = arith.index_cast %get3A_1528 : i32 to index
        %get3A_1530 = arith.index_cast %scan3A_1503 : i32 to index
        %get3A_1531 = arith.constant 32 : index
        %get3A_1532 = tpu.vector_load %arg11[%get3A_1529, %get3A_1530, %get3A_1531] {strides = array<i32>} : memref<2x16x1024xf32, #tpu.memory_space<vmem>>, vector<16xf32>,
        %add3A_1533 = arith.constant 0 : i32
        %add3A_1534 = arith.addi %add3A_1533, %scan3A_1503 : i32
        %swap3A_1535 = arith.constant 1 : i32
        %swap3A_1536 = arith.index_cast %swap3A_1535 : i32 to index
        %swap3A_1537 = arith.index_cast %add3A_1534 : i32 to index
        %swap3A_1538 = arith.constant 32 : index
        %swap3A_1539 = tpu.vector_load %arg12[%swap3A_1536, %swap3A_1537, %swap3A_1538] {strides = array<i32>} : memref<2x32x1000xf32, #tpu.memory_space<vmem>>, vector<16xf32>,
        tpu.vector_store %arg12[%swap3A_1536, %swap3A_1537, %swap3A_1538], %get3A_1532 {strides = array<i32>} : memref<2x32x1000xf32, #tpu.memory_space<vmem>>, vector<16xf32>,
        %get3A_1540 = arith.constant 0 : i32
        %get3A_1541 = arith.index_cast %get3A_1540 : i32 to index
        %get3A_1542 = arith.index_cast %scan3A_1503 : i32 to index
        %get3A_1543 = arith.constant 48 : index
        %get3A_1544 = tpu.vector_load %arg11[%get3A_1541, %get3A_1542, %get3A_1543] {strides = array<i32>} : memref<2x16x1024xf32, #tpu.memory_space<vmem>>, vector<16xf32>,
        %add3A_1545 = arith.constant 0 : i32
        %add3A_1546 = arith.addi %add3A_1545, %scan3A_1503 : i32
        %swap3A_1547 = arith.constant 1 : i32
        %swap3A_1548 = arith.index_cast %swap3A_1547 : i32 to index
        %swap3A_1549 = arith.index_cast %add3A_1546 : i32 to index
        %swap3A_1550 = arith.constant 48 : index
        %swap3A_1551 = tpu.vector_load %arg12[%swap3A_1548, %swap3A_1549, %swap3A_1550] {strides = array<i32>} : memref<2x32x1000xf32, #tpu.memory_space<vmem>>, vector<16xf32>,
        tpu.vector_store %arg12[%swap3A_1548, %swap3A_1549, %swap3A_1550], %get3A_1544 {strides = array<i32>} : memref<2x32x1000xf32, #tpu.memory_space<vmem>>, vector<16xf32>,
        %get3A_1552 = arith.constant 0 : i32
        %get3A_1553 = arith.index_cast %get3A_1552 : i32 to index
        %get3A_1554 = arith.index_cast %scan3A_1503 : i32 to index
        %get3A_1555 = arith.constant 64 : index
        %get3A_1556 = tpu.vector_load %arg11[%get3A_1553, %get3A_1554, %get3A_1555] {strides = array<i32>} : memref<2x16x1024xf32, #tpu.memory_space<vmem>>, vector<16xf32>,
        %add3A_1557 = arith.constant 0 : i32
        %add3A_1558 = arith.addi %add3A_1557, %scan3A_1503 : i32
        %swap3A_1559 = arith.constant 1 : i32
        %swap3A_1560 = arith.index_cast %swap3A_1559 : i32 to index
        %swap3A_1561 = arith.index_cast %add3A_1558 : i32 to index
        %swap3A_1562 = arith.constant 64 : index
        %swap3A_1563 = tpu.vector_load %arg12[%swap3A_1560, %swap3A_1561, %swap3A_1562] {strides = array<i32>} : memref<2x32x1000xf32, #tpu.memory_space<vmem>>, vector<16xf32>,
        tpu.vector_store %arg12[%swap3A_1560, %swap3A_1561, %swap3A_1562], %get3A_1556 {strides = array<i32>} : memref<2x32x1000xf32, #tpu.memory_space<vmem>>, vector<16xf32>,
        %get3A_1564 = arith.constant 0 : i32
        %get3A_1565 = arith.index_cast %get3A_1564 : i32 to index
        %get3A_1566 = arith.index_cast %scan3A_1503 : i32 to index
        %get3A_1567 = arith.constant 80 : index
        %get3A_1568 = tpu.vector_load %arg11[%get3A_1565, %get3A_1566, %get3A_1567] {strides = array<i32>} : memref<2x16x1024xf32, #tpu.memory_space<vmem>>, vector<16xf32>,
        %add3A_1569 = arith.constant 0 : i32
        %add3A_1570 = arith.addi %add3A_1569, %scan3A_1503 : i32
        %swap3A_1571 = arith.constant 1 : i32
        %swap3A_1572 = arith.index_cast %swap3A_1571 : i32 to index
        %swap3A_1573 = arith.index_cast %add3A_1570 : i32 to index
        %swap3A_1574 = arith.constant 80 : index
        %swap3A_1575 = tpu.vector_load %arg12[%swap3A_1572, %swap3A_1573, %swap3A_1574] {strides = array<i32>} : memref<2x32x1000xf32, #tpu.memory_space<vmem>>, vector<16xf32>,
        tpu.vector_store %arg12[%swap3A_1572, %swap3A_1573, %swap3A_1574], %get3A_1568 {strides = array<i32>} : memref<2x32x1000xf32, #tpu.memory_space<vmem>>, vector<16xf32>,
        %get3A_1576 = arith.constant 0 : i32
        %get3A_1577 = arith.index_cast %get3A_1576 : i32 to index
        %get3A_1578 = arith.index_cast %scan3A_1503 : i32 to index
        %get3A_1579 = arith.constant 96 : index
        %get3A_1580 = tpu.vector_load %arg11[%get3A_1577, %get3A_1578, %get3A_1579] {strides = array<i32>} : memref<2x16x1024xf32, #tpu.memory_space<vmem>>, vector<16xf32>,
        %add3A_1581 = arith.constant 0 : i32
        %add3A_1582 = arith.addi %add3A_1581, %scan3A_1503 : i32
        %swap3A_1583 = arith.constant 1 : i32
        %swap3A_1584 = arith.index_cast %swap3A_1583 : i32 to index
        %swap3A_1585 = arith.index_cast %add3A_1582 : i32 to index
        %swap3A_1586 = arith.constant 96 : index
        %swap3A_1587 = tpu.vector_load %arg12[%swap3A_1584, %swap3A_1585, %swap3A_1586] {strides = array<i32>} : memref<2x32x1000xf32, #tpu.memory_space<vmem>>, vector<16xf32>,
        tpu.vector_store %arg12[%swap3A_1584, %swap3A_1585, %swap3A_1586], %get3A_1580 {strides = array<i32>} : memref<2x32x1000xf32, #tpu.memory_space<vmem>>, vector<16xf32>,
        %get3A_1588 = arith.constant 0 : i32
        %get3A_1589 = arith.index_cast %get3A_1588 : i32 to index
        %get3A_1590 = arith.index_cast %scan3A_1503 : i32 to index
        %get3A_1591 = arith.constant 112 : index
        %get3A_1592 = tpu.vector_load %arg11[%get3A_1589, %get3A_1590, %get3A_1591] {strides = array<i32>} : memref<2x16x1024xf32, #tpu.memory_space<vmem>>, vector<16xf32>,
        %add3A_1593 = arith.constant 0 : i32
        %add3A_1594 = arith.addi %add3A_1593, %scan3A_1503 : i32
        %swap3A_1595 = arith.constant 1 : i32
        %swap3A_1596 = arith.index_cast %swap3A_1595 : i32 to index
        %swap3A_1597 = arith.index_cast %add3A_1594 : i32 to index
        %swap3A_1598 = arith.constant 112 : index
        %swap3A_1599 = tpu.vector_load %arg12[%swap3A_1596, %swap3A_1597, %swap3A_1598] {strides = array<i32>} : memref<2x32x1000xf32, #tpu.memory_space<vmem>>, vector<16xf32>,
        tpu.vector_store %arg12[%swap3A_1596, %swap3A_1597, %swap3A_1598], %get3A_1592 {strides = array<i32>} : memref<2x32x1000xf32, #tpu.memory_space<vmem>>, vector<16xf32>,
        %get3A_1600 = arith.constant 0 : i32
        %get3A_1601 = arith.index_cast %get3A_1600 : i32 to index
        %get3A_1602 = arith.index_cast %scan3A_1503 : i32 to index
        %get3A_1603 = arith.constant 128 : index
        %get3A_1604 = tpu.vector_load %arg11[%get3A_1601, %get3A_1602, %get3A_1603] {strides = array<i32>} : memref<2x16x1024xf32, #tpu.memory_space<vmem>>, vector<16xf32>,
        %add3A_1605 = arith.constant 0 : i32
        %add3A_1606 = arith.addi %add3A_1605, %scan3A_1503 : i32
        %swap3A_1607 = arith.constant 1 : i32
        %swap3A_1608 = arith.index_cast %swap3A_1607 : i32 to index
        %swap3A_1609 = arith.index_cast %add3A_1606 : i32 to index
        %swap3A_1610 = arith.constant 128 : index
        %swap3A_1611 = tpu.vector_load %arg12[%swap3A_1608, %swap3A_1609, %swap3A_1610] {strides = array<i32>} : memref<2x32x1000xf32, #tpu.memory_space<vmem>>, vector<16xf32>,
        tpu.vector_store %arg12[%swap3A_1608, %swap3A_1609, %swap3A_1610], %get3A_1604 {strides = array<i32>} : memref<2x32x1000xf32, #tpu.memory_space<vmem>>, vector<16xf32>,
        %get3A_1612 = arith.constant 0 : i32
        %get3A_1613 = arith.index_cast %get3A_1612 : i32 to index
        %get3A_1614 = arith.index_cast %scan3A_1503 : i32 to index
        %get3A_1615 = arith.constant 144 : index
        %get3A_1616 = tpu.vector_load %arg11[%get3A_1613, %get3A_1614, %get3A_1615] {strides = array<i32>} : memref<2x16x1024xf32, #tpu.memory_space<vmem>>, vector<16xf32>,
        %add3A_1617 = arith.constant 0 : i32
        %add3A_1618 = arith.addi %add3A_1617, %scan3A_1503 : i32
        %swap3A_1619 = arith.constant 1 : i32
        %swap3A_1620 = arith.index_cast %swap3A_1619 : i32 to index
        %swap3A_1621 = arith.index_cast %add3A_1618 : i32 to index
        %swap3A_1622 = arith.constant 144 : index
        %swap3A_1623 = tpu.vector_load %arg12[%swap3A_1620, %swap3A_1621, %swap3A_1622] {strides = array<i32>} : memref<2x32x1000xf32, #tpu.memory_space<vmem>>, vector<16xf32>,
        tpu.vector_store %arg12[%swap3A_1620, %swap3A_1621, %swap3A_1622], %get3A_1616 {strides = array<i32>} : memref<2x32x1000xf32, #tpu.memory_space<vmem>>, vector<16xf32>,
        %get3A_1624 = arith.constant 0 : i32
        %get3A_1625 = arith.index_cast %get3A_1624 : i32 to index
        %get3A_1626 = arith.index_cast %scan3A_1503 : i32 to index
        %get3A_1627 = arith.constant 160 : index
        %get3A_1628 = tpu.vector_load %arg11[%get3A_1625, %get3A_1626, %get3A_1627] {strides = array<i32>} : memref<2x16x1024xf32, #tpu.memory_space<vmem>>, vector<16xf32>,
        %add3A_1629 = arith.constant 0 : i32
        %add3A_1630 = arith.addi %add3A_1629, %scan3A_1503 : i32
        %swap3A_1631 = arith.constant 1 : i32
        %swap3A_1632 = arith.index_cast %swap3A_1631 : i32 to index
        %swap3A_1633 = arith.index_cast %add3A_1630 : i32 to index
        %swap3A_1634 = arith.constant 160 : index
        %swap3A_1635 = tpu.vector_load %arg12[%swap3A_1632, %swap3A_1633, %swap3A_1634] {strides = array<i32>} : memref<2x32x1000xf32, #tpu.memory_space<vmem>>, vector<16xf32>,
        tpu.vector_store %arg12[%swap3A_1632, %swap3A_1633, %swap3A_1634], %get3A_1628 {strides = array<i32>} : memref<2x32x1000xf32, #tpu.memory_space<vmem>>, vector<16xf32>,
        %get3A_1636 = arith.constant 0 : i32
        %get3A_1637 = arith.index_cast %get3A_1636 : i32 to index
        %get3A_1638 = arith.index_cast %scan3A_1503 : i32 to index
        %get3A_1639 = arith.constant 176 : index
        %get3A_1640 = tpu.vector_load %arg11[%get3A_1637, %get3A_1638, %get3A_1639] {strides = array<i32>} : memref<2x16x1024xf32, #tpu.memory_space<vmem>>, vector<16xf32>,
        %add3A_1641 = arith.constant 0 : i32
        %add3A_1642 = arith.addi %add3A_1641, %scan3A_1503 : i32
        %swap3A_1643 = arith.constant 1 : i32
        %swap3A_1644 = arith.index_cast %swap3A_1643 : i32 to index
        %swap3A_1645 = arith.index_cast %add3A_1642 : i32 to index
        %swap3A_1646 = arith.constant 176 : index
        %swap3A_1647 = tpu.vector_load %arg12[%swap3A_1644, %swap3A_1645, %swap3A_1646] {strides = array<i32>} : memref<2x32x1000xf32, #tpu.memory_space<vmem>>, vector<16xf32>,
        tpu.vector_store %arg12[%swap3A_1644, %swap3A_1645, %swap3A_1646], %get3A_1640 {strides = array<i32>} : memref<2x32x1000xf32, #tpu.memory_space<vmem>>, vector<16xf32>,
        %get3A_1648 = arith.constant 0 : i32
        %get3A_1649 = arith.index_cast %get3A_1648 : i32 to index
        %get3A_1650 = arith.index_cast %scan3A_1503 : i32 to index
        %get3A_1651 = arith.constant 192 : index
        %get3A_1652 = tpu.vector_load %arg11[%get3A_1649, %get3A_1650, %get3A_1651] {strides = array<i32>} : memref<2x16x1024xf32, #tpu.memory_space<vmem>>, vector<16xf32>,
        %add3A_1653 = arith.constant 0 : i32
        %add3A_1654 = arith.addi %add3A_1653, %scan3A_1503 : i32
        %swap3A_1655 = arith.constant 1 : i32
        %swap3A_1656 = arith.index_cast %swap3A_1655 : i32 to index
        %swap3A_1657 = arith.index_cast %add3A_1654 : i32 to index
        %swap3A_1658 = arith.constant 192 : index
        %swap3A_1659 = tpu.vector_load %arg12[%swap3A_1656, %swap3A_1657, %swap3A_1658] {strides = array<i32>} : memref<2x32x1000xf32, #tpu.memory_space<vmem>>, vector<16xf32>,
        tpu.vector_store %arg12[%swap3A_1656, %swap3A_1657, %swap3A_1658], %get3A_1652 {strides = array<i32>} : memref<2x32x1000xf32, #tpu.memory_space<vmem>>, vector<16xf32>,
        %get3A_1660 = arith.constant 0 : i32
        %get3A_1661 = arith.index_cast %get3A_1660 : i32 to index
        %get3A_1662 = arith.index_cast %scan3A_1503 : i32 to index
        %get3A_1663 = arith.constant 208 : index
        %get3A_1664 = tpu.vector_load %arg11[%get3A_1661, %get3A_1662, %get3A_1663] {strides = array<i32>} : memref<2x16x1024xf32, #tpu.memory_space<vmem>>, vector<16xf32>,
        %add3A_1665 = arith.constant 0 : i32
        %add3A_1666 = arith.addi %add3A_1665, %scan3A_1503 : i32
        %swap3A_1667 = arith.constant 1 : i32
        %swap3A_1668 = arith.index_cast %swap3A_1667 : i32 to index
        %swap3A_1669 = arith.index_cast %add3A_1666 : i32 to index
        %swap3A_1670 = arith.constant 208 : index
        %swap3A_1671 = tpu.vector_load %arg12[%swap3A_1668, %swap3A_1669, %swap3A_1670] {strides = array<i32>} : memref<2x32x1000xf32, #tpu.memory_space<vmem>>, vector<16xf32>,
        tpu.vector_store %arg12[%swap3A_1668, %swap3A_1669, %swap3A_1670], %get3A_1664 {strides = array<i32>} : memref<2x32x1000xf32, #tpu.memory_space<vmem>>, vector<16xf32>,
        %get3A_1672 = arith.constant 0 : i32
        %get3A_1673 = arith.index_cast %get3A_1672 : i32 to index
        %get3A_1674 = arith.index_cast %scan3A_1503 : i32 to index
        %get3A_1675 = arith.constant 224 : index
        %get3A_1676 = tpu.vector_load %arg11[%get3A_1673, %get3A_1674, %get3A_1675] {strides = array<i32>} : memref<2x16x1024xf32, #tpu.memory_space<vmem>>, vector<16xf32>,
        %add3A_1677 = arith.constant 0 : i32
        %add3A_1678 = arith.addi %add3A_1677, %scan3A_1503 : i32
        %swap3A_1679 = arith.constant 1 : i32
        %swap3A_1680 = arith.index_cast %swap3A_1679 : i32 to index
        %swap3A_1681 = arith.index_cast %add3A_1678 : i32 to index
        %swap3A_1682 = arith.constant 224 : index
        %swap3A_1683 = tpu.vector_load %arg12[%swap3A_1680, %swap3A_1681, %swap3A_1682] {strides = array<i32>} : memref<2x32x1000xf32, #tpu.memory_space<vmem>>, vector<16xf32>,
        tpu.vector_store %arg12[%swap3A_1680, %swap3A_1681, %swap3A_1682], %get3A_1676 {strides = array<i32>} : memref<2x32x1000xf32, #tpu.memory_space<vmem>>, vector<16xf32>,
        %get3A_1684 = arith.constant 0 : i32
        %get3A_1685 = arith.index_cast %get3A_1684 : i32 to index
        %get3A_1686 = arith.index_cast %scan3A_1503 : i32 to index
        %get3A_1687 = arith.constant 240 : index
        %get3A_1688 = tpu.vector_load %arg11[%get3A_1685, %get3A_1686, %get3A_1687] {strides = array<i32>} : memref<2x16x1024xf32, #tpu.memory_space<vmem>>, vector<16xf32>,
        %add3A_1689 = arith.constant 0 : i32
        %add3A_1690 = arith.addi %add3A_1689, %scan3A_1503 : i32
        %swap3A_1691 = arith.constant 1 : i32
        %swap3A_1692 = arith.index_cast %swap3A_1691 : i32 to index
        %swap3A_1693 = arith.index_cast %add3A_1690 : i32 to index
        %swap3A_1694 = arith.constant 240 : index
        %swap3A_1695 = tpu.vector_load %arg12[%swap3A_1692, %swap3A_1693, %swap3A_1694] {strides = array<i32>} : memref<2x32x1000xf32, #tpu.memory_space<vmem>>, vector<16xf32>,
        tpu.vector_store %arg12[%swap3A_1692, %swap3A_1693, %swap3A_1694], %get3A_1688 {strides = array<i32>} : memref<2x32x1000xf32, #tpu.memory_space<vmem>>, vector<16xf32>,
        %get3A_1696 = arith.constant 0 : i32
        %get3A_1697 = arith.index_cast %get3A_1696 : i32 to index
        %get3A_1698 = arith.index_cast %scan3A_1503 : i32 to index
        %get3A_1699 = arith.constant 256 : index
        %get3A_1700 = tpu.vector_load %arg11[%get3A_1697, %get3A_1698, %get3A_1699] {strides = array<i32>} : memref<2x16x1024xf32, #tpu.memory_space<vmem>>, vector<16xf32>,
        %add3A_1701 = arith.constant 0 : i32
        %add3A_1702 = arith.addi %add3A_1701, %scan3A_1503 : i32
        %swap3A_1703 = arith.constant 1 : i32
        %swap3A_1704 = arith.index_cast %swap3A_1703 : i32 to index
        %swap3A_1705 = arith.index_cast %add3A_1702 : i32 to index
        %swap3A_1706 = arith.constant 256 : index
        %swap3A_1707 = tpu.vector_load %arg12[%swap3A_1704, %swap3A_1705, %swap3A_1706] {strides = array<i32>} : memref<2x32x1000xf32, #tpu.memory_space<vmem>>, vector<16xf32>,
        tpu.vector_store %arg12[%swap3A_1704, %swap3A_1705, %swap3A_1706], %get3A_1700 {strides = array<i32>} : memref<2x32x1000xf32, #tpu.memory_space<vmem>>, vector<16xf32>,
        %get3A_1708 = arith.constant 0 : i32
        %get3A_1709 = arith.index_cast %get3A_1708 : i32 to index
        %get3A_1710 = arith.index_cast %scan3A_1503 : i32 to index
        %get3A_1711 = arith.constant 272 : index
        %get3A_1712 = tpu.vector_load %arg11[%get3A_1709, %get3A_1710, %get3A_1711] {strides = array<i32>} : memref<2x16x1024xf32, #tpu.memory_space<vmem>>, vector<16xf32>,
        %add3A_1713 = arith.constant 0 : i32
        %add3A_1714 = arith.addi %add3A_1713, %scan3A_1503 : i32
        %swap3A_1715 = arith.constant 1 : i32
        %swap3A_1716 = arith.index_cast %swap3A_1715 : i32 to index
        %swap3A_1717 = arith.index_cast %add3A_1714 : i32 to index
        %swap3A_1718 = arith.constant 272 : index
        %swap3A_1719 = tpu.vector_load %arg12[%swap3A_1716, %swap3A_1717, %swap3A_1718] {strides = array<i32>} : memref<2x32x1000xf32, #tpu.memory_space<vmem>>, vector<16xf32>,
        tpu.vector_store %arg12[%swap3A_1716, %swap3A_1717, %swap3A_1718], %get3A_1712 {strides = array<i32>} : memref<2x32x1000xf32, #tpu.memory_space<vmem>>, vector<16xf32>,
        %get3A_1720 = arith.constant 0 : i32
        %get3A_1721 = arith.index_cast %get3A_1720 : i32 to index
        %get3A_1722 = arith.index_cast %scan3A_1503 : i32 to index
        %get3A_1723 = arith.constant 288 : index
        %get3A_1724 = tpu.vector_load %arg11[%get3A_1721, %get3A_1722, %get3A_1723] {strides = array<i32>} : memref<2x16x1024xf32, #tpu.memory_space<vmem>>, vector<16xf32>,
        %add3A_1725 = arith.constant 0 : i32
        %add3A_1726 = arith.addi %add3A_1725, %scan3A_1503 : i32
        %swap3A_1727 = arith.constant 1 : i32
        %swap3A_1728 = arith.index_cast %swap3A_1727 : i32 to index
        %swap3A_1729 = arith.index_cast %add3A_1726 : i32 to index
        %swap3A_1730 = arith.constant 288 : index
        %swap3A_1731 = tpu.vector_load %arg12[%swap3A_1728, %swap3A_1729, %swap3A_1730] {strides = array<i32>} : memref<2x32x1000xf32, #tpu.memory_space<vmem>>, vector<16xf32>,
        tpu.vector_store %arg12[%swap3A_1728, %swap3A_1729, %swap3A_1730], %get3A_1724 {strides = array<i32>} : memref<2x32x1000xf32, #tpu.memory_space<vmem>>, vector<16xf32>,
        %get3A_1732 = arith.constant 0 : i32
        %get3A_1733 = arith.index_cast %get3A_1732 : i32 to index
        %get3A_1734 = arith.index_cast %scan3A_1503 : i32 to index
        %get3A_1735 = arith.constant 304 : index
        %get3A_1736 = tpu.vector_load %arg11[%get3A_1733, %get3A_1734, %get3A_1735] {strides = array<i32>} : memref<2x16x1024xf32, #tpu.memory_space<vmem>>, vector<16xf32>,
        %add3A_1737 = arith.constant 0 : i32
        %add3A_1738 = arith.addi %add3A_1737, %scan3A_1503 : i32
        %swap3A_1739 = arith.constant 1 : i32
        %swap3A_1740 = arith.index_cast %swap3A_1739 : i32 to index
        %swap3A_1741 = arith.index_cast %add3A_1738 : i32 to index
        %swap3A_1742 = arith.constant 304 : index
        %swap3A_1743 = tpu.vector_load %arg12[%swap3A_1740, %swap3A_1741, %swap3A_1742] {strides = array<i32>} : memref<2x32x1000xf32, #tpu.memory_space<vmem>>, vector<16xf32>,
        tpu.vector_store %arg12[%swap3A_1740, %swap3A_1741, %swap3A_1742], %get3A_1736 {strides = array<i32>} : memref<2x32x1000xf32, #tpu.memory_space<vmem>>, vector<16xf32>,
        %get3A_1744 = arith.constant 0 : i32
        %get3A_1745 = arith.index_cast %get3A_1744 : i32 to index
        %get3A_1746 = arith.index_cast %scan3A_1503 : i32 to index
        %get3A_1747 = arith.constant 320 : index
        %get3A_1748 = tpu.vector_load %arg11[%get3A_1745, %get3A_1746, %get3A_1747] {strides = array<i32>} : memref<2x16x1024xf32, #tpu.memory_space<vmem>>, vector<16xf32>,
        %add3A_1749 = arith.constant 0 : i32
        %add3A_1750 = arith.addi %add3A_1749, %scan3A_1503 : i32
        %swap3A_1751 = arith.constant 1 : i32
        %swap3A_1752 = arith.index_cast %swap3A_1751 : i32 to index
        %swap3A_1753 = arith.index_cast %add3A_1750 : i32 to index
        %swap3A_1754 = arith.constant 320 : index
        %swap3A_1755 = tpu.vector_load %arg12[%swap3A_1752, %swap3A_1753, %swap3A_1754] {strides = array<i32>} : memref<2x32x1000xf32, #tpu.memory_space<vmem>>, vector<16xf32>,
        tpu.vector_store %arg12[%swap3A_1752, %swap3A_1753, %swap3A_1754], %get3A_1748 {strides = array<i32>} : memref<2x32x1000xf32, #tpu.memory_space<vmem>>, vector<16xf32>,
        %get3A_1756 = arith.constant 0 : i32
        %get3A_1757 = arith.index_cast %get3A_1756 : i32 to index
        %get3A_1758 = arith.index_cast %scan3A_1503 : i32 to index
        %get3A_1759 = arith.constant 336 : index
        %get3A_1760 = tpu.vector_load %arg11[%get3A_1757, %get3A_1758, %get3A_1759] {strides = array<i32>} : memref<2x16x1024xf32, #tpu.memory_space<vmem>>, vector<16xf32>,
        %add3A_1761 = arith.constant 0 : i32
        %add3A_1762 = arith.addi %add3A_1761, %scan3A_1503 : i32
        %swap3A_1763 = arith.constant 1 : i32
        %swap3A_1764 = arith.index_cast %swap3A_1763 : i32 to index
        %swap3A_1765 = arith.index_cast %add3A_1762 : i32 to index
        %swap3A_1766 = arith.constant 336 : index
        %swap3A_1767 = tpu.vector_load %arg12[%swap3A_1764, %swap3A_1765, %swap3A_1766] {strides = array<i32>} : memref<2x32x1000xf32, #tpu.memory_space<vmem>>, vector<16xf32>,
        tpu.vector_store %arg12[%swap3A_1764, %swap3A_1765, %swap3A_1766], %get3A_1760 {strides = array<i32>} : memref<2x32x1000xf32, #tpu.memory_space<vmem>>, vector<16xf32>,
        %get3A_1768 = arith.constant 0 : i32
        %get3A_1769 = arith.index_cast %get3A_1768 : i32 to index
        %get3A_1770 = arith.index_cast %scan3A_1503 : i32 to index
        %get3A_1771 = arith.constant 352 : index
        %get3A_1772 = tpu.vector_load %arg11[%get3A_1769, %get3A_1770, %get3A_1771] {strides = array<i32>} : memref<2x16x1024xf32, #tpu.memory_space<vmem>>, vector<16xf32>,
        %add3A_1773 = arith.constant 0 : i32
        %add3A_1774 = arith.addi %add3A_1773, %scan3A_1503 : i32
        %swap3A_1775 = arith.constant 1 : i32
        %swap3A_1776 = arith.index_cast %swap3A_1775 : i32 to index
        %swap3A_1777 = arith.index_cast %add3A_1774 : i32 to index
        %swap3A_1778 = arith.constant 352 : index
        %swap3A_1779 = tpu.vector_load %arg12[%swap3A_1776, %swap3A_1777, %swap3A_1778] {strides = array<i32>} : memref<2x32x1000xf32, #tpu.memory_space<vmem>>, vector<16xf32>,
        tpu.vector_store %arg12[%swap3A_1776, %swap3A_1777, %swap3A_1778], %get3A_1772 {strides = array<i32>} : memref<2x32x1000xf32, #tpu.memory_space<vmem>>, vector<16xf32>,
        %get3A_1780 = arith.constant 0 : i32
        %get3A_1781 = arith.index_cast %get3A_1780 : i32 to index
        %get3A_1782 = arith.index_cast %scan3A_1503 : i32 to index
        %get3A_1783 = arith.constant 368 : index
        %get3A_1784 = tpu.vector_load %arg11[%get3A_1781, %get3A_1782, %get3A_1783] {strides = array<i32>} : memref<2x16x1024xf32, #tpu.memory_space<vmem>>, vector<16xf32>,
        %add3A_1785 = arith.constant 0 : i32
        %add3A_1786 = arith.addi %add3A_1785, %scan3A_1503 : i32
        %swap3A_1787 = arith.constant 1 : i32
        %swap3A_1788 = arith.index_cast %swap3A_1787 : i32 to index
        %swap3A_1789 = arith.index_cast %add3A_1786 : i32 to index
        %swap3A_1790 = arith.constant 368 : index
        %swap3A_1791 = tpu.vector_load %arg12[%swap3A_1788, %swap3A_1789, %swap3A_1790] {strides = array<i32>} : memref<2x32x1000xf32, #tpu.memory_space<vmem>>, vector<16xf32>,
        tpu.vector_store %arg12[%swap3A_1788, %swap3A_1789, %swap3A_1790], %get3A_1784 {strides = array<i32>} : memref<2x32x1000xf32, #tpu.memory_space<vmem>>, vector<16xf32>,
        %get3A_1792 = arith.constant 0 : i32
        %get3A_1793 = arith.index_cast %get3A_1792 : i32 to index
        %get3A_1794 = arith.index_cast %scan3A_1503 : i32 to index
        %get3A_1795 = arith.constant 384 : index
        %get3A_1796 = tpu.vector_load %arg11[%get3A_1793, %get3A_1794, %get3A_1795] {strides = array<i32>} : memref<2x16x1024xf32, #tpu.memory_space<vmem>>, vector<16xf32>,
        %add3A_1797 = arith.constant 0 : i32
        %add3A_1798 = arith.addi %add3A_1797, %scan3A_1503 : i32
        %swap3A_1799 = arith.constant 1 : i32
        %swap3A_1800 = arith.index_cast %swap3A_1799 : i32 to index
        %swap3A_1801 = arith.index_cast %add3A_1798 : i32 to index
        %swap3A_1802 = arith.constant 384 : index
        %swap3A_1803 = tpu.vector_load %arg12[%swap3A_1800, %swap3A_1801, %swap3A_1802] {strides = array<i32>} : memref<2x32x1000xf32, #tpu.memory_space<vmem>>, vector<16xf32>,
        tpu.vector_store %arg12[%swap3A_1800, %swap3A_1801, %swap3A_1802], %get3A_1796 {strides = array<i32>} : memref<2x32x1000xf32, #tpu.memory_space<vmem>>, vector<16xf32>,
        %get3A_1804 = arith.constant 0 : i32
        %get3A_1805 = arith.index_cast %get3A_1804 : i32 to index
        %get3A_1806 = arith.index_cast %scan3A_1503 : i32 to index
        %get3A_1807 = arith.constant 400 : index
        %get3A_1808 = tpu.vector_load %arg11[%get3A_1805, %get3A_1806, %get3A_1807] {strides = array<i32>} : memref<2x16x1024xf32, #tpu.memory_space<vmem>>, vector<16xf32>,
        %add3A_1809 = arith.constant 0 : i32
        %add3A_1810 = arith.addi %add3A_1809, %scan3A_1503 : i32
        %swap3A_1811 = arith.constant 1 : i32
        %swap3A_1812 = arith.index_cast %swap3A_1811 : i32 to index
        %swap3A_1813 = arith.index_cast %add3A_1810 : i32 to index
        %swap3A_1814 = arith.constant 400 : index
        %swap3A_1815 = tpu.vector_load %arg12[%swap3A_1812, %swap3A_1813, %swap3A_1814] {strides = array<i32>} : memref<2x32x1000xf32, #tpu.memory_space<vmem>>, vector<16xf32>,
        tpu.vector_store %arg12[%swap3A_1812, %swap3A_1813, %swap3A_1814], %get3A_1808 {strides = array<i32>} : memref<2x32x1000xf32, #tpu.memory_space<vmem>>, vector<16xf32>,
        %get3A_1816 = arith.constant 0 : i32
        %get3A_1817 = arith.index_cast %get3A_1816 : i32 to index
        %get3A_1818 = arith.index_cast %scan3A_1503 : i32 to index
        %get3A_1819 = arith.constant 416 : index
        %get3A_1820 = tpu.vector_load %arg11[%get3A_1817, %get3A_1818, %get3A_1819] {strides = array<i32>} : memref<2x16x1024xf32, #tpu.memory_space<vmem>>, vector<16xf32>,
        %add3A_1821 = arith.constant 0 : i32
        %add3A_1822 = arith.addi %add3A_1821, %scan3A_1503 : i32
        %swap3A_1823 = arith.constant 1 : i32
        %swap3A_1824 = arith.index_cast %swap3A_1823 : i32 to index
        %swap3A_1825 = arith.index_cast %add3A_1822 : i32 to index
        %swap3A_1826 = arith.constant 416 : index
        %swap3A_1827 = tpu.vector_load %arg12[%swap3A_1824, %swap3A_1825, %swap3A_1826] {strides = array<i32>} : memref<2x32x1000xf32, #tpu.memory_space<vmem>>, vector<16xf32>,
        tpu.vector_store %arg12[%swap3A_1824, %swap3A_1825, %swap3A_1826], %get3A_1820 {strides = array<i32>} : memref<2x32x1000xf32, #tpu.memory_space<vmem>>, vector<16xf32>,
        %get3A_1828 = arith.constant 0 : i32
        %get3A_1829 = arith.index_cast %get3A_1828 : i32 to index
        %get3A_1830 = arith.index_cast %scan3A_1503 : i32 to index
        %get3A_1831 = arith.constant 432 : index
        %get3A_1832 = tpu.vector_load %arg11[%get3A_1829, %get3A_1830, %get3A_1831] {strides = array<i32>} : memref<2x16x1024xf32, #tpu.memory_space<vmem>>, vector<16xf32>,
        %add3A_1833 = arith.constant 0 : i32
        %add3A_1834 = arith.addi %add3A_1833, %scan3A_1503 : i32
        %swap3A_1835 = arith.constant 1 : i32
        %swap3A_1836 = arith.index_cast %swap3A_1835 : i32 to index
        %swap3A_1837 = arith.index_cast %add3A_1834 : i32 to index
        %swap3A_1838 = arith.constant 432 : index
        %swap3A_1839 = tpu.vector_load %arg12[%swap3A_1836, %swap3A_1837, %swap3A_1838] {strides = array<i32>} : memref<2x32x1000xf32, #tpu.memory_space<vmem>>, vector<16xf32>,
        tpu.vector_store %arg12[%swap3A_1836, %swap3A_1837, %swap3A_1838], %get3A_1832 {strides = array<i32>} : memref<2x32x1000xf32, #tpu.memory_space<vmem>>, vector<16xf32>,
        %get3A_1840 = arith.constant 0 : i32
        %get3A_1841 = arith.index_cast %get3A_1840 : i32 to index
        %get3A_1842 = arith.index_cast %scan3A_1503 : i32 to index
        %get3A_1843 = arith.constant 448 : index
        %get3A_1844 = tpu.vector_load %arg11[%get3A_1841, %get3A_1842, %get3A_1843] {strides = array<i32>} : memref<2x16x1024xf32, #tpu.memory_space<vmem>>, vector<16xf32>,
        %add3A_1845 = arith.constant 0 : i32
        %add3A_1846 = arith.addi %add3A_1845, %scan3A_1503 : i32
        %swap3A_1847 = arith.constant 1 : i32
        %swap3A_1848 = arith.index_cast %swap3A_1847 : i32 to index
        %swap3A_1849 = arith.index_cast %add3A_1846 : i32 to index
        %swap3A_1850 = arith.constant 448 : index
        %swap3A_1851 = tpu.vector_load %arg12[%swap3A_1848, %swap3A_1849, %swap3A_1850] {strides = array<i32>} : memref<2x32x1000xf32, #tpu.memory_space<vmem>>, vector<16xf32>,
        tpu.vector_store %arg12[%swap3A_1848, %swap3A_1849, %swap3A_1850], %get3A_1844 {strides = array<i32>} : memref<2x32x1000xf32, #tpu.memory_space<vmem>>, vector<16xf32>,
        %get3A_1852 = arith.constant 0 : i32
        %get3A_1853 = arith.index_cast %get3A_1852 : i32 to index
        %get3A_1854 = arith.index_cast %scan3A_1503 : i32 to index
        %get3A_1855 = arith.constant 464 : index
        %get3A_1856 = tpu.vector_load %arg11[%get3A_1853, %get3A_1854, %get3A_1855] {strides = array<i32>} : memref<2x16x1024xf32, #tpu.memory_space<vmem>>, vector<16xf32>,
        %add3A_1857 = arith.constant 0 : i32
        %add3A_1858 = arith.addi %add3A_1857, %scan3A_1503 : i32
        %swap3A_1859 = arith.constant 1 : i32
        %swap3A_1860 = arith.index_cast %swap3A_1859 : i32 to index
        %swap3A_1861 = arith.index_cast %add3A_1858 : i32 to index
        %swap3A_1862 = arith.constant 464 : index
        %swap3A_1863 = tpu.vector_load %arg12[%swap3A_1860, %swap3A_1861, %swap3A_1862] {strides = array<i32>} : memref<2x32x1000xf32, #tpu.memory_space<vmem>>, vector<16xf32>,
        tpu.vector_store %arg12[%swap3A_1860, %swap3A_1861, %swap3A_1862], %get3A_1856 {strides = array<i32>} : memref<2x32x1000xf32, #tpu.memory_space<vmem>>, vector<16xf32>,
        %get3A_1864 = arith.constant 0 : i32
        %get3A_1865 = arith.index_cast %get3A_1864 : i32 to index
        %get3A_1866 = arith.index_cast %scan3A_1503 : i32 to index
        %get3A_1867 = arith.constant 480 : index
        %get3A_1868 = tpu.vector_load %arg11[%get3A_1865, %get3A_1866, %get3A_1867] {strides = array<i32>} : memref<2x16x1024xf32, #tpu.memory_space<vmem>>, vector<16xf32>,
        %add3A_1869 = arith.constant 0 : i32
        %add3A_1870 = arith.addi %add3A_1869, %scan3A_1503 : i32
        %swap3A_1871 = arith.constant 1 : i32
        %swap3A_1872 = arith.index_cast %swap3A_1871 : i32 to index
        %swap3A_1873 = arith.index_cast %add3A_1870 : i32 to index
        %swap3A_1874 = arith.constant 480 : index
        %swap3A_1875 = tpu.vector_load %arg12[%swap3A_1872, %swap3A_1873, %swap3A_1874] {strides = array<i32>} : memref<2x32x1000xf32, #tpu.memory_space<vmem>>, vector<16xf32>,
        tpu.vector_store %arg12[%swap3A_1872, %swap3A_1873, %swap3A_1874], %get3A_1868 {strides = array<i32>} : memref<2x32x1000xf32, #tpu.memory_space<vmem>>, vector<16xf32>,
        %get3A_1876 = arith.constant 0 : i32
        %get3A_1877 = arith.index_cast %get3A_1876 : i32 to index
        %get3A_1878 = arith.index_cast %scan3A_1503 : i32 to index
        %get3A_1879 = arith.constant 496 : index
        %get3A_1880 = tpu.vector_load %arg11[%get3A_1877, %get3A_1878, %get3A_1879] {strides = array<i32>} : memref<2x16x1024xf32, #tpu.memory_space<vmem>>, vector<16xf32>,
        %add3A_1881 = arith.constant 0 : i32
        %add3A_1882 = arith.addi %add3A_1881, %scan3A_1503 : i32
        %swap3A_1883 = arith.constant 1 : i32
        %swap3A_1884 = arith.index_cast %swap3A_1883 : i32 to index
        %swap3A_1885 = arith.index_cast %add3A_1882 : i32 to index
        %swap3A_1886 = arith.constant 496 : index
        %swap3A_1887 = tpu.vector_load %arg12[%swap3A_1884, %swap3A_1885, %swap3A_1886] {strides = array<i32>} : memref<2x32x1000xf32, #tpu.memory_space<vmem>>, vector<16xf32>,
        tpu.vector_store %arg12[%swap3A_1884, %swap3A_1885, %swap3A_1886], %get3A_1880 {strides = array<i32>} : memref<2x32x1000xf32, #tpu.memory_space<vmem>>, vector<16xf32>,
        %get3A_1888 = arith.constant 0 : i32
        %get3A_1889 = arith.index_cast %get3A_1888 : i32 to index
        %get3A_1890 = arith.index_cast %scan3A_1503 : i32 to index
        %get3A_1891 = arith.constant 512 : index
        %get3A_1892 = tpu.vector_load %arg11[%get3A_1889, %get3A_1890, %get3A_1891] {strides = array<i32>} : memref<2x16x1024xf32, #tpu.memory_space<vmem>>, vector<16xf32>,
        %add3A_1893 = arith.constant 0 : i32
        %add3A_1894 = arith.addi %add3A_1893, %scan3A_1503 : i32
        %swap3A_1895 = arith.constant 1 : i32
        %swap3A_1896 = arith.index_cast %swap3A_1895 : i32 to index
        %swap3A_1897 = arith.index_cast %add3A_1894 : i32 to index
        %swap3A_1898 = arith.constant 512 : index
        %swap3A_1899 = tpu.vector_load %arg12[%swap3A_1896, %swap3A_1897, %swap3A_1898] {strides = array<i32>} : memref<2x32x1000xf32, #tpu.memory_space<vmem>>, vector<16xf32>,
        tpu.vector_store %arg12[%swap3A_1896, %swap3A_1897, %swap3A_1898], %get3A_1892 {strides = array<i32>} : memref<2x32x1000xf32, #tpu.memory_space<vmem>>, vector<16xf32>,
        %get3A_1900 = arith.constant 0 : i32
        %get3A_1901 = arith.index_cast %get3A_1900 : i32 to index
        %get3A_1902 = arith.index_cast %scan3A_1503 : i32 to index
        %get3A_1903 = arith.constant 528 : index
        %get3A_1904 = tpu.vector_load %arg11[%get3A_1901, %get3A_1902, %get3A_1903] {strides = array<i32>} : memref<2x16x1024xf32, #tpu.memory_space<vmem>>, vector<16xf32>,
        %add3A_1905 = arith.constant 0 : i32
        %add3A_1906 = arith.addi %add3A_1905, %scan3A_1503 : i32
        %swap3A_1907 = arith.constant 1 : i32
        %swap3A_1908 = arith.index_cast %swap3A_1907 : i32 to index
        %swap3A_1909 = arith.index_cast %add3A_1906 : i32 to index
        %swap3A_1910 = arith.constant 528 : index
        %swap3A_1911 = tpu.vector_load %arg12[%swap3A_1908, %swap3A_1909, %swap3A_1910] {strides = array<i32>} : memref<2x32x1000xf32, #tpu.memory_space<vmem>>, vector<16xf32>,
        tpu.vector_store %arg12[%swap3A_1908, %swap3A_1909, %swap3A_1910], %get3A_1904 {strides = array<i32>} : memref<2x32x1000xf32, #tpu.memory_space<vmem>>, vector<16xf32>,
        %get3A_1912 = arith.constant 0 : i32
        %get3A_1913 = arith.index_cast %get3A_1912 : i32 to index
        %get3A_1914 = arith.index_cast %scan3A_1503 : i32 to index
        %get3A_1915 = arith.constant 544 : index
        %get3A_1916 = tpu.vector_load %arg11[%get3A_1913, %get3A_1914, %get3A_1915] {strides = array<i32>} : memref<2x16x1024xf32, #tpu.memory_space<vmem>>, vector<16xf32>,
        %add3A_1917 = arith.constant 0 : i32
        %add3A_1918 = arith.addi %add3A_1917, %scan3A_1503 : i32
        %swap3A_1919 = arith.constant 1 : i32
        %swap3A_1920 = arith.index_cast %swap3A_1919 : i32 to index
        %swap3A_1921 = arith.index_cast %add3A_1918 : i32 to index
        %swap3A_1922 = arith.constant 544 : index
        %swap3A_1923 = tpu.vector_load %arg12[%swap3A_1920, %swap3A_1921, %swap3A_1922] {strides = array<i32>} : memref<2x32x1000xf32, #tpu.memory_space<vmem>>, vector<16xf32>,
        tpu.vector_store %arg12[%swap3A_1920, %swap3A_1921, %swap3A_1922], %get3A_1916 {strides = array<i32>} : memref<2x32x1000xf32, #tpu.memory_space<vmem>>, vector<16xf32>,
        %get3A_1924 = arith.constant 0 : i32
        %get3A_1925 = arith.index_cast %get3A_1924 : i32 to index
        %get3A_1926 = arith.index_cast %scan3A_1503 : i32 to index
        %get3A_1927 = arith.constant 560 : index
        %get3A_1928 = tpu.vector_load %arg11[%get3A_1925, %get3A_1926, %get3A_1927] {strides = array<i32>} : memref<2x16x1024xf32, #tpu.memory_space<vmem>>, vector<16xf32>,
        %add3A_1929 = arith.constant 0 : i32
        %add3A_1930 = arith.addi %add3A_1929, %scan3A_1503 : i32
        %swap3A_1931 = arith.constant 1 : i32
        %swap3A_1932 = arith.index_cast %swap3A_1931 : i32 to index
        %swap3A_1933 = arith.index_cast %add3A_1930 : i32 to index
        %swap3A_1934 = arith.constant 560 : index
        %swap3A_1935 = tpu.vector_load %arg12[%swap3A_1932, %swap3A_1933, %swap3A_1934] {strides = array<i32>} : memref<2x32x1000xf32, #tpu.memory_space<vmem>>, vector<16xf32>,
        tpu.vector_store %arg12[%swap3A_1932, %swap3A_1933, %swap3A_1934], %get3A_1928 {strides = array<i32>} : memref<2x32x1000xf32, #tpu.memory_space<vmem>>, vector<16xf32>,
        %get3A_1936 = arith.constant 0 : i32
        %get3A_1937 = arith.index_cast %get3A_1936 : i32 to index
        %get3A_1938 = arith.index_cast %scan3A_1503 : i32 to index
        %get3A_1939 = arith.constant 576 : index
        %get3A_1940 = tpu.vector_load %arg11[%get3A_1937, %get3A_1938, %get3A_1939] {strides = array<i32>} : memref<2x16x1024xf32, #tpu.memory_space<vmem>>, vector<16xf32>,
        %add3A_1941 = arith.constant 0 : i32
        %add3A_1942 = arith.addi %add3A_1941, %scan3A_1503 : i32
        %swap3A_1943 = arith.constant 1 : i32
        %swap3A_1944 = arith.index_cast %swap3A_1943 : i32 to index
        %swap3A_1945 = arith.index_cast %add3A_1942 : i32 to index
        %swap3A_1946 = arith.constant 576 : index
        %swap3A_1947 = tpu.vector_load %arg12[%swap3A_1944, %swap3A_1945, %swap3A_1946] {strides = array<i32>} : memref<2x32x1000xf32, #tpu.memory_space<vmem>>, vector<16xf32>,
        tpu.vector_store %arg12[%swap3A_1944, %swap3A_1945, %swap3A_1946], %get3A_1940 {strides = array<i32>} : memref<2x32x1000xf32, #tpu.memory_space<vmem>>, vector<16xf32>,
        %get3A_1948 = arith.constant 0 : i32
        %get3A_1949 = arith.index_cast %get3A_1948 : i32 to index
        %get3A_1950 = arith.index_cast %scan3A_1503 : i32 to index
        %get3A_1951 = arith.constant 592 : index
        %get3A_1952 = tpu.vector_load %arg11[%get3A_1949, %get3A_1950, %get3A_1951] {strides = array<i32>} : memref<2x16x1024xf32, #tpu.memory_space<vmem>>, vector<16xf32>,
        %add3A_1953 = arith.constant 0 : i32
        %add3A_1954 = arith.addi %add3A_1953, %scan3A_1503 : i32
        %swap3A_1955 = arith.constant 1 : i32
        %swap3A_1956 = arith.index_cast %swap3A_1955 : i32 to index
        %swap3A_1957 = arith.index_cast %add3A_1954 : i32 to index
        %swap3A_1958 = arith.constant 592 : index
        %swap3A_1959 = tpu.vector_load %arg12[%swap3A_1956, %swap3A_1957, %swap3A_1958] {strides = array<i32>} : memref<2x32x1000xf32, #tpu.memory_space<vmem>>, vector<16xf32>,
        tpu.vector_store %arg12[%swap3A_1956, %swap3A_1957, %swap3A_1958], %get3A_1952 {strides = array<i32>} : memref<2x32x1000xf32, #tpu.memory_space<vmem>>, vector<16xf32>,
        %get3A_1960 = arith.constant 0 : i32
        %get3A_1961 = arith.index_cast %get3A_1960 : i32 to index
        %get3A_1962 = arith.index_cast %scan3A_1503 : i32 to index
        %get3A_1963 = arith.constant 608 : index
        %get3A_1964 = tpu.vector_load %arg11[%get3A_1961, %get3A_1962, %get3A_1963] {strides = array<i32>} : memref<2x16x1024xf32, #tpu.memory_space<vmem>>, vector<16xf32>,
        %add3A_1965 = arith.constant 0 : i32
        %add3A_1966 = arith.addi %add3A_1965, %scan3A_1503 : i32
        %swap3A_1967 = arith.constant 1 : i32
        %swap3A_1968 = arith.index_cast %swap3A_1967 : i32 to index
        %swap3A_1969 = arith.index_cast %add3A_1966 : i32 to index
        %swap3A_1970 = arith.constant 608 : index
        %swap3A_1971 = tpu.vector_load %arg12[%swap3A_1968, %swap3A_1969, %swap3A_1970] {strides = array<i32>} : memref<2x32x1000xf32, #tpu.memory_space<vmem>>, vector<16xf32>,
        tpu.vector_store %arg12[%swap3A_1968, %swap3A_1969, %swap3A_1970], %get3A_1964 {strides = array<i32>} : memref<2x32x1000xf32, #tpu.memory_space<vmem>>, vector<16xf32>,
        %get3A_1972 = arith.constant 0 : i32
        %get3A_1973 = arith.index_cast %get3A_1972 : i32 to index
        %get3A_1974 = arith.index_cast %scan3A_1503 : i32 to index
        %get3A_1975 = arith.constant 624 : index
        %get3A_1976 = tpu.vector_load %arg11[%get3A_1973, %get3A_1974, %get3A_1975] {strides = array<i32>} : memref<2x16x1024xf32, #tpu.memory_space<vmem>>, vector<16xf32>,
        %add3A_1977 = arith.constant 0 : i32
        %add3A_1978 = arith.addi %add3A_1977, %scan3A_1503 : i32
        %swap3A_1979 = arith.constant 1 : i32
        %swap3A_1980 = arith.index_cast %swap3A_1979 : i32 to index
        %swap3A_1981 = arith.index_cast %add3A_1978 : i32 to index
        %swap3A_1982 = arith.constant 624 : index
        %swap3A_1983 = tpu.vector_load %arg12[%swap3A_1980, %swap3A_1981, %swap3A_1982] {strides = array<i32>} : memref<2x32x1000xf32, #tpu.memory_space<vmem>>, vector<16xf32>,
        tpu.vector_store %arg12[%swap3A_1980, %swap3A_1981, %swap3A_1982], %get3A_1976 {strides = array<i32>} : memref<2x32x1000xf32, #tpu.memory_space<vmem>>, vector<16xf32>,
        %get3A_1984 = arith.constant 0 : i32
        %get3A_1985 = arith.index_cast %get3A_1984 : i32 to index
        %get3A_1986 = arith.index_cast %scan3A_1503 : i32 to index
        %get3A_1987 = arith.constant 640 : index
        %get3A_1988 = tpu.vector_load %arg11[%get3A_1985, %get3A_1986, %get3A_1987] {strides = array<i32>} : memref<2x16x1024xf32, #tpu.memory_space<vmem>>, vector<16xf32>,
        %add3A_1989 = arith.constant 0 : i32
        %add3A_1990 = arith.addi %add3A_1989, %scan3A_1503 : i32
        %swap3A_1991 = arith.constant 1 : i32
        %swap3A_1992 = arith.index_cast %swap3A_1991 : i32 to index
        %swap3A_1993 = arith.index_cast %add3A_1990 : i32 to index
        %swap3A_1994 = arith.constant 640 : index
        %swap3A_1995 = tpu.vector_load %arg12[%swap3A_1992, %swap3A_1993, %swap3A_1994] {strides = array<i32>} : memref<2x32x1000xf32, #tpu.memory_space<vmem>>, vector<16xf32>,
        tpu.vector_store %arg12[%swap3A_1992, %swap3A_1993, %swap3A_1994], %get3A_1988 {strides = array<i32>} : memref<2x32x1000xf32, #tpu.memory_space<vmem>>, vector<16xf32>,
        %get3A_1996 = arith.constant 0 : i32
        %get3A_1997 = arith.index_cast %get3A_1996 : i32 to index
        %get3A_1998 = arith.index_cast %scan3A_1503 : i32 to index
        %get3A_1999 = arith.constant 656 : index
        %get3A_2000 = tpu.vector_load %arg11[%get3A_1997, %get3A_1998, %get3A_1999] {strides = array<i32>} : memref<2x16x1024xf32, #tpu.memory_space<vmem>>, vector<16xf32>,
        %add3A_2001 = arith.constant 0 : i32
        %add3A_2002 = arith.addi %add3A_2001, %scan3A_1503 : i32
        %swap3A_2003 = arith.constant 1 : i32
        %swap3A_2004 = arith.index_cast %swap3A_2003 : i32 to index
        %swap3A_2005 = arith.index_cast %add3A_2002 : i32 to index
        %swap3A_2006 = arith.constant 656 : index
        %swap3A_2007 = tpu.vector_load %arg12[%swap3A_2004, %swap3A_2005, %swap3A_2006] {strides = array<i32>} : memref<2x32x1000xf32, #tpu.memory_space<vmem>>, vector<16xf32>,
        tpu.vector_store %arg12[%swap3A_2004, %swap3A_2005, %swap3A_2006], %get3A_2000 {strides = array<i32>} : memref<2x32x1000xf32, #tpu.memory_space<vmem>>, vector<16xf32>,
        %get3A_2008 = arith.constant 0 : i32
        %get3A_2009 = arith.index_cast %get3A_2008 : i32 to index
        %get3A_2010 = arith.index_cast %scan3A_1503 : i32 to index
        %get3A_2011 = arith.constant 672 : index
        %get3A_2012 = tpu.vector_load %arg11[%get3A_2009, %get3A_2010, %get3A_2011] {strides = array<i32>} : memref<2x16x1024xf32, #tpu.memory_space<vmem>>, vector<16xf32>,
        %add3A_2013 = arith.constant 0 : i32
        %add3A_2014 = arith.addi %add3A_2013, %scan3A_1503 : i32
        %swap3A_2015 = arith.constant 1 : i32
        %swap3A_2016 = arith.index_cast %swap3A_2015 : i32 to index
        %swap3A_2017 = arith.index_cast %add3A_2014 : i32 to index
        %swap3A_2018 = arith.constant 672 : index
        %swap3A_2019 = tpu.vector_load %arg12[%swap3A_2016, %swap3A_2017, %swap3A_2018] {strides = array<i32>} : memref<2x32x1000xf32, #tpu.memory_space<vmem>>, vector<16xf32>,
        tpu.vector_store %arg12[%swap3A_2016, %swap3A_2017, %swap3A_2018], %get3A_2012 {strides = array<i32>} : memref<2x32x1000xf32, #tpu.memory_space<vmem>>, vector<16xf32>,
        %get3A_2020 = arith.constant 0 : i32
        %get3A_2021 = arith.index_cast %get3A_2020 : i32 to index
        %get3A_2022 = arith.index_cast %scan3A_1503 : i32 to index
        %get3A_2023 = arith.constant 688 : index
        %get3A_2024 = tpu.vector_load %arg11[%get3A_2021, %get3A_2022, %get3A_2023] {strides = array<i32>} : memref<2x16x1024xf32, #tpu.memory_space<vmem>>, vector<16xf32>,
        %add3A_2025 = arith.constant 0 : i32
        %add3A_2026 = arith.addi %add3A_2025, %scan3A_1503 : i32
        %swap3A_2027 = arith.constant 1 : i32
        %swap3A_2028 = arith.index_cast %swap3A_2027 : i32 to index
        %swap3A_2029 = arith.index_cast %add3A_2026 : i32 to index
        %swap3A_2030 = arith.constant 688 : index
        %swap3A_2031 = tpu.vector_load %arg12[%swap3A_2028, %swap3A_2029, %swap3A_2030] {strides = array<i32>} : memref<2x32x1000xf32, #tpu.memory_space<vmem>>, vector<16xf32>,
        tpu.vector_store %arg12[%swap3A_2028, %swap3A_2029, %swap3A_2030], %get3A_2024 {strides = array<i32>} : memref<2x32x1000xf32, #tpu.memory_space<vmem>>, vector<16xf32>,
        %get3A_2032 = arith.constant 0 : i32
        %get3A_2033 = arith.index_cast %get3A_2032 : i32 to index
        %get3A_2034 = arith.index_cast %scan3A_1503 : i32 to index
        %get3A_2035 = arith.constant 704 : index
        %get3A_2036 = tpu.vector_load %arg11[%get3A_2033, %get3A_2034, %get3A_2035] {strides = array<i32>} : memref<2x16x1024xf32, #tpu.memory_space<vmem>>, vector<16xf32>,
        %add3A_2037 = arith.constant 0 : i32
        %add3A_2038 = arith.addi %add3A_2037, %scan3A_1503 : i32
        %swap3A_2039 = arith.constant 1 : i32
        %swap3A_2040 = arith.index_cast %swap3A_2039 : i32 to index
        %swap3A_2041 = arith.index_cast %add3A_2038 : i32 to index
        %swap3A_2042 = arith.constant 704 : index
        %swap3A_2043 = tpu.vector_load %arg12[%swap3A_2040, %swap3A_2041, %swap3A_2042] {strides = array<i32>} : memref<2x32x1000xf32, #tpu.memory_space<vmem>>, vector<16xf32>,
        tpu.vector_store %arg12[%swap3A_2040, %swap3A_2041, %swap3A_2042], %get3A_2036 {strides = array<i32>} : memref<2x32x1000xf32, #tpu.memory_space<vmem>>, vector<16xf32>,
        %get3A_2044 = arith.constant 0 : i32
        %get3A_2045 = arith.index_cast %get3A_2044 : i32 to index
        %get3A_2046 = arith.index_cast %scan3A_1503 : i32 to index
        %get3A_2047 = arith.constant 720 : index
        %get3A_2048 = tpu.vector_load %arg11[%get3A_2045, %get3A_2046, %get3A_2047] {strides = array<i32>} : memref<2x16x1024xf32, #tpu.memory_space<vmem>>, vector<16xf32>,
        %add3A_2049 = arith.constant 0 : i32
        %add3A_2050 = arith.addi %add3A_2049, %scan3A_1503 : i32
        %swap3A_2051 = arith.constant 1 : i32
        %swap3A_2052 = arith.index_cast %swap3A_2051 : i32 to index
        %swap3A_2053 = arith.index_cast %add3A_2050 : i32 to index
        %swap3A_2054 = arith.constant 720 : index
        %swap3A_2055 = tpu.vector_load %arg12[%swap3A_2052, %swap3A_2053, %swap3A_2054] {strides = array<i32>} : memref<2x32x1000xf32, #tpu.memory_space<vmem>>, vector<16xf32>,
        tpu.vector_store %arg12[%swap3A_2052, %swap3A_2053, %swap3A_2054], %get3A_2048 {strides = array<i32>} : memref<2x32x1000xf32, #tpu.memory_space<vmem>>, vector<16xf32>,
        %get3A_2056 = arith.constant 0 : i32
        %get3A_2057 = arith.index_cast %get3A_2056 : i32 to index
        %get3A_2058 = arith.index_cast %scan3A_1503 : i32 to index
        %get3A_2059 = arith.constant 736 : index
        %get3A_2060 = tpu.vector_load %arg11[%get3A_2057, %get3A_2058, %get3A_2059] {strides = array<i32>} : memref<2x16x1024xf32, #tpu.memory_space<vmem>>, vector<16xf32>,
        %add3A_2061 = arith.constant 0 : i32
        %add3A_2062 = arith.addi %add3A_2061, %scan3A_1503 : i32
        %swap3A_2063 = arith.constant 1 : i32
        %swap3A_2064 = arith.index_cast %swap3A_2063 : i32 to index
        %swap3A_2065 = arith.index_cast %add3A_2062 : i32 to index
        %swap3A_2066 = arith.constant 736 : index
        %swap3A_2067 = tpu.vector_load %arg12[%swap3A_2064, %swap3A_2065, %swap3A_2066] {strides = array<i32>} : memref<2x32x1000xf32, #tpu.memory_space<vmem>>, vector<16xf32>,
        tpu.vector_store %arg12[%swap3A_2064, %swap3A_2065, %swap3A_2066], %get3A_2060 {strides = array<i32>} : memref<2x32x1000xf32, #tpu.memory_space<vmem>>, vector<16xf32>,
        %get3A_2068 = arith.constant 0 : i32
        %get3A_2069 = arith.index_cast %get3A_2068 : i32 to index
        %get3A_2070 = arith.index_cast %scan3A_1503 : i32 to index
        %get3A_2071 = arith.constant 752 : index
        %get3A_2072 = tpu.vector_load %arg11[%get3A_2069, %get3A_2070, %get3A_2071] {strides = array<i32>} : memref<2x16x1024xf32, #tpu.memory_space<vmem>>, vector<16xf32>,
        %add3A_2073 = arith.constant 0 : i32
        %add3A_2074 = arith.addi %add3A_2073, %scan3A_1503 : i32
        %swap3A_2075 = arith.constant 1 : i32
        %swap3A_2076 = arith.index_cast %swap3A_2075 : i32 to index
        %swap3A_2077 = arith.index_cast %add3A_2074 : i32 to index
        %swap3A_2078 = arith.constant 752 : index
        %swap3A_2079 = tpu.vector_load %arg12[%swap3A_2076, %swap3A_2077, %swap3A_2078] {strides = array<i32>} : memref<2x32x1000xf32, #tpu.memory_space<vmem>>, vector<16xf32>,
        tpu.vector_store %arg12[%swap3A_2076, %swap3A_2077, %swap3A_2078], %get3A_2072 {strides = array<i32>} : memref<2x32x1000xf32, #tpu.memory_space<vmem>>, vector<16xf32>,
        %get3A_2080 = arith.constant 0 : i32
        %get3A_2081 = arith.index_cast %get3A_2080 : i32 to index
        %get3A_2082 = arith.index_cast %scan3A_1503 : i32 to index
        %get3A_2083 = arith.constant 768 : index
        %get3A_2084 = tpu.vector_load %arg11[%get3A_2081, %get3A_2082, %get3A_2083] {strides = array<i32>} : memref<2x16x1024xf32, #tpu.memory_space<vmem>>, vector<16xf32>,
        %add3A_2085 = arith.constant 0 : i32
        %add3A_2086 = arith.addi %add3A_2085, %scan3A_1503 : i32
        %swap3A_2087 = arith.constant 1 : i32
        %swap3A_2088 = arith.index_cast %swap3A_2087 : i32 to index
        %swap3A_2089 = arith.index_cast %add3A_2086 : i32 to index
        %swap3A_2090 = arith.constant 768 : index
        %swap3A_2091 = tpu.vector_load %arg12[%swap3A_2088, %swap3A_2089, %swap3A_2090] {strides = array<i32>} : memref<2x32x1000xf32, #tpu.memory_space<vmem>>, vector<16xf32>,
        tpu.vector_store %arg12[%swap3A_2088, %swap3A_2089, %swap3A_2090], %get3A_2084 {strides = array<i32>} : memref<2x32x1000xf32, #tpu.memory_space<vmem>>, vector<16xf32>,
        %get3A_2092 = arith.constant 0 : i32
        %get3A_2093 = arith.index_cast %get3A_2092 : i32 to index
        %get3A_2094 = arith.index_cast %scan3A_1503 : i32 to index
        %get3A_2095 = arith.constant 784 : index
        %get3A_2096 = tpu.vector_load %arg11[%get3A_2093, %get3A_2094, %get3A_2095] {strides = array<i32>} : memref<2x16x1024xf32, #tpu.memory_space<vmem>>, vector<16xf32>,
        %add3A_2097 = arith.constant 0 : i32
        %add3A_2098 = arith.addi %add3A_2097, %scan3A_1503 : i32
        %swap3A_2099 = arith.constant 1 : i32
        %swap3A_2100 = arith.index_cast %swap3A_2099 : i32 to index
        %swap3A_2101 = arith.index_cast %add3A_2098 : i32 to index
        %swap3A_2102 = arith.constant 784 : index
        %swap3A_2103 = tpu.vector_load %arg12[%swap3A_2100, %swap3A_2101, %swap3A_2102] {strides = array<i32>} : memref<2x32x1000xf32, #tpu.memory_space<vmem>>, vector<16xf32>,
        tpu.vector_store %arg12[%swap3A_2100, %swap3A_2101, %swap3A_2102], %get3A_2096 {strides = array<i32>} : memref<2x32x1000xf32, #tpu.memory_space<vmem>>, vector<16xf32>,
        %get3A_2104 = arith.constant 0 : i32
        %get3A_2105 = arith.index_cast %get3A_2104 : i32 to index
        %get3A_2106 = arith.index_cast %scan3A_1503 : i32 to index
        %get3A_2107 = arith.constant 800 : index
        %get3A_2108 = tpu.vector_load %arg11[%get3A_2105, %get3A_2106, %get3A_2107] {strides = array<i32>} : memref<2x16x1024xf32, #tpu.memory_space<vmem>>, vector<16xf32>,
        %add3A_2109 = arith.constant 0 : i32
        %add3A_2110 = arith.addi %add3A_2109, %scan3A_1503 : i32
        %swap3A_2111 = arith.constant 1 : i32
        %swap3A_2112 = arith.index_cast %swap3A_2111 : i32 to index
        %swap3A_2113 = arith.index_cast %add3A_2110 : i32 to index
        %swap3A_2114 = arith.constant 800 : index
        %swap3A_2115 = tpu.vector_load %arg12[%swap3A_2112, %swap3A_2113, %swap3A_2114] {strides = array<i32>} : memref<2x32x1000xf32, #tpu.memory_space<vmem>>, vector<16xf32>,
        tpu.vector_store %arg12[%swap3A_2112, %swap3A_2113, %swap3A_2114], %get3A_2108 {strides = array<i32>} : memref<2x32x1000xf32, #tpu.memory_space<vmem>>, vector<16xf32>,
        %get3A_2116 = arith.constant 0 : i32
        %get3A_2117 = arith.index_cast %get3A_2116 : i32 to index
        %get3A_2118 = arith.index_cast %scan3A_1503 : i32 to index
        %get3A_2119 = arith.constant 816 : index
        %get3A_2120 = tpu.vector_load %arg11[%get3A_2117, %get3A_2118, %get3A_2119] {strides = array<i32>} : memref<2x16x1024xf32, #tpu.memory_space<vmem>>, vector<16xf32>,
        %add3A_2121 = arith.constant 0 : i32
        %add3A_2122 = arith.addi %add3A_2121, %scan3A_1503 : i32
        %swap3A_2123 = arith.constant 1 : i32
        %swap3A_2124 = arith.index_cast %swap3A_2123 : i32 to index
        %swap3A_2125 = arith.index_cast %add3A_2122 : i32 to index
        %swap3A_2126 = arith.constant 816 : index
        %swap3A_2127 = tpu.vector_load %arg12[%swap3A_2124, %swap3A_2125, %swap3A_2126] {strides = array<i32>} : memref<2x32x1000xf32, #tpu.memory_space<vmem>>, vector<16xf32>,
        tpu.vector_store %arg12[%swap3A_2124, %swap3A_2125, %swap3A_2126], %get3A_2120 {strides = array<i32>} : memref<2x32x1000xf32, #tpu.memory_space<vmem>>, vector<16xf32>,
        %get3A_2128 = arith.constant 0 : i32
        %get3A_2129 = arith.index_cast %get3A_2128 : i32 to index
        %get3A_2130 = arith.index_cast %scan3A_1503 : i32 to index
        %get3A_2131 = arith.constant 832 : index
        %get3A_2132 = tpu.vector_load %arg11[%get3A_2129, %get3A_2130, %get3A_2131] {strides = array<i32>} : memref<2x16x1024xf32, #tpu.memory_space<vmem>>, vector<16xf32>,
        %add3A_2133 = arith.constant 0 : i32
        %add3A_2134 = arith.addi %add3A_2133, %scan3A_1503 : i32
        %swap3A_2135 = arith.constant 1 : i32
        %swap3A_2136 = arith.index_cast %swap3A_2135 : i32 to index
        %swap3A_2137 = arith.index_cast %add3A_2134 : i32 to index
        %swap3A_2138 = arith.constant 832 : index
        %swap3A_2139 = tpu.vector_load %arg12[%swap3A_2136, %swap3A_2137, %swap3A_2138] {strides = array<i32>} : memref<2x32x1000xf32, #tpu.memory_space<vmem>>, vector<16xf32>,
        tpu.vector_store %arg12[%swap3A_2136, %swap3A_2137, %swap3A_2138], %get3A_2132 {strides = array<i32>} : memref<2x32x1000xf32, #tpu.memory_space<vmem>>, vector<16xf32>,
        %get3A_2140 = arith.constant 0 : i32
        %get3A_2141 = arith.index_cast %get3A_2140 : i32 to index
        %get3A_2142 = arith.index_cast %scan3A_1503 : i32 to index
        %get3A_2143 = arith.constant 848 : index
        %get3A_2144 = tpu.vector_load %arg11[%get3A_2141, %get3A_2142, %get3A_2143] {strides = array<i32>} : memref<2x16x1024xf32, #tpu.memory_space<vmem>>, vector<16xf32>,
        %add3A_2145 = arith.constant 0 : i32
        %add3A_2146 = arith.addi %add3A_2145, %scan3A_1503 : i32
        %swap3A_2147 = arith.constant 1 : i32
        %swap3A_2148 = arith.index_cast %swap3A_2147 : i32 to index
        %swap3A_2149 = arith.index_cast %add3A_2146 : i32 to index
        %swap3A_2150 = arith.constant 848 : index
        %swap3A_2151 = tpu.vector_load %arg12[%swap3A_2148, %swap3A_2149, %swap3A_2150] {strides = array<i32>} : memref<2x32x1000xf32, #tpu.memory_space<vmem>>, vector<16xf32>,
        tpu.vector_store %arg12[%swap3A_2148, %swap3A_2149, %swap3A_2150], %get3A_2144 {strides = array<i32>} : memref<2x32x1000xf32, #tpu.memory_space<vmem>>, vector<16xf32>,
        %get3A_2152 = arith.constant 0 : i32
        %get3A_2153 = arith.index_cast %get3A_2152 : i32 to index
        %get3A_2154 = arith.index_cast %scan3A_1503 : i32 to index
        %get3A_2155 = arith.constant 864 : index
        %get3A_2156 = tpu.vector_load %arg11[%get3A_2153, %get3A_2154, %get3A_2155] {strides = array<i32>} : memref<2x16x1024xf32, #tpu.memory_space<vmem>>, vector<16xf32>,
        %add3A_2157 = arith.constant 0 : i32
        %add3A_2158 = arith.addi %add3A_2157, %scan3A_1503 : i32
        %swap3A_2159 = arith.constant 1 : i32
        %swap3A_2160 = arith.index_cast %swap3A_2159 : i32 to index
        %swap3A_2161 = arith.index_cast %add3A_2158 : i32 to index
        %swap3A_2162 = arith.constant 864 : index
        %swap3A_2163 = tpu.vector_load %arg12[%swap3A_2160, %swap3A_2161, %swap3A_2162] {strides = array<i32>} : memref<2x32x1000xf32, #tpu.memory_space<vmem>>, vector<16xf32>,
        tpu.vector_store %arg12[%swap3A_2160, %swap3A_2161, %swap3A_2162], %get3A_2156 {strides = array<i32>} : memref<2x32x1000xf32, #tpu.memory_space<vmem>>, vector<16xf32>,
        %get3A_2164 = arith.constant 0 : i32
        %get3A_2165 = arith.index_cast %get3A_2164 : i32 to index
        %get3A_2166 = arith.index_cast %scan3A_1503 : i32 to index
        %get3A_2167 = arith.constant 880 : index
        %get3A_2168 = tpu.vector_load %arg11[%get3A_2165, %get3A_2166, %get3A_2167] {strides = array<i32>} : memref<2x16x1024xf32, #tpu.memory_space<vmem>>, vector<16xf32>,
        %add3A_2169 = arith.constant 0 : i32
        %add3A_2170 = arith.addi %add3A_2169, %scan3A_1503 : i32
        %swap3A_2171 = arith.constant 1 : i32
        %swap3A_2172 = arith.index_cast %swap3A_2171 : i32 to index
        %swap3A_2173 = arith.index_cast %add3A_2170 : i32 to index
        %swap3A_2174 = arith.constant 880 : index
        %swap3A_2175 = tpu.vector_load %arg12[%swap3A_2172, %swap3A_2173, %swap3A_2174] {strides = array<i32>} : memref<2x32x1000xf32, #tpu.memory_space<vmem>>, vector<16xf32>,
        tpu.vector_store %arg12[%swap3A_2172, %swap3A_2173, %swap3A_2174], %get3A_2168 {strides = array<i32>} : memref<2x32x1000xf32, #tpu.memory_space<vmem>>, vector<16xf32>,
        %get3A_2176 = arith.constant 0 : i32
        %get3A_2177 = arith.index_cast %get3A_2176 : i32 to index
        %get3A_2178 = arith.index_cast %scan3A_1503 : i32 to index
        %get3A_2179 = arith.constant 896 : index
        %get3A_2180 = tpu.vector_load %arg11[%get3A_2177, %get3A_2178, %get3A_2179] {strides = array<i32>} : memref<2x16x1024xf32, #tpu.memory_space<vmem>>, vector<16xf32>,
        %add3A_2181 = arith.constant 0 : i32
        %add3A_2182 = arith.addi %add3A_2181, %scan3A_1503 : i32
        %swap3A_2183 = arith.constant 1 : i32
        %swap3A_2184 = arith.index_cast %swap3A_2183 : i32 to index
        %swap3A_2185 = arith.index_cast %add3A_2182 : i32 to index
        %swap3A_2186 = arith.constant 896 : index
        %swap3A_2187 = tpu.vector_load %arg12[%swap3A_2184, %swap3A_2185, %swap3A_2186] {strides = array<i32>} : memref<2x32x1000xf32, #tpu.memory_space<vmem>>, vector<16xf32>,
        tpu.vector_store %arg12[%swap3A_2184, %swap3A_2185, %swap3A_2186], %get3A_2180 {strides = array<i32>} : memref<2x32x1000xf32, #tpu.memory_space<vmem>>, vector<16xf32>,
        %get3A_2188 = arith.constant 0 : i32
        %get3A_2189 = arith.index_cast %get3A_2188 : i32 to index
        %get3A_2190 = arith.index_cast %scan3A_1503 : i32 to index
        %get3A_2191 = arith.constant 912 : index
        %get3A_2192 = tpu.vector_load %arg11[%get3A_2189, %get3A_2190, %get3A_2191] {strides = array<i32>} : memref<2x16x1024xf32, #tpu.memory_space<vmem>>, vector<16xf32>,
        %add3A_2193 = arith.constant 0 : i32
        %add3A_2194 = arith.addi %add3A_2193, %scan3A_1503 : i32
        %swap3A_2195 = arith.constant 1 : i32
        %swap3A_2196 = arith.index_cast %swap3A_2195 : i32 to index
        %swap3A_2197 = arith.index_cast %add3A_2194 : i32 to index
        %swap3A_2198 = arith.constant 912 : index
        %swap3A_2199 = tpu.vector_load %arg12[%swap3A_2196, %swap3A_2197, %swap3A_2198] {strides = array<i32>} : memref<2x32x1000xf32, #tpu.memory_space<vmem>>, vector<16xf32>,
        tpu.vector_store %arg12[%swap3A_2196, %swap3A_2197, %swap3A_2198], %get3A_2192 {strides = array<i32>} : memref<2x32x1000xf32, #tpu.memory_space<vmem>>, vector<16xf32>,
        %get3A_2200 = arith.constant 0 : i32
        %get3A_2201 = arith.index_cast %get3A_2200 : i32 to index
        %get3A_2202 = arith.index_cast %scan3A_1503 : i32 to index
        %get3A_2203 = arith.constant 928 : index
        %get3A_2204 = tpu.vector_load %arg11[%get3A_2201, %get3A_2202, %get3A_2203] {strides = array<i32>} : memref<2x16x1024xf32, #tpu.memory_space<vmem>>, vector<16xf32>,
        %add3A_2205 = arith.constant 0 : i32
        %add3A_2206 = arith.addi %add3A_2205, %scan3A_1503 : i32
        %swap3A_2207 = arith.constant 1 : i32
        %swap3A_2208 = arith.index_cast %swap3A_2207 : i32 to index
        %swap3A_2209 = arith.index_cast %add3A_2206 : i32 to index
        %swap3A_2210 = arith.constant 928 : index
        %swap3A_2211 = tpu.vector_load %arg12[%swap3A_2208, %swap3A_2209, %swap3A_2210] {strides = array<i32>} : memref<2x32x1000xf32, #tpu.memory_space<vmem>>, vector<16xf32>,
        tpu.vector_store %arg12[%swap3A_2208, %swap3A_2209, %swap3A_2210], %get3A_2204 {strides = array<i32>} : memref<2x32x1000xf32, #tpu.memory_space<vmem>>, vector<16xf32>,
        %get3A_2212 = arith.constant 0 : i32
        %get3A_2213 = arith.index_cast %get3A_2212 : i32 to index
        %get3A_2214 = arith.index_cast %scan3A_1503 : i32 to index
        %get3A_2215 = arith.constant 944 : index
        %get3A_2216 = tpu.vector_load %arg11[%get3A_2213, %get3A_2214, %get3A_2215] {strides = array<i32>} : memref<2x16x1024xf32, #tpu.memory_space<vmem>>, vector<16xf32>,
        %add3A_2217 = arith.constant 0 : i32
        %add3A_2218 = arith.addi %add3A_2217, %scan3A_1503 : i32
        %swap3A_2219 = arith.constant 1 : i32
        %swap3A_2220 = arith.index_cast %swap3A_2219 : i32 to index
        %swap3A_2221 = arith.index_cast %add3A_2218 : i32 to index
        %swap3A_2222 = arith.constant 944 : index
        %swap3A_2223 = tpu.vector_load %arg12[%swap3A_2220, %swap3A_2221, %swap3A_2222] {strides = array<i32>} : memref<2x32x1000xf32, #tpu.memory_space<vmem>>, vector<16xf32>,
        tpu.vector_store %arg12[%swap3A_2220, %swap3A_2221, %swap3A_2222], %get3A_2216 {strides = array<i32>} : memref<2x32x1000xf32, #tpu.memory_space<vmem>>, vector<16xf32>,
        %get3A_2224 = arith.constant 0 : i32
        %get3A_2225 = arith.index_cast %get3A_2224 : i32 to index
        %get3A_2226 = arith.index_cast %scan3A_1503 : i32 to index
        %get3A_2227 = arith.constant 960 : index
        %get3A_2228 = tpu.vector_load %arg11[%get3A_2225, %get3A_2226, %get3A_2227] {strides = array<i32>} : memref<2x16x1024xf32, #tpu.memory_space<vmem>>, vector<16xf32>,
        %add3A_2229 = arith.constant 0 : i32
        %add3A_2230 = arith.addi %add3A_2229, %scan3A_1503 : i32
        %swap3A_2231 = arith.constant 1 : i32
        %swap3A_2232 = arith.index_cast %swap3A_2231 : i32 to index
        %swap3A_2233 = arith.index_cast %add3A_2230 : i32 to index
        %swap3A_2234 = arith.constant 960 : index
        %swap3A_2235 = tpu.vector_load %arg12[%swap3A_2232, %swap3A_2233, %swap3A_2234] {strides = array<i32>} : memref<2x32x1000xf32, #tpu.memory_space<vmem>>, vector<16xf32>,
        tpu.vector_store %arg12[%swap3A_2232, %swap3A_2233, %swap3A_2234], %get3A_2228 {strides = array<i32>} : memref<2x32x1000xf32, #tpu.memory_space<vmem>>, vector<16xf32>,
        %get3A_2236 = arith.constant 0 : i32
        %get3A_2237 = arith.index_cast %get3A_2236 : i32 to index
        %get3A_2238 = arith.index_cast %scan3A_1503 : i32 to index
        %get3A_2239 = arith.constant 976 : index
        %get3A_2240 = tpu.vector_load %arg11[%get3A_2237, %get3A_2238, %get3A_2239] {strides = array<i32>} : memref<2x16x1024xf32, #tpu.memory_space<vmem>>, vector<16xf32>,
        %add3A_2241 = arith.constant 0 : i32
        %add3A_2242 = arith.addi %add3A_2241, %scan3A_1503 : i32
        %swap3A_2243 = arith.constant 1 : i32
        %swap3A_2244 = arith.index_cast %swap3A_2243 : i32 to index
        %swap3A_2245 = arith.index_cast %add3A_2242 : i32 to index
        %swap3A_2246 = arith.constant 976 : index
        %swap3A_2247 = tpu.vector_load %arg12[%swap3A_2244, %swap3A_2245, %swap3A_2246] {strides = array<i32>} : memref<2x32x1000xf32, #tpu.memory_space<vmem>>, vector<16xf32>,
        tpu.vector_store %arg12[%swap3A_2244, %swap3A_2245, %swap3A_2246], %get3A_2240 {strides = array<i32>} : memref<2x32x1000xf32, #tpu.memory_space<vmem>>, vector<16xf32>,
      }
      %scan3A_875 = arith.constant 16 : i32
      %add3A_876 = arith.constant 0 : i32
      %add3A_877 = vector.broadcast %add3A_876 : i32 to vector<16xi32>
      %add3A_878 = arith.addi %select_n3A, %add3A_877 : vector<16xi32>
      %gather3A_879 = arith.constant 0 : i32
      %gather3A_880 = arith.constant 0 : i32
      %gather3A_881 = arith.constant 0 : i32
      %gather3A_882 = tpu.memref_slice %arg11[%gather3A_879, %gather3A_880, %gather3A_881] : memref<2x16x1024xf32, #tpu.memory_space<vmem>> -> memref<1x16x1024xf32, #tpu.memory_space<vmem>>
      %gather3A_883 = tpu.memref_squeeze %gather3A_882 : memref<1x16x1024xf32, #tpu.memory_space<vmem>> -> memref<16x1024xf32, #tpu.memory_space<vmem>>
      %gather3A_884 = tpu.vector_load_idx %gather3A_883[%add3A_878, %add3A_52] : memref<16x1024xf32, #tpu.memory_space<vmem>>[vector<16xi32>, vector<16xi32>], vector<16xf32>,
      %add3A_885 = arith.constant 0 : i32
      %add3A_886 = vector.broadcast %add3A_885 : i32 to vector<16xi32>
      %add3A_887 = arith.addi %select_n3A, %add3A_886 : vector<16xi32>
      %add3A_888 = arith.constant 0 : i32
      %add3A_889 = vector.broadcast %add3A_888 : i32 to vector<16xi32>
      %add3A_890 = arith.addi %add3A_887, %add3A_889 : vector<16xi32>
      %scatter3A_891 = arith.constant 1 : i32
      %scatter3A_892 = arith.constant 0 : i32
      %scatter3A_893 = arith.constant 0 : i32
      %scatter3A_894 = tpu.memref_slice %arg12[%scatter3A_891, %scatter3A_892, %scatter3A_893] : memref<2x32x1000xf32, #tpu.memory_space<vmem>> -> memref<1x32x1000xf32, #tpu.memory_space<vmem>>
      %scatter3A_895 = tpu.memref_squeeze %scatter3A_894 : memref<1x32x1000xf32, #tpu.memory_space<vmem>> -> memref<32x1000xf32, #tpu.memory_space<vmem>>
      tpu.vector_store_idx %scatter3A_895[%add3A_890, %add3A_52], %gather3A_884 : memref<32x1000xf32, #tpu.memory_space<vmem>>[vector<16xi32>, vector<16xi32>], vector<16xf32>,
      %add3A_896 = arith.constant 2 : i32
      %add3A_897 = vector.broadcast %add3A_896 : i32 to vector<16xi32>
      %add3A_898 = arith.addi %select_n3A, %add3A_897 : vector<16xi32>
      %gather3A_899 = arith.constant 0 : i32
      %gather3A_900 = arith.constant 0 : i32
      %gather3A_901 = arith.constant 0 : i32
      %gather3A_902 = tpu.memref_slice %arg11[%gather3A_899, %gather3A_900, %gather3A_901] : memref<2x16x1024xf32, #tpu.memory_space<vmem>> -> memref<1x16x1024xf32, #tpu.memory_space<vmem>>
      %gather3A_903 = tpu.memref_squeeze %gather3A_902 : memref<1x16x1024xf32, #tpu.memory_space<vmem>> -> memref<16x1024xf32, #tpu.memory_space<vmem>>
      %gather3A_904 = tpu.vector_load_idx %gather3A_903[%add3A_898, %add3A_52] : memref<16x1024xf32, #tpu.memory_space<vmem>>[vector<16xi32>, vector<16xi32>], vector<16xf32>,
      %add3A_905 = arith.constant 2 : i32
      %add3A_906 = vector.broadcast %add3A_905 : i32 to vector<16xi32>
      %add3A_907 = arith.addi %select_n3A, %add3A_906 : vector<16xi32>
      %add3A_908 = arith.constant 0 : i32
      %add3A_909 = vector.broadcast %add3A_908 : i32 to vector<16xi32>
      %add3A_910 = arith.addi %add3A_907, %add3A_909 : vector<16xi32>
      %scatter3A_911 = arith.constant 1 : i32
      %scatter3A_912 = arith.constant 0 : i32
      %scatter3A_913 = arith.constant 0 : i32
      %scatter3A_914 = tpu.memref_slice %arg12[%scatter3A_911, %scatter3A_912, %scatter3A_913] : memref<2x32x1000xf32, #tpu.memory_space<vmem>> -> memref<1x32x1000xf32, #tpu.memory_space<vmem>>
      %scatter3A_915 = tpu.memref_squeeze %scatter3A_914 : memref<1x32x1000xf32, #tpu.memory_space<vmem>> -> memref<32x1000xf32, #tpu.memory_space<vmem>>
      tpu.vector_store_idx %scatter3A_915[%add3A_910, %add3A_52], %gather3A_904 : memref<32x1000xf32, #tpu.memory_space<vmem>>[vector<16xi32>, vector<16xi32>], vector<16xf32>,
      %add3A_916 = arith.constant 4 : i32
      %add3A_917 = vector.broadcast %add3A_916 : i32 to vector<16xi32>
      %add3A_918 = arith.addi %select_n3A, %add3A_917 : vector<16xi32>
      %gather3A_919 = arith.constant 0 : i32
      %gather3A_920 = arith.constant 0 : i32
      %gather3A_921 = arith.constant 0 : i32
      %gather3A_922 = tpu.memref_slice %arg11[%gather3A_919, %gather3A_920, %gather3A_921] : memref<2x16x1024xf32, #tpu.memory_space<vmem>> -> memref<1x16x1024xf32, #tpu.memory_space<vmem>>
      %gather3A_923 = tpu.memref_squeeze %gather3A_922 : memref<1x16x1024xf32, #tpu.memory_space<vmem>> -> memref<16x1024xf32, #tpu.memory_space<vmem>>
      %gather3A_924 = tpu.vector_load_idx %gather3A_923[%add3A_918, %add3A_52] : memref<16x1024xf32, #tpu.memory_space<vmem>>[vector<16xi32>, vector<16xi32>], vector<16xf32>,
      %add3A_925 = arith.constant 4 : i32
      %add3A_926 = vector.broadcast %add3A_925 : i32 to vector<16xi32>
      %add3A_927 = arith.addi %select_n3A, %add3A_926 : vector<16xi32>
      %add3A_928 = arith.constant 0 : i32
      %add3A_929 = vector.broadcast %add3A_928 : i32 to vector<16xi32>
      %add3A_930 = arith.addi %add3A_927, %add3A_929 : vector<16xi32>
      %scatter3A_931 = arith.constant 1 : i32
      %scatter3A_932 = arith.constant 0 : i32
      %scatter3A_933 = arith.constant 0 : i32
      %scatter3A_934 = tpu.memref_slice %arg12[%scatter3A_931, %scatter3A_932, %scatter3A_933] : memref<2x32x1000xf32, #tpu.memory_space<vmem>> -> memref<1x32x1000xf32, #tpu.memory_space<vmem>>
      %scatter3A_935 = tpu.memref_squeeze %scatter3A_934 : memref<1x32x1000xf32, #tpu.memory_space<vmem>> -> memref<32x1000xf32, #tpu.memory_space<vmem>>
      tpu.vector_store_idx %scatter3A_935[%add3A_930, %add3A_52], %gather3A_924 : memref<32x1000xf32, #tpu.memory_space<vmem>>[vector<16xi32>, vector<16xi32>], vector<16xf32>,
      %add3A_936 = arith.constant 6 : i32
      %add3A_937 = vector.broadcast %add3A_936 : i32 to vector<16xi32>
      %add3A_938 = arith.addi %select_n3A, %add3A_937 : vector<16xi32>
      %gather3A_939 = arith.constant 0 : i32
      %gather3A_940 = arith.constant 0 : i32
      %gather3A_941 = arith.constant 0 : i32
      %gather3A_942 = tpu.memref_slice %arg11[%gather3A_939, %gather3A_940, %gather3A_941] : memref<2x16x1024xf32, #tpu.memory_space<vmem>> -> memref<1x16x1024xf32, #tpu.memory_space<vmem>>
      %gather3A_943 = tpu.memref_squeeze %gather3A_942 : memref<1x16x1024xf32, #tpu.memory_space<vmem>> -> memref<16x1024xf32, #tpu.memory_space<vmem>>
      %gather3A_944 = tpu.vector_load_idx %gather3A_943[%add3A_938, %add3A_52] : memref<16x1024xf32, #tpu.memory_space<vmem>>[vector<16xi32>, vector<16xi32>], vector<16xf32>,
      %add3A_945 = arith.constant 6 : i32
      %add3A_946 = vector.broadcast %add3A_945 : i32 to vector<16xi32>
      %add3A_947 = arith.addi %select_n3A, %add3A_946 : vector<16xi32>
      %add3A_948 = arith.constant 0 : i32
      %add3A_949 = vector.broadcast %add3A_948 : i32 to vector<16xi32>
      %add3A_950 = arith.addi %add3A_947, %add3A_949 : vector<16xi32>
      %scatter3A_951 = arith.constant 1 : i32
      %scatter3A_952 = arith.constant 0 : i32
      %scatter3A_953 = arith.constant 0 : i32
      %scatter3A_954 = tpu.memref_slice %arg12[%scatter3A_951, %scatter3A_952, %scatter3A_953] : memref<2x32x1000xf32, #tpu.memory_space<vmem>> -> memref<1x32x1000xf32, #tpu.memory_space<vmem>>
      %scatter3A_955 = tpu.memref_squeeze %scatter3A_954 : memref<1x32x1000xf32, #tpu.memory_space<vmem>> -> memref<32x1000xf32, #tpu.memory_space<vmem>>
      tpu.vector_store_idx %scatter3A_955[%add3A_950, %add3A_52], %gather3A_944 : memref<32x1000xf32, #tpu.memory_space<vmem>>[vector<16xi32>, vector<16xi32>], vector<16xf32>,
      %add3A_956 = arith.constant 8 : i32
      %add3A_957 = vector.broadcast %add3A_956 : i32 to vector<16xi32>
      %add3A_958 = arith.addi %select_n3A, %add3A_957 : vector<16xi32>
      %gather3A_959 = arith.constant 0 : i32
      %gather3A_960 = arith.constant 0 : i32
      %gather3A_961 = arith.constant 0 : i32
      %gather3A_962 = tpu.memref_slice %arg11[%gather3A_959, %gather3A_960, %gather3A_961] : memref<2x16x1024xf32, #tpu.memory_space<vmem>> -> memref<1x16x1024xf32, #tpu.memory_space<vmem>>
      %gather3A_963 = tpu.memref_squeeze %gather3A_962 : memref<1x16x1024xf32, #tpu.memory_space<vmem>> -> memref<16x1024xf32, #tpu.memory_space<vmem>>
      %gather3A_964 = tpu.vector_load_idx %gather3A_963[%add3A_958, %add3A_52] : memref<16x1024xf32, #tpu.memory_space<vmem>>[vector<16xi32>, vector<16xi32>], vector<16xf32>,
      %add3A_965 = arith.constant 8 : i32
      %add3A_966 = vector.broadcast %add3A_965 : i32 to vector<16xi32>
      %add3A_967 = arith.addi %select_n3A, %add3A_966 : vector<16xi32>
      %add3A_968 = arith.constant 0 : i32
      %add3A_969 = vector.broadcast %add3A_968 : i32 to vector<16xi32>
      %add3A_970 = arith.addi %add3A_967, %add3A_969 : vector<16xi32>
      %scatter3A_971 = arith.constant 1 : i32
      %scatter3A_972 = arith.constant 0 : i32
      %scatter3A_973 = arith.constant 0 : i32
      %scatter3A_974 = tpu.memref_slice %arg12[%scatter3A_971, %scatter3A_972, %scatter3A_973] : memref<2x32x1000xf32, #tpu.memory_space<vmem>> -> memref<1x32x1000xf32, #tpu.memory_space<vmem>>
      %scatter3A_975 = tpu.memref_squeeze %scatter3A_974 : memref<1x32x1000xf32, #tpu.memory_space<vmem>> -> memref<32x1000xf32, #tpu.memory_space<vmem>>
      tpu.vector_store_idx %scatter3A_975[%add3A_970, %add3A_52], %gather3A_964 : memref<32x1000xf32, #tpu.memory_space<vmem>>[vector<16xi32>, vector<16xi32>], vector<16xf32>,
      %add3A_976 = arith.constant 10 : i32
      %add3A_977 = vector.broadcast %add3A_976 : i32 to vector<16xi32>
      %add3A_978 = arith.addi %select_n3A, %add3A_977 : vector<16xi32>
      %gather3A_979 = arith.constant 0 : i32
      %gather3A_980 = arith.constant 0 : i32
      %gather3A_981 = arith.constant 0 : i32
      %gather3A_982 = tpu.memref_slice %arg11[%gather3A_979, %gather3A_980, %gather3A_981] : memref<2x16x1024xf32, #tpu.memory_space<vmem>> -> memref<1x16x1024xf32, #tpu.memory_space<vmem>>
      %gather3A_983 = tpu.memref_squeeze %gather3A_982 : memref<1x16x1024xf32, #tpu.memory_space<vmem>> -> memref<16x1024xf32, #tpu.memory_space<vmem>>
      %gather3A_984 = tpu.vector_load_idx %gather3A_983[%add3A_978, %add3A_52] : memref<16x1024xf32, #tpu.memory_space<vmem>>[vector<16xi32>, vector<16xi32>], vector<16xf32>,
      %add3A_985 = arith.constant 10 : i32
      %add3A_986 = vector.broadcast %add3A_985 : i32 to vector<16xi32>
      %add3A_987 = arith.addi %select_n3A, %add3A_986 : vector<16xi32>
      %add3A_988 = arith.constant 0 : i32
      %add3A_989 = vector.broadcast %add3A_988 : i32 to vector<16xi32>
      %add3A_990 = arith.addi %add3A_987, %add3A_989 : vector<16xi32>
      %scatter3A_991 = arith.constant 1 : i32
      %scatter3A_992 = arith.constant 0 : i32
      %scatter3A_993 = arith.constant 0 : i32
      %scatter3A_994 = tpu.memref_slice %arg12[%scatter3A_991, %scatter3A_992, %scatter3A_993] : memref<2x32x1000xf32, #tpu.memory_space<vmem>> -> memref<1x32x1000xf32, #tpu.memory_space<vmem>>
      %scatter3A_995 = tpu.memref_squeeze %scatter3A_994 : memref<1x32x1000xf32, #tpu.memory_space<vmem>> -> memref<32x1000xf32, #tpu.memory_space<vmem>>
      tpu.vector_store_idx %scatter3A_995[%add3A_990, %add3A_52], %gather3A_984 : memref<32x1000xf32, #tpu.memory_space<vmem>>[vector<16xi32>, vector<16xi32>], vector<16xf32>,
      %add3A_996 = arith.constant 12 : i32
      %add3A_997 = vector.broadcast %add3A_996 : i32 to vector<16xi32>
      %add3A_998 = arith.addi %select_n3A, %add3A_997 : vector<16xi32>
      %gather3A_999 = arith.constant 0 : i32
      %gather3A_1000 = arith.constant 0 : i32
      %gather3A_1001 = arith.constant 0 : i32
      %gather3A_1002 = tpu.memref_slice %arg11[%gather3A_999, %gather3A_1000, %gather3A_1001] : memref<2x16x1024xf32, #tpu.memory_space<vmem>> -> memref<1x16x1024xf32, #tpu.memory_space<vmem>>
      %gather3A_1003 = tpu.memref_squeeze %gather3A_1002 : memref<1x16x1024xf32, #tpu.memory_space<vmem>> -> memref<16x1024xf32, #tpu.memory_space<vmem>>
      %gather3A_1004 = tpu.vector_load_idx %gather3A_1003[%add3A_998, %add3A_52] : memref<16x1024xf32, #tpu.memory_space<vmem>>[vector<16xi32>, vector<16xi32>], vector<16xf32>,
      %add3A_1005 = arith.constant 12 : i32
      %add3A_1006 = vector.broadcast %add3A_1005 : i32 to vector<16xi32>
      %add3A_1007 = arith.addi %select_n3A, %add3A_1006 : vector<16xi32>
      %add3A_1008 = arith.constant 0 : i32
      %add3A_1009 = vector.broadcast %add3A_1008 : i32 to vector<16xi32>
      %add3A_1010 = arith.addi %add3A_1007, %add3A_1009 : vector<16xi32>
      %scatter3A_1011 = arith.constant 1 : i32
      %scatter3A_1012 = arith.constant 0 : i32
      %scatter3A_1013 = arith.constant 0 : i32
      %scatter3A_1014 = tpu.memref_slice %arg12[%scatter3A_1011, %scatter3A_1012, %scatter3A_1013] : memref<2x32x1000xf32, #tpu.memory_space<vmem>> -> memref<1x32x1000xf32, #tpu.memory_space<vmem>>
      %scatter3A_1015 = tpu.memref_squeeze %scatter3A_1014 : memref<1x32x1000xf32, #tpu.memory_space<vmem>> -> memref<32x1000xf32, #tpu.memory_space<vmem>>
      tpu.vector_store_idx %scatter3A_1015[%add3A_1010, %add3A_52], %gather3A_1004 : memref<32x1000xf32, #tpu.memory_space<vmem>>[vector<16xi32>, vector<16xi32>], vector<16xf32>,
      %add3A_1016 = arith.constant 14 : i32
      %add3A_1017 = vector.broadcast %add3A_1016 : i32 to vector<16xi32>
      %add3A_1018 = arith.addi %select_n3A, %add3A_1017 : vector<16xi32>
      %gather3A_1019 = arith.constant 0 : i32
      %gather3A_1020 = arith.constant 0 : i32
      %gather3A_1021 = arith.constant 0 : i32
      %gather3A_1022 = tpu.memref_slice %arg11[%gather3A_1019, %gather3A_1020, %gather3A_1021] : memref<2x16x1024xf32, #tpu.memory_space<vmem>> -> memref<1x16x1024xf32, #tpu.memory_space<vmem>>
      %gather3A_1023 = tpu.memref_squeeze %gather3A_1022 : memref<1x16x1024xf32, #tpu.memory_space<vmem>> -> memref<16x1024xf32, #tpu.memory_space<vmem>>
      %gather3A_1024 = tpu.vector_load_idx %gather3A_1023[%add3A_1018, %add3A_52] : memref<16x1024xf32, #tpu.memory_space<vmem>>[vector<16xi32>, vector<16xi32>], vector<16xf32>,
      %add3A_1025 = arith.constant 14 : i32
      %add3A_1026 = vector.broadcast %add3A_1025 : i32 to vector<16xi32>
      %add3A_1027 = arith.addi %select_n3A, %add3A_1026 : vector<16xi32>
      %add3A_1028 = arith.constant 0 : i32
      %add3A_1029 = vector.broadcast %add3A_1028 : i32 to vector<16xi32>
      %add3A_1030 = arith.addi %add3A_1027, %add3A_1029 : vector<16xi32>
      %scatter3A_1031 = arith.constant 1 : i32
      %scatter3A_1032 = arith.constant 0 : i32
      %scatter3A_1033 = arith.constant 0 : i32
      %scatter3A_1034 = tpu.memref_slice %arg12[%scatter3A_1031, %scatter3A_1032, %scatter3A_1033] : memref<2x32x1000xf32, #tpu.memory_space<vmem>> -> memref<1x32x1000xf32, #tpu.memory_space<vmem>>
      %scatter3A_1035 = tpu.memref_squeeze %scatter3A_1034 : memref<1x32x1000xf32, #tpu.memory_space<vmem>> -> memref<32x1000xf32, #tpu.memory_space<vmem>>
      tpu.vector_store_idx %scatter3A_1035[%add3A_1030, %add3A_52], %gather3A_1024 : memref<32x1000xf32, #tpu.memory_space<vmem>>[vector<16xi32>, vector<16xi32>], vector<16xf32>,
      %jit3A_1036 = arith.constant 8 : i32
      %div3A_1037 = arith.divsi %add3A_816, %jit3A_1036 : i32
      %sign3A_1038 = arith.constant 0 : i32
      %sign3A_1039 = arith.cmpi sgt, %add3A_816, %sign3A_1038 : i32
      %sign3A_1040 = arith.extui %sign3A_1039 : i1 to i32
      %sign3A_1041 = arith.constant 0 : i32
      %sign3A_1042 = arith.cmpi slt, %add3A_816, %sign3A_1041 : i32
      %sign3A_1043 = arith.extui %sign3A_1042 : i1 to i32
      %sign3A_1044 = arith.subi %sign3A_1040, %sign3A_1043 : i32
      %sign3A_1045 = arith.constant 0 : i32
      %sign3A_1046 = arith.cmpi sgt, %jit3A_1036, %sign3A_1045 : i32
      %sign3A_1047 = arith.extui %sign3A_1046 : i1 to i32
      %sign3A_1048 = arith.constant 0 : i32
      %sign3A_1049 = arith.cmpi slt, %jit3A_1036, %sign3A_1048 : i32
      %sign3A_1050 = arith.extui %sign3A_1049 : i1 to i32
      %sign3A_1051 = arith.subi %sign3A_1047, %sign3A_1050 : i32
      %ne3A_1052 = arith.cmpi ne, %sign3A_1044, %sign3A_1051 : i32
      %rem3A_1053 = arith.remsi %add3A_816, %jit3A_1036 : i32
      %ne3A_1054 = arith.constant 0 : i32
      %ne3A_1055 = arith.cmpi ne, %rem3A_1053, %ne3A_1054 : i32
      %and3A_1056 = arith.andi %ne3A_1052, %ne3A_1055 : i1
      %sub3A_1057 = arith.constant 1 : i32
      %sub3A_1058 = arith.subi %div3A_1037, %sub3A_1057 : i32
      %select_n3A_1059 = arith.select %and3A_1056, %sub3A_1058, %div3A_1037 : i32
      %jit3A_1060 = arith.constant 8 : i32
      %eq3A_1061 = arith.constant 0 : i32
      %eq3A_1062 = arith.cmpi eq, %jit3A_1060, %eq3A_1061 : i32
      %jit3A_1063 = arith.constant 1 : i32
      %select_n3A_1064 = arith.select %eq3A_1062, %jit3A_1063, %jit3A_1060 : i32
      %rem3A_1065 = arith.remsi %add3A_816, %select_n3A_1064 : i32
      %ne3A_1066 = arith.constant 0 : i32
      %ne3A_1067 = arith.cmpi ne, %rem3A_1065, %ne3A_1066 : i32
      %lt3A_1068 = arith.constant 0 : i32
      %lt3A_1069 = arith.cmpi slt, %rem3A_1065, %lt3A_1068 : i32
      %lt3A_1070 = arith.constant 0 : i32
      %lt3A_1071 = arith.cmpi slt, %select_n3A_1064, %lt3A_1070 : i32
      %ne3A_1072 = arith.xori %lt3A_1069, %lt3A_1071 : i1
      %and3A_1073 = arith.andi %ne3A_1072, %ne3A_1067 : i1
      %add3A_1074 = arith.addi %rem3A_1065, %select_n3A_1064 : i32
      %select_n3A_1075 = arith.select %and3A_1073, %add3A_1074, %rem3A_1065 : i32
      %mul3A_1076 = arith.constant 16 : i32
      %mul3A_1077 = arith.muli %select_n3A_1075, %mul3A_1076 : i32
      %get3A_1078 = arith.index_cast %select_n3A_1059 : i32 to index
      %get3A_1079 = arith.index_cast %mul3A_1077 : i32 to index
      %get3A_1080 = tpu.vector_load %arg9[%get3A_1078, %get3A_1079] {strides = array<i32>} : memref<13x128xi32, #tpu.memory_space<vmem>>, vector<16xi32>,
      %gather3A_1081 = arith.constant 0 : i32
      %gather3A_1082 = arith.constant 0 : i32
      %gather3A_1083 = arith.constant 0 : i32
      %gather3A_1084 = tpu.memref_slice %arg11[%gather3A_1081, %gather3A_1082, %gather3A_1083] : memref<2x16x1024xf32, #tpu.memory_space<vmem>> -> memref<1x16x1024xf32, #tpu.memory_space<vmem>>
      %gather3A_1085 = tpu.memref_squeeze %gather3A_1084 : memref<1x16x1024xf32, #tpu.memory_space<vmem>> -> memref<16x1024xf32, #tpu.memory_space<vmem>>
      %gather3A_1086 = tpu.vector_load_idx %gather3A_1085[%iota3A, %get3A_1080] : memref<16x1024xf32, #tpu.memory_space<vmem>>[vector<16xi32>, vector<16xi32>], vector<16xf32>,
      %jit3A_1087 = arith.constant 8 : i32
      %div3A_1088 = arith.divsi %add3A_816, %jit3A_1087 : i32
      %sign3A_1089 = arith.constant 0 : i32
      %sign3A_1090 = arith.cmpi sgt, %add3A_816, %sign3A_1089 : i32
      %sign3A_1091 = arith.extui %sign3A_1090 : i1 to i32
      %sign3A_1092 = arith.constant 0 : i32
      %sign3A_1093 = arith.cmpi slt, %add3A_816, %sign3A_1092 : i32
      %sign3A_1094 = arith.extui %sign3A_1093 : i1 to i32
      %sign3A_1095 = arith.subi %sign3A_1091, %sign3A_1094 : i32
      %sign3A_1096 = arith.constant 0 : i32
      %sign3A_1097 = arith.cmpi sgt, %jit3A_1087, %sign3A_1096 : i32
      %sign3A_1098 = arith.extui %sign3A_1097 : i1 to i32
      %sign3A_1099 = arith.constant 0 : i32
      %sign3A_1100 = arith.cmpi slt, %jit3A_1087, %sign3A_1099 : i32
      %sign3A_1101 = arith.extui %sign3A_1100 : i1 to i32
      %sign3A_1102 = arith.subi %sign3A_1098, %sign3A_1101 : i32
      %ne3A_1103 = arith.cmpi ne, %sign3A_1095, %sign3A_1102 : i32
      %rem3A_1104 = arith.remsi %add3A_816, %jit3A_1087 : i32
      %ne3A_1105 = arith.constant 0 : i32
      %ne3A_1106 = arith.cmpi ne, %rem3A_1104, %ne3A_1105 : i32
      %and3A_1107 = arith.andi %ne3A_1103, %ne3A_1106 : i1
      %sub3A_1108 = arith.constant 1 : i32
      %sub3A_1109 = arith.subi %div3A_1088, %sub3A_1108 : i32
      %select_n3A_1110 = arith.select %and3A_1107, %sub3A_1109, %div3A_1088 : i32
      %jit3A_1111 = arith.constant 8 : i32
      %eq3A_1112 = arith.constant 0 : i32
      %eq3A_1113 = arith.cmpi eq, %jit3A_1111, %eq3A_1112 : i32
      %jit3A_1114 = arith.constant 1 : i32
      %select_n3A_1115 = arith.select %eq3A_1113, %jit3A_1114, %jit3A_1111 : i32
      %rem3A_1116 = arith.remsi %add3A_816, %select_n3A_1115 : i32
      %ne3A_1117 = arith.constant 0 : i32
      %ne3A_1118 = arith.cmpi ne, %rem3A_1116, %ne3A_1117 : i32
      %lt3A_1119 = arith.constant 0 : i32
      %lt3A_1120 = arith.cmpi slt, %rem3A_1116, %lt3A_1119 : i32
      %lt3A_1121 = arith.constant 0 : i32
      %lt3A_1122 = arith.cmpi slt, %select_n3A_1115, %lt3A_1121 : i32
      %ne3A_1123 = arith.xori %lt3A_1120, %lt3A_1122 : i1
      %and3A_1124 = arith.andi %ne3A_1123, %ne3A_1118 : i1
      %add3A_1125 = arith.addi %rem3A_1116, %select_n3A_1115 : i32
      %select_n3A_1126 = arith.select %and3A_1124, %add3A_1125, %rem3A_1116 : i32
      %mul3A_1127 = arith.constant 16 : i32
      %mul3A_1128 = arith.muli %select_n3A_1126, %mul3A_1127 : i32
      %get3A_1129 = arith.index_cast %select_n3A_1110 : i32 to index
      %get3A_1130 = arith.index_cast %mul3A_1128 : i32 to index
      %get3A_1131 = tpu.vector_load %arg8[%get3A_1129, %get3A_1130] {strides = array<i32>} : memref<13x128xi32, #tpu.memory_space<vmem>>, vector<16xi32>,
      %gather3A_1132 = tpu.vector_load_idx %arg10[%get3A_1131] : memref<1000xf32, #tpu.memory_space<vmem>>[vector<16xi32>], vector<16xf32>,
      %get3A_1133 = arith.constant 0 : i32
      %get3A_1134 = arith.index_cast %get3A_1133 : i32 to index
      %get3A_1135 = arith.constant 0 : index
      %get3A_1136 = tpu.vector_load %arg13[%get3A_1134, %get3A_1135] {strides = array<i32>} : memref<1x16xf32, #tpu.memory_space<vmem>>, vector<16xf32>,
      %sub3A_1137 = arith.subf %gather3A_1086, %gather3A_1132 : vector<16xf32>
      %add3A_1138 = arith.addf %get3A_1136, %sub3A_1137 : vector<16xf32>
      %swap3A_1139 = arith.constant 0 : i32
      %swap3A_1140 = arith.index_cast %swap3A_1139 : i32 to index
      %swap3A_1141 = arith.constant 0 : index
      %swap3A_1142 = tpu.vector_load %arg13[%swap3A_1140, %swap3A_1141] {strides = array<i32>} : memref<1x16xf32, #tpu.memory_space<vmem>>, vector<16xf32>,
      tpu.vector_store %arg13[%swap3A_1140, %swap3A_1141], %add3A_1138 {strides = array<i32>} : memref<1x16xf32, #tpu.memory_space<vmem>>, vector<16xf32>,
      %add3A_1143 = arith.constant 2 : i32
      %add3A_1144 = arith.addi %add3A_816, %add3A_1143 : i32
      %lt3A_1145 = arith.constant 100 : i32
      %lt3A_1146 = arith.cmpi slt, %add3A_1144, %lt3A_1145 : i32
      %convert_element_type3A_1147 = arith.extui %lt3A_1146 : i1 to i32
      %cond3A_1148 = arith.constant 0 : i32
      %cond3A_1149 = arith.cmpi ne, %convert_element_type3A_1147, %cond3A_1148 : i32
      scf.if %cond3A_1149 {
        %add3A_1503 = arith.constant 2 : i32
        %add3A_1504 = arith.addi %add3A_816, %add3A_1503 : i32
        %jit3A_1505 = arith.constant 8 : i32
        %div3A_1506 = arith.divsi %add3A_1504, %jit3A_1505 : i32
        %sign3A_1507 = arith.constant 0 : i32
        %sign3A_1508 = arith.cmpi sgt, %add3A_1504, %sign3A_1507 : i32
        %sign3A_1509 = arith.extui %sign3A_1508 : i1 to i32
        %sign3A_1510 = arith.constant 0 : i32
        %sign3A_1511 = arith.cmpi slt, %add3A_1504, %sign3A_1510 : i32
        %sign3A_1512 = arith.extui %sign3A_1511 : i1 to i32
        %sign3A_1513 = arith.subi %sign3A_1509, %sign3A_1512 : i32
        %sign3A_1514 = arith.constant 0 : i32
        %sign3A_1515 = arith.cmpi sgt, %jit3A_1505, %sign3A_1514 : i32
        %sign3A_1516 = arith.extui %sign3A_1515 : i1 to i32
        %sign3A_1517 = arith.constant 0 : i32
        %sign3A_1518 = arith.cmpi slt, %jit3A_1505, %sign3A_1517 : i32
        %sign3A_1519 = arith.extui %sign3A_1518 : i1 to i32
        %sign3A_1520 = arith.subi %sign3A_1516, %sign3A_1519 : i32
        %ne3A_1521 = arith.cmpi ne, %sign3A_1513, %sign3A_1520 : i32
        %rem3A_1522 = arith.remsi %add3A_1504, %jit3A_1505 : i32
        %ne3A_1523 = arith.constant 0 : i32
        %ne3A_1524 = arith.cmpi ne, %rem3A_1522, %ne3A_1523 : i32
        %and3A_1525 = arith.andi %ne3A_1521, %ne3A_1524 : i1
        %sub3A_1526 = arith.constant 1 : i32
        %sub3A_1527 = arith.subi %div3A_1506, %sub3A_1526 : i32
        %select_n3A_1528 = arith.select %and3A_1525, %sub3A_1527, %div3A_1506 : i32
        %jit3A_1529 = arith.constant 8 : i32
        %eq3A_1530 = arith.constant 0 : i32
        %eq3A_1531 = arith.cmpi eq, %jit3A_1529, %eq3A_1530 : i32
        %jit3A_1532 = arith.constant 1 : i32
        %select_n3A_1533 = arith.select %eq3A_1531, %jit3A_1532, %jit3A_1529 : i32
        %rem3A_1534 = arith.remsi %add3A_1504, %select_n3A_1533 : i32
        %ne3A_1535 = arith.constant 0 : i32
        %ne3A_1536 = arith.cmpi ne, %rem3A_1534, %ne3A_1535 : i32
        %lt3A_1537 = arith.constant 0 : i32
        %lt3A_1538 = arith.cmpi slt, %rem3A_1534, %lt3A_1537 : i32
        %lt3A_1539 = arith.constant 0 : i32
        %lt3A_1540 = arith.cmpi slt, %select_n3A_1533, %lt3A_1539 : i32
        %ne3A_1541 = arith.xori %lt3A_1538, %lt3A_1540 : i1
        %and3A_1542 = arith.andi %ne3A_1541, %ne3A_1536 : i1
        %add3A_1543 = arith.addi %rem3A_1534, %select_n3A_1533 : i32
        %select_n3A_1544 = arith.select %and3A_1542, %add3A_1543, %rem3A_1534 : i32
        %mul3A_1545 = arith.constant 16 : i32
        %mul3A_1546 = arith.muli %select_n3A_1544, %mul3A_1545 : i32
        %get3A_1547 = arith.index_cast %select_n3A_1528 : i32 to index
        %get3A_1548 = arith.index_cast %mul3A_1546 : i32 to index
        %get3A_1549 = tpu.vector_load %arg8[%get3A_1547, %get3A_1548] {strides = array<i32>} : memref<13x128xi32, #tpu.memory_space<vmem>>, vector<16xi32>,
        %dma_start3A_1550 = arith.constant 0 : i32
        %dma_start3A_1551 = arith.constant 0 : i32
        %dma_start3A_1552 = arith.constant 0 : i32
        %dma_start3A_1553 = tpu.memref_slice %arg11[%dma_start3A_1550, %dma_start3A_1551, %dma_start3A_1552] : memref<2x16x1024xf32, #tpu.memory_space<vmem>> -> memref<1x16x1024xf32, #tpu.memory_space<vmem>>
        %dma_start3A_1554 = tpu.memref_squeeze %dma_start3A_1553 : memref<1x16x1024xf32, #tpu.memory_space<vmem>> -> memref<16x1024xf32, #tpu.memory_space<vmem>>
        %dma_start3A_1555 = arith.constant 0 : i32
        %dma_start3A_1556 = arith.constant 0 : i32
        %dma_start3A_1557 = tpu.memref_slice %arg2[%dma_start3A_1555, %dma_start3A_1556] : memref<1000x1024xf32, #tpu.memory_space<hbm>> -> memref<1000x1024xf32, #tpu.memory_space<hbm>>
        tpu.enqueue_indirect_dma source(%dma_start3A_1557 : memref<1000x1024xf32, #tpu.memory_space<hbm>>) target(%dma_start3A_1554 : memref<16x1024xf32, #tpu.memory_space<vmem>>) offsets(%get3A_1549 : vector<16xi32>) semaphore(%arg14 : memref<!tpu.dma_semaphore, #tpu.memory_space<semaphore_mem>>)
      } else {
      }
      %mul3A_1150 = arith.constant 2 : i32
      %mul3A_1151 = arith.muli %mul3A_1150, %add3A_807 : i32
      %add3A_1152 = arith.constant 1 : i32
      %add3A_1153 = arith.addi %mul3A_1151, %add3A_1152 : i32
      %jit3A_1154 = arith.constant 8 : i32
      %div3A_1155 = arith.divsi %add3A_1153, %jit3A_1154 : i32
      %sign3A_1156 = arith.constant 0 : i32
      %sign3A_1157 = arith.cmpi sgt, %add3A_1153, %sign3A_1156 : i32
      %sign3A_1158 = arith.extui %sign3A_1157 : i1 to i32
      %sign3A_1159 = arith.constant 0 : i32
      %sign3A_1160 = arith.cmpi slt, %add3A_1153, %sign3A_1159 : i32
      %sign3A_1161 = arith.extui %sign3A_1160 : i1 to i32
      %sign3A_1162 = arith.subi %sign3A_1158, %sign3A_1161 : i32
      %sign3A_1163 = arith.constant 0 : i32
      %sign3A_1164 = arith.cmpi sgt, %jit3A_1154, %sign3A_1163 : i32
      %sign3A_1165 = arith.extui %sign3A_1164 : i1 to i32
      %sign3A_1166 = arith.constant 0 : i32
      %sign3A_1167 = arith.cmpi slt, %jit3A_1154, %sign3A_1166 : i32
      %sign3A_1168 = arith.extui %sign3A_1167 : i1 to i32
      %sign3A_1169 = arith.subi %sign3A_1165, %sign3A_1168 : i32
      %ne3A_1170 = arith.cmpi ne, %sign3A_1162, %sign3A_1169 : i32
      %rem3A_1171 = arith.remsi %add3A_1153, %jit3A_1154 : i32
      %ne3A_1172 = arith.constant 0 : i32
      %ne3A_1173 = arith.cmpi ne, %rem3A_1171, %ne3A_1172 : i32
      %and3A_1174 = arith.andi %ne3A_1170, %ne3A_1173 : i1
      %sub3A_1175 = arith.constant 1 : i32
      %sub3A_1176 = arith.subi %div3A_1155, %sub3A_1175 : i32
      %select_n3A_1177 = arith.select %and3A_1174, %sub3A_1176, %div3A_1155 : i32
      %jit3A_1178 = arith.constant 8 : i32
      %eq3A_1179 = arith.constant 0 : i32
      %eq3A_1180 = arith.cmpi eq, %jit3A_1178, %eq3A_1179 : i32
      %jit3A_1181 = arith.constant 1 : i32
      %select_n3A_1182 = arith.select %eq3A_1180, %jit3A_1181, %jit3A_1178 : i32
      %rem3A_1183 = arith.remsi %add3A_1153, %select_n3A_1182 : i32
      %ne3A_1184 = arith.constant 0 : i32
      %ne3A_1185 = arith.cmpi ne, %rem3A_1183, %ne3A_1184 : i32
      %lt3A_1186 = arith.constant 0 : i32
      %lt3A_1187 = arith.cmpi slt, %rem3A_1183, %lt3A_1186 : i32
      %lt3A_1188 = arith.constant 0 : i32
      %lt3A_1189 = arith.cmpi slt, %select_n3A_1182, %lt3A_1188 : i32
      %ne3A_1190 = arith.xori %lt3A_1187, %lt3A_1189 : i1
      %and3A_1191 = arith.andi %ne3A_1190, %ne3A_1185 : i1
      %add3A_1192 = arith.addi %rem3A_1183, %select_n3A_1182 : i32
      %select_n3A_1193 = arith.select %and3A_1191, %add3A_1192, %rem3A_1183 : i32
      %mul3A_1194 = arith.constant 16 : i32
      %mul3A_1195 = arith.muli %select_n3A_1193, %mul3A_1194 : i32
      %get3A_1196 = arith.index_cast %select_n3A_1177 : i32 to index
      %get3A_1197 = arith.index_cast %mul3A_1195 : i32 to index
      %get3A_1198 = tpu.vector_load %arg8[%get3A_1196, %get3A_1197] {strides = array<i32>} : memref<13x128xi32, #tpu.memory_space<vmem>>, vector<16xi32>,
      %dma_wait3A_1199 = arith.constant 1 : i32
      %dma_wait3A_1200 = arith.constant 0 : i32
      %dma_wait3A_1201 = arith.constant 0 : i32
      %dma_wait3A_1202 = tpu.memref_slice %arg11[%dma_wait3A_1199, %dma_wait3A_1200, %dma_wait3A_1201] : memref<2x16x1024xf32, #tpu.memory_space<vmem>> -> memref<1x16x1024xf32, #tpu.memory_space<vmem>>
      %dma_wait3A_1203 = tpu.memref_squeeze %dma_wait3A_1202 : memref<1x16x1024xf32, #tpu.memory_space<vmem>> -> memref<16x1024xf32, #tpu.memory_space<vmem>>
      %dma_wait3A_1204 = arith.constant 0 : i32
      %dma_wait3A_1205 = arith.constant 0 : i32
      %dma_wait3A_1206 = tpu.memref_slice %arg2[%dma_wait3A_1204, %dma_wait3A_1205] : memref<1000x1024xf32, #tpu.memory_space<hbm>> -> memref<1000x1024xf32, #tpu.memory_space<hbm>>
      tpu.wait_indirect_dma semaphore(%arg15 : memref<!tpu.dma_semaphore, #tpu.memory_space<semaphore_mem>>) src(%dma_wait3A_1206 : memref<1000x1024xf32, #tpu.memory_space<hbm>>) dst(%dma_wait3A_1203 : memref<16x1024xf32, #tpu.memory_space<vmem>>)
      %scan3A_1207 = arith.constant 0 : i32
      %scan3A_1208 = arith.constant 0 : i32
      %scan3A_1209 = arith.constant 16 : i32
      %scan3A_1210 = arith.addi %scan3A_1208, %scan3A_1209 : i32
      %scan3A_1211 = arith.constant 1 : i32
      scf.for %scan3A_1503 = %scan3A_1208 to %scan3A_1210 step %scan3A_1211  : i32 {
        %get3A_1504 = arith.constant 1 : i32
        %get3A_1505 = arith.index_cast %get3A_1504 : i32 to index
        %get3A_1506 = arith.index_cast %scan3A_1503 : i32 to index
        %get3A_1507 = arith.constant 0 : index
        %get3A_1508 = tpu.vector_load %arg11[%get3A_1505, %get3A_1506, %get3A_1507] {strides = array<i32>} : memref<2x16x1024xf32, #tpu.memory_space<vmem>>, vector<16xf32>,
        %add3A_1509 = arith.constant 16 : i32
        %add3A_1510 = arith.addi %add3A_1509, %scan3A_1503 : i32
        %swap3A_1511 = arith.constant 1 : i32
        %swap3A_1512 = arith.index_cast %swap3A_1511 : i32 to index
        %swap3A_1513 = arith.index_cast %add3A_1510 : i32 to index
        %swap3A_1514 = arith.constant 0 : index
        %swap3A_1515 = tpu.vector_load %arg12[%swap3A_1512, %swap3A_1513, %swap3A_1514] {strides = array<i32>} : memref<2x32x1000xf32, #tpu.memory_space<vmem>>, vector<16xf32>,
        tpu.vector_store %arg12[%swap3A_1512, %swap3A_1513, %swap3A_1514], %get3A_1508 {strides = array<i32>} : memref<2x32x1000xf32, #tpu.memory_space<vmem>>, vector<16xf32>,
        %get3A_1516 = arith.constant 1 : i32
        %get3A_1517 = arith.index_cast %get3A_1516 : i32 to index
        %get3A_1518 = arith.index_cast %scan3A_1503 : i32 to index
        %get3A_1519 = arith.constant 16 : index
        %get3A_1520 = tpu.vector_load %arg11[%get3A_1517, %get3A_1518, %get3A_1519] {strides = array<i32>} : memref<2x16x1024xf32, #tpu.memory_space<vmem>>, vector<16xf32>,
        %add3A_1521 = arith.constant 16 : i32
        %add3A_1522 = arith.addi %add3A_1521, %scan3A_1503 : i32
        %swap3A_1523 = arith.constant 1 : i32
        %swap3A_1524 = arith.index_cast %swap3A_1523 : i32 to index
        %swap3A_1525 = arith.index_cast %add3A_1522 : i32 to index
        %swap3A_1526 = arith.constant 16 : index
        %swap3A_1527 = tpu.vector_load %arg12[%swap3A_1524, %swap3A_1525, %swap3A_1526] {strides = array<i32>} : memref<2x32x1000xf32, #tpu.memory_space<vmem>>, vector<16xf32>,
        tpu.vector_store %arg12[%swap3A_1524, %swap3A_1525, %swap3A_1526], %get3A_1520 {strides = array<i32>} : memref<2x32x1000xf32, #tpu.memory_space<vmem>>, vector<16xf32>,
        %get3A_1528 = arith.constant 1 : i32
        %get3A_1529 = arith.index_cast %get3A_1528 : i32 to index
        %get3A_1530 = arith.index_cast %scan3A_1503 : i32 to index
        %get3A_1531 = arith.constant 32 : index
        %get3A_1532 = tpu.vector_load %arg11[%get3A_1529, %get3A_1530, %get3A_1531] {strides = array<i32>} : memref<2x16x1024xf32, #tpu.memory_space<vmem>>, vector<16xf32>,
        %add3A_1533 = arith.constant 16 : i32
        %add3A_1534 = arith.addi %add3A_1533, %scan3A_1503 : i32
        %swap3A_1535 = arith.constant 1 : i32
        %swap3A_1536 = arith.index_cast %swap3A_1535 : i32 to index
        %swap3A_1537 = arith.index_cast %add3A_1534 : i32 to index
        %swap3A_1538 = arith.constant 32 : index
        %swap3A_1539 = tpu.vector_load %arg12[%swap3A_1536, %swap3A_1537, %swap3A_1538] {strides = array<i32>} : memref<2x32x1000xf32, #tpu.memory_space<vmem>>, vector<16xf32>,
        tpu.vector_store %arg12[%swap3A_1536, %swap3A_1537, %swap3A_1538], %get3A_1532 {strides = array<i32>} : memref<2x32x1000xf32, #tpu.memory_space<vmem>>, vector<16xf32>,
        %get3A_1540 = arith.constant 1 : i32
        %get3A_1541 = arith.index_cast %get3A_1540 : i32 to index
        %get3A_1542 = arith.index_cast %scan3A_1503 : i32 to index
        %get3A_1543 = arith.constant 48 : index
        %get3A_1544 = tpu.vector_load %arg11[%get3A_1541, %get3A_1542, %get3A_1543] {strides = array<i32>} : memref<2x16x1024xf32, #tpu.memory_space<vmem>>, vector<16xf32>,
        %add3A_1545 = arith.constant 16 : i32
        %add3A_1546 = arith.addi %add3A_1545, %scan3A_1503 : i32
        %swap3A_1547 = arith.constant 1 : i32
        %swap3A_1548 = arith.index_cast %swap3A_1547 : i32 to index
        %swap3A_1549 = arith.index_cast %add3A_1546 : i32 to index
        %swap3A_1550 = arith.constant 48 : index
        %swap3A_1551 = tpu.vector_load %arg12[%swap3A_1548, %swap3A_1549, %swap3A_1550] {strides = array<i32>} : memref<2x32x1000xf32, #tpu.memory_space<vmem>>, vector<16xf32>,
        tpu.vector_store %arg12[%swap3A_1548, %swap3A_1549, %swap3A_1550], %get3A_1544 {strides = array<i32>} : memref<2x32x1000xf32, #tpu.memory_space<vmem>>, vector<16xf32>,
        %get3A_1552 = arith.constant 1 : i32
        %get3A_1553 = arith.index_cast %get3A_1552 : i32 to index
        %get3A_1554 = arith.index_cast %scan3A_1503 : i32 to index
        %get3A_1555 = arith.constant 64 : index
        %get3A_1556 = tpu.vector_load %arg11[%get3A_1553, %get3A_1554, %get3A_1555] {strides = array<i32>} : memref<2x16x1024xf32, #tpu.memory_space<vmem>>, vector<16xf32>,
        %add3A_1557 = arith.constant 16 : i32
        %add3A_1558 = arith.addi %add3A_1557, %scan3A_1503 : i32
        %swap3A_1559 = arith.constant 1 : i32
        %swap3A_1560 = arith.index_cast %swap3A_1559 : i32 to index
        %swap3A_1561 = arith.index_cast %add3A_1558 : i32 to index
        %swap3A_1562 = arith.constant 64 : index
        %swap3A_1563 = tpu.vector_load %arg12[%swap3A_1560, %swap3A_1561, %swap3A_1562] {strides = array<i32>} : memref<2x32x1000xf32, #tpu.memory_space<vmem>>, vector<16xf32>,
        tpu.vector_store %arg12[%swap3A_1560, %swap3A_1561, %swap3A_1562], %get3A_1556 {strides = array<i32>} : memref<2x32x1000xf32, #tpu.memory_space<vmem>>, vector<16xf32>,
        %get3A_1564 = arith.constant 1 : i32
        %get3A_1565 = arith.index_cast %get3A_1564 : i32 to index
        %get3A_1566 = arith.index_cast %scan3A_1503 : i32 to index
        %get3A_1567 = arith.constant 80 : index
        %get3A_1568 = tpu.vector_load %arg11[%get3A_1565, %get3A_1566, %get3A_1567] {strides = array<i32>} : memref<2x16x1024xf32, #tpu.memory_space<vmem>>, vector<16xf32>,
        %add3A_1569 = arith.constant 16 : i32
        %add3A_1570 = arith.addi %add3A_1569, %scan3A_1503 : i32
        %swap3A_1571 = arith.constant 1 : i32
        %swap3A_1572 = arith.index_cast %swap3A_1571 : i32 to index
        %swap3A_1573 = arith.index_cast %add3A_1570 : i32 to index
        %swap3A_1574 = arith.constant 80 : index
        %swap3A_1575 = tpu.vector_load %arg12[%swap3A_1572, %swap3A_1573, %swap3A_1574] {strides = array<i32>} : memref<2x32x1000xf32, #tpu.memory_space<vmem>>, vector<16xf32>,
        tpu.vector_store %arg12[%swap3A_1572, %swap3A_1573, %swap3A_1574], %get3A_1568 {strides = array<i32>} : memref<2x32x1000xf32, #tpu.memory_space<vmem>>, vector<16xf32>,
        %get3A_1576 = arith.constant 1 : i32
        %get3A_1577 = arith.index_cast %get3A_1576 : i32 to index
        %get3A_1578 = arith.index_cast %scan3A_1503 : i32 to index
        %get3A_1579 = arith.constant 96 : index
        %get3A_1580 = tpu.vector_load %arg11[%get3A_1577, %get3A_1578, %get3A_1579] {strides = array<i32>} : memref<2x16x1024xf32, #tpu.memory_space<vmem>>, vector<16xf32>,
        %add3A_1581 = arith.constant 16 : i32
        %add3A_1582 = arith.addi %add3A_1581, %scan3A_1503 : i32
        %swap3A_1583 = arith.constant 1 : i32
        %swap3A_1584 = arith.index_cast %swap3A_1583 : i32 to index
        %swap3A_1585 = arith.index_cast %add3A_1582 : i32 to index
        %swap3A_1586 = arith.constant 96 : index
        %swap3A_1587 = tpu.vector_load %arg12[%swap3A_1584, %swap3A_1585, %swap3A_1586] {strides = array<i32>} : memref<2x32x1000xf32, #tpu.memory_space<vmem>>, vector<16xf32>,
        tpu.vector_store %arg12[%swap3A_1584, %swap3A_1585, %swap3A_1586], %get3A_1580 {strides = array<i32>} : memref<2x32x1000xf32, #tpu.memory_space<vmem>>, vector<16xf32>,
        %get3A_1588 = arith.constant 1 : i32
        %get3A_1589 = arith.index_cast %get3A_1588 : i32 to index
        %get3A_1590 = arith.index_cast %scan3A_1503 : i32 to index
        %get3A_1591 = arith.constant 112 : index
        %get3A_1592 = tpu.vector_load %arg11[%get3A_1589, %get3A_1590, %get3A_1591] {strides = array<i32>} : memref<2x16x1024xf32, #tpu.memory_space<vmem>>, vector<16xf32>,
        %add3A_1593 = arith.constant 16 : i32
        %add3A_1594 = arith.addi %add3A_1593, %scan3A_1503 : i32
        %swap3A_1595 = arith.constant 1 : i32
        %swap3A_1596 = arith.index_cast %swap3A_1595 : i32 to index
        %swap3A_1597 = arith.index_cast %add3A_1594 : i32 to index
        %swap3A_1598 = arith.constant 112 : index
        %swap3A_1599 = tpu.vector_load %arg12[%swap3A_1596, %swap3A_1597, %swap3A_1598] {strides = array<i32>} : memref<2x32x1000xf32, #tpu.memory_space<vmem>>, vector<16xf32>,
        tpu.vector_store %arg12[%swap3A_1596, %swap3A_1597, %swap3A_1598], %get3A_1592 {strides = array<i32>} : memref<2x32x1000xf32, #tpu.memory_space<vmem>>, vector<16xf32>,
        %get3A_1600 = arith.constant 1 : i32
        %get3A_1601 = arith.index_cast %get3A_1600 : i32 to index
        %get3A_1602 = arith.index_cast %scan3A_1503 : i32 to index
        %get3A_1603 = arith.constant 128 : index
        %get3A_1604 = tpu.vector_load %arg11[%get3A_1601, %get3A_1602, %get3A_1603] {strides = array<i32>} : memref<2x16x1024xf32, #tpu.memory_space<vmem>>, vector<16xf32>,
        %add3A_1605 = arith.constant 16 : i32
        %add3A_1606 = arith.addi %add3A_1605, %scan3A_1503 : i32
        %swap3A_1607 = arith.constant 1 : i32
        %swap3A_1608 = arith.index_cast %swap3A_1607 : i32 to index
        %swap3A_1609 = arith.index_cast %add3A_1606 : i32 to index
        %swap3A_1610 = arith.constant 128 : index
        %swap3A_1611 = tpu.vector_load %arg12[%swap3A_1608, %swap3A_1609, %swap3A_1610] {strides = array<i32>} : memref<2x32x1000xf32, #tpu.memory_space<vmem>>, vector<16xf32>,
        tpu.vector_store %arg12[%swap3A_1608, %swap3A_1609, %swap3A_1610], %get3A_1604 {strides = array<i32>} : memref<2x32x1000xf32, #tpu.memory_space<vmem>>, vector<16xf32>,
        %get3A_1612 = arith.constant 1 : i32
        %get3A_1613 = arith.index_cast %get3A_1612 : i32 to index
        %get3A_1614 = arith.index_cast %scan3A_1503 : i32 to index
        %get3A_1615 = arith.constant 144 : index
        %get3A_1616 = tpu.vector_load %arg11[%get3A_1613, %get3A_1614, %get3A_1615] {strides = array<i32>} : memref<2x16x1024xf32, #tpu.memory_space<vmem>>, vector<16xf32>,
        %add3A_1617 = arith.constant 16 : i32
        %add3A_1618 = arith.addi %add3A_1617, %scan3A_1503 : i32
        %swap3A_1619 = arith.constant 1 : i32
        %swap3A_1620 = arith.index_cast %swap3A_1619 : i32 to index
        %swap3A_1621 = arith.index_cast %add3A_1618 : i32 to index
        %swap3A_1622 = arith.constant 144 : index
        %swap3A_1623 = tpu.vector_load %arg12[%swap3A_1620, %swap3A_1621, %swap3A_1622] {strides = array<i32>} : memref<2x32x1000xf32, #tpu.memory_space<vmem>>, vector<16xf32>,
        tpu.vector_store %arg12[%swap3A_1620, %swap3A_1621, %swap3A_1622], %get3A_1616 {strides = array<i32>} : memref<2x32x1000xf32, #tpu.memory_space<vmem>>, vector<16xf32>,
        %get3A_1624 = arith.constant 1 : i32
        %get3A_1625 = arith.index_cast %get3A_1624 : i32 to index
        %get3A_1626 = arith.index_cast %scan3A_1503 : i32 to index
        %get3A_1627 = arith.constant 160 : index
        %get3A_1628 = tpu.vector_load %arg11[%get3A_1625, %get3A_1626, %get3A_1627] {strides = array<i32>} : memref<2x16x1024xf32, #tpu.memory_space<vmem>>, vector<16xf32>,
        %add3A_1629 = arith.constant 16 : i32
        %add3A_1630 = arith.addi %add3A_1629, %scan3A_1503 : i32
        %swap3A_1631 = arith.constant 1 : i32
        %swap3A_1632 = arith.index_cast %swap3A_1631 : i32 to index
        %swap3A_1633 = arith.index_cast %add3A_1630 : i32 to index
        %swap3A_1634 = arith.constant 160 : index
        %swap3A_1635 = tpu.vector_load %arg12[%swap3A_1632, %swap3A_1633, %swap3A_1634] {strides = array<i32>} : memref<2x32x1000xf32, #tpu.memory_space<vmem>>, vector<16xf32>,
        tpu.vector_store %arg12[%swap3A_1632, %swap3A_1633, %swap3A_1634], %get3A_1628 {strides = array<i32>} : memref<2x32x1000xf32, #tpu.memory_space<vmem>>, vector<16xf32>,
        %get3A_1636 = arith.constant 1 : i32
        %get3A_1637 = arith.index_cast %get3A_1636 : i32 to index
        %get3A_1638 = arith.index_cast %scan3A_1503 : i32 to index
        %get3A_1639 = arith.constant 176 : index
        %get3A_1640 = tpu.vector_load %arg11[%get3A_1637, %get3A_1638, %get3A_1639] {strides = array<i32>} : memref<2x16x1024xf32, #tpu.memory_space<vmem>>, vector<16xf32>,
        %add3A_1641 = arith.constant 16 : i32
        %add3A_1642 = arith.addi %add3A_1641, %scan3A_1503 : i32
        %swap3A_1643 = arith.constant 1 : i32
        %swap3A_1644 = arith.index_cast %swap3A_1643 : i32 to index
        %swap3A_1645 = arith.index_cast %add3A_1642 : i32 to index
        %swap3A_1646 = arith.constant 176 : index
        %swap3A_1647 = tpu.vector_load %arg12[%swap3A_1644, %swap3A_1645, %swap3A_1646] {strides = array<i32>} : memref<2x32x1000xf32, #tpu.memory_space<vmem>>, vector<16xf32>,
        tpu.vector_store %arg12[%swap3A_1644, %swap3A_1645, %swap3A_1646], %get3A_1640 {strides = array<i32>} : memref<2x32x1000xf32, #tpu.memory_space<vmem>>, vector<16xf32>,
        %get3A_1648 = arith.constant 1 : i32
        %get3A_1649 = arith.index_cast %get3A_1648 : i32 to index
        %get3A_1650 = arith.index_cast %scan3A_1503 : i32 to index
        %get3A_1651 = arith.constant 192 : index
        %get3A_1652 = tpu.vector_load %arg11[%get3A_1649, %get3A_1650, %get3A_1651] {strides = array<i32>} : memref<2x16x1024xf32, #tpu.memory_space<vmem>>, vector<16xf32>,
        %add3A_1653 = arith.constant 16 : i32
        %add3A_1654 = arith.addi %add3A_1653, %scan3A_1503 : i32
        %swap3A_1655 = arith.constant 1 : i32
        %swap3A_1656 = arith.index_cast %swap3A_1655 : i32 to index
        %swap3A_1657 = arith.index_cast %add3A_1654 : i32 to index
        %swap3A_1658 = arith.constant 192 : index
        %swap3A_1659 = tpu.vector_load %arg12[%swap3A_1656, %swap3A_1657, %swap3A_1658] {strides = array<i32>} : memref<2x32x1000xf32, #tpu.memory_space<vmem>>, vector<16xf32>,
        tpu.vector_store %arg12[%swap3A_1656, %swap3A_1657, %swap3A_1658], %get3A_1652 {strides = array<i32>} : memref<2x32x1000xf32, #tpu.memory_space<vmem>>, vector<16xf32>,
        %get3A_1660 = arith.constant 1 : i32
        %get3A_1661 = arith.index_cast %get3A_1660 : i32 to index
        %get3A_1662 = arith.index_cast %scan3A_1503 : i32 to index
        %get3A_1663 = arith.constant 208 : index
        %get3A_1664 = tpu.vector_load %arg11[%get3A_1661, %get3A_1662, %get3A_1663] {strides = array<i32>} : memref<2x16x1024xf32, #tpu.memory_space<vmem>>, vector<16xf32>,
        %add3A_1665 = arith.constant 16 : i32
        %add3A_1666 = arith.addi %add3A_1665, %scan3A_1503 : i32
        %swap3A_1667 = arith.constant 1 : i32
        %swap3A_1668 = arith.index_cast %swap3A_1667 : i32 to index
        %swap3A_1669 = arith.index_cast %add3A_1666 : i32 to index
        %swap3A_1670 = arith.constant 208 : index
        %swap3A_1671 = tpu.vector_load %arg12[%swap3A_1668, %swap3A_1669, %swap3A_1670] {strides = array<i32>} : memref<2x32x1000xf32, #tpu.memory_space<vmem>>, vector<16xf32>,
        tpu.vector_store %arg12[%swap3A_1668, %swap3A_1669, %swap3A_1670], %get3A_1664 {strides = array<i32>} : memref<2x32x1000xf32, #tpu.memory_space<vmem>>, vector<16xf32>,
        %get3A_1672 = arith.constant 1 : i32
        %get3A_1673 = arith.index_cast %get3A_1672 : i32 to index
        %get3A_1674 = arith.index_cast %scan3A_1503 : i32 to index
        %get3A_1675 = arith.constant 224 : index
        %get3A_1676 = tpu.vector_load %arg11[%get3A_1673, %get3A_1674, %get3A_1675] {strides = array<i32>} : memref<2x16x1024xf32, #tpu.memory_space<vmem>>, vector<16xf32>,
        %add3A_1677 = arith.constant 16 : i32
        %add3A_1678 = arith.addi %add3A_1677, %scan3A_1503 : i32
        %swap3A_1679 = arith.constant 1 : i32
        %swap3A_1680 = arith.index_cast %swap3A_1679 : i32 to index
        %swap3A_1681 = arith.index_cast %add3A_1678 : i32 to index
        %swap3A_1682 = arith.constant 224 : index
        %swap3A_1683 = tpu.vector_load %arg12[%swap3A_1680, %swap3A_1681, %swap3A_1682] {strides = array<i32>} : memref<2x32x1000xf32, #tpu.memory_space<vmem>>, vector<16xf32>,
        tpu.vector_store %arg12[%swap3A_1680, %swap3A_1681, %swap3A_1682], %get3A_1676 {strides = array<i32>} : memref<2x32x1000xf32, #tpu.memory_space<vmem>>, vector<16xf32>,
        %get3A_1684 = arith.constant 1 : i32
        %get3A_1685 = arith.index_cast %get3A_1684 : i32 to index
        %get3A_1686 = arith.index_cast %scan3A_1503 : i32 to index
        %get3A_1687 = arith.constant 240 : index
        %get3A_1688 = tpu.vector_load %arg11[%get3A_1685, %get3A_1686, %get3A_1687] {strides = array<i32>} : memref<2x16x1024xf32, #tpu.memory_space<vmem>>, vector<16xf32>,
        %add3A_1689 = arith.constant 16 : i32
        %add3A_1690 = arith.addi %add3A_1689, %scan3A_1503 : i32
        %swap3A_1691 = arith.constant 1 : i32
        %swap3A_1692 = arith.index_cast %swap3A_1691 : i32 to index
        %swap3A_1693 = arith.index_cast %add3A_1690 : i32 to index
        %swap3A_1694 = arith.constant 240 : index
        %swap3A_1695 = tpu.vector_load %arg12[%swap3A_1692, %swap3A_1693, %swap3A_1694] {strides = array<i32>} : memref<2x32x1000xf32, #tpu.memory_space<vmem>>, vector<16xf32>,
        tpu.vector_store %arg12[%swap3A_1692, %swap3A_1693, %swap3A_1694], %get3A_1688 {strides = array<i32>} : memref<2x32x1000xf32, #tpu.memory_space<vmem>>, vector<16xf32>,
        %get3A_1696 = arith.constant 1 : i32
        %get3A_1697 = arith.index_cast %get3A_1696 : i32 to index
        %get3A_1698 = arith.index_cast %scan3A_1503 : i32 to index
        %get3A_1699 = arith.constant 256 : index
        %get3A_1700 = tpu.vector_load %arg11[%get3A_1697, %get3A_1698, %get3A_1699] {strides = array<i32>} : memref<2x16x1024xf32, #tpu.memory_space<vmem>>, vector<16xf32>,
        %add3A_1701 = arith.constant 16 : i32
        %add3A_1702 = arith.addi %add3A_1701, %scan3A_1503 : i32
        %swap3A_1703 = arith.constant 1 : i32
        %swap3A_1704 = arith.index_cast %swap3A_1703 : i32 to index
        %swap3A_1705 = arith.index_cast %add3A_1702 : i32 to index
        %swap3A_1706 = arith.constant 256 : index
        %swap3A_1707 = tpu.vector_load %arg12[%swap3A_1704, %swap3A_1705, %swap3A_1706] {strides = array<i32>} : memref<2x32x1000xf32, #tpu.memory_space<vmem>>, vector<16xf32>,
        tpu.vector_store %arg12[%swap3A_1704, %swap3A_1705, %swap3A_1706], %get3A_1700 {strides = array<i32>} : memref<2x32x1000xf32, #tpu.memory_space<vmem>>, vector<16xf32>,
        %get3A_1708 = arith.constant 1 : i32
        %get3A_1709 = arith.index_cast %get3A_1708 : i32 to index
        %get3A_1710 = arith.index_cast %scan3A_1503 : i32 to index
        %get3A_1711 = arith.constant 272 : index
        %get3A_1712 = tpu.vector_load %arg11[%get3A_1709, %get3A_1710, %get3A_1711] {strides = array<i32>} : memref<2x16x1024xf32, #tpu.memory_space<vmem>>, vector<16xf32>,
        %add3A_1713 = arith.constant 16 : i32
        %add3A_1714 = arith.addi %add3A_1713, %scan3A_1503 : i32
        %swap3A_1715 = arith.constant 1 : i32
        %swap3A_1716 = arith.index_cast %swap3A_1715 : i32 to index
        %swap3A_1717 = arith.index_cast %add3A_1714 : i32 to index
        %swap3A_1718 = arith.constant 272 : index
        %swap3A_1719 = tpu.vector_load %arg12[%swap3A_1716, %swap3A_1717, %swap3A_1718] {strides = array<i32>} : memref<2x32x1000xf32, #tpu.memory_space<vmem>>, vector<16xf32>,
        tpu.vector_store %arg12[%swap3A_1716, %swap3A_1717, %swap3A_1718], %get3A_1712 {strides = array<i32>} : memref<2x32x1000xf32, #tpu.memory_space<vmem>>, vector<16xf32>,
        %get3A_1720 = arith.constant 1 : i32
        %get3A_1721 = arith.index_cast %get3A_1720 : i32 to index
        %get3A_1722 = arith.index_cast %scan3A_1503 : i32 to index
        %get3A_1723 = arith.constant 288 : index
        %get3A_1724 = tpu.vector_load %arg11[%get3A_1721, %get3A_1722, %get3A_1723] {strides = array<i32>} : memref<2x16x1024xf32, #tpu.memory_space<vmem>>, vector<16xf32>,
        %add3A_1725 = arith.constant 16 : i32
        %add3A_1726 = arith.addi %add3A_1725, %scan3A_1503 : i32
        %swap3A_1727 = arith.constant 1 : i32
        %swap3A_1728 = arith.index_cast %swap3A_1727 : i32 to index
        %swap3A_1729 = arith.index_cast %add3A_1726 : i32 to index
        %swap3A_1730 = arith.constant 288 : index
        %swap3A_1731 = tpu.vector_load %arg12[%swap3A_1728, %swap3A_1729, %swap3A_1730] {strides = array<i32>} : memref<2x32x1000xf32, #tpu.memory_space<vmem>>, vector<16xf32>,
        tpu.vector_store %arg12[%swap3A_1728, %swap3A_1729, %swap3A_1730], %get3A_1724 {strides = array<i32>} : memref<2x32x1000xf32, #tpu.memory_space<vmem>>, vector<16xf32>,
        %get3A_1732 = arith.constant 1 : i32
        %get3A_1733 = arith.index_cast %get3A_1732 : i32 to index
        %get3A_1734 = arith.index_cast %scan3A_1503 : i32 to index
        %get3A_1735 = arith.constant 304 : index
        %get3A_1736 = tpu.vector_load %arg11[%get3A_1733, %get3A_1734, %get3A_1735] {strides = array<i32>} : memref<2x16x1024xf32, #tpu.memory_space<vmem>>, vector<16xf32>,
        %add3A_1737 = arith.constant 16 : i32
        %add3A_1738 = arith.addi %add3A_1737, %scan3A_1503 : i32
        %swap3A_1739 = arith.constant 1 : i32
        %swap3A_1740 = arith.index_cast %swap3A_1739 : i32 to index
        %swap3A_1741 = arith.index_cast %add3A_1738 : i32 to index
        %swap3A_1742 = arith.constant 304 : index
        %swap3A_1743 = tpu.vector_load %arg12[%swap3A_1740, %swap3A_1741, %swap3A_1742] {strides = array<i32>} : memref<2x32x1000xf32, #tpu.memory_space<vmem>>, vector<16xf32>,
        tpu.vector_store %arg12[%swap3A_1740, %swap3A_1741, %swap3A_1742], %get3A_1736 {strides = array<i32>} : memref<2x32x1000xf32, #tpu.memory_space<vmem>>, vector<16xf32>,
        %get3A_1744 = arith.constant 1 : i32
        %get3A_1745 = arith.index_cast %get3A_1744 : i32 to index
        %get3A_1746 = arith.index_cast %scan3A_1503 : i32 to index
        %get3A_1747 = arith.constant 320 : index
        %get3A_1748 = tpu.vector_load %arg11[%get3A_1745, %get3A_1746, %get3A_1747] {strides = array<i32>} : memref<2x16x1024xf32, #tpu.memory_space<vmem>>, vector<16xf32>,
        %add3A_1749 = arith.constant 16 : i32
        %add3A_1750 = arith.addi %add3A_1749, %scan3A_1503 : i32
        %swap3A_1751 = arith.constant 1 : i32
        %swap3A_1752 = arith.index_cast %swap3A_1751 : i32 to index
        %swap3A_1753 = arith.index_cast %add3A_1750 : i32 to index
        %swap3A_1754 = arith.constant 320 : index
        %swap3A_1755 = tpu.vector_load %arg12[%swap3A_1752, %swap3A_1753, %swap3A_1754] {strides = array<i32>} : memref<2x32x1000xf32, #tpu.memory_space<vmem>>, vector<16xf32>,
        tpu.vector_store %arg12[%swap3A_1752, %swap3A_1753, %swap3A_1754], %get3A_1748 {strides = array<i32>} : memref<2x32x1000xf32, #tpu.memory_space<vmem>>, vector<16xf32>,
        %get3A_1756 = arith.constant 1 : i32
        %get3A_1757 = arith.index_cast %get3A_1756 : i32 to index
        %get3A_1758 = arith.index_cast %scan3A_1503 : i32 to index
        %get3A_1759 = arith.constant 336 : index
        %get3A_1760 = tpu.vector_load %arg11[%get3A_1757, %get3A_1758, %get3A_1759] {strides = array<i32>} : memref<2x16x1024xf32, #tpu.memory_space<vmem>>, vector<16xf32>,
        %add3A_1761 = arith.constant 16 : i32
        %add3A_1762 = arith.addi %add3A_1761, %scan3A_1503 : i32
        %swap3A_1763 = arith.constant 1 : i32
        %swap3A_1764 = arith.index_cast %swap3A_1763 : i32 to index
        %swap3A_1765 = arith.index_cast %add3A_1762 : i32 to index
        %swap3A_1766 = arith.constant 336 : index
        %swap3A_1767 = tpu.vector_load %arg12[%swap3A_1764, %swap3A_1765, %swap3A_1766] {strides = array<i32>} : memref<2x32x1000xf32, #tpu.memory_space<vmem>>, vector<16xf32>,
        tpu.vector_store %arg12[%swap3A_1764, %swap3A_1765, %swap3A_1766], %get3A_1760 {strides = array<i32>} : memref<2x32x1000xf32, #tpu.memory_space<vmem>>, vector<16xf32>,
        %get3A_1768 = arith.constant 1 : i32
        %get3A_1769 = arith.index_cast %get3A_1768 : i32 to index
        %get3A_1770 = arith.index_cast %scan3A_1503 : i32 to index
        %get3A_1771 = arith.constant 352 : index
        %get3A_1772 = tpu.vector_load %arg11[%get3A_1769, %get3A_1770, %get3A_1771] {strides = array<i32>} : memref<2x16x1024xf32, #tpu.memory_space<vmem>>, vector<16xf32>,
        %add3A_1773 = arith.constant 16 : i32
        %add3A_1774 = arith.addi %add3A_1773, %scan3A_1503 : i32
        %swap3A_1775 = arith.constant 1 : i32
        %swap3A_1776 = arith.index_cast %swap3A_1775 : i32 to index
        %swap3A_1777 = arith.index_cast %add3A_1774 : i32 to index
        %swap3A_1778 = arith.constant 352 : index
        %swap3A_1779 = tpu.vector_load %arg12[%swap3A_1776, %swap3A_1777, %swap3A_1778] {strides = array<i32>} : memref<2x32x1000xf32, #tpu.memory_space<vmem>>, vector<16xf32>,
        tpu.vector_store %arg12[%swap3A_1776, %swap3A_1777, %swap3A_1778], %get3A_1772 {strides = array<i32>} : memref<2x32x1000xf32, #tpu.memory_space<vmem>>, vector<16xf32>,
        %get3A_1780 = arith.constant 1 : i32
        %get3A_1781 = arith.index_cast %get3A_1780 : i32 to index
        %get3A_1782 = arith.index_cast %scan3A_1503 : i32 to index
        %get3A_1783 = arith.constant 368 : index
        %get3A_1784 = tpu.vector_load %arg11[%get3A_1781, %get3A_1782, %get3A_1783] {strides = array<i32>} : memref<2x16x1024xf32, #tpu.memory_space<vmem>>, vector<16xf32>,
        %add3A_1785 = arith.constant 16 : i32
        %add3A_1786 = arith.addi %add3A_1785, %scan3A_1503 : i32
        %swap3A_1787 = arith.constant 1 : i32
        %swap3A_1788 = arith.index_cast %swap3A_1787 : i32 to index
        %swap3A_1789 = arith.index_cast %add3A_1786 : i32 to index
        %swap3A_1790 = arith.constant 368 : index
        %swap3A_1791 = tpu.vector_load %arg12[%swap3A_1788, %swap3A_1789, %swap3A_1790] {strides = array<i32>} : memref<2x32x1000xf32, #tpu.memory_space<vmem>>, vector<16xf32>,
        tpu.vector_store %arg12[%swap3A_1788, %swap3A_1789, %swap3A_1790], %get3A_1784 {strides = array<i32>} : memref<2x32x1000xf32, #tpu.memory_space<vmem>>, vector<16xf32>,
        %get3A_1792 = arith.constant 1 : i32
        %get3A_1793 = arith.index_cast %get3A_1792 : i32 to index
        %get3A_1794 = arith.index_cast %scan3A_1503 : i32 to index
        %get3A_1795 = arith.constant 384 : index
        %get3A_1796 = tpu.vector_load %arg11[%get3A_1793, %get3A_1794, %get3A_1795] {strides = array<i32>} : memref<2x16x1024xf32, #tpu.memory_space<vmem>>, vector<16xf32>,
        %add3A_1797 = arith.constant 16 : i32
        %add3A_1798 = arith.addi %add3A_1797, %scan3A_1503 : i32
        %swap3A_1799 = arith.constant 1 : i32
        %swap3A_1800 = arith.index_cast %swap3A_1799 : i32 to index
        %swap3A_1801 = arith.index_cast %add3A_1798 : i32 to index
        %swap3A_1802 = arith.constant 384 : index
        %swap3A_1803 = tpu.vector_load %arg12[%swap3A_1800, %swap3A_1801, %swap3A_1802] {strides = array<i32>} : memref<2x32x1000xf32, #tpu.memory_space<vmem>>, vector<16xf32>,
        tpu.vector_store %arg12[%swap3A_1800, %swap3A_1801, %swap3A_1802], %get3A_1796 {strides = array<i32>} : memref<2x32x1000xf32, #tpu.memory_space<vmem>>, vector<16xf32>,
        %get3A_1804 = arith.constant 1 : i32
        %get3A_1805 = arith.index_cast %get3A_1804 : i32 to index
        %get3A_1806 = arith.index_cast %scan3A_1503 : i32 to index
        %get3A_1807 = arith.constant 400 : index
        %get3A_1808 = tpu.vector_load %arg11[%get3A_1805, %get3A_1806, %get3A_1807] {strides = array<i32>} : memref<2x16x1024xf32, #tpu.memory_space<vmem>>, vector<16xf32>,
        %add3A_1809 = arith.constant 16 : i32
        %add3A_1810 = arith.addi %add3A_1809, %scan3A_1503 : i32
        %swap3A_1811 = arith.constant 1 : i32
        %swap3A_1812 = arith.index_cast %swap3A_1811 : i32 to index
        %swap3A_1813 = arith.index_cast %add3A_1810 : i32 to index
        %swap3A_1814 = arith.constant 400 : index
        %swap3A_1815 = tpu.vector_load %arg12[%swap3A_1812, %swap3A_1813, %swap3A_1814] {strides = array<i32>} : memref<2x32x1000xf32, #tpu.memory_space<vmem>>, vector<16xf32>,
        tpu.vector_store %arg12[%swap3A_1812, %swap3A_1813, %swap3A_1814], %get3A_1808 {strides = array<i32>} : memref<2x32x1000xf32, #tpu.memory_space<vmem>>, vector<16xf32>,
        %get3A_1816 = arith.constant 1 : i32
        %get3A_1817 = arith.index_cast %get3A_1816 : i32 to index
        %get3A_1818 = arith.index_cast %scan3A_1503 : i32 to index
        %get3A_1819 = arith.constant 416 : index
        %get3A_1820 = tpu.vector_load %arg11[%get3A_1817, %get3A_1818, %get3A_1819] {strides = array<i32>} : memref<2x16x1024xf32, #tpu.memory_space<vmem>>, vector<16xf32>,
        %add3A_1821 = arith.constant 16 : i32
        %add3A_1822 = arith.addi %add3A_1821, %scan3A_1503 : i32
        %swap3A_1823 = arith.constant 1 : i32
        %swap3A_1824 = arith.index_cast %swap3A_1823 : i32 to index
        %swap3A_1825 = arith.index_cast %add3A_1822 : i32 to index
        %swap3A_1826 = arith.constant 416 : index
        %swap3A_1827 = tpu.vector_load %arg12[%swap3A_1824, %swap3A_1825, %swap3A_1826] {strides = array<i32>} : memref<2x32x1000xf32, #tpu.memory_space<vmem>>, vector<16xf32>,
        tpu.vector_store %arg12[%swap3A_1824, %swap3A_1825, %swap3A_1826], %get3A_1820 {strides = array<i32>} : memref<2x32x1000xf32, #tpu.memory_space<vmem>>, vector<16xf32>,
        %get3A_1828 = arith.constant 1 : i32
        %get3A_1829 = arith.index_cast %get3A_1828 : i32 to index
        %get3A_1830 = arith.index_cast %scan3A_1503 : i32 to index
        %get3A_1831 = arith.constant 432 : index
        %get3A_1832 = tpu.vector_load %arg11[%get3A_1829, %get3A_1830, %get3A_1831] {strides = array<i32>} : memref<2x16x1024xf32, #tpu.memory_space<vmem>>, vector<16xf32>,
        %add3A_1833 = arith.constant 16 : i32
        %add3A_1834 = arith.addi %add3A_1833, %scan3A_1503 : i32
        %swap3A_1835 = arith.constant 1 : i32
        %swap3A_1836 = arith.index_cast %swap3A_1835 : i32 to index
        %swap3A_1837 = arith.index_cast %add3A_1834 : i32 to index
        %swap3A_1838 = arith.constant 432 : index
        %swap3A_1839 = tpu.vector_load %arg12[%swap3A_1836, %swap3A_1837, %swap3A_1838] {strides = array<i32>} : memref<2x32x1000xf32, #tpu.memory_space<vmem>>, vector<16xf32>,
        tpu.vector_store %arg12[%swap3A_1836, %swap3A_1837, %swap3A_1838], %get3A_1832 {strides = array<i32>} : memref<2x32x1000xf32, #tpu.memory_space<vmem>>, vector<16xf32>,
        %get3A_1840 = arith.constant 1 : i32
        %get3A_1841 = arith.index_cast %get3A_1840 : i32 to index
        %get3A_1842 = arith.index_cast %scan3A_1503 : i32 to index
        %get3A_1843 = arith.constant 448 : index
        %get3A_1844 = tpu.vector_load %arg11[%get3A_1841, %get3A_1842, %get3A_1843] {strides = array<i32>} : memref<2x16x1024xf32, #tpu.memory_space<vmem>>, vector<16xf32>,
        %add3A_1845 = arith.constant 16 : i32
        %add3A_1846 = arith.addi %add3A_1845, %scan3A_1503 : i32
        %swap3A_1847 = arith.constant 1 : i32
        %swap3A_1848 = arith.index_cast %swap3A_1847 : i32 to index
        %swap3A_1849 = arith.index_cast %add3A_1846 : i32 to index
        %swap3A_1850 = arith.constant 448 : index
        %swap3A_1851 = tpu.vector_load %arg12[%swap3A_1848, %swap3A_1849, %swap3A_1850] {strides = array<i32>} : memref<2x32x1000xf32, #tpu.memory_space<vmem>>, vector<16xf32>,
        tpu.vector_store %arg12[%swap3A_1848, %swap3A_1849, %swap3A_1850], %get3A_1844 {strides = array<i32>} : memref<2x32x1000xf32, #tpu.memory_space<vmem>>, vector<16xf32>,
        %get3A_1852 = arith.constant 1 : i32
        %get3A_1853 = arith.index_cast %get3A_1852 : i32 to index
        %get3A_1854 = arith.index_cast %scan3A_1503 : i32 to index
        %get3A_1855 = arith.constant 464 : index
        %get3A_1856 = tpu.vector_load %arg11[%get3A_1853, %get3A_1854, %get3A_1855] {strides = array<i32>} : memref<2x16x1024xf32, #tpu.memory_space<vmem>>, vector<16xf32>,
        %add3A_1857 = arith.constant 16 : i32
        %add3A_1858 = arith.addi %add3A_1857, %scan3A_1503 : i32
        %swap3A_1859 = arith.constant 1 : i32
        %swap3A_1860 = arith.index_cast %swap3A_1859 : i32 to index
        %swap3A_1861 = arith.index_cast %add3A_1858 : i32 to index
        %swap3A_1862 = arith.constant 464 : index
        %swap3A_1863 = tpu.vector_load %arg12[%swap3A_1860, %swap3A_1861, %swap3A_1862] {strides = array<i32>} : memref<2x32x1000xf32, #tpu.memory_space<vmem>>, vector<16xf32>,
        tpu.vector_store %arg12[%swap3A_1860, %swap3A_1861, %swap3A_1862], %get3A_1856 {strides = array<i32>} : memref<2x32x1000xf32, #tpu.memory_space<vmem>>, vector<16xf32>,
        %get3A_1864 = arith.constant 1 : i32
        %get3A_1865 = arith.index_cast %get3A_1864 : i32 to index
        %get3A_1866 = arith.index_cast %scan3A_1503 : i32 to index
        %get3A_1867 = arith.constant 480 : index
        %get3A_1868 = tpu.vector_load %arg11[%get3A_1865, %get3A_1866, %get3A_1867] {strides = array<i32>} : memref<2x16x1024xf32, #tpu.memory_space<vmem>>, vector<16xf32>,
        %add3A_1869 = arith.constant 16 : i32
        %add3A_1870 = arith.addi %add3A_1869, %scan3A_1503 : i32
        %swap3A_1871 = arith.constant 1 : i32
        %swap3A_1872 = arith.index_cast %swap3A_1871 : i32 to index
        %swap3A_1873 = arith.index_cast %add3A_1870 : i32 to index
        %swap3A_1874 = arith.constant 480 : index
        %swap3A_1875 = tpu.vector_load %arg12[%swap3A_1872, %swap3A_1873, %swap3A_1874] {strides = array<i32>} : memref<2x32x1000xf32, #tpu.memory_space<vmem>>, vector<16xf32>,
        tpu.vector_store %arg12[%swap3A_1872, %swap3A_1873, %swap3A_1874], %get3A_1868 {strides = array<i32>} : memref<2x32x1000xf32, #tpu.memory_space<vmem>>, vector<16xf32>,
        %get3A_1876 = arith.constant 1 : i32
        %get3A_1877 = arith.index_cast %get3A_1876 : i32 to index
        %get3A_1878 = arith.index_cast %scan3A_1503 : i32 to index
        %get3A_1879 = arith.constant 496 : index
        %get3A_1880 = tpu.vector_load %arg11[%get3A_1877, %get3A_1878, %get3A_1879] {strides = array<i32>} : memref<2x16x1024xf32, #tpu.memory_space<vmem>>, vector<16xf32>,
        %add3A_1881 = arith.constant 16 : i32
        %add3A_1882 = arith.addi %add3A_1881, %scan3A_1503 : i32
        %swap3A_1883 = arith.constant 1 : i32
        %swap3A_1884 = arith.index_cast %swap3A_1883 : i32 to index
        %swap3A_1885 = arith.index_cast %add3A_1882 : i32 to index
        %swap3A_1886 = arith.constant 496 : index
        %swap3A_1887 = tpu.vector_load %arg12[%swap3A_1884, %swap3A_1885, %swap3A_1886] {strides = array<i32>} : memref<2x32x1000xf32, #tpu.memory_space<vmem>>, vector<16xf32>,
        tpu.vector_store %arg12[%swap3A_1884, %swap3A_1885, %swap3A_1886], %get3A_1880 {strides = array<i32>} : memref<2x32x1000xf32, #tpu.memory_space<vmem>>, vector<16xf32>,
        %get3A_1888 = arith.constant 1 : i32
        %get3A_1889 = arith.index_cast %get3A_1888 : i32 to index
        %get3A_1890 = arith.index_cast %scan3A_1503 : i32 to index
        %get3A_1891 = arith.constant 512 : index
        %get3A_1892 = tpu.vector_load %arg11[%get3A_1889, %get3A_1890, %get3A_1891] {strides = array<i32>} : memref<2x16x1024xf32, #tpu.memory_space<vmem>>, vector<16xf32>,
        %add3A_1893 = arith.constant 16 : i32
        %add3A_1894 = arith.addi %add3A_1893, %scan3A_1503 : i32
        %swap3A_1895 = arith.constant 1 : i32
        %swap3A_1896 = arith.index_cast %swap3A_1895 : i32 to index
        %swap3A_1897 = arith.index_cast %add3A_1894 : i32 to index
        %swap3A_1898 = arith.constant 512 : index
        %swap3A_1899 = tpu.vector_load %arg12[%swap3A_1896, %swap3A_1897, %swap3A_1898] {strides = array<i32>} : memref<2x32x1000xf32, #tpu.memory_space<vmem>>, vector<16xf32>,
        tpu.vector_store %arg12[%swap3A_1896, %swap3A_1897, %swap3A_1898], %get3A_1892 {strides = array<i32>} : memref<2x32x1000xf32, #tpu.memory_space<vmem>>, vector<16xf32>,
        %get3A_1900 = arith.constant 1 : i32
        %get3A_1901 = arith.index_cast %get3A_1900 : i32 to index
        %get3A_1902 = arith.index_cast %scan3A_1503 : i32 to index
        %get3A_1903 = arith.constant 528 : index
        %get3A_1904 = tpu.vector_load %arg11[%get3A_1901, %get3A_1902, %get3A_1903] {strides = array<i32>} : memref<2x16x1024xf32, #tpu.memory_space<vmem>>, vector<16xf32>,
        %add3A_1905 = arith.constant 16 : i32
        %add3A_1906 = arith.addi %add3A_1905, %scan3A_1503 : i32
        %swap3A_1907 = arith.constant 1 : i32
        %swap3A_1908 = arith.index_cast %swap3A_1907 : i32 to index
        %swap3A_1909 = arith.index_cast %add3A_1906 : i32 to index
        %swap3A_1910 = arith.constant 528 : index
        %swap3A_1911 = tpu.vector_load %arg12[%swap3A_1908, %swap3A_1909, %swap3A_1910] {strides = array<i32>} : memref<2x32x1000xf32, #tpu.memory_space<vmem>>, vector<16xf32>,
        tpu.vector_store %arg12[%swap3A_1908, %swap3A_1909, %swap3A_1910], %get3A_1904 {strides = array<i32>} : memref<2x32x1000xf32, #tpu.memory_space<vmem>>, vector<16xf32>,
        %get3A_1912 = arith.constant 1 : i32
        %get3A_1913 = arith.index_cast %get3A_1912 : i32 to index
        %get3A_1914 = arith.index_cast %scan3A_1503 : i32 to index
        %get3A_1915 = arith.constant 544 : index
        %get3A_1916 = tpu.vector_load %arg11[%get3A_1913, %get3A_1914, %get3A_1915] {strides = array<i32>} : memref<2x16x1024xf32, #tpu.memory_space<vmem>>, vector<16xf32>,
        %add3A_1917 = arith.constant 16 : i32
        %add3A_1918 = arith.addi %add3A_1917, %scan3A_1503 : i32
        %swap3A_1919 = arith.constant 1 : i32
        %swap3A_1920 = arith.index_cast %swap3A_1919 : i32 to index
        %swap3A_1921 = arith.index_cast %add3A_1918 : i32 to index
        %swap3A_1922 = arith.constant 544 : index
        %swap3A_1923 = tpu.vector_load %arg12[%swap3A_1920, %swap3A_1921, %swap3A_1922] {strides = array<i32>} : memref<2x32x1000xf32, #tpu.memory_space<vmem>>, vector<16xf32>,
        tpu.vector_store %arg12[%swap3A_1920, %swap3A_1921, %swap3A_1922], %get3A_1916 {strides = array<i32>} : memref<2x32x1000xf32, #tpu.memory_space<vmem>>, vector<16xf32>,
        %get3A_1924 = arith.constant 1 : i32
        %get3A_1925 = arith.index_cast %get3A_1924 : i32 to index
        %get3A_1926 = arith.index_cast %scan3A_1503 : i32 to index
        %get3A_1927 = arith.constant 560 : index
        %get3A_1928 = tpu.vector_load %arg11[%get3A_1925, %get3A_1926, %get3A_1927] {strides = array<i32>} : memref<2x16x1024xf32, #tpu.memory_space<vmem>>, vector<16xf32>,
        %add3A_1929 = arith.constant 16 : i32
        %add3A_1930 = arith.addi %add3A_1929, %scan3A_1503 : i32
        %swap3A_1931 = arith.constant 1 : i32
        %swap3A_1932 = arith.index_cast %swap3A_1931 : i32 to index
        %swap3A_1933 = arith.index_cast %add3A_1930 : i32 to index
        %swap3A_1934 = arith.constant 560 : index
        %swap3A_1935 = tpu.vector_load %arg12[%swap3A_1932, %swap3A_1933, %swap3A_1934] {strides = array<i32>} : memref<2x32x1000xf32, #tpu.memory_space<vmem>>, vector<16xf32>,
        tpu.vector_store %arg12[%swap3A_1932, %swap3A_1933, %swap3A_1934], %get3A_1928 {strides = array<i32>} : memref<2x32x1000xf32, #tpu.memory_space<vmem>>, vector<16xf32>,
        %get3A_1936 = arith.constant 1 : i32
        %get3A_1937 = arith.index_cast %get3A_1936 : i32 to index
        %get3A_1938 = arith.index_cast %scan3A_1503 : i32 to index
        %get3A_1939 = arith.constant 576 : index
        %get3A_1940 = tpu.vector_load %arg11[%get3A_1937, %get3A_1938, %get3A_1939] {strides = array<i32>} : memref<2x16x1024xf32, #tpu.memory_space<vmem>>, vector<16xf32>,
        %add3A_1941 = arith.constant 16 : i32
        %add3A_1942 = arith.addi %add3A_1941, %scan3A_1503 : i32
        %swap3A_1943 = arith.constant 1 : i32
        %swap3A_1944 = arith.index_cast %swap3A_1943 : i32 to index
        %swap3A_1945 = arith.index_cast %add3A_1942 : i32 to index
        %swap3A_1946 = arith.constant 576 : index
        %swap3A_1947 = tpu.vector_load %arg12[%swap3A_1944, %swap3A_1945, %swap3A_1946] {strides = array<i32>} : memref<2x32x1000xf32, #tpu.memory_space<vmem>>, vector<16xf32>,
        tpu.vector_store %arg12[%swap3A_1944, %swap3A_1945, %swap3A_1946], %get3A_1940 {strides = array<i32>} : memref<2x32x1000xf32, #tpu.memory_space<vmem>>, vector<16xf32>,
        %get3A_1948 = arith.constant 1 : i32
        %get3A_1949 = arith.index_cast %get3A_1948 : i32 to index
        %get3A_1950 = arith.index_cast %scan3A_1503 : i32 to index
        %get3A_1951 = arith.constant 592 : index
        %get3A_1952 = tpu.vector_load %arg11[%get3A_1949, %get3A_1950, %get3A_1951] {strides = array<i32>} : memref<2x16x1024xf32, #tpu.memory_space<vmem>>, vector<16xf32>,
        %add3A_1953 = arith.constant 16 : i32
        %add3A_1954 = arith.addi %add3A_1953, %scan3A_1503 : i32
        %swap3A_1955 = arith.constant 1 : i32
        %swap3A_1956 = arith.index_cast %swap3A_1955 : i32 to index
        %swap3A_1957 = arith.index_cast %add3A_1954 : i32 to index
        %swap3A_1958 = arith.constant 592 : index
        %swap3A_1959 = tpu.vector_load %arg12[%swap3A_1956, %swap3A_1957, %swap3A_1958] {strides = array<i32>} : memref<2x32x1000xf32, #tpu.memory_space<vmem>>, vector<16xf32>,
        tpu.vector_store %arg12[%swap3A_1956, %swap3A_1957, %swap3A_1958], %get3A_1952 {strides = array<i32>} : memref<2x32x1000xf32, #tpu.memory_space<vmem>>, vector<16xf32>,
        %get3A_1960 = arith.constant 1 : i32
        %get3A_1961 = arith.index_cast %get3A_1960 : i32 to index
        %get3A_1962 = arith.index_cast %scan3A_1503 : i32 to index
        %get3A_1963 = arith.constant 608 : index
        %get3A_1964 = tpu.vector_load %arg11[%get3A_1961, %get3A_1962, %get3A_1963] {strides = array<i32>} : memref<2x16x1024xf32, #tpu.memory_space<vmem>>, vector<16xf32>,
        %add3A_1965 = arith.constant 16 : i32
        %add3A_1966 = arith.addi %add3A_1965, %scan3A_1503 : i32
        %swap3A_1967 = arith.constant 1 : i32
        %swap3A_1968 = arith.index_cast %swap3A_1967 : i32 to index
        %swap3A_1969 = arith.index_cast %add3A_1966 : i32 to index
        %swap3A_1970 = arith.constant 608 : index
        %swap3A_1971 = tpu.vector_load %arg12[%swap3A_1968, %swap3A_1969, %swap3A_1970] {strides = array<i32>} : memref<2x32x1000xf32, #tpu.memory_space<vmem>>, vector<16xf32>,
        tpu.vector_store %arg12[%swap3A_1968, %swap3A_1969, %swap3A_1970], %get3A_1964 {strides = array<i32>} : memref<2x32x1000xf32, #tpu.memory_space<vmem>>, vector<16xf32>,
        %get3A_1972 = arith.constant 1 : i32
        %get3A_1973 = arith.index_cast %get3A_1972 : i32 to index
        %get3A_1974 = arith.index_cast %scan3A_1503 : i32 to index
        %get3A_1975 = arith.constant 624 : index
        %get3A_1976 = tpu.vector_load %arg11[%get3A_1973, %get3A_1974, %get3A_1975] {strides = array<i32>} : memref<2x16x1024xf32, #tpu.memory_space<vmem>>, vector<16xf32>,
        %add3A_1977 = arith.constant 16 : i32
        %add3A_1978 = arith.addi %add3A_1977, %scan3A_1503 : i32
        %swap3A_1979 = arith.constant 1 : i32
        %swap3A_1980 = arith.index_cast %swap3A_1979 : i32 to index
        %swap3A_1981 = arith.index_cast %add3A_1978 : i32 to index
        %swap3A_1982 = arith.constant 624 : index
        %swap3A_1983 = tpu.vector_load %arg12[%swap3A_1980, %swap3A_1981, %swap3A_1982] {strides = array<i32>} : memref<2x32x1000xf32, #tpu.memory_space<vmem>>, vector<16xf32>,
        tpu.vector_store %arg12[%swap3A_1980, %swap3A_1981, %swap3A_1982], %get3A_1976 {strides = array<i32>} : memref<2x32x1000xf32, #tpu.memory_space<vmem>>, vector<16xf32>,
        %get3A_1984 = arith.constant 1 : i32
        %get3A_1985 = arith.index_cast %get3A_1984 : i32 to index
        %get3A_1986 = arith.index_cast %scan3A_1503 : i32 to index
        %get3A_1987 = arith.constant 640 : index
        %get3A_1988 = tpu.vector_load %arg11[%get3A_1985, %get3A_1986, %get3A_1987] {strides = array<i32>} : memref<2x16x1024xf32, #tpu.memory_space<vmem>>, vector<16xf32>,
        %add3A_1989 = arith.constant 16 : i32
        %add3A_1990 = arith.addi %add3A_1989, %scan3A_1503 : i32
        %swap3A_1991 = arith.constant 1 : i32
        %swap3A_1992 = arith.index_cast %swap3A_1991 : i32 to index
        %swap3A_1993 = arith.index_cast %add3A_1990 : i32 to index
        %swap3A_1994 = arith.constant 640 : index
        %swap3A_1995 = tpu.vector_load %arg12[%swap3A_1992, %swap3A_1993, %swap3A_1994] {strides = array<i32>} : memref<2x32x1000xf32, #tpu.memory_space<vmem>>, vector<16xf32>,
        tpu.vector_store %arg12[%swap3A_1992, %swap3A_1993, %swap3A_1994], %get3A_1988 {strides = array<i32>} : memref<2x32x1000xf32, #tpu.memory_space<vmem>>, vector<16xf32>,
        %get3A_1996 = arith.constant 1 : i32
        %get3A_1997 = arith.index_cast %get3A_1996 : i32 to index
        %get3A_1998 = arith.index_cast %scan3A_1503 : i32 to index
        %get3A_1999 = arith.constant 656 : index
        %get3A_2000 = tpu.vector_load %arg11[%get3A_1997, %get3A_1998, %get3A_1999] {strides = array<i32>} : memref<2x16x1024xf32, #tpu.memory_space<vmem>>, vector<16xf32>,
        %add3A_2001 = arith.constant 16 : i32
        %add3A_2002 = arith.addi %add3A_2001, %scan3A_1503 : i32
        %swap3A_2003 = arith.constant 1 : i32
        %swap3A_2004 = arith.index_cast %swap3A_2003 : i32 to index
        %swap3A_2005 = arith.index_cast %add3A_2002 : i32 to index
        %swap3A_2006 = arith.constant 656 : index
        %swap3A_2007 = tpu.vector_load %arg12[%swap3A_2004, %swap3A_2005, %swap3A_2006] {strides = array<i32>} : memref<2x32x1000xf32, #tpu.memory_space<vmem>>, vector<16xf32>,
        tpu.vector_store %arg12[%swap3A_2004, %swap3A_2005, %swap3A_2006], %get3A_2000 {strides = array<i32>} : memref<2x32x1000xf32, #tpu.memory_space<vmem>>, vector<16xf32>,
        %get3A_2008 = arith.constant 1 : i32
        %get3A_2009 = arith.index_cast %get3A_2008 : i32 to index
        %get3A_2010 = arith.index_cast %scan3A_1503 : i32 to index
        %get3A_2011 = arith.constant 672 : index
        %get3A_2012 = tpu.vector_load %arg11[%get3A_2009, %get3A_2010, %get3A_2011] {strides = array<i32>} : memref<2x16x1024xf32, #tpu.memory_space<vmem>>, vector<16xf32>,
        %add3A_2013 = arith.constant 16 : i32
        %add3A_2014 = arith.addi %add3A_2013, %scan3A_1503 : i32
        %swap3A_2015 = arith.constant 1 : i32
        %swap3A_2016 = arith.index_cast %swap3A_2015 : i32 to index
        %swap3A_2017 = arith.index_cast %add3A_2014 : i32 to index
        %swap3A_2018 = arith.constant 672 : index
        %swap3A_2019 = tpu.vector_load %arg12[%swap3A_2016, %swap3A_2017, %swap3A_2018] {strides = array<i32>} : memref<2x32x1000xf32, #tpu.memory_space<vmem>>, vector<16xf32>,
        tpu.vector_store %arg12[%swap3A_2016, %swap3A_2017, %swap3A_2018], %get3A_2012 {strides = array<i32>} : memref<2x32x1000xf32, #tpu.memory_space<vmem>>, vector<16xf32>,
        %get3A_2020 = arith.constant 1 : i32
        %get3A_2021 = arith.index_cast %get3A_2020 : i32 to index
        %get3A_2022 = arith.index_cast %scan3A_1503 : i32 to index
        %get3A_2023 = arith.constant 688 : index
        %get3A_2024 = tpu.vector_load %arg11[%get3A_2021, %get3A_2022, %get3A_2023] {strides = array<i32>} : memref<2x16x1024xf32, #tpu.memory_space<vmem>>, vector<16xf32>,
        %add3A_2025 = arith.constant 16 : i32
        %add3A_2026 = arith.addi %add3A_2025, %scan3A_1503 : i32
        %swap3A_2027 = arith.constant 1 : i32
        %swap3A_2028 = arith.index_cast %swap3A_2027 : i32 to index
        %swap3A_2029 = arith.index_cast %add3A_2026 : i32 to index
        %swap3A_2030 = arith.constant 688 : index
        %swap3A_2031 = tpu.vector_load %arg12[%swap3A_2028, %swap3A_2029, %swap3A_2030] {strides = array<i32>} : memref<2x32x1000xf32, #tpu.memory_space<vmem>>, vector<16xf32>,
        tpu.vector_store %arg12[%swap3A_2028, %swap3A_2029, %swap3A_2030], %get3A_2024 {strides = array<i32>} : memref<2x32x1000xf32, #tpu.memory_space<vmem>>, vector<16xf32>,
        %get3A_2032 = arith.constant 1 : i32
        %get3A_2033 = arith.index_cast %get3A_2032 : i32 to index
        %get3A_2034 = arith.index_cast %scan3A_1503 : i32 to index
        %get3A_2035 = arith.constant 704 : index
        %get3A_2036 = tpu.vector_load %arg11[%get3A_2033, %get3A_2034, %get3A_2035] {strides = array<i32>} : memref<2x16x1024xf32, #tpu.memory_space<vmem>>, vector<16xf32>,
        %add3A_2037 = arith.constant 16 : i32
        %add3A_2038 = arith.addi %add3A_2037, %scan3A_1503 : i32
        %swap3A_2039 = arith.constant 1 : i32
        %swap3A_2040 = arith.index_cast %swap3A_2039 : i32 to index
        %swap3A_2041 = arith.index_cast %add3A_2038 : i32 to index
        %swap3A_2042 = arith.constant 704 : index
        %swap3A_2043 = tpu.vector_load %arg12[%swap3A_2040, %swap3A_2041, %swap3A_2042] {strides = array<i32>} : memref<2x32x1000xf32, #tpu.memory_space<vmem>>, vector<16xf32>,
        tpu.vector_store %arg12[%swap3A_2040, %swap3A_2041, %swap3A_2042], %get3A_2036 {strides = array<i32>} : memref<2x32x1000xf32, #tpu.memory_space<vmem>>, vector<16xf32>,
        %get3A_2044 = arith.constant 1 : i32
        %get3A_2045 = arith.index_cast %get3A_2044 : i32 to index
        %get3A_2046 = arith.index_cast %scan3A_1503 : i32 to index
        %get3A_2047 = arith.constant 720 : index
        %get3A_2048 = tpu.vector_load %arg11[%get3A_2045, %get3A_2046, %get3A_2047] {strides = array<i32>} : memref<2x16x1024xf32, #tpu.memory_space<vmem>>, vector<16xf32>,
        %add3A_2049 = arith.constant 16 : i32
        %add3A_2050 = arith.addi %add3A_2049, %scan3A_1503 : i32
        %swap3A_2051 = arith.constant 1 : i32
        %swap3A_2052 = arith.index_cast %swap3A_2051 : i32 to index
        %swap3A_2053 = arith.index_cast %add3A_2050 : i32 to index
        %swap3A_2054 = arith.constant 720 : index
        %swap3A_2055 = tpu.vector_load %arg12[%swap3A_2052, %swap3A_2053, %swap3A_2054] {strides = array<i32>} : memref<2x32x1000xf32, #tpu.memory_space<vmem>>, vector<16xf32>,
        tpu.vector_store %arg12[%swap3A_2052, %swap3A_2053, %swap3A_2054], %get3A_2048 {strides = array<i32>} : memref<2x32x1000xf32, #tpu.memory_space<vmem>>, vector<16xf32>,
        %get3A_2056 = arith.constant 1 : i32
        %get3A_2057 = arith.index_cast %get3A_2056 : i32 to index
        %get3A_2058 = arith.index_cast %scan3A_1503 : i32 to index
        %get3A_2059 = arith.constant 736 : index
        %get3A_2060 = tpu.vector_load %arg11[%get3A_2057, %get3A_2058, %get3A_2059] {strides = array<i32>} : memref<2x16x1024xf32, #tpu.memory_space<vmem>>, vector<16xf32>,
        %add3A_2061 = arith.constant 16 : i32
        %add3A_2062 = arith.addi %add3A_2061, %scan3A_1503 : i32
        %swap3A_2063 = arith.constant 1 : i32
        %swap3A_2064 = arith.index_cast %swap3A_2063 : i32 to index
        %swap3A_2065 = arith.index_cast %add3A_2062 : i32 to index
        %swap3A_2066 = arith.constant 736 : index
        %swap3A_2067 = tpu.vector_load %arg12[%swap3A_2064, %swap3A_2065, %swap3A_2066] {strides = array<i32>} : memref<2x32x1000xf32, #tpu.memory_space<vmem>>, vector<16xf32>,
        tpu.vector_store %arg12[%swap3A_2064, %swap3A_2065, %swap3A_2066], %get3A_2060 {strides = array<i32>} : memref<2x32x1000xf32, #tpu.memory_space<vmem>>, vector<16xf32>,
        %get3A_2068 = arith.constant 1 : i32
        %get3A_2069 = arith.index_cast %get3A_2068 : i32 to index
        %get3A_2070 = arith.index_cast %scan3A_1503 : i32 to index
        %get3A_2071 = arith.constant 752 : index
        %get3A_2072 = tpu.vector_load %arg11[%get3A_2069, %get3A_2070, %get3A_2071] {strides = array<i32>} : memref<2x16x1024xf32, #tpu.memory_space<vmem>>, vector<16xf32>,
        %add3A_2073 = arith.constant 16 : i32
        %add3A_2074 = arith.addi %add3A_2073, %scan3A_1503 : i32
        %swap3A_2075 = arith.constant 1 : i32
        %swap3A_2076 = arith.index_cast %swap3A_2075 : i32 to index
        %swap3A_2077 = arith.index_cast %add3A_2074 : i32 to index
        %swap3A_2078 = arith.constant 752 : index
        %swap3A_2079 = tpu.vector_load %arg12[%swap3A_2076, %swap3A_2077, %swap3A_2078] {strides = array<i32>} : memref<2x32x1000xf32, #tpu.memory_space<vmem>>, vector<16xf32>,
        tpu.vector_store %arg12[%swap3A_2076, %swap3A_2077, %swap3A_2078], %get3A_2072 {strides = array<i32>} : memref<2x32x1000xf32, #tpu.memory_space<vmem>>, vector<16xf32>,
        %get3A_2080 = arith.constant 1 : i32
        %get3A_2081 = arith.index_cast %get3A_2080 : i32 to index
        %get3A_2082 = arith.index_cast %scan3A_1503 : i32 to index
        %get3A_2083 = arith.constant 768 : index
        %get3A_2084 = tpu.vector_load %arg11[%get3A_2081, %get3A_2082, %get3A_2083] {strides = array<i32>} : memref<2x16x1024xf32, #tpu.memory_space<vmem>>, vector<16xf32>,
        %add3A_2085 = arith.constant 16 : i32
        %add3A_2086 = arith.addi %add3A_2085, %scan3A_1503 : i32
        %swap3A_2087 = arith.constant 1 : i32
        %swap3A_2088 = arith.index_cast %swap3A_2087 : i32 to index
        %swap3A_2089 = arith.index_cast %add3A_2086 : i32 to index
        %swap3A_2090 = arith.constant 768 : index
        %swap3A_2091 = tpu.vector_load %arg12[%swap3A_2088, %swap3A_2089, %swap3A_2090] {strides = array<i32>} : memref<2x32x1000xf32, #tpu.memory_space<vmem>>, vector<16xf32>,
        tpu.vector_store %arg12[%swap3A_2088, %swap3A_2089, %swap3A_2090], %get3A_2084 {strides = array<i32>} : memref<2x32x1000xf32, #tpu.memory_space<vmem>>, vector<16xf32>,
        %get3A_2092 = arith.constant 1 : i32
        %get3A_2093 = arith.index_cast %get3A_2092 : i32 to index
        %get3A_2094 = arith.index_cast %scan3A_1503 : i32 to index
        %get3A_2095 = arith.constant 784 : index
        %get3A_2096 = tpu.vector_load %arg11[%get3A_2093, %get3A_2094, %get3A_2095] {strides = array<i32>} : memref<2x16x1024xf32, #tpu.memory_space<vmem>>, vector<16xf32>,
        %add3A_2097 = arith.constant 16 : i32
        %add3A_2098 = arith.addi %add3A_2097, %scan3A_1503 : i32
        %swap3A_2099 = arith.constant 1 : i32
        %swap3A_2100 = arith.index_cast %swap3A_2099 : i32 to index
        %swap3A_2101 = arith.index_cast %add3A_2098 : i32 to index
        %swap3A_2102 = arith.constant 784 : index
        %swap3A_2103 = tpu.vector_load %arg12[%swap3A_2100, %swap3A_2101, %swap3A_2102] {strides = array<i32>} : memref<2x32x1000xf32, #tpu.memory_space<vmem>>, vector<16xf32>,
        tpu.vector_store %arg12[%swap3A_2100, %swap3A_2101, %swap3A_2102], %get3A_2096 {strides = array<i32>} : memref<2x32x1000xf32, #tpu.memory_space<vmem>>, vector<16xf32>,
        %get3A_2104 = arith.constant 1 : i32
        %get3A_2105 = arith.index_cast %get3A_2104 : i32 to index
        %get3A_2106 = arith.index_cast %scan3A_1503 : i32 to index
        %get3A_2107 = arith.constant 800 : index
        %get3A_2108 = tpu.vector_load %arg11[%get3A_2105, %get3A_2106, %get3A_2107] {strides = array<i32>} : memref<2x16x1024xf32, #tpu.memory_space<vmem>>, vector<16xf32>,
        %add3A_2109 = arith.constant 16 : i32
        %add3A_2110 = arith.addi %add3A_2109, %scan3A_1503 : i32
        %swap3A_2111 = arith.constant 1 : i32
        %swap3A_2112 = arith.index_cast %swap3A_2111 : i32 to index
        %swap3A_2113 = arith.index_cast %add3A_2110 : i32 to index
        %swap3A_2114 = arith.constant 800 : index
        %swap3A_2115 = tpu.vector_load %arg12[%swap3A_2112, %swap3A_2113, %swap3A_2114] {strides = array<i32>} : memref<2x32x1000xf32, #tpu.memory_space<vmem>>, vector<16xf32>,
        tpu.vector_store %arg12[%swap3A_2112, %swap3A_2113, %swap3A_2114], %get3A_2108 {strides = array<i32>} : memref<2x32x1000xf32, #tpu.memory_space<vmem>>, vector<16xf32>,
        %get3A_2116 = arith.constant 1 : i32
        %get3A_2117 = arith.index_cast %get3A_2116 : i32 to index
        %get3A_2118 = arith.index_cast %scan3A_1503 : i32 to index
        %get3A_2119 = arith.constant 816 : index
        %get3A_2120 = tpu.vector_load %arg11[%get3A_2117, %get3A_2118, %get3A_2119] {strides = array<i32>} : memref<2x16x1024xf32, #tpu.memory_space<vmem>>, vector<16xf32>,
        %add3A_2121 = arith.constant 16 : i32
        %add3A_2122 = arith.addi %add3A_2121, %scan3A_1503 : i32
        %swap3A_2123 = arith.constant 1 : i32
        %swap3A_2124 = arith.index_cast %swap3A_2123 : i32 to index
        %swap3A_2125 = arith.index_cast %add3A_2122 : i32 to index
        %swap3A_2126 = arith.constant 816 : index
        %swap3A_2127 = tpu.vector_load %arg12[%swap3A_2124, %swap3A_2125, %swap3A_2126] {strides = array<i32>} : memref<2x32x1000xf32, #tpu.memory_space<vmem>>, vector<16xf32>,
        tpu.vector_store %arg12[%swap3A_2124, %swap3A_2125, %swap3A_2126], %get3A_2120 {strides = array<i32>} : memref<2x32x1000xf32, #tpu.memory_space<vmem>>, vector<16xf32>,
        %get3A_2128 = arith.constant 1 : i32
        %get3A_2129 = arith.index_cast %get3A_2128 : i32 to index
        %get3A_2130 = arith.index_cast %scan3A_1503 : i32 to index
        %get3A_2131 = arith.constant 832 : index
        %get3A_2132 = tpu.vector_load %arg11[%get3A_2129, %get3A_2130, %get3A_2131] {strides = array<i32>} : memref<2x16x1024xf32, #tpu.memory_space<vmem>>, vector<16xf32>,
        %add3A_2133 = arith.constant 16 : i32
        %add3A_2134 = arith.addi %add3A_2133, %scan3A_1503 : i32
        %swap3A_2135 = arith.constant 1 : i32
        %swap3A_2136 = arith.index_cast %swap3A_2135 : i32 to index
        %swap3A_2137 = arith.index_cast %add3A_2134 : i32 to index
        %swap3A_2138 = arith.constant 832 : index
        %swap3A_2139 = tpu.vector_load %arg12[%swap3A_2136, %swap3A_2137, %swap3A_2138] {strides = array<i32>} : memref<2x32x1000xf32, #tpu.memory_space<vmem>>, vector<16xf32>,
        tpu.vector_store %arg12[%swap3A_2136, %swap3A_2137, %swap3A_2138], %get3A_2132 {strides = array<i32>} : memref<2x32x1000xf32, #tpu.memory_space<vmem>>, vector<16xf32>,
        %get3A_2140 = arith.constant 1 : i32
        %get3A_2141 = arith.index_cast %get3A_2140 : i32 to index
        %get3A_2142 = arith.index_cast %scan3A_1503 : i32 to index
        %get3A_2143 = arith.constant 848 : index
        %get3A_2144 = tpu.vector_load %arg11[%get3A_2141, %get3A_2142, %get3A_2143] {strides = array<i32>} : memref<2x16x1024xf32, #tpu.memory_space<vmem>>, vector<16xf32>,
        %add3A_2145 = arith.constant 16 : i32
        %add3A_2146 = arith.addi %add3A_2145, %scan3A_1503 : i32
        %swap3A_2147 = arith.constant 1 : i32
        %swap3A_2148 = arith.index_cast %swap3A_2147 : i32 to index
        %swap3A_2149 = arith.index_cast %add3A_2146 : i32 to index
        %swap3A_2150 = arith.constant 848 : index
        %swap3A_2151 = tpu.vector_load %arg12[%swap3A_2148, %swap3A_2149, %swap3A_2150] {strides = array<i32>} : memref<2x32x1000xf32, #tpu.memory_space<vmem>>, vector<16xf32>,
        tpu.vector_store %arg12[%swap3A_2148, %swap3A_2149, %swap3A_2150], %get3A_2144 {strides = array<i32>} : memref<2x32x1000xf32, #tpu.memory_space<vmem>>, vector<16xf32>,
        %get3A_2152 = arith.constant 1 : i32
        %get3A_2153 = arith.index_cast %get3A_2152 : i32 to index
        %get3A_2154 = arith.index_cast %scan3A_1503 : i32 to index
        %get3A_2155 = arith.constant 864 : index
        %get3A_2156 = tpu.vector_load %arg11[%get3A_2153, %get3A_2154, %get3A_2155] {strides = array<i32>} : memref<2x16x1024xf32, #tpu.memory_space<vmem>>, vector<16xf32>,
        %add3A_2157 = arith.constant 16 : i32
        %add3A_2158 = arith.addi %add3A_2157, %scan3A_1503 : i32
        %swap3A_2159 = arith.constant 1 : i32
        %swap3A_2160 = arith.index_cast %swap3A_2159 : i32 to index
        %swap3A_2161 = arith.index_cast %add3A_2158 : i32 to index
        %swap3A_2162 = arith.constant 864 : index
        %swap3A_2163 = tpu.vector_load %arg12[%swap3A_2160, %swap3A_2161, %swap3A_2162] {strides = array<i32>} : memref<2x32x1000xf32, #tpu.memory_space<vmem>>, vector<16xf32>,
        tpu.vector_store %arg12[%swap3A_2160, %swap3A_2161, %swap3A_2162], %get3A_2156 {strides = array<i32>} : memref<2x32x1000xf32, #tpu.memory_space<vmem>>, vector<16xf32>,
        %get3A_2164 = arith.constant 1 : i32
        %get3A_2165 = arith.index_cast %get3A_2164 : i32 to index
        %get3A_2166 = arith.index_cast %scan3A_1503 : i32 to index
        %get3A_2167 = arith.constant 880 : index
        %get3A_2168 = tpu.vector_load %arg11[%get3A_2165, %get3A_2166, %get3A_2167] {strides = array<i32>} : memref<2x16x1024xf32, #tpu.memory_space<vmem>>, vector<16xf32>,
        %add3A_2169 = arith.constant 16 : i32
        %add3A_2170 = arith.addi %add3A_2169, %scan3A_1503 : i32
        %swap3A_2171 = arith.constant 1 : i32
        %swap3A_2172 = arith.index_cast %swap3A_2171 : i32 to index
        %swap3A_2173 = arith.index_cast %add3A_2170 : i32 to index
        %swap3A_2174 = arith.constant 880 : index
        %swap3A_2175 = tpu.vector_load %arg12[%swap3A_2172, %swap3A_2173, %swap3A_2174] {strides = array<i32>} : memref<2x32x1000xf32, #tpu.memory_space<vmem>>, vector<16xf32>,
        tpu.vector_store %arg12[%swap3A_2172, %swap3A_2173, %swap3A_2174], %get3A_2168 {strides = array<i32>} : memref<2x32x1000xf32, #tpu.memory_space<vmem>>, vector<16xf32>,
        %get3A_2176 = arith.constant 1 : i32
        %get3A_2177 = arith.index_cast %get3A_2176 : i32 to index
        %get3A_2178 = arith.index_cast %scan3A_1503 : i32 to index
        %get3A_2179 = arith.constant 896 : index
        %get3A_2180 = tpu.vector_load %arg11[%get3A_2177, %get3A_2178, %get3A_2179] {strides = array<i32>} : memref<2x16x1024xf32, #tpu.memory_space<vmem>>, vector<16xf32>,
        %add3A_2181 = arith.constant 16 : i32
        %add3A_2182 = arith.addi %add3A_2181, %scan3A_1503 : i32
        %swap3A_2183 = arith.constant 1 : i32
        %swap3A_2184 = arith.index_cast %swap3A_2183 : i32 to index
        %swap3A_2185 = arith.index_cast %add3A_2182 : i32 to index
        %swap3A_2186 = arith.constant 896 : index
        %swap3A_2187 = tpu.vector_load %arg12[%swap3A_2184, %swap3A_2185, %swap3A_2186] {strides = array<i32>} : memref<2x32x1000xf32, #tpu.memory_space<vmem>>, vector<16xf32>,
        tpu.vector_store %arg12[%swap3A_2184, %swap3A_2185, %swap3A_2186], %get3A_2180 {strides = array<i32>} : memref<2x32x1000xf32, #tpu.memory_space<vmem>>, vector<16xf32>,
        %get3A_2188 = arith.constant 1 : i32
        %get3A_2189 = arith.index_cast %get3A_2188 : i32 to index
        %get3A_2190 = arith.index_cast %scan3A_1503 : i32 to index
        %get3A_2191 = arith.constant 912 : index
        %get3A_2192 = tpu.vector_load %arg11[%get3A_2189, %get3A_2190, %get3A_2191] {strides = array<i32>} : memref<2x16x1024xf32, #tpu.memory_space<vmem>>, vector<16xf32>,
        %add3A_2193 = arith.constant 16 : i32
        %add3A_2194 = arith.addi %add3A_2193, %scan3A_1503 : i32
        %swap3A_2195 = arith.constant 1 : i32
        %swap3A_2196 = arith.index_cast %swap3A_2195 : i32 to index
        %swap3A_2197 = arith.index_cast %add3A_2194 : i32 to index
        %swap3A_2198 = arith.constant 912 : index
        %swap3A_2199 = tpu.vector_load %arg12[%swap3A_2196, %swap3A_2197, %swap3A_2198] {strides = array<i32>} : memref<2x32x1000xf32, #tpu.memory_space<vmem>>, vector<16xf32>,
        tpu.vector_store %arg12[%swap3A_2196, %swap3A_2197, %swap3A_2198], %get3A_2192 {strides = array<i32>} : memref<2x32x1000xf32, #tpu.memory_space<vmem>>, vector<16xf32>,
        %get3A_2200 = arith.constant 1 : i32
        %get3A_2201 = arith.index_cast %get3A_2200 : i32 to index
        %get3A_2202 = arith.index_cast %scan3A_1503 : i32 to index
        %get3A_2203 = arith.constant 928 : index
        %get3A_2204 = tpu.vector_load %arg11[%get3A_2201, %get3A_2202, %get3A_2203] {strides = array<i32>} : memref<2x16x1024xf32, #tpu.memory_space<vmem>>, vector<16xf32>,
        %add3A_2205 = arith.constant 16 : i32
        %add3A_2206 = arith.addi %add3A_2205, %scan3A_1503 : i32
        %swap3A_2207 = arith.constant 1 : i32
        %swap3A_2208 = arith.index_cast %swap3A_2207 : i32 to index
        %swap3A_2209 = arith.index_cast %add3A_2206 : i32 to index
        %swap3A_2210 = arith.constant 928 : index
        %swap3A_2211 = tpu.vector_load %arg12[%swap3A_2208, %swap3A_2209, %swap3A_2210] {strides = array<i32>} : memref<2x32x1000xf32, #tpu.memory_space<vmem>>, vector<16xf32>,
        tpu.vector_store %arg12[%swap3A_2208, %swap3A_2209, %swap3A_2210], %get3A_2204 {strides = array<i32>} : memref<2x32x1000xf32, #tpu.memory_space<vmem>>, vector<16xf32>,
        %get3A_2212 = arith.constant 1 : i32
        %get3A_2213 = arith.index_cast %get3A_2212 : i32 to index
        %get3A_2214 = arith.index_cast %scan3A_1503 : i32 to index
        %get3A_2215 = arith.constant 944 : index
        %get3A_2216 = tpu.vector_load %arg11[%get3A_2213, %get3A_2214, %get3A_2215] {strides = array<i32>} : memref<2x16x1024xf32, #tpu.memory_space<vmem>>, vector<16xf32>,
        %add3A_2217 = arith.constant 16 : i32
        %add3A_2218 = arith.addi %add3A_2217, %scan3A_1503 : i32
        %swap3A_2219 = arith.constant 1 : i32
        %swap3A_2220 = arith.index_cast %swap3A_2219 : i32 to index
        %swap3A_2221 = arith.index_cast %add3A_2218 : i32 to index
        %swap3A_2222 = arith.constant 944 : index
        %swap3A_2223 = tpu.vector_load %arg12[%swap3A_2220, %swap3A_2221, %swap3A_2222] {strides = array<i32>} : memref<2x32x1000xf32, #tpu.memory_space<vmem>>, vector<16xf32>,
        tpu.vector_store %arg12[%swap3A_2220, %swap3A_2221, %swap3A_2222], %get3A_2216 {strides = array<i32>} : memref<2x32x1000xf32, #tpu.memory_space<vmem>>, vector<16xf32>,
        %get3A_2224 = arith.constant 1 : i32
        %get3A_2225 = arith.index_cast %get3A_2224 : i32 to index
        %get3A_2226 = arith.index_cast %scan3A_1503 : i32 to index
        %get3A_2227 = arith.constant 960 : index
        %get3A_2228 = tpu.vector_load %arg11[%get3A_2225, %get3A_2226, %get3A_2227] {strides = array<i32>} : memref<2x16x1024xf32, #tpu.memory_space<vmem>>, vector<16xf32>,
        %add3A_2229 = arith.constant 16 : i32
        %add3A_2230 = arith.addi %add3A_2229, %scan3A_1503 : i32
        %swap3A_2231 = arith.constant 1 : i32
        %swap3A_2232 = arith.index_cast %swap3A_2231 : i32 to index
        %swap3A_2233 = arith.index_cast %add3A_2230 : i32 to index
        %swap3A_2234 = arith.constant 960 : index
        %swap3A_2235 = tpu.vector_load %arg12[%swap3A_2232, %swap3A_2233, %swap3A_2234] {strides = array<i32>} : memref<2x32x1000xf32, #tpu.memory_space<vmem>>, vector<16xf32>,
        tpu.vector_store %arg12[%swap3A_2232, %swap3A_2233, %swap3A_2234], %get3A_2228 {strides = array<i32>} : memref<2x32x1000xf32, #tpu.memory_space<vmem>>, vector<16xf32>,
        %get3A_2236 = arith.constant 1 : i32
        %get3A_2237 = arith.index_cast %get3A_2236 : i32 to index
        %get3A_2238 = arith.index_cast %scan3A_1503 : i32 to index
        %get3A_2239 = arith.constant 976 : index
        %get3A_2240 = tpu.vector_load %arg11[%get3A_2237, %get3A_2238, %get3A_2239] {strides = array<i32>} : memref<2x16x1024xf32, #tpu.memory_space<vmem>>, vector<16xf32>,
        %add3A_2241 = arith.constant 16 : i32
        %add3A_2242 = arith.addi %add3A_2241, %scan3A_1503 : i32
        %swap3A_2243 = arith.constant 1 : i32
        %swap3A_2244 = arith.index_cast %swap3A_2243 : i32 to index
        %swap3A_2245 = arith.index_cast %add3A_2242 : i32 to index
        %swap3A_2246 = arith.constant 976 : index
        %swap3A_2247 = tpu.vector_load %arg12[%swap3A_2244, %swap3A_2245, %swap3A_2246] {strides = array<i32>} : memref<2x32x1000xf32, #tpu.memory_space<vmem>>, vector<16xf32>,
        tpu.vector_store %arg12[%swap3A_2244, %swap3A_2245, %swap3A_2246], %get3A_2240 {strides = array<i32>} : memref<2x32x1000xf32, #tpu.memory_space<vmem>>, vector<16xf32>,
      }
      %scan3A_1212 = arith.constant 16 : i32
      %add3A_1213 = arith.constant 0 : i32
      %add3A_1214 = vector.broadcast %add3A_1213 : i32 to vector<16xi32>
      %add3A_1215 = arith.addi %select_n3A, %add3A_1214 : vector<16xi32>
      %gather3A_1216 = arith.constant 1 : i32
      %gather3A_1217 = arith.constant 0 : i32
      %gather3A_1218 = arith.constant 0 : i32
      %gather3A_1219 = tpu.memref_slice %arg11[%gather3A_1216, %gather3A_1217, %gather3A_1218] : memref<2x16x1024xf32, #tpu.memory_space<vmem>> -> memref<1x16x1024xf32, #tpu.memory_space<vmem>>
      %gather3A_1220 = tpu.memref_squeeze %gather3A_1219 : memref<1x16x1024xf32, #tpu.memory_space<vmem>> -> memref<16x1024xf32, #tpu.memory_space<vmem>>
      %gather3A_1221 = tpu.vector_load_idx %gather3A_1220[%add3A_1215, %add3A_52] : memref<16x1024xf32, #tpu.memory_space<vmem>>[vector<16xi32>, vector<16xi32>], vector<16xf32>,
      %add3A_1222 = arith.constant 0 : i32
      %add3A_1223 = vector.broadcast %add3A_1222 : i32 to vector<16xi32>
      %add3A_1224 = arith.addi %select_n3A, %add3A_1223 : vector<16xi32>
      %add3A_1225 = arith.constant 16 : i32
      %add3A_1226 = vector.broadcast %add3A_1225 : i32 to vector<16xi32>
      %add3A_1227 = arith.addi %add3A_1224, %add3A_1226 : vector<16xi32>
      %scatter3A_1228 = arith.constant 1 : i32
      %scatter3A_1229 = arith.constant 0 : i32
      %scatter3A_1230 = arith.constant 0 : i32
      %scatter3A_1231 = tpu.memref_slice %arg12[%scatter3A_1228, %scatter3A_1229, %scatter3A_1230] : memref<2x32x1000xf32, #tpu.memory_space<vmem>> -> memref<1x32x1000xf32, #tpu.memory_space<vmem>>
      %scatter3A_1232 = tpu.memref_squeeze %scatter3A_1231 : memref<1x32x1000xf32, #tpu.memory_space<vmem>> -> memref<32x1000xf32, #tpu.memory_space<vmem>>
      tpu.vector_store_idx %scatter3A_1232[%add3A_1227, %add3A_52], %gather3A_1221 : memref<32x1000xf32, #tpu.memory_space<vmem>>[vector<16xi32>, vector<16xi32>], vector<16xf32>,
      %add3A_1233 = arith.constant 2 : i32
      %add3A_1234 = vector.broadcast %add3A_1233 : i32 to vector<16xi32>
      %add3A_1235 = arith.addi %select_n3A, %add3A_1234 : vector<16xi32>
      %gather3A_1236 = arith.constant 1 : i32
      %gather3A_1237 = arith.constant 0 : i32
      %gather3A_1238 = arith.constant 0 : i32
      %gather3A_1239 = tpu.memref_slice %arg11[%gather3A_1236, %gather3A_1237, %gather3A_1238] : memref<2x16x1024xf32, #tpu.memory_space<vmem>> -> memref<1x16x1024xf32, #tpu.memory_space<vmem>>
      %gather3A_1240 = tpu.memref_squeeze %gather3A_1239 : memref<1x16x1024xf32, #tpu.memory_space<vmem>> -> memref<16x1024xf32, #tpu.memory_space<vmem>>
      %gather3A_1241 = tpu.vector_load_idx %gather3A_1240[%add3A_1235, %add3A_52] : memref<16x1024xf32, #tpu.memory_space<vmem>>[vector<16xi32>, vector<16xi32>], vector<16xf32>,
      %add3A_1242 = arith.constant 2 : i32
      %add3A_1243 = vector.broadcast %add3A_1242 : i32 to vector<16xi32>
      %add3A_1244 = arith.addi %select_n3A, %add3A_1243 : vector<16xi32>
      %add3A_1245 = arith.constant 16 : i32
      %add3A_1246 = vector.broadcast %add3A_1245 : i32 to vector<16xi32>
      %add3A_1247 = arith.addi %add3A_1244, %add3A_1246 : vector<16xi32>
      %scatter3A_1248 = arith.constant 1 : i32
      %scatter3A_1249 = arith.constant 0 : i32
      %scatter3A_1250 = arith.constant 0 : i32
      %scatter3A_1251 = tpu.memref_slice %arg12[%scatter3A_1248, %scatter3A_1249, %scatter3A_1250] : memref<2x32x1000xf32, #tpu.memory_space<vmem>> -> memref<1x32x1000xf32, #tpu.memory_space<vmem>>
      %scatter3A_1252 = tpu.memref_squeeze %scatter3A_1251 : memref<1x32x1000xf32, #tpu.memory_space<vmem>> -> memref<32x1000xf32, #tpu.memory_space<vmem>>
      tpu.vector_store_idx %scatter3A_1252[%add3A_1247, %add3A_52], %gather3A_1241 : memref<32x1000xf32, #tpu.memory_space<vmem>>[vector<16xi32>, vector<16xi32>], vector<16xf32>,
      %add3A_1253 = arith.constant 4 : i32
      %add3A_1254 = vector.broadcast %add3A_1253 : i32 to vector<16xi32>
      %add3A_1255 = arith.addi %select_n3A, %add3A_1254 : vector<16xi32>
      %gather3A_1256 = arith.constant 1 : i32
      %gather3A_1257 = arith.constant 0 : i32
      %gather3A_1258 = arith.constant 0 : i32
      %gather3A_1259 = tpu.memref_slice %arg11[%gather3A_1256, %gather3A_1257, %gather3A_1258] : memref<2x16x1024xf32, #tpu.memory_space<vmem>> -> memref<1x16x1024xf32, #tpu.memory_space<vmem>>
      %gather3A_1260 = tpu.memref_squeeze %gather3A_1259 : memref<1x16x1024xf32, #tpu.memory_space<vmem>> -> memref<16x1024xf32, #tpu.memory_space<vmem>>
      %gather3A_1261 = tpu.vector_load_idx %gather3A_1260[%add3A_1255, %add3A_52] : memref<16x1024xf32, #tpu.memory_space<vmem>>[vector<16xi32>, vector<16xi32>], vector<16xf32>,
      %add3A_1262 = arith.constant 4 : i32
      %add3A_1263 = vector.broadcast %add3A_1262 : i32 to vector<16xi32>
      %add3A_1264 = arith.addi %select_n3A, %add3A_1263 : vector<16xi32>
      %add3A_1265 = arith.constant 16 : i32
      %add3A_1266 = vector.broadcast %add3A_1265 : i32 to vector<16xi32>
      %add3A_1267 = arith.addi %add3A_1264, %add3A_1266 : vector<16xi32>
      %scatter3A_1268 = arith.constant 1 : i32
      %scatter3A_1269 = arith.constant 0 : i32
      %scatter3A_1270 = arith.constant 0 : i32
      %scatter3A_1271 = tpu.memref_slice %arg12[%scatter3A_1268, %scatter3A_1269, %scatter3A_1270] : memref<2x32x1000xf32, #tpu.memory_space<vmem>> -> memref<1x32x1000xf32, #tpu.memory_space<vmem>>
      %scatter3A_1272 = tpu.memref_squeeze %scatter3A_1271 : memref<1x32x1000xf32, #tpu.memory_space<vmem>> -> memref<32x1000xf32, #tpu.memory_space<vmem>>
      tpu.vector_store_idx %scatter3A_1272[%add3A_1267, %add3A_52], %gather3A_1261 : memref<32x1000xf32, #tpu.memory_space<vmem>>[vector<16xi32>, vector<16xi32>], vector<16xf32>,
      %add3A_1273 = arith.constant 6 : i32
      %add3A_1274 = vector.broadcast %add3A_1273 : i32 to vector<16xi32>
      %add3A_1275 = arith.addi %select_n3A, %add3A_1274 : vector<16xi32>
      %gather3A_1276 = arith.constant 1 : i32
      %gather3A_1277 = arith.constant 0 : i32
      %gather3A_1278 = arith.constant 0 : i32
      %gather3A_1279 = tpu.memref_slice %arg11[%gather3A_1276, %gather3A_1277, %gather3A_1278] : memref<2x16x1024xf32, #tpu.memory_space<vmem>> -> memref<1x16x1024xf32, #tpu.memory_space<vmem>>
      %gather3A_1280 = tpu.memref_squeeze %gather3A_1279 : memref<1x16x1024xf32, #tpu.memory_space<vmem>> -> memref<16x1024xf32, #tpu.memory_space<vmem>>
      %gather3A_1281 = tpu.vector_load_idx %gather3A_1280[%add3A_1275, %add3A_52] : memref<16x1024xf32, #tpu.memory_space<vmem>>[vector<16xi32>, vector<16xi32>], vector<16xf32>,
      %add3A_1282 = arith.constant 6 : i32
      %add3A_1283 = vector.broadcast %add3A_1282 : i32 to vector<16xi32>
      %add3A_1284 = arith.addi %select_n3A, %add3A_1283 : vector<16xi32>
      %add3A_1285 = arith.constant 16 : i32
      %add3A_1286 = vector.broadcast %add3A_1285 : i32 to vector<16xi32>
      %add3A_1287 = arith.addi %add3A_1284, %add3A_1286 : vector<16xi32>
      %scatter3A_1288 = arith.constant 1 : i32
      %scatter3A_1289 = arith.constant 0 : i32
      %scatter3A_1290 = arith.constant 0 : i32
      %scatter3A_1291 = tpu.memref_slice %arg12[%scatter3A_1288, %scatter3A_1289, %scatter3A_1290] : memref<2x32x1000xf32, #tpu.memory_space<vmem>> -> memref<1x32x1000xf32, #tpu.memory_space<vmem>>
      %scatter3A_1292 = tpu.memref_squeeze %scatter3A_1291 : memref<1x32x1000xf32, #tpu.memory_space<vmem>> -> memref<32x1000xf32, #tpu.memory_space<vmem>>
      tpu.vector_store_idx %scatter3A_1292[%add3A_1287, %add3A_52], %gather3A_1281 : memref<32x1000xf32, #tpu.memory_space<vmem>>[vector<16xi32>, vector<16xi32>], vector<16xf32>,
      %add3A_1293 = arith.constant 8 : i32
      %add3A_1294 = vector.broadcast %add3A_1293 : i32 to vector<16xi32>
      %add3A_1295 = arith.addi %select_n3A, %add3A_1294 : vector<16xi32>
      %gather3A_1296 = arith.constant 1 : i32
      %gather3A_1297 = arith.constant 0 : i32
      %gather3A_1298 = arith.constant 0 : i32
      %gather3A_1299 = tpu.memref_slice %arg11[%gather3A_1296, %gather3A_1297, %gather3A_1298] : memref<2x16x1024xf32, #tpu.memory_space<vmem>> -> memref<1x16x1024xf32, #tpu.memory_space<vmem>>
      %gather3A_1300 = tpu.memref_squeeze %gather3A_1299 : memref<1x16x1024xf32, #tpu.memory_space<vmem>> -> memref<16x1024xf32, #tpu.memory_space<vmem>>
      %gather3A_1301 = tpu.vector_load_idx %gather3A_1300[%add3A_1295, %add3A_52] : memref<16x1024xf32, #tpu.memory_space<vmem>>[vector<16xi32>, vector<16xi32>], vector<16xf32>,
      %add3A_1302 = arith.constant 8 : i32
      %add3A_1303 = vector.broadcast %add3A_1302 : i32 to vector<16xi32>
      %add3A_1304 = arith.addi %select_n3A, %add3A_1303 : vector<16xi32>
      %add3A_1305 = arith.constant 16 : i32
      %add3A_1306 = vector.broadcast %add3A_1305 : i32 to vector<16xi32>
      %add3A_1307 = arith.addi %add3A_1304, %add3A_1306 : vector<16xi32>
      %scatter3A_1308 = arith.constant 1 : i32
      %scatter3A_1309 = arith.constant 0 : i32
      %scatter3A_1310 = arith.constant 0 : i32
      %scatter3A_1311 = tpu.memref_slice %arg12[%scatter3A_1308, %scatter3A_1309, %scatter3A_1310] : memref<2x32x1000xf32, #tpu.memory_space<vmem>> -> memref<1x32x1000xf32, #tpu.memory_space<vmem>>
      %scatter3A_1312 = tpu.memref_squeeze %scatter3A_1311 : memref<1x32x1000xf32, #tpu.memory_space<vmem>> -> memref<32x1000xf32, #tpu.memory_space<vmem>>
      tpu.vector_store_idx %scatter3A_1312[%add3A_1307, %add3A_52], %gather3A_1301 : memref<32x1000xf32, #tpu.memory_space<vmem>>[vector<16xi32>, vector<16xi32>], vector<16xf32>,
      %add3A_1313 = arith.constant 10 : i32
      %add3A_1314 = vector.broadcast %add3A_1313 : i32 to vector<16xi32>
      %add3A_1315 = arith.addi %select_n3A, %add3A_1314 : vector<16xi32>
      %gather3A_1316 = arith.constant 1 : i32
      %gather3A_1317 = arith.constant 0 : i32
      %gather3A_1318 = arith.constant 0 : i32
      %gather3A_1319 = tpu.memref_slice %arg11[%gather3A_1316, %gather3A_1317, %gather3A_1318] : memref<2x16x1024xf32, #tpu.memory_space<vmem>> -> memref<1x16x1024xf32, #tpu.memory_space<vmem>>
      %gather3A_1320 = tpu.memref_squeeze %gather3A_1319 : memref<1x16x1024xf32, #tpu.memory_space<vmem>> -> memref<16x1024xf32, #tpu.memory_space<vmem>>
      %gather3A_1321 = tpu.vector_load_idx %gather3A_1320[%add3A_1315, %add3A_52] : memref<16x1024xf32, #tpu.memory_space<vmem>>[vector<16xi32>, vector<16xi32>], vector<16xf32>,
      %add3A_1322 = arith.constant 10 : i32
      %add3A_1323 = vector.broadcast %add3A_1322 : i32 to vector<16xi32>
      %add3A_1324 = arith.addi %select_n3A, %add3A_1323 : vector<16xi32>
      %add3A_1325 = arith.constant 16 : i32
      %add3A_1326 = vector.broadcast %add3A_1325 : i32 to vector<16xi32>
      %add3A_1327 = arith.addi %add3A_1324, %add3A_1326 : vector<16xi32>
      %scatter3A_1328 = arith.constant 1 : i32
      %scatter3A_1329 = arith.constant 0 : i32
      %scatter3A_1330 = arith.constant 0 : i32
      %scatter3A_1331 = tpu.memref_slice %arg12[%scatter3A_1328, %scatter3A_1329, %scatter3A_1330] : memref<2x32x1000xf32, #tpu.memory_space<vmem>> -> memref<1x32x1000xf32, #tpu.memory_space<vmem>>
      %scatter3A_1332 = tpu.memref_squeeze %scatter3A_1331 : memref<1x32x1000xf32, #tpu.memory_space<vmem>> -> memref<32x1000xf32, #tpu.memory_space<vmem>>
      tpu.vector_store_idx %scatter3A_1332[%add3A_1327, %add3A_52], %gather3A_1321 : memref<32x1000xf32, #tpu.memory_space<vmem>>[vector<16xi32>, vector<16xi32>], vector<16xf32>,
      %add3A_1333 = arith.constant 12 : i32
      %add3A_1334 = vector.broadcast %add3A_1333 : i32 to vector<16xi32>
      %add3A_1335 = arith.addi %select_n3A, %add3A_1334 : vector<16xi32>
      %gather3A_1336 = arith.constant 1 : i32
      %gather3A_1337 = arith.constant 0 : i32
      %gather3A_1338 = arith.constant 0 : i32
      %gather3A_1339 = tpu.memref_slice %arg11[%gather3A_1336, %gather3A_1337, %gather3A_1338] : memref<2x16x1024xf32, #tpu.memory_space<vmem>> -> memref<1x16x1024xf32, #tpu.memory_space<vmem>>
      %gather3A_1340 = tpu.memref_squeeze %gather3A_1339 : memref<1x16x1024xf32, #tpu.memory_space<vmem>> -> memref<16x1024xf32, #tpu.memory_space<vmem>>
      %gather3A_1341 = tpu.vector_load_idx %gather3A_1340[%add3A_1335, %add3A_52] : memref<16x1024xf32, #tpu.memory_space<vmem>>[vector<16xi32>, vector<16xi32>], vector<16xf32>,
      %add3A_1342 = arith.constant 12 : i32
      %add3A_1343 = vector.broadcast %add3A_1342 : i32 to vector<16xi32>
      %add3A_1344 = arith.addi %select_n3A, %add3A_1343 : vector<16xi32>
      %add3A_1345 = arith.constant 16 : i32
      %add3A_1346 = vector.broadcast %add3A_1345 : i32 to vector<16xi32>
      %add3A_1347 = arith.addi %add3A_1344, %add3A_1346 : vector<16xi32>
      %scatter3A_1348 = arith.constant 1 : i32
      %scatter3A_1349 = arith.constant 0 : i32
      %scatter3A_1350 = arith.constant 0 : i32
      %scatter3A_1351 = tpu.memref_slice %arg12[%scatter3A_1348, %scatter3A_1349, %scatter3A_1350] : memref<2x32x1000xf32, #tpu.memory_space<vmem>> -> memref<1x32x1000xf32, #tpu.memory_space<vmem>>
      %scatter3A_1352 = tpu.memref_squeeze %scatter3A_1351 : memref<1x32x1000xf32, #tpu.memory_space<vmem>> -> memref<32x1000xf32, #tpu.memory_space<vmem>>
      tpu.vector_store_idx %scatter3A_1352[%add3A_1347, %add3A_52], %gather3A_1341 : memref<32x1000xf32, #tpu.memory_space<vmem>>[vector<16xi32>, vector<16xi32>], vector<16xf32>,
      %add3A_1353 = arith.constant 14 : i32
      %add3A_1354 = vector.broadcast %add3A_1353 : i32 to vector<16xi32>
      %add3A_1355 = arith.addi %select_n3A, %add3A_1354 : vector<16xi32>
      %gather3A_1356 = arith.constant 1 : i32
      %gather3A_1357 = arith.constant 0 : i32
      %gather3A_1358 = arith.constant 0 : i32
      %gather3A_1359 = tpu.memref_slice %arg11[%gather3A_1356, %gather3A_1357, %gather3A_1358] : memref<2x16x1024xf32, #tpu.memory_space<vmem>> -> memref<1x16x1024xf32, #tpu.memory_space<vmem>>
      %gather3A_1360 = tpu.memref_squeeze %gather3A_1359 : memref<1x16x1024xf32, #tpu.memory_space<vmem>> -> memref<16x1024xf32, #tpu.memory_space<vmem>>
      %gather3A_1361 = tpu.vector_load_idx %gather3A_1360[%add3A_1355, %add3A_52] : memref<16x1024xf32, #tpu.memory_space<vmem>>[vector<16xi32>, vector<16xi32>], vector<16xf32>,
      %add3A_1362 = arith.constant 14 : i32
      %add3A_1363 = vector.broadcast %add3A_1362 : i32 to vector<16xi32>
      %add3A_1364 = arith.addi %select_n3A, %add3A_1363 : vector<16xi32>
      %add3A_1365 = arith.constant 16 : i32
      %add3A_1366 = vector.broadcast %add3A_1365 : i32 to vector<16xi32>
      %add3A_1367 = arith.addi %add3A_1364, %add3A_1366 : vector<16xi32>
      %scatter3A_1368 = arith.constant 1 : i32
      %scatter3A_1369 = arith.constant 0 : i32
      %scatter3A_1370 = arith.constant 0 : i32
      %scatter3A_1371 = tpu.memref_slice %arg12[%scatter3A_1368, %scatter3A_1369, %scatter3A_1370] : memref<2x32x1000xf32, #tpu.memory_space<vmem>> -> memref<1x32x1000xf32, #tpu.memory_space<vmem>>
      %scatter3A_1372 = tpu.memref_squeeze %scatter3A_1371 : memref<1x32x1000xf32, #tpu.memory_space<vmem>> -> memref<32x1000xf32, #tpu.memory_space<vmem>>
      tpu.vector_store_idx %scatter3A_1372[%add3A_1367, %add3A_52], %gather3A_1361 : memref<32x1000xf32, #tpu.memory_space<vmem>>[vector<16xi32>, vector<16xi32>], vector<16xf32>,
      %jit3A_1373 = arith.constant 8 : i32
      %div3A_1374 = arith.divsi %add3A_1153, %jit3A_1373 : i32
      %sign3A_1375 = arith.constant 0 : i32
      %sign3A_1376 = arith.cmpi sgt, %add3A_1153, %sign3A_1375 : i32
      %sign3A_1377 = arith.extui %sign3A_1376 : i1 to i32
      %sign3A_1378 = arith.constant 0 : i32
      %sign3A_1379 = arith.cmpi slt, %add3A_1153, %sign3A_1378 : i32
      %sign3A_1380 = arith.extui %sign3A_1379 : i1 to i32
      %sign3A_1381 = arith.subi %sign3A_1377, %sign3A_1380 : i32
      %sign3A_1382 = arith.constant 0 : i32
      %sign3A_1383 = arith.cmpi sgt, %jit3A_1373, %sign3A_1382 : i32
      %sign3A_1384 = arith.extui %sign3A_1383 : i1 to i32
      %sign3A_1385 = arith.constant 0 : i32
      %sign3A_1386 = arith.cmpi slt, %jit3A_1373, %sign3A_1385 : i32
      %sign3A_1387 = arith.extui %sign3A_1386 : i1 to i32
      %sign3A_1388 = arith.subi %sign3A_1384, %sign3A_1387 : i32
      %ne3A_1389 = arith.cmpi ne, %sign3A_1381, %sign3A_1388 : i32
      %rem3A_1390 = arith.remsi %add3A_1153, %jit3A_1373 : i32
      %ne3A_1391 = arith.constant 0 : i32
      %ne3A_1392 = arith.cmpi ne, %rem3A_1390, %ne3A_1391 : i32
      %and3A_1393 = arith.andi %ne3A_1389, %ne3A_1392 : i1
      %sub3A_1394 = arith.constant 1 : i32
      %sub3A_1395 = arith.subi %div3A_1374, %sub3A_1394 : i32
      %select_n3A_1396 = arith.select %and3A_1393, %sub3A_1395, %div3A_1374 : i32
      %jit3A_1397 = arith.constant 8 : i32
      %eq3A_1398 = arith.constant 0 : i32
      %eq3A_1399 = arith.cmpi eq, %jit3A_1397, %eq3A_1398 : i32
      %jit3A_1400 = arith.constant 1 : i32
      %select_n3A_1401 = arith.select %eq3A_1399, %jit3A_1400, %jit3A_1397 : i32
      %rem3A_1402 = arith.remsi %add3A_1153, %select_n3A_1401 : i32
      %ne3A_1403 = arith.constant 0 : i32
      %ne3A_1404 = arith.cmpi ne, %rem3A_1402, %ne3A_1403 : i32
      %lt3A_1405 = arith.constant 0 : i32
      %lt3A_1406 = arith.cmpi slt, %rem3A_1402, %lt3A_1405 : i32
      %lt3A_1407 = arith.constant 0 : i32
      %lt3A_1408 = arith.cmpi slt, %select_n3A_1401, %lt3A_1407 : i32
      %ne3A_1409 = arith.xori %lt3A_1406, %lt3A_1408 : i1
      %and3A_1410 = arith.andi %ne3A_1409, %ne3A_1404 : i1
      %add3A_1411 = arith.addi %rem3A_1402, %select_n3A_1401 : i32
      %select_n3A_1412 = arith.select %and3A_1410, %add3A_1411, %rem3A_1402 : i32
      %mul3A_1413 = arith.constant 16 : i32
      %mul3A_1414 = arith.muli %select_n3A_1412, %mul3A_1413 : i32
      %get3A_1415 = arith.index_cast %select_n3A_1396 : i32 to index
      %get3A_1416 = arith.index_cast %mul3A_1414 : i32 to index
      %get3A_1417 = tpu.vector_load %arg9[%get3A_1415, %get3A_1416] {strides = array<i32>} : memref<13x128xi32, #tpu.memory_space<vmem>>, vector<16xi32>,
      %gather3A_1418 = arith.constant 1 : i32
      %gather3A_1419 = arith.constant 0 : i32
      %gather3A_1420 = arith.constant 0 : i32
      %gather3A_1421 = tpu.memref_slice %arg11[%gather3A_1418, %gather3A_1419, %gather3A_1420] : memref<2x16x1024xf32, #tpu.memory_space<vmem>> -> memref<1x16x1024xf32, #tpu.memory_space<vmem>>
      %gather3A_1422 = tpu.memref_squeeze %gather3A_1421 : memref<1x16x1024xf32, #tpu.memory_space<vmem>> -> memref<16x1024xf32, #tpu.memory_space<vmem>>
      %gather3A_1423 = tpu.vector_load_idx %gather3A_1422[%iota3A, %get3A_1417] : memref<16x1024xf32, #tpu.memory_space<vmem>>[vector<16xi32>, vector<16xi32>], vector<16xf32>,
      %jit3A_1424 = arith.constant 8 : i32
      %div3A_1425 = arith.divsi %add3A_1153, %jit3A_1424 : i32
      %sign3A_1426 = arith.constant 0 : i32
      %sign3A_1427 = arith.cmpi sgt, %add3A_1153, %sign3A_1426 : i32
      %sign3A_1428 = arith.extui %sign3A_1427 : i1 to i32
      %sign3A_1429 = arith.constant 0 : i32
      %sign3A_1430 = arith.cmpi slt, %add3A_1153, %sign3A_1429 : i32
      %sign3A_1431 = arith.extui %sign3A_1430 : i1 to i32
      %sign3A_1432 = arith.subi %sign3A_1428, %sign3A_1431 : i32
      %sign3A_1433 = arith.constant 0 : i32
      %sign3A_1434 = arith.cmpi sgt, %jit3A_1424, %sign3A_1433 : i32
      %sign3A_1435 = arith.extui %sign3A_1434 : i1 to i32
      %sign3A_1436 = arith.constant 0 : i32
      %sign3A_1437 = arith.cmpi slt, %jit3A_1424, %sign3A_1436 : i32
      %sign3A_1438 = arith.extui %sign3A_1437 : i1 to i32
      %sign3A_1439 = arith.subi %sign3A_1435, %sign3A_1438 : i32
      %ne3A_1440 = arith.cmpi ne, %sign3A_1432, %sign3A_1439 : i32
      %rem3A_1441 = arith.remsi %add3A_1153, %jit3A_1424 : i32
      %ne3A_1442 = arith.constant 0 : i32
      %ne3A_1443 = arith.cmpi ne, %rem3A_1441, %ne3A_1442 : i32
      %and3A_1444 = arith.andi %ne3A_1440, %ne3A_1443 : i1
      %sub3A_1445 = arith.constant 1 : i32
      %sub3A_1446 = arith.subi %div3A_1425, %sub3A_1445 : i32
      %select_n3A_1447 = arith.select %and3A_1444, %sub3A_1446, %div3A_1425 : i32
      %jit3A_1448 = arith.constant 8 : i32
      %eq3A_1449 = arith.constant 0 : i32
      %eq3A_1450 = arith.cmpi eq, %jit3A_1448, %eq3A_1449 : i32
      %jit3A_1451 = arith.constant 1 : i32
      %select_n3A_1452 = arith.select %eq3A_1450, %jit3A_1451, %jit3A_1448 : i32
      %rem3A_1453 = arith.remsi %add3A_1153, %select_n3A_1452 : i32
      %ne3A_1454 = arith.constant 0 : i32
      %ne3A_1455 = arith.cmpi ne, %rem3A_1453, %ne3A_1454 : i32
      %lt3A_1456 = arith.constant 0 : i32
      %lt3A_1457 = arith.cmpi slt, %rem3A_1453, %lt3A_1456 : i32
      %lt3A_1458 = arith.constant 0 : i32
      %lt3A_1459 = arith.cmpi slt, %select_n3A_1452, %lt3A_1458 : i32
      %ne3A_1460 = arith.xori %lt3A_1457, %lt3A_1459 : i1
      %and3A_1461 = arith.andi %ne3A_1460, %ne3A_1455 : i1
      %add3A_1462 = arith.addi %rem3A_1453, %select_n3A_1452 : i32
      %select_n3A_1463 = arith.select %and3A_1461, %add3A_1462, %rem3A_1453 : i32
      %mul3A_1464 = arith.constant 16 : i32
      %mul3A_1465 = arith.muli %select_n3A_1463, %mul3A_1464 : i32
      %get3A_1466 = arith.index_cast %select_n3A_1447 : i32 to index
      %get3A_1467 = arith.index_cast %mul3A_1465 : i32 to index
      %get3A_1468 = tpu.vector_load %arg8[%get3A_1466, %get3A_1467] {strides = array<i32>} : memref<13x128xi32, #tpu.memory_space<vmem>>, vector<16xi32>,
      %gather3A_1469 = tpu.vector_load_idx %arg10[%get3A_1468] : memref<1000xf32, #tpu.memory_space<vmem>>[vector<16xi32>], vector<16xf32>,
      %get3A_1470 = arith.constant 0 : i32
      %get3A_1471 = arith.index_cast %get3A_1470 : i32 to index
      %get3A_1472 = arith.constant 0 : index
      %get3A_1473 = tpu.vector_load %arg13[%get3A_1471, %get3A_1472] {strides = array<i32>} : memref<1x16xf32, #tpu.memory_space<vmem>>, vector<16xf32>,
      %sub3A_1474 = arith.subf %gather3A_1423, %gather3A_1469 : vector<16xf32>
      %add3A_1475 = arith.addf %get3A_1473, %sub3A_1474 : vector<16xf32>
      %swap3A_1476 = arith.constant 0 : i32
      %swap3A_1477 = arith.index_cast %swap3A_1476 : i32 to index
      %swap3A_1478 = arith.constant 0 : index
      %swap3A_1479 = tpu.vector_load %arg13[%swap3A_1477, %swap3A_1478] {strides = array<i32>} : memref<1x16xf32, #tpu.memory_space<vmem>>, vector<16xf32>,
      tpu.vector_store %arg13[%swap3A_1477, %swap3A_1478], %add3A_1475 {strides = array<i32>} : memref<1x16xf32, #tpu.memory_space<vmem>>, vector<16xf32>,
      %add3A_1480 = arith.constant 2 : i32
      %add3A_1481 = arith.addi %add3A_1153, %add3A_1480 : i32
      %lt3A_1482 = arith.constant 100 : i32
      %lt3A_1483 = arith.cmpi slt, %add3A_1481, %lt3A_1482 : i32
      %convert_element_type3A_1484 = arith.extui %lt3A_1483 : i1 to i32
      %cond3A_1485 = arith.constant 0 : i32
      %cond3A_1486 = arith.cmpi ne, %convert_element_type3A_1484, %cond3A_1485 : i32
      scf.if %cond3A_1486 {
        %add3A_1503 = arith.constant 2 : i32
        %add3A_1504 = arith.addi %add3A_1153, %add3A_1503 : i32
        %jit3A_1505 = arith.constant 8 : i32
        %div3A_1506 = arith.divsi %add3A_1504, %jit3A_1505 : i32
        %sign3A_1507 = arith.constant 0 : i32
        %sign3A_1508 = arith.cmpi sgt, %add3A_1504, %sign3A_1507 : i32
        %sign3A_1509 = arith.extui %sign3A_1508 : i1 to i32
        %sign3A_1510 = arith.constant 0 : i32
        %sign3A_1511 = arith.cmpi slt, %add3A_1504, %sign3A_1510 : i32
        %sign3A_1512 = arith.extui %sign3A_1511 : i1 to i32
        %sign3A_1513 = arith.subi %sign3A_1509, %sign3A_1512 : i32
        %sign3A_1514 = arith.constant 0 : i32
        %sign3A_1515 = arith.cmpi sgt, %jit3A_1505, %sign3A_1514 : i32
        %sign3A_1516 = arith.extui %sign3A_1515 : i1 to i32
        %sign3A_1517 = arith.constant 0 : i32
        %sign3A_1518 = arith.cmpi slt, %jit3A_1505, %sign3A_1517 : i32
        %sign3A_1519 = arith.extui %sign3A_1518 : i1 to i32
        %sign3A_1520 = arith.subi %sign3A_1516, %sign3A_1519 : i32
        %ne3A_1521 = arith.cmpi ne, %sign3A_1513, %sign3A_1520 : i32
        %rem3A_1522 = arith.remsi %add3A_1504, %jit3A_1505 : i32
        %ne3A_1523 = arith.constant 0 : i32
        %ne3A_1524 = arith.cmpi ne, %rem3A_1522, %ne3A_1523 : i32
        %and3A_1525 = arith.andi %ne3A_1521, %ne3A_1524 : i1
        %sub3A_1526 = arith.constant 1 : i32
        %sub3A_1527 = arith.subi %div3A_1506, %sub3A_1526 : i32
        %select_n3A_1528 = arith.select %and3A_1525, %sub3A_1527, %div3A_1506 : i32
        %jit3A_1529 = arith.constant 8 : i32
        %eq3A_1530 = arith.constant 0 : i32
        %eq3A_1531 = arith.cmpi eq, %jit3A_1529, %eq3A_1530 : i32
        %jit3A_1532 = arith.constant 1 : i32
        %select_n3A_1533 = arith.select %eq3A_1531, %jit3A_1532, %jit3A_1529 : i32
        %rem3A_1534 = arith.remsi %add3A_1504, %select_n3A_1533 : i32
        %ne3A_1535 = arith.constant 0 : i32
        %ne3A_1536 = arith.cmpi ne, %rem3A_1534, %ne3A_1535 : i32
        %lt3A_1537 = arith.constant 0 : i32
        %lt3A_1538 = arith.cmpi slt, %rem3A_1534, %lt3A_1537 : i32
        %lt3A_1539 = arith.constant 0 : i32
        %lt3A_1540 = arith.cmpi slt, %select_n3A_1533, %lt3A_1539 : i32
        %ne3A_1541 = arith.xori %lt3A_1538, %lt3A_1540 : i1
        %and3A_1542 = arith.andi %ne3A_1541, %ne3A_1536 : i1
        %add3A_1543 = arith.addi %rem3A_1534, %select_n3A_1533 : i32
        %select_n3A_1544 = arith.select %and3A_1542, %add3A_1543, %rem3A_1534 : i32
        %mul3A_1545 = arith.constant 16 : i32
        %mul3A_1546 = arith.muli %select_n3A_1544, %mul3A_1545 : i32
        %get3A_1547 = arith.index_cast %select_n3A_1528 : i32 to index
        %get3A_1548 = arith.index_cast %mul3A_1546 : i32 to index
        %get3A_1549 = tpu.vector_load %arg8[%get3A_1547, %get3A_1548] {strides = array<i32>} : memref<13x128xi32, #tpu.memory_space<vmem>>, vector<16xi32>,
        %dma_start3A_1550 = arith.constant 1 : i32
        %dma_start3A_1551 = arith.constant 0 : i32
        %dma_start3A_1552 = arith.constant 0 : i32
        %dma_start3A_1553 = tpu.memref_slice %arg11[%dma_start3A_1550, %dma_start3A_1551, %dma_start3A_1552] : memref<2x16x1024xf32, #tpu.memory_space<vmem>> -> memref<1x16x1024xf32, #tpu.memory_space<vmem>>
        %dma_start3A_1554 = tpu.memref_squeeze %dma_start3A_1553 : memref<1x16x1024xf32, #tpu.memory_space<vmem>> -> memref<16x1024xf32, #tpu.memory_space<vmem>>
        %dma_start3A_1555 = arith.constant 0 : i32
        %dma_start3A_1556 = arith.constant 0 : i32
        %dma_start3A_1557 = tpu.memref_slice %arg2[%dma_start3A_1555, %dma_start3A_1556] : memref<1000x1024xf32, #tpu.memory_space<hbm>> -> memref<1000x1024xf32, #tpu.memory_space<hbm>>
        tpu.enqueue_indirect_dma source(%dma_start3A_1557 : memref<1000x1024xf32, #tpu.memory_space<hbm>>) target(%dma_start3A_1554 : memref<16x1024xf32, #tpu.memory_space<vmem>>) offsets(%get3A_1549 : vector<16xi32>) semaphore(%arg15 : memref<!tpu.dma_semaphore, #tpu.memory_space<semaphore_mem>>)
      } else {
      }
      %mul3A_1487 = arith.constant 32 : i32
      %mul3A_1488 = arith.muli %add3A_807, %mul3A_1487 : i32
      %add3A_1489 = arith.addi %mul3A_2, %mul3A_1488 : i32
      %dma_start3A_1490 = arith.constant 1 : i32
      %dma_start3A_1491 = arith.constant 0 : i32
      %dma_start3A_1492 = arith.constant 0 : i32
      %dma_start3A_1493 = tpu.memref_slice %arg12[%dma_start3A_1490, %dma_start3A_1491, %dma_start3A_1492] : memref<2x32x1000xf32, #tpu.memory_space<vmem>> -> memref<1x32x1000xf32, #tpu.memory_space<vmem>>
      %dma_start3A_1494 = tpu.memref_squeeze %dma_start3A_1493 : memref<1x32x1000xf32, #tpu.memory_space<vmem>> -> memref<32x1000xf32, #tpu.memory_space<vmem>>
      %dma_start3A_1495 = arith.constant 0 : i32
      %dma_start3A_1496 = tpu.memref_slice %arg6[%add3A_1489, %dma_start3A_1495] : memref<51200x1000xf32, #tpu.memory_space<hbm>> -> memref<32x1000xf32, #tpu.memory_space<hbm>>
      %dma_start3A_1497 = arith.constant 0 : i32
      %dma_start3A_1498 = tpu.memref_slice %arg6[%add3A_1489, %dma_start3A_1497] : memref<51200x1000xf32, #tpu.memory_space<hbm>> -> memref<32x1000xf32, #tpu.memory_space<hbm>>
      %dma_start3A_1499 = arith.constant 0 : i32
      %dma_start3A_1500 = arith.constant 0 : i32
      %dma_start3A_1501 = tpu.memref_slice %arg12[%dma_start3A_1490, %dma_start3A_1499, %dma_start3A_1500] : memref<2x32x1000xf32, #tpu.memory_space<vmem>> -> memref<1x32x1000xf32, #tpu.memory_space<vmem>>
      %dma_start3A_1502 = tpu.memref_squeeze %dma_start3A_1501 : memref<1x32x1000xf32, #tpu.memory_space<vmem>> -> memref<32x1000xf32, #tpu.memory_space<vmem>>
      tpu.enqueue_dma source(%dma_start3A_1502 : memref<32x1000xf32, #tpu.memory_space<vmem>>) target(%dma_start3A_1498 : memref<32x1000xf32, #tpu.memory_space<hbm>>) target_semaphore(%arg17 : memref<!tpu.dma_semaphore, #tpu.memory_space<semaphore_mem>>)
    }
    %scan3A_79 = arith.constant 25 : i32
    %add3A_80 = arith.constant 1536 : i32
    %add3A_81 = arith.addi %mul3A_2, %add3A_80 : i32
    %dma_wait3A = arith.constant 0 : i32
    %dma_wait3A_82 = arith.constant 0 : i32
    %dma_wait3A_83 = arith.constant 0 : i32
    %dma_wait3A_84 = tpu.memref_slice %arg12[%dma_wait3A, %dma_wait3A_82, %dma_wait3A_83] : memref<2x32x1000xf32, #tpu.memory_space<vmem>> -> memref<1x32x1000xf32, #tpu.memory_space<vmem>>
    %dma_wait3A_85 = tpu.memref_squeeze %dma_wait3A_84 : memref<1x32x1000xf32, #tpu.memory_space<vmem>> -> memref<32x1000xf32, #tpu.memory_space<vmem>>
    %dma_wait3A_86 = arith.constant 0 : i32
    %dma_wait3A_87 = tpu.memref_slice %arg6[%add3A_81, %dma_wait3A_86] : memref<51200x1000xf32, #tpu.memory_space<hbm>> -> memref<32x1000xf32, #tpu.memory_space<hbm>>
    %dma_wait3A_88 = arith.constant 0 : i32
    %dma_wait3A_89 = tpu.memref_slice %arg6[%add3A_81, %dma_wait3A_88] : memref<51200x1000xf32, #tpu.memory_space<hbm>> -> memref<32x1000xf32, #tpu.memory_space<hbm>>
    %dma_wait3A_90 = arith.constant 0 : i32
    %dma_wait3A_91 = arith.constant 0 : i32
    %dma_wait3A_92 = tpu.memref_slice %arg12[%dma_wait3A, %dma_wait3A_90, %dma_wait3A_91] : memref<2x32x1000xf32, #tpu.memory_space<vmem>> -> memref<1x32x1000xf32, #tpu.memory_space<vmem>>
    %dma_wait3A_93 = tpu.memref_squeeze %dma_wait3A_92 : memref<1x32x1000xf32, #tpu.memory_space<vmem>> -> memref<32x1000xf32, #tpu.memory_space<vmem>>
    tpu.wait_dma2 semaphore(%arg16 : memref<!tpu.dma_semaphore, #tpu.memory_space<semaphore_mem>>) src(%dma_wait3A_93 : memref<32x1000xf32, #tpu.memory_space<vmem>>) dst(%dma_wait3A_89 : memref<32x1000xf32, #tpu.memory_space<hbm>>)
    %add3A_94 = arith.constant 1568 : i32
    %add3A_95 = arith.addi %mul3A_2, %add3A_94 : i32
    %dma_wait3A_96 = arith.constant 1 : i32
    %dma_wait3A_97 = arith.constant 0 : i32
    %dma_wait3A_98 = arith.constant 0 : i32
    %dma_wait3A_99 = tpu.memref_slice %arg12[%dma_wait3A_96, %dma_wait3A_97, %dma_wait3A_98] : memref<2x32x1000xf32, #tpu.memory_space<vmem>> -> memref<1x32x1000xf32, #tpu.memory_space<vmem>>
    %dma_wait3A_100 = tpu.memref_squeeze %dma_wait3A_99 : memref<1x32x1000xf32, #tpu.memory_space<vmem>> -> memref<32x1000xf32, #tpu.memory_space<vmem>>
    %dma_wait3A_101 = arith.constant 0 : i32
    %dma_wait3A_102 = tpu.memref_slice %arg6[%add3A_95, %dma_wait3A_101] : memref<51200x1000xf32, #tpu.memory_space<hbm>> -> memref<32x1000xf32, #tpu.memory_space<hbm>>
    %dma_wait3A_103 = arith.constant 0 : i32
    %dma_wait3A_104 = tpu.memref_slice %arg6[%add3A_95, %dma_wait3A_103] : memref<51200x1000xf32, #tpu.memory_space<hbm>> -> memref<32x1000xf32, #tpu.memory_space<hbm>>
    %dma_wait3A_105 = arith.constant 0 : i32
    %dma_wait3A_106 = arith.constant 0 : i32
    %dma_wait3A_107 = tpu.memref_slice %arg12[%dma_wait3A_96, %dma_wait3A_105, %dma_wait3A_106] : memref<2x32x1000xf32, #tpu.memory_space<vmem>> -> memref<1x32x1000xf32, #tpu.memory_space<vmem>>
    %dma_wait3A_108 = tpu.memref_squeeze %dma_wait3A_107 : memref<1x32x1000xf32, #tpu.memory_space<vmem>> -> memref<32x1000xf32, #tpu.memory_space<vmem>>
    tpu.wait_dma2 semaphore(%arg17 : memref<!tpu.dma_semaphore, #tpu.memory_space<semaphore_mem>>) src(%dma_wait3A_108 : memref<32x1000xf32, #tpu.memory_space<vmem>>) dst(%dma_wait3A_104 : memref<32x1000xf32, #tpu.memory_space<hbm>>)
    "tpu.region"() ({
      %run_scoped3A = tpu.sem_alloc : memref<!tpu.dma_semaphore, #tpu.memory_space<semaphore_mem>>
      %dma_start3A_109 = arith.constant 0 : i32
      %dma_start3A_110 = arith.constant 0 : i32
      %dma_start3A_111 = tpu.memref_slice %arg7[%add3A, %dma_start3A_109, %dma_start3A_110] : memref<32x1x16xf32, #tpu.memory_space<hbm>> -> memref<1x1x16xf32, #tpu.memory_space<hbm>>
      %dma_start3A_112 = tpu.memref_squeeze %dma_start3A_111 : memref<1x1x16xf32, #tpu.memory_space<hbm>> -> memref<1x16xf32, #tpu.memory_space<hbm>>
      %dma_start3A_113 = arith.constant 0 : i32
      %dma_start3A_114 = arith.constant 0 : i32
      %dma_start3A_115 = tpu.memref_slice %arg7[%add3A, %dma_start3A_113, %dma_start3A_114] : memref<32x1x16xf32, #tpu.memory_space<hbm>> -> memref<1x1x16xf32, #tpu.memory_space<hbm>>
      %dma_start3A_116 = tpu.memref_squeeze %dma_start3A_115 : memref<1x1x16xf32, #tpu.memory_space<hbm>> -> memref<1x16xf32, #tpu.memory_space<hbm>>
      tpu.enqueue_dma source(%arg13 : memref<1x16xf32, #tpu.memory_space<vmem>>) target(%dma_start3A_116 : memref<1x16xf32, #tpu.memory_space<hbm>>) target_semaphore(%run_scoped3A : memref<!tpu.dma_semaphore, #tpu.memory_space<semaphore_mem>>)
      %dma_wait3A_117 = arith.constant 0 : i32
      %dma_wait3A_118 = arith.constant 0 : i32
      %dma_wait3A_119 = tpu.memref_slice %arg7[%add3A, %dma_wait3A_117, %dma_wait3A_118] : memref<32x1x16xf32, #tpu.memory_space<hbm>> -> memref<1x1x16xf32, #tpu.memory_space<hbm>>
      %dma_wait3A_120 = tpu.memref_squeeze %dma_wait3A_119 : memref<1x1x16xf32, #tpu.memory_space<hbm>> -> memref<1x16xf32, #tpu.memory_space<hbm>>
      %dma_wait3A_121 = arith.constant 0 : i32
      %dma_wait3A_122 = arith.constant 0 : i32
      %dma_wait3A_123 = tpu.memref_slice %arg7[%add3A, %dma_wait3A_121, %dma_wait3A_122] : memref<32x1x16xf32, #tpu.memory_space<hbm>> -> memref<1x1x16xf32, #tpu.memory_space<hbm>>
      %dma_wait3A_124 = tpu.memref_squeeze %dma_wait3A_123 : memref<1x1x16xf32, #tpu.memory_space<hbm>> -> memref<1x16xf32, #tpu.memory_space<hbm>>
      tpu.wait_dma2 semaphore(%run_scoped3A : memref<!tpu.dma_semaphore, #tpu.memory_space<semaphore_mem>>) src(%arg13 : memref<1x16xf32, #tpu.memory_space<vmem>>) dst(%dma_wait3A_124 : memref<1x16xf32, #tpu.memory_space<hbm>>)
      tpu.yield
    }) : () -> ()
    return
  }
}

module attributes {stable_mosaic.version = 14 : i64} {
  func.func @_lse_body(%arg0: memref<1000x1000xf32, #tpu.memory_space<vmem>>, %arg1: memref<1000x1xf32, #tpu.memory_space<vmem>>) attributes {dimension_semantics = [], scalar_prefetch = 0 : i64, scratch_operands = 0 : i64, tpu.core_type = #tpu.core_type<tc>} {
    %get3A = arith.constant 0 : index
    %get3A_0 = arith.constant 0 : index
    %get3A_1 = vector.load %arg0[%get3A, %get3A_0] : memref<1000x1000xf32, #tpu.memory_space<vmem>>, vector<1000x1000xf32>
    %reduce_max3A = arith.constant dense<0xFF800000> : vector<1000xf32>
    %reduce_max3A_2 = vector.multi_reduction <maximumf>, %get3A_1, %reduce_max3A [1] : vector<1000x1000xf32> to vector<1000xf32>
    %broadcast_in_dim3A = vector.shape_cast %reduce_max3A_2 : vector<1000xf32> to vector<1000x1xf32>
    %sub3A = vector.broadcast %broadcast_in_dim3A : vector<1000x1xf32> to vector<1000x1000xf32>
    %sub3A_3 = arith.subf %get3A_1, %sub3A : vector<1000x1000xf32>
    %exp3A = math.exp %sub3A_3 : vector<1000x1000xf32>
    %reduce_sum3A = arith.constant dense<0.000000e+00> : vector<1000xf32>
    %reduce_sum3A_4 = vector.multi_reduction <add>, %exp3A, %reduce_sum3A [1] : vector<1000x1000xf32> to vector<1000xf32>
    %broadcast_in_dim3A_5 = vector.shape_cast %reduce_sum3A_4 : vector<1000xf32> to vector<1000x1xf32>
    %log3A = math.log %broadcast_in_dim3A_5 : vector<1000x1xf32>
    %add3A = arith.addf %broadcast_in_dim3A, %log3A : vector<1000x1xf32>
    %swap3A = arith.constant 0 : index
    %swap3A_6 = arith.constant 0 : index
    %swap3A_7 = vector.load %arg1[%swap3A, %swap3A_6] : memref<1000x1xf32, #tpu.memory_space<vmem>>, vector<1000x1xf32>
    tpu.vector_store %arg1[%swap3A, %swap3A_6], %add3A {strides = array<i32>} : memref<1000x1xf32, #tpu.memory_space<vmem>>, vector<1000x1xf32>,
    return
  }
}

module attributes {stable_mosaic.version = 14 : i64} {
  func.func @_cost_body(%arg0: memref<32x16xf32, #tpu.memory_space<vmem>>, %arg1: memref<1x1xf32, #tpu.memory_space<vmem>>) attributes {dimension_semantics = [], scalar_prefetch = 0 : i64, scratch_operands = 0 : i64, tpu.core_type = #tpu.core_type<tc>} {
    %get3A = arith.constant 0 : index
    %get3A_0 = arith.constant 0 : index
    %get3A_1 = vector.load %arg0[%get3A, %get3A_0] : memref<32x16xf32, #tpu.memory_space<vmem>>, vector<32x16xf32>
    %reduce_sum3A = vector.shape_cast %get3A_1 : vector<32x16xf32> to vector<1x32x16xf32>
    %reduce_sum3A_2 = arith.constant dense<0.000000e+00> : vector<1xf32>
    %reduce_sum3A_3 = vector.multi_reduction <add>, %reduce_sum3A, %reduce_sum3A_2 [1, 2] : vector<1x32x16xf32> to vector<1xf32>
    %reduce_sum3A_4 = vector.shape_cast %reduce_sum3A_3 : vector<1xf32> to vector<1x1x1xf32>
    %reduce_sum3A_5 = vector.extract %reduce_sum3A_4[0, 0, 0] : f32 from vector<1x1x1xf32>
    %neg3A = arith.constant 0.000000e+00 : f32
    %neg3A_6 = arith.subf %neg3A, %reduce_sum3A_5 : f32
    %mul3A = arith.constant 1.95312496E-5 : f32
    %mul3A_7 = arith.mulf %neg3A_6, %mul3A : f32
    %reshape3A = vector.broadcast %mul3A_7 : f32 to vector<1x1xf32>
    %swap3A = arith.constant 0 : index
    %swap3A_8 = arith.constant 0 : index
    %swap3A_9 = vector.load %arg1[%swap3A, %swap3A_8] : memref<1x1xf32, #tpu.memory_space<vmem>>, vector<1x1xf32>
    tpu.vector_store %arg1[%swap3A, %swap3A_8], %reshape3A {strides = array<i32>} : memref<1x1xf32, #tpu.memory_space<vmem>>, vector<1x1xf32>,
    return
  }
}

</mosaic_0001>

<sc_bundles>
// kernel: kernel.5.cloned.1.call-start
scs
__scs_entry_jumppad:
0x0: {  	(pc) =	sbr.rel $0x88, $3  }
0x1: {  	(tag) =	ssettag $0x0;
	lr =	simm.s32 $0x1  }
0x2: {  	[smem:$0x3F9E] =	sst lr;
	_ =	strace $0xD0000000  }
0x3: {  	_ = 	snop  }
0x4: {  	_ = 	snop  }
0x5: {  	_ = 	snop  }
0x6: {  	_ = 	snop  }
0x7: {  	_ = 	snop  }
__scs_overlays_trampoline_lowered:
0x8: {  	[smem:$0x3FAD] =	sst s0  }
0x9: {  	[smem:$0x3FAE] =	sst s1  }
0xa: {  	[smem:$0x3FAF] =	sst s2  }
0xb: {  	[smem:$0x3FB0] =	sst s3  }
0xc: {  	[smem:$0x3FB1] =	sst s4  }
0xd: {  	[smem:$0x3FB2] =	sst s5  }
0xe: {  	[smem:$0x3FB3] =	sst s6  }
0xf: {  	[smem:$0x3FB4] =	sst s7  }
0x10: {  	[smem:$0x3FB5] =	sst s8  }
0x11: {  	[smem:$0x3FB6] =	sst s9;
	s0 =	simm.s32 @!p0 $0x0  }
0x12: {  	s1 =	sld [smem:$0x3F9C];
	s0 =	simm.s32 @p0 $0x1  }
0x13: {  	[smem:$0x3FB7] =	sst s0;
	s0 =	simm.s32 @!p1 $0x0  }
0x14: {  	s2 =	sld [smem:$0x3F9B];
	s0 =	simm.s32 @p1 $0x1  }
0x15: {  	[smem:$0x3FB8] =	sst s0;
	s0 =	simm.s32 @!p2 $0x0  }
0x16: {  	s3 =	sld [smem:$0x3FDB];
	s0 =	simm.s32 @p2 $0x1  }
0x17: {  	s4 =	simm.s32 $0x1BF5;
	[smem:$0x3FBA] =	sst s0  }
0x18: {  	s0 =	sld [smem:$0x3F9D];
	_ =	swait.ge [sflag:s4], $0x0  }
0x19: {  	s7 =	sld [smem:$0x3F9E]  }
0x1a: {  	s8 =	sadd.s32 $0xFFFFE003, lr  }
0x1b: {  	s9 =	sadd.s32 $0xFFFFFEF7, lr;
	s5 =	simm.s32 $0xFFFFFFFF;
	p2 =	slt.u32 s8, $0xFFFFF086  }
0x1c: {  	p1 =	slt.u32 s9, $0xF7A;
	s5 =	simm.s32 @!p2 $0x0  }
0x1d: {  	s5 =	simm.s32 @p1 $0x1;
	p0 =	seq.s32 s7, s2  }
0x1e: {  	s7 =	smul.u32 @!p0 $0xF7A, s2;
	p2 =	seq.s32 @!p0 s5, $0x0  }
0x1f: {  	s9 =	smul.u32 $0xF7A, s1;
	s8 =	simm.s32 @!p0 $0x1BF5;
	p2 =	por !p2, p0  }
0x20: {  	[sflag:s8] =	ssyncset.s32 @!p0 $0xFFFFF086;
	s6 =	sadd.s32 @!p0 s3, s7;
	s7 =	simm.s32 @!p0 $0x108  }
0x21: {  	s3 =	sadd.s32 s3, s9;
	s6 =	sadd.s32 @!p0 $0x88, s6;
	s7 =	simm.s32 @p2 $0x1082  }
0x22: {  	[simem:s7], [sflag:s8] =	dma.local @!p0 [hbm:s6], $0xF7A  }
0x23: {  	s9 =	sor.u32 $0xD0000000, s2;
	s6 =	simm.s32 $0x108;
	_ =	swait.ge @!p0 [sflag:s8], $0x0  }
0x24: {  	s3 =	sadd.s32 $0x88, s3;
	s6 =	simm.s32 @!p1 $0x1082;
	[sflag:s4] =	ssyncset.s32 $0xFFFFF086  }
0x25: {  	[simem:s6], [sflag:s4] =	dma.local [hbm:s3], $0xF7A  }
0x26: {  	[smem:$0x3F9E] =	sst s1;
	(tag) =	ssettag s2;
	_ =	strace s9  }
0x27: {  	s1 =	sld [smem:$0x3FAE]  }
0x28: {  	s2 =	sld [smem:$0x3FAF]  }
0x29: {  	s4 =	sld [smem:$0x3FB1]  }
0x2a: {  	p0 =	seq.s32 s5, $0x0;
	s5 =	sld [smem:$0x3FB2]  }
0x2b: {  	s6 =	sld [smem:$0x3FB3]  }
0x2c: {  	s7 =	sld [smem:$0x3FB4]  }
0x2d: {  	s3 =	simm.s32 $0x108;
	s8 =	sld [smem:$0x3FB5]  }
0x2e: {  	s3 =	simm.s32 @!p0 $0x1082;
	s9 =	sld [smem:$0x3FB6]  }
0x2f: {  	lr =	sadd.s32 s0, s3;
	s0 =	sld [smem:$0x3FAD]  }
0x30: {  	s3 =	sld [smem:$0x3FB0]  }
0x31: {  	[smem:$0x3FB9] =	sst s10  }
0x32: {  	s10 =	sld [smem:$0x3FB7];
	_ =	sdelay $0x3  }
0x33: {  	p0 =	seq.s32 s10, $0x1;
	s10 =	sld [smem:$0x3FB9];
	_ =	sdelay $0x3  }
0x34: {  	[smem:$0x3FB9] =	sst s10  }
0x35: {  	s10 =	sld [smem:$0x3FB8];
	_ =	sdelay $0x3  }
0x36: {  	p1 =	seq.s32 s10, $0x1;
	s10 =	sld [smem:$0x3FB9];
	_ =	sdelay $0x3  }
0x37: {  	[smem:$0x3FB9] =	sst s10  }
0x38: {  	s10 =	sld [smem:$0x3FBA]  }
0x39: {  	_ = 	snop;
	(pc) =	sbr.ind lr, $3  }
0x3a: {  	_ = 	snop  }
0x3b: {  	_ = 	snop  }
0x3c: {  	p2 =	seq.s32 s10, $0x1;
	s10 =	sld [smem:$0x3FB9]  }
0x3d: {  	_ =	shalt  }
0x3e: {  	_ =	shalt  }
0x3f: {  	_ =	shalt  }
0x40: {  	_ =	shalt  }
0x41: {  	_ =	shalt  }
0x42: {  	_ =	shalt  }
0x43: {  	_ =	shalt  }
0x44: {  	_ =	shalt  }
0x45: {  	_ =	shalt  }
0x46: {  	_ =	shalt  }
0x47: {  	_ =	shalt  }
0x48: {  	_ =	shalt  }
0x49: {  	_ =	shalt  }
0x4a: {  	_ =	shalt  }
0x4b: {  	_ =	shalt  }
0x4c: {  	_ =	shalt  }
0x4d: {  	_ =	shalt  }
0x4e: {  	_ =	shalt  }
0x4f: {  	_ =	shalt  }
0x50: {  	_ =	shalt  }
0x51: {  	_ =	shalt  }
0x52: {  	_ =	shalt  }
0x53: {  	_ =	shalt  }
0x54: {  	_ =	shalt  }
0x55: {  	_ =	shalt  }
0x56: {  	_ =	shalt  }
0x57: {  	_ =	shalt  }
0x58: {  	_ =	shalt  }
0x59: {  	_ =	shalt  }
0x5a: {  	_ =	shalt  }
0x5b: {  	_ =	shalt  }
0x5c: {  	_ =	shalt  }
0x5d: {  	_ =	shalt  }
0x5e: {  	_ =	shalt  }
0x5f: {  	_ =	shalt  }
0x60: {  	_ =	shalt  }
0x61: {  	_ =	shalt  }
0x62: {  	_ =	shalt  }
0x63: {  	_ =	shalt  }
0x64: {  	_ =	shalt  }
0x65: {  	_ =	shalt  }
0x66: {  	_ =	shalt  }
0x67: {  	_ =	shalt  }
0x68: {  	_ =	shalt  }
0x69: {  	_ =	shalt  }
0x6a: {  	_ =	shalt  }
0x6b: {  	_ =	shalt  }
0x6c: {  	_ =	shalt  }
0x6d: {  	_ =	shalt  }
0x6e: {  	_ =	shalt  }
0x6f: {  	_ =	shalt  }
0x70: {  	_ =	shalt  }
0x71: {  	_ =	shalt  }
0x72: {  	_ =	shalt  }
0x73: {  	_ =	shalt  }
0x74: {  	_ =	shalt  }
0x75: {  	_ =	shalt  }
0x76: {  	_ =	shalt  }
0x77: {  	_ =	shalt  }
0x78: {  	_ =	shalt  }
0x79: {  	_ =	shalt  }
0x7a: {  	_ =	shalt  }
0x7b: {  	_ =	shalt  }
0x7c: {  	_ =	shalt  }
0x7d: {  	_ =	shalt  }
0x7e: {  	_ =	shalt  }
0x7f: {  	_ =	shalt  }
0x80: {  	_ =	shalt  }
0x81: {  	_ =	shalt  }
0x82: {  	_ =	shalt  }
0x83: {  	_ =	shalt  }
0x84: {  	_ =	shalt  }
0x85: {  	_ =	shalt  }
0x86: {  	_ =	shalt  }
0x87: {  	_ =	shalt  }
.Lfunc_end0:
.L_simem_size_0:
called_computation_lowered:
.L_overlay_start_0:
0x88: {  	s2 =	sld [smem:$0x3FD9]  }
0x89: {  	s3 =	sld [smem:$0x3FFE];
	_ =	sdelay $0x1  }
0x8a: {  	s1 =	srdreg.scid  }
0x8b: {  	s0 =	sand.u32 $0x1, s1  }
0x8c: {  	s14 =	sshll.u32 s0, $0xA;
	s2 =	sadd.s32 s3, s2  }
0x8d: {  	s2 =	sadd.s32 s2, s14  }
0x8e: {  	[smem:$0x3FC5] =	sst s2  }
0x8f: {  	_ = 	snop  }
0x90: {  	s2 =	sld [smem:$0x3FD0];
	_ =	sdelay $0x2  }
0x91: {  	s15 =	simm.s32 $0xA;
	s4 =	simm.s32 $0x10  }
0x92: {  	[smem:s4], [sflag:s15] =	dma.local [hbm:s2], $0x1  }
0x93: {  	_ =	swait.eq [sflag:s15], $0x1  }
0x94: {  	[sflag:s15] =	ssyncset.done $0x0  }
0x95: {  	[sflag:s15] =	ssyncadd.s32 $0xFFFFFFFF  }
0x96: {  	s16 =	sld [smem:$0x10];
	(tm) =	ssettm $0x1  }
0x97: {  	s17 =	sld [smem:$0x3FFB];
	_ =	sdelay $0x3  }
0x98: {  	_ =	strace s17  }
0x99: {  	s3 =	sld [smem:$0x3FFC];
	_ =	sdelay $0x3  }
0x9a: {  	_ =	strace s3  }
0x9b: {  	s3 =	sld [smem:$0x3FFD];
	_ =	sdelay $0x3  }
0x9c: {  	_ =	strace s3  }
0x9d: {  	_ =	strace $0x8FFFFFFF  }
0x9e: {  	s18 =	sld [smem:$0x3FDB];
	_ =	sdelay $0x1  }
0x9f: {  	s19 =	simm.s32 $_scs_section_size  }
0xa0: {  	s5 =	simm.s32 $_size__tile_overlayer_lowered;
	s6 =	simm.s32 $_tile_overlayer_lowered  }
0xa1: {  	s22 =	simm.s32 $0x1BFF;
	s21 =	sshll.u32 s6, $0x1;
	s3 =	sadd.s32 s19, s18  }
0xa2: {  	s7 =	simm.s32 $0x0;
	s20 =	sshll.u32 s5, $0x1;
	s5 =	sadd.s32 s21, s3  }
0xa3: {  	[timem:s7], [sflag:s22] =	dma.local [hbm:s5], s20  }
0xa4: {  	_ =	swait.ge [sflag:s22], s20  }
0xa5: {  	s4 =	ssub.s32 $0x0, s20;
	[sflag:s22] =	ssyncset.done $0x0  }
0xa6: {  	[sflag:s22] =	ssyncadd.s32 s4;
	_ =	sdelay $0x1  }
0xa7: {  	s23 =	simm.s32 $0x1B8B  }
0xa8: {  	_ =	swait.ge [sflag:s23], $0x1  }
0xa9: {  	[sflag:s23] =	ssyncset.done $0x0  }
0xaa: {  	s25 =	simm.s32 $0x1B8E;
	s24 =	sld [smem:$0x3FFE];
	[sflag:s23] =	ssyncadd.s32 $0xFFFFFFFF  }
0xab: {  	s26 =	simm.s32 $execute0_lowered;
	[smem:$0x3FD2] =	sst s25  }
0xac: {  	s5 =	sshll.u32 s26, $0x1;
	_ =	strace $0x80000046;
	[dreg:$0x1] =	wrdreg $0xFFFFFFFF  }
0xad: {  	s28 =	simm.s32 $_size_execute0_lowered;
	s3 =	sadd.s32 s3, s5;
	[dreg:$0x0] =	wrdreg $0x0  }
0xae: {  	s5 =	sshll.u32 s28, $0x1;
	[dreg:$0x2] =	wrdreg s3  }
0xaf: {  	[dreg:$0x3] =	wrdreg s5  }
0xb0: {  	[dreg:$0x4] =	wrdreg $0xC0  }
0xb1: {  	_ =	task [dreg:s7], $0x5FFFF  }
0xb2: {  	[dreg:$0x1] =	wrdreg $0xFFFFFFFF  }
0xb3: {  	[dreg:$0x0] =	wrdreg $0x60  }
0xb4: {  	[dreg:$0x2] =	wrdreg s16  }
0xb5: {  	[dreg:$0x3] =	wrdreg s24  }
0xb6: {  	[dreg:$0x4] =	wrdreg $0x9  }
0xb7: {  	_ =	task.clear_ibuf [dreg:s7], $0x5FFFF;
	_ =	strace $0x90000046  }
0xb8: {  	s29 =	simm.s32 $0x9;
	_ =	strace $0x80000048  }
0xb9: {  	_ =	swait.ge [sflag:s29], $0x1  }
0xba: {  	[sflag:s29] =	ssyncadd.s32 $0xFFFFFFFF  }
0xbb: {  	_ =	strace $0x90000048  }
0xbc: {  	_ =	sfence  }
0xbd: {  	s30 =	sld [smem:$0x0];
	_ =	sdelay $0x2  }
0xbe: {  	s31 =	sshll.u32 s1, $0xD;
	s1 =	sshrl.u32 s1, $0x2  }
0xbf: {  	s3 =	sand.u32 $0x4000, s31;
	s1 =	sadd.s32 s1, s30  }
0xc0: {  	s0 =	sor.u32 s3, s0;
	s1 =	sshll.u32 s1, $0x11  }
0xc1: {  	s0 =	sor.u32 s1, s0  }
0xc2: {  	s0 =	sadd.s32 $0x8F2B, s0  }
0xc3: {  	[sflag:s0] =	ssyncadd.remote.s32 $0x1  }
0xc4: {  	_ =	sfence.sel $0xFFFF  }
0xc5: {  	[dreg:$0x0] =	wrdreg $0xFFFFFFFF;
	(pc) =	sbr.abs _section_cstart, $3  }
0xc6: {  	[dreg:$0x1] =	wrdreg $0xFFFFFFFF  }
0xc7: {  	_ =	task.clear_ibuf [dreg:s7], $0x2FFFF;
	_ =	strace $0x9FFFFFFF  }
0xc8: {  	(tm) =	ssettm $0x7FFFFFFF  }
0xc9: {  	_ =	shalt  }
tec
execute0_lowered:
.L_overlay_start_1:
0x0: {  	(tag) =	ssettag $0x1  }
0x1: {  	v3 =	vlaneseq.u32;
	v0 =	vimm.f32 $0.0e+00;
	vm0 =	vmmov $0xffff  }
0x2: {  	v4 =	vimm.s32 $0x1CE7;
	vm15 =	vcmask $0x300;
	v5 =	vimm.s32 $0x1DE7  }
0x3: {  	vm14 =	vcmask $0x704;
	vm13 =	vcmask $0xB08;
	vm12 =	vcmask $0xF0C  }
0x4: {  	vm11 =	vcmask $0x1310;
	vm10 =	vcmask $0x1714;
	vm9 =	vcmask $0x1B18  }
0x5: {  	vm8 =	vcmask $0x1F1C;
	vm7 =	vcmask $0x2320;
	vm5 =	vcmask $0x2724  }
0x6: {  	vm6 =	vcmask $0x2B28;
	vm4 =	vcmask $0x2F2C;
	vm3 =	vcmask $0x3330  }
0x7: {  	vm2 =	vcmask $0x3734;
	vm1 =	vcmask $0x3B38;
	v6 =	vimm.s32 $0x1EE7  }
0x8: {  	v7 =	vimm.s32 $0x1FE7;
	v8 =	vimm.s32 $0x3CE7;
	v9 =	vimm.s32 $0x3DE7  }
0x9: {  	v10 =	vimm.s32 $0x3EE7;
	v11 =	vimm.s32 $0x3FE7;
	v12 =	vimm.s32 $0x2380  }
0xa: {  	v13 =	vimm.s32 $0x5CE7;
	v14 =	vimm.s32 $0x5DE7;
	v15 =	vimm.s32 $0x5EE7  }
0xb: {  	v16 =	vimm.s32 $0x5FE7;
	v17 =	vimm.s32 $0x7CE7;
	v18 =	vimm.s32 $0x7DE7  }
0xc: {  	v19 =	vimm.s32 $0x7EE7;
	v20 =	vimm.s32 $0x7FE7;
	v2 =	vshrl.u32 v3, $0x3  }
0xd: {  	v1 =	vand.u32 $0x7, v3;
	v4 =	vsel vm15, $0x1C60, v4;
	v5 =	vsel vm15, $0x1D60, v5  }
0xe: {  	v3 =	vor.u32 $0x8, v3;
	v6 =	vsel vm15, $0x1E60, v6;
	v7 =	vsel vm15, $0x1F60, v7  }
0xf: {  	v8 =	vsel vm15, $0x3C60, v8;
	v9 =	vsel vm15, $0x3D60, v9;
	v10 =	vsel vm15, $0x3E60, v10  }
0x10: {  	v11 =	vsel vm15, $0x3F60, v11;
	v12 =	vsel vm15, $0x0, v12;
	v13 =	vsel vm15, $0x5C60, v13  }
0x11: {  	v14 =	vsel vm15, $0x5D60, v14;
	v15 =	vsel vm15, $0x5E60, v15;
	v16 =	vsel vm15, $0x5F60, v16  }
0x12: {  	v17 =	vsel vm15, $0x7C60, v17;
	v18 =	vsel vm15, $0x7D60, v18;
	v19 =	vsel vm15, $0x7E60, v19  }
0x13: {  	v20 =	vsel vm15, $0x7F60, v20;
	v2 =	vmul.u32 $0x8, v2;
	v4 =	vsel vm14, $0x1C61, v4  }
0x14: {  	v5 =	vsel vm14, $0x1D61, v5;
	v6 =	vsel vm14, $0x1E61, v6;
	v7 =	vsel vm14, $0x1F61, v7  }
0x15: {  	v8 =	vsel vm14, $0x3C61, v8;
	v9 =	vsel vm14, $0x3D61, v9;
	v10 =	vsel vm14, $0x3E61, v10  }
0x16: {  	v11 =	vsel vm14, $0x3F61, v11;
	v12 =	vsel vm14, $0x80, v12;
	v13 =	vsel vm14, $0x5C61, v13  }
0x17: {  	v14 =	vsel vm14, $0x5D61, v14;
	v15 =	vsel vm14, $0x5E61, v15;
	v16 =	vsel vm14, $0x5F61, v16  }
0x18: {  	v17 =	vsel vm14, $0x7C61, v17;
	v18 =	vsel vm14, $0x7D61, v18;
	v19 =	vsel vm14, $0x7E61, v19  }
0x19: {  	v20 =	vsel vm14, $0x7F61, v20;
	v4 =	vsel vm13, $0x1C62, v4;
	v5 =	vsel vm13, $0x1D62, v5  }
0x1a: {  	v6 =	vsel vm13, $0x1E62, v6;
	v7 =	vsel vm13, $0x1F62, v7;
	v8 =	vsel vm13, $0x3C62, v8  }
0x1b: {  	v9 =	vsel vm13, $0x3D62, v9;
	v10 =	vsel vm13, $0x3E62, v10;
	v11 =	vsel vm13, $0x3F62, v11  }
0x1c: {  	v12 =	vsel vm13, $0x100, v12;
	v13 =	vsel vm13, $0x5C62, v13;
	v14 =	vsel vm13, $0x5D62, v14  }
0x1d: {  	v15 =	vsel vm13, $0x5E62, v15;
	v16 =	vsel vm13, $0x5F62, v16;
	v17 =	vsel vm13, $0x7C62, v17  }
0x1e: {  	v18 =	vsel vm13, $0x7D62, v18;
	v19 =	vsel vm13, $0x7E62, v19;
	v20 =	vsel vm13, $0x7F62, v20  }
0x1f: {  	v4 =	vsel vm12, $0x1C63, v4;
	v5 =	vsel vm12, $0x1D63, v5;
	v6 =	vsel vm12, $0x1E63, v6  }
0x20: {  	v7 =	vsel vm12, $0x1F63, v7;
	v8 =	vsel vm12, $0x3C63, v8;
	v9 =	vsel vm12, $0x3D63, v9  }
0x21: {  	v10 =	vsel vm12, $0x3E63, v10;
	v11 =	vsel vm12, $0x3F63, v11;
	v12 =	vsel vm12, $0x180, v12  }
0x22: {  	v13 =	vsel vm12, $0x5C63, v13;
	v14 =	vsel vm12, $0x5D63, v14;
	v15 =	vsel vm12, $0x5E63, v15  }
0x23: {  	v16 =	vsel vm12, $0x5F63, v16;
	v17 =	vsel vm12, $0x7C63, v17;
	v18 =	vsel vm12, $0x7D63, v18  }
0x24: {  	v19 =	vsel vm12, $0x7E63, v19;
	v20 =	vsel vm12, $0x7F63, v20;
	v4 =	vsel vm11, $0x1C64, v4  }
0x25: {  	v5 =	vsel vm11, $0x1D64, v5;
	v6 =	vsel vm11, $0x1E64, v6;
	v7 =	vsel vm11, $0x1F64, v7  }
0x26: {  	v8 =	vsel vm11, $0x3C64, v8;
	v9 =	vsel vm11, $0x3D64, v9;
	v10 =	vsel vm11, $0x3E64, v10  }
0x27: {  	v11 =	vsel vm11, $0x3F64, v11;
	v12 =	vsel vm11, $0x200, v12;
	v13 =	vsel vm11, $0x5C64, v13  }
0x28: {  	v14 =	vsel vm11, $0x5D64, v14;
	v15 =	vsel vm11, $0x5E64, v15;
	v16 =	vsel vm11, $0x5F64, v16  }
0x29: {  	v17 =	vsel vm11, $0x7C64, v17;
	v18 =	vsel vm11, $0x7D64, v18;
	v19 =	vsel vm11, $0x7E64, v19  }
0x2a: {  	v20 =	vsel vm11, $0x7F64, v20;
	v4 =	vsel vm10, $0x1C65, v4;
	v5 =	vsel vm10, $0x1D65, v5  }
0x2b: {  	v6 =	vsel vm10, $0x1E65, v6;
	v7 =	vsel vm10, $0x1F65, v7;
	v8 =	vsel vm10, $0x3C65, v8  }
0x2c: {  	v9 =	vsel vm10, $0x3D65, v9;
	v10 =	vsel vm10, $0x3E65, v10;
	v11 =	vsel vm10, $0x3F65, v11  }
0x2d: {  	v12 =	vsel vm10, $0x280, v12;
	v13 =	vsel vm10, $0x5C65, v13;
	v14 =	vsel vm10, $0x5D65, v14  }
0x2e: {  	v15 =	vsel vm10, $0x5E65, v15;
	v16 =	vsel vm10, $0x5F65, v16;
	v17 =	vsel vm10, $0x7C65, v17  }
0x2f: {  	v18 =	vsel vm10, $0x7D65, v18;
	v19 =	vsel vm10, $0x7E65, v19;
	v20 =	vsel vm10, $0x7F65, v20  }
0x30: {  	v4 =	vsel vm9, $0x1C66, v4;
	v5 =	vsel vm9, $0x1D66, v5;
	v6 =	vsel vm9, $0x1E66, v6  }
0x31: {  	v7 =	vsel vm9, $0x1F66, v7;
	v8 =	vsel vm9, $0x3C66, v8;
	v9 =	vsel vm9, $0x3D66, v9  }
0x32: {  	v10 =	vsel vm9, $0x3E66, v10;
	v11 =	vsel vm9, $0x3F66, v11;
	v12 =	vsel vm9, $0x300, v12  }
0x33: {  	v13 =	vsel vm9, $0x5C66, v13;
	v14 =	vsel vm9, $0x5D66, v14;
	v15 =	vsel vm9, $0x5E66, v15  }
0x34: {  	v16 =	vsel vm9, $0x5F66, v16;
	v17 =	vsel vm9, $0x7C66, v17;
	v18 =	vsel vm9, $0x7D66, v18  }
0x35: {  	v19 =	vsel vm9, $0x7E66, v19;
	v20 =	vsel vm9, $0x7F66, v20;
	v4 =	vsel vm8, $0x1C67, v4  }
0x36: {  	v5 =	vsel vm8, $0x1D67, v5;
	v6 =	vsel vm8, $0x1E67, v6;
	v7 =	vsel vm8, $0x1F67, v7  }
0x37: {  	v8 =	vsel vm8, $0x3C67, v8;
	v9 =	vsel vm8, $0x3D67, v9;
	v10 =	vsel vm8, $0x3E67, v10  }
0x38: {  	v11 =	vsel vm8, $0x3F67, v11;
	v12 =	vsel vm8, $0x380, v12;
	v13 =	vsel vm8, $0x5C67, v13  }
0x39: {  	v14 =	vsel vm8, $0x5D67, v14;
	v15 =	vsel vm8, $0x5E67, v15;
	v16 =	vsel vm8, $0x5F67, v16  }
0x3a: {  	v17 =	vsel vm8, $0x7C67, v17;
	v18 =	vsel vm8, $0x7D67, v18;
	v19 =	vsel vm8, $0x7E67, v19  }
0x3b: {  	v20 =	vsel vm8, $0x7F67, v20;
	v4 =	vsel vm7, $0x1CE0, v4;
	v5 =	vsel vm7, $0x1DE0, v5  }
0x3c: {  	v6 =	vsel vm7, $0x1EE0, v6;
	v7 =	vsel vm7, $0x1FE0, v7;
	v8 =	vsel vm7, $0x3CE0, v8  }
0x3d: {  	v9 =	vsel vm7, $0x3DE0, v9;
	v10 =	vsel vm7, $0x3EE0, v10;
	v11 =	vsel vm7, $0x3FE0, v11  }
0x3e: {  	v12 =	vsel vm7, $0x2000, v12;
	v13 =	vsel vm7, $0x5CE0, v13;
	v14 =	vsel vm7, $0x5DE0, v14  }
0x3f: {  	v15 =	vsel vm7, $0x5EE0, v15;
	v16 =	vsel vm7, $0x5FE0, v16;
	v17 =	vsel vm7, $0x7CE0, v17  }
0x40: {  	v18 =	vsel vm7, $0x7DE0, v18;
	v19 =	vsel vm7, $0x7EE0, v19;
	v20 =	vsel vm7, $0x7FE0, v20  }
0x41: {  	v4 =	vsel vm5, $0x1CE1, v4;
	v5 =	vsel vm5, $0x1DE1, v5;
	v6 =	vsel vm5, $0x1EE1, v6  }
0x42: {  	v7 =	vsel vm5, $0x1FE1, v7;
	v8 =	vsel vm5, $0x3CE1, v8;
	v9 =	vsel vm5, $0x3DE1, v9  }
0x43: {  	v10 =	vsel vm5, $0x3EE1, v10;
	v11 =	vsel vm5, $0x3FE1, v11;
	v12 =	vsel vm5, $0x2080, v12  }
0x44: {  	v13 =	vsel vm5, $0x5CE1, v13;
	v14 =	vsel vm5, $0x5DE1, v14;
	v15 =	vsel vm5, $0x5EE1, v15  }
0x45: {  	v16 =	vsel vm5, $0x5FE1, v16;
	v17 =	vsel vm5, $0x7CE1, v17;
	v18 =	vsel vm5, $0x7DE1, v18  }
0x46: {  	v19 =	vsel vm5, $0x7EE1, v19;
	v20 =	vsel vm5, $0x7FE1, v20;
	v4 =	vsel vm6, $0x1CE2, v4  }
0x47: {  	v5 =	vsel vm6, $0x1DE2, v5;
	v6 =	vsel vm6, $0x1EE2, v6;
	v7 =	vsel vm6, $0x1FE2, v7  }
0x48: {  	v8 =	vsel vm6, $0x3CE2, v8;
	v9 =	vsel vm6, $0x3DE2, v9;
	v10 =	vsel vm6, $0x3EE2, v10  }
0x49: {  	v11 =	vsel vm6, $0x3FE2, v11;
	v12 =	vsel vm6, $0x2100, v12;
	v13 =	vsel vm6, $0x5CE2, v13  }
0x4a: {  	v14 =	vsel vm6, $0x5DE2, v14;
	v15 =	vsel vm6, $0x5EE2, v15;
	v16 =	vsel vm6, $0x5FE2, v16  }
0x4b: {  	v17 =	vsel vm6, $0x7CE2, v17;
	v18 =	vsel vm6, $0x7DE2, v18;
	v19 =	vsel vm6, $0x7EE2, v19  }
0x4c: {  	v20 =	vsel vm6, $0x7FE2, v20;
	v4 =	vsel vm4, $0x1CE3, v4;
	v5 =	vsel vm4, $0x1DE3, v5  }
0x4d: {  	v6 =	vsel vm4, $0x1EE3, v6;
	v7 =	vsel vm4, $0x1FE3, v7;
	v8 =	vsel vm4, $0x3CE3, v8  }
0x4e: {  	v9 =	vsel vm4, $0x3DE3, v9;
	v10 =	vsel vm4, $0x3EE3, v10;
	v11 =	vsel vm4, $0x3FE3, v11  }
0x4f: {  	v12 =	vsel vm4, $0x2180, v12;
	v13 =	vsel vm4, $0x5CE3, v13;
	v14 =	vsel vm4, $0x5DE3, v14  }
0x50: {  	v15 =	vsel vm4, $0x5EE3, v15;
	v16 =	vsel vm4, $0x5FE3, v16;
	v17 =	vsel vm4, $0x7CE3, v17  }
0x51: {  	v18 =	vsel vm4, $0x7DE3, v18;
	v19 =	vsel vm4, $0x7EE3, v19;
	v20 =	vsel vm4, $0x7FE3, v20  }
0x52: {  	v4 =	vsel vm3, $0x1CE4, v4;
	v5 =	vsel vm3, $0x1DE4, v5;
	v6 =	vsel vm3, $0x1EE4, v6  }
0x53: {  	s0 =	rddreg [dreg:$0x0];
	s1 =	srdreg.scid;
	v7 =	vsel vm3, $0x1FE4, v7;
	v8 =	vsel vm3, $0x3CE4, v8;
	v9 =	vsel vm3, $0x3DE4, v9  }
0x54: {  	s3 =	stileid.u32;
	s2 =	rddreg [dreg:$0x1];
	s13 =	simm.s32 $0x5;
	v10 =	vsel vm3, $0x3EE4, v10;
	v11 =	vsel vm3, $0x3FE4, v11;
	v12 =	vsel vm3, $0x2200, v12  }
0x55: {  	s16 =	simm.s32 $0x1000;
	s17 =	simm.s32 $0x1400;
	s28 =	simm.s32 $0x6400;
	v13 =	vsel vm3, $0x5CE4, v13;
	v14 =	vsel vm3, $0x5DE4, v14;
	v15 =	vsel vm3, $0x5EE4, v15  }
0x56: {  	s29 =	simm.s32 $0x6C00;
	s30 =	simm.s32 $0x7400;
	s31 =	simm.s32 $0x7C00;
	v16 =	vsel vm3, $0x5FE4, v16;
	v17 =	vsel vm3, $0x7CE4, v17;
	v18 =	vsel vm3, $0x7DE4, v18  }
0x57: {  	s15 =	simm.s32 $0x1;
	s14 =	simm.s32 $0x0;
	s1 =	sand.u32 $0x1, s1;
	v19 =	vsel vm3, $0x7EE4, v19;
	v20 =	vsel vm3, $0x7FE4, v20;
	v4 =	vsel vm2, $0x1CE5, v4  }
0x58: {  	s4 =	sshll.u32 s3, $0x1;
	s3 =	simm.s32 $0x0;
	s24 =	sadd.s32 $0x4800, s2;
	v5 =	vsel vm2, $0x1DE5, v5;
	v6 =	vsel vm2, $0x1EE5, v6;
	v7 =	vsel vm2, $0x1FE5, v7  }
0x59: {  	s8 =	sadd.s32 $0x100, s0;
	s9 =	sadd.s32 $0x200, s0;
	s10 =	sadd.s32 $0x300, s0;
	v8 =	vsel vm2, $0x3CE5, v8;
	v9 =	vsel vm2, $0x3DE5, v9;
	v10 =	vsel vm2, $0x3EE5, v10  }
0x5a: {  	s4 =	sor.u32 s1, s4;
	[smem:$0x7FF] =	sst s3;
	s1 =	ssub.s32 $0x2, s1;
	v11 =	vsel vm2, $0x3FE5, v11;
	v12 =	vsel vm2, $0x2280, v12;
	v13 =	vsel vm2, $0x5CE5, v13  }
0x5b: {  	s5 =	sshll.u32 s4, $0x8;
	_ =	strace $0x80000047;
	[dreg:$0x3] =	wrdreg s24;
	v14 =	vsel vm2, $0x5DE5, v14;
	v15 =	vsel vm2, $0x5EE5, v15;
	v16 =	vsel vm2, $0x5FE5, v16  }
0x5c: {  	s7 =	sshll.u32 s4, $0x4;
	s25 =	sshrl.u32 s1, $0x1;
	s6 =	sadd.s32 s5, s2;
	v17 =	vsel vm2, $0x7CE5, v17;
	v18 =	vsel vm2, $0x7DE5, v18;
	v19 =	vsel vm2, $0x7EE5, v19  }
0x5d: {  	s11 =	smul.u32 $0x190000, s4;
	s5 =	sadd.s32 $0x4A00, s2;
	s26 =	sadd.s32 $0x800, s6;
	v20 =	vsel vm2, $0x7FE5, v20;
	v4 =	vsel vm1, $0x1CE6, v4;
	v5 =	vsel vm1, $0x1DE6, v5  }
0x5e: {  	s2 =	sadd.s32 s7, s2;
	s6 =	sadd.s32 $0x2800, s6;
	[dreg:$0x4] =	wrdreg s26;
	v6 =	vsel vm1, $0x1EE6, v6;
	v7 =	vsel vm1, $0x1FE6, v7;
	v8 =	vsel vm1, $0x3CE6, v8  }
0x5f: {  	s1 =	ssub.s32 s1, s25;
	s2 =	sadd.s32 $0x644A00, s2;
	[dreg:$0x5] =	wrdreg s6;
	v9 =	vsel vm1, $0x3DE6, v9;
	v10 =	vsel vm1, $0x3EE6, v10;
	v11 =	vsel vm1, $0x3FE6, v11  }
0x60: {  	s4 =	simm.s32 $0x9400;
	s1 =	smax.u32 s1, $0x1;
	[dreg:$0x6] =	wrdreg s2;
	v12 =	vsel vm1, $0x2300, v12;
	v13 =	vsel vm1, $0x5CE6, v13;
	v14 =	vsel vm1, $0x5DE6, v14  }
0x61: {  	s25 =	simm.s32 $0x5400;
	s7 =	simm.s32 $0x11400;
	[dreg:$0x7] =	wrdreg s1;
	v15 =	vsel vm1, $0x5EE6, v15;
	v16 =	vsel vm1, $0x5FE6, v16;
	v17 =	vsel vm1, $0x7CE6, v17  }
0x62: {  	s2 =	simm.s32 $0x8400;
	s1 =	simm.s32 $0x8C00;
	s6 =	simm.s32 $0x2;
	v18 =	vsel vm1, $0x7DE6, v18;
	v19 =	vsel vm1, $0x7EE6, v19;
	v20 =	vsel vm1, $0x7FE6, v20  }
.LBB2_1:
0x63: {  	[dreg:$0x8] =	wrdreg s14  }
0x64: {  	s12 =	rddreg [dreg:$0x4]  }
0x65: {  	[tilespmem:s3], [sflag:$0x5] =	stream.linear.gather [hbm4b:s12+s3], $0x680, $0x38;
	[tilespmem:$0x19480] =	vst v63  }
0x66: {  	_ =	swait.ge [sflag:s13], $0x680  }
0x67: {  	[sflag:s13] =	ssyncset.done $0x0  }
0x68: {  	s26 =	simm.s32 $0x800;
	s24 =	rddreg [dreg:$0x5];
	[sflag:s13] =	ssyncadd.s32 $0xFFFFF980  }
0x69: {  	[tilespmem:s26], [sflag:$0x5] =	stream.linear.gather [hbm4b:s24+s3], $0x680, $0x38;
	[tilespmem:$0x19480] =	vst v63  }
0x6a: {  	_ =	swait.ge [sflag:s13], $0x680  }
0x6b: {  	[sflag:s13] =	ssyncset.done $0x0  }
0x6c: {  	s14 =	rddreg [dreg:$0x3];
	[sflag:s13] =	ssyncadd.s32 $0xFFFFF980  }
0x6d: {  	[tilespmem:s16], [sflag:$0x5] =	stream.linear.gather [hbm4b:s14+s3], $0x400, $0x38;
	[tilespmem:$0x19480] =	vst v63  }
0x6e: {  	_ =	swait.ge [sflag:s13], $0x400  }
0x6f: {  	[sflag:s13] =	ssyncset.done $0x0  }
0x70: {  	[sflag:s13] =	ssyncadd.s32 $0xFFFFFC00  }
0x71: {  	v21 =	vld [tilespmem:$0x0];
	_ =	sdelay $0x4  }
0x72: {  	v22 =	vshll.u32 v21, $0x3  }
0x73: {  	v21 =	vand.u32 $0x7, v21;
	v22 =	vand.u32 $0xFFFFFFC0, v22  }
0x74: {  	v21 =	vor.u32 v21, v22  }
0x75: {  	v22 =	vperm.xlane v21, v1;
	_ =	sdelay $0x1  }
0x76: {  	v22 =	vadd.s32 v2, v22;
	_ =	sdelay $0x3  }
0x77: {  	[tilespmem:$0x19400] =	vst v0  }
0x78: {  	[tilespmem:s17], [sflag:$0x1] =	stream.indirect_vreg.gather [hbm4b:s0+s3], $0x80, v22, vm0, $0xb8;
	[tilespmem:$0x19480] =	vst v63  }
0x79: {  	s18 =	simm.s32 $0x1C00;
	v21 =	vperm.xlane v21, v3  }
0x7a: {  	[tilespmem:s18], [sflag:$0x1] =	stream.indirect_vreg.gather [hbm4b:s8+s3], $0x80, v22, vm0, $0xb8;
	[tilespmem:$0x19480] =	vst v63  }
0x7b: {  	s19 =	simm.s32 $0x2400;
	v21 =	vadd.s32 v2, v21  }
0x7c: {  	[tilespmem:s19], [sflag:$0x1] =	stream.indirect_vreg.gather [hbm4b:s9+s3], $0x80, v22, vm0, $0xb8;
	[tilespmem:$0x19480] =	vst v63  }
0x7d: {  	s20 =	simm.s32 $0x2C00  }
0x7e: {  	[tilespmem:s20], [sflag:$0x1] =	stream.indirect_vreg.gather [hbm4b:s10+s3], $0x80, v22, vm0, $0xb8;
	[tilespmem:$0x19480] =	vst v63  }
0x7f: {  	s21 =	simm.s32 $0x3400  }
0x80: {  	[tilespmem:s21], [sflag:$0x1] =	stream.indirect_vreg.gather [hbm4b:s0+s3], $0x80, v21, vm0, $0xb8;
	[tilespmem:$0x19480] =	vst v63  }
0x81: {  	s22 =	simm.s32 $0x3C00  }
0x82: {  	[tilespmem:s22], [sflag:$0x1] =	stream.indirect_vreg.gather [hbm4b:s8+s3], $0x80, v21, vm0, $0xb8;
	[tilespmem:$0x19480] =	vst v63  }
0x83: {  	s23 =	simm.s32 $0x4400  }
0x84: {  	[tilespmem:s23], [sflag:$0x1] =	stream.indirect_vreg.gather [hbm4b:s9+s3], $0x80, v21, vm0, $0xb8;
	[tilespmem:$0x19480] =	vst v63  }
0x85: {  	s24 =	simm.s32 $0x4C00  }
0x86: {  	[tilespmem:s24], [sflag:$0x1] =	stream.indirect_vreg.gather [hbm4b:s10+s3], $0x80, v21, vm0, $0xb8;
	[tilespmem:$0x19480] =	vst v63  }
0x87: {  	v21 =	vld [tilespmem:$0x10];
	_ =	sdelay $0x4  }
0x88: {  	v22 =	vshll.u32 v21, $0x3  }
0x89: {  	v21 =	vand.u32 $0x7, v21;
	v22 =	vand.u32 $0xFFFFFFC0, v22  }
0x8a: {  	v21 =	vor.u32 v21, v22  }
0x8b: {  	v22 =	vperm.xlane v21, v1;
	_ =	sdelay $0x1  }
0x8c: {  	v22 =	vadd.s32 v2, v22;
	_ =	sdelay $0x4  }
0x8d: {  	[tilespmem:s25], [sflag:$0x2] =	stream.indirect_vreg.gather [hbm4b:s0+s3], $0x80, v22, vm0, $0xb8;
	[tilespmem:$0x19480] =	vst v63  }
0x8e: {  	s26 =	simm.s32 $0x5C00;
	v21 =	vperm.xlane v21, v3  }
0x8f: {  	[tilespmem:s26], [sflag:$0x2] =	stream.indirect_vreg.gather [hbm4b:s8+s3], $0x80, v22, vm0, $0xb8;
	[tilespmem:$0x19480] =	vst v63  }
0x90: {  	v21 =	vadd.s32 v2, v21  }
0x91: {  	[tilespmem:s28], [sflag:$0x2] =	stream.indirect_vreg.gather [hbm4b:s9+s3], $0x80, v22, vm0, $0xb8;
	[tilespmem:$0x19480] =	vst v63  }
0x92: {  	_ = 	snop  }
0x93: {  	[tilespmem:s29], [sflag:$0x2] =	stream.indirect_vreg.gather [hbm4b:s10+s3], $0x80, v22, vm0, $0xb8;
	[tilespmem:$0x19480] =	vst v63  }
0x94: {  	_ = 	snop  }
0x95: {  	[tilespmem:s30], [sflag:$0x2] =	stream.indirect_vreg.gather [hbm4b:s0+s3], $0x80, v21, vm0, $0xb8;
	[tilespmem:$0x19480] =	vst v63  }
0x96: {  	_ = 	snop  }
0x97: {  	[tilespmem:s31], [sflag:$0x2] =	stream.indirect_vreg.gather [hbm4b:s8+s3], $0x80, v21, vm0, $0xb8;
	[tilespmem:$0x19480] =	vst v63  }
0x98: {  	_ = 	snop  }
0x99: {  	[tilespmem:s2], [sflag:$0x2] =	stream.indirect_vreg.gather [hbm4b:s9+s3], $0x80, v21, vm0, $0xb8;
	[tilespmem:$0x19480] =	vst v63  }
0x9a: {  	s13 =	simm.s32 $0x0  }
0x9b: {  	[tilespmem:s1], [sflag:$0x2] =	stream.indirect_vreg.gather [hbm4b:s10+s3], $0x80, v21, vm0, $0xb8;
	[tilespmem:$0x19480] =	vst v63  }
.LBB2_2:
0x9c: {  	p0 =	seq.s32 s13, $0x0  }
0x9d: {  	s12 =	simm.s32 @!p0 $0x3  }
0x9e: {  	_ =	swait.ge @!p0 [sflag:s12], $0x8000  }
0x9f: {  	[sflag:s12] =	ssyncset.done @!p0 $0x0  }
0xa0: {  	[sflag:s12] =	ssyncadd.s32 @!p0 $0xFFFF8000  }
0xa1: {  	s14 =	simm.s32 $0x0;
	_ =	swait.ge [sflag:s15], $0x4000  }
0xa2: {  	s18 =	simm.s32 $0xFFFFC000;
	s19 =	simm.s32 $0x0;
	[sflag:s15] =	ssyncset.done $0x0  }
0xa3: {  	s20 =	simm.s32 $0x0;
	s12 =	sshll.u32 s13, $0x1;
	[sflag:s15] =	ssyncadd.s32 $0xFFFFC000  }
.LBB2_3:
0xa4: {  	s21 =	sadd.s32 $0x4000, s18  }
0xa5: {  	s22 =	sand.u32 $0x380, s20;
	s21 =	sand.u32 $0x2000, s21  }
0xa6: {  	s21 =	sor.u32 s22, s21  }
0xa7: {  	v21 =	vld [tilespmem:s21+$0x1400]  }
0xa8: {  	v22 =	vld [tilespmem:s21+$0x1410]  }
0xa9: {  	v23 =	vld [tilespmem:s21+$0x1420]  }
0xaa: {  	v24 =	vld [tilespmem:s21+$0x1430]  }
0xab: {  	v25 =	vld [tilespmem:s21+$0x1440]  }
0xac: {  	[tilespmem:s21+$0x9400] =	vst v21;
	v21 =	vld [tilespmem:s21+$0x1450]  }
0xad: {  	v44 =	vld [tilespmem:s21+$0x1800];
	[tilespmem:s21+$0x9410] =	vst v22  }
0xae: {  	v45 =	vld [tilespmem:s21+$0x1810];
	[tilespmem:s21+$0x9420] =	vst v23  }
0xaf: {  	v22 =	vld [tilespmem:s21+$0x1460];
	[tilespmem:s21+$0x9430] =	vst v24  }
0xb0: {  	v23 =	vld [tilespmem:s21+$0x1470];
	[tilespmem:s21+$0x9440] =	vst v25  }
0xb1: {  	[tilespmem:s21+$0x9450] =	vst v21;
	v21 =	vld [tilespmem:s21+$0x1820]  }
0xb2: {  	v46 =	vld [tilespmem:s21+$0x1850];
	[tilespmem:s21+$0x9800] =	vst v44  }
0xb3: {  	v47 =	vld [tilespmem:s21+$0x1860];
	[tilespmem:s21+$0x9810] =	vst v45  }
0xb4: {  	[tilespmem:s21+$0x9460] =	vst v22;
	v22 =	vld [tilespmem:s21+$0x1830]  }
0xb5: {  	[tilespmem:s21+$0x9470] =	vst v23;
	v23 =	vld [tilespmem:s21+$0x1840]  }
0xb6: {  	[tilespmem:s21+$0x9820] =	vst v21;
	v21 =	vld [tilespmem:s21+$0x1870]  }
0xb7: {  	v48 =	vld [tilespmem:s21+$0x1C20];
	[tilespmem:s21+$0x9850] =	vst v46  }
0xb8: {  	v49 =	vld [tilespmem:s21+$0x1C30];
	[tilespmem:s21+$0x9860] =	vst v47  }
0xb9: {  	[tilespmem:s21+$0x9830] =	vst v22;
	v22 =	vld [tilespmem:s21+$0x1C00]  }
0xba: {  	[tilespmem:s21+$0x9840] =	vst v23;
	v23 =	vld [tilespmem:s21+$0x1C10]  }
0xbb: {  	[tilespmem:s21+$0x9870] =	vst v21;
	v21 =	vld [tilespmem:s21+$0x1C40]  }
0xbc: {  	v50 =	vld [tilespmem:s21+$0x1C70];
	[tilespmem:s21+$0x9C20] =	vst v48  }
0xbd: {  	v51 =	vld [tilespmem:s21+$0x2000];
	[tilespmem:s21+$0x9C30] =	vst v49  }
0xbe: {  	[tilespmem:s21+$0x9C00] =	vst v22;
	v22 =	vld [tilespmem:s21+$0x1C50]  }
0xbf: {  	[tilespmem:s21+$0x9C10] =	vst v23;
	v23 =	vld [tilespmem:s21+$0x1C60]  }
0xc0: {  	[tilespmem:s21+$0x9C40] =	vst v21;
	v21 =	vld [tilespmem:s21+$0x2010]  }
0xc1: {  	v52 =	vld [tilespmem:s21+$0x2040];
	[tilespmem:s21+$0x9C70] =	vst v50  }
0xc2: {  	v53 =	vld [tilespmem:s21+$0x2050];
	[tilespmem:s21+$0xA000] =	vst v51  }
0xc3: {  	[tilespmem:s21+$0x9C50] =	vst v22;
	v22 =	vld [tilespmem:s21+$0x2020]  }
0xc4: {  	[tilespmem:s21+$0x9C60] =	vst v23;
	v23 =	vld [tilespmem:s21+$0x2030]  }
0xc5: {  	[tilespmem:s21+$0xA010] =	vst v21;
	v21 =	vld [tilespmem:s21+$0x2060]  }
0xc6: {  	v54 =	vld [tilespmem:s21+$0x2410];
	[tilespmem:s21+$0xA040] =	vst v52  }
0xc7: {  	v55 =	vld [tilespmem:s21+$0x2420];
	[tilespmem:s21+$0xA050] =	vst v53  }
0xc8: {  	[tilespmem:s21+$0xA020] =	vst v22;
	v22 =	vld [tilespmem:s21+$0x2070]  }
0xc9: {  	[tilespmem:s21+$0xA030] =	vst v23;
	v23 =	vld [tilespmem:s21+$0x2400]  }
0xca: {  	[tilespmem:s21+$0xA060] =	vst v21;
	v21 =	vld [tilespmem:s21+$0x2430]  }
0xcb: {  	v56 =	vld [tilespmem:s21+$0x2460];
	[tilespmem:s21+$0xA410] =	vst v54  }
0xcc: {  	v57 =	vld [tilespmem:s21+$0x2470];
	[tilespmem:s21+$0xA420] =	vst v55  }
0xcd: {  	[tilespmem:s21+$0xA070] =	vst v22;
	v22 =	vld [tilespmem:s21+$0x2440]  }
0xce: {  	[tilespmem:s21+$0xA400] =	vst v23;
	v23 =	vld [tilespmem:s21+$0x2450]  }
0xcf: {  	[tilespmem:s21+$0xA430] =	vst v21;
	v21 =	vld [tilespmem:s21+$0x2800]  }
0xd0: {  	v58 =	vld [tilespmem:s21+$0x2830];
	[tilespmem:s21+$0xA460] =	vst v56  }
0xd1: {  	v59 =	vld [tilespmem:s21+$0x2840];
	[tilespmem:s21+$0xA470] =	vst v57  }
0xd2: {  	[tilespmem:s21+$0xA440] =	vst v22;
	v22 =	vld [tilespmem:s21+$0x2810]  }
0xd3: {  	[tilespmem:s21+$0xA450] =	vst v23;
	v23 =	vld [tilespmem:s21+$0x2820]  }
0xd4: {  	[tilespmem:s21+$0xA800] =	vst v21;
	v21 =	vld [tilespmem:s21+$0x2850]  }
0xd5: {  	v60 =	vld [tilespmem:s21+$0x2C00];
	[tilespmem:s21+$0xA830] =	vst v58  }
0xd6: {  	v61 =	vld [tilespmem:s21+$0x2C10];
	[tilespmem:s21+$0xA840] =	vst v59  }
0xd7: {  	[tilespmem:s21+$0xA810] =	vst v22;
	v22 =	vld [tilespmem:s21+$0x2860]  }
0xd8: {  	[tilespmem:s21+$0xA820] =	vst v23;
	v23 =	vld [tilespmem:s21+$0x2870]  }
0xd9: {  	[tilespmem:s21+$0xA850] =	vst v21;
	v21 =	vld [tilespmem:s21+$0x2C20]  }
0xda: {  	v62 =	vld [tilespmem:s21+$0x2C50];
	[tilespmem:s21+$0xAC00] =	vst v60  }
0xdb: {  	v63 =	vld [tilespmem:s21+$0x2C60];
	[tilespmem:s21+$0xAC10] =	vst v61  }
0xdc: {  	[tilespmem:s21+$0xA860] =	vst v22;
	v22 =	vld [tilespmem:s21+$0x2C30]  }
0xdd: {  	[tilespmem:s21+$0xA870] =	vst v23;
	v23 =	vld [tilespmem:s21+$0x2C40]  }
0xde: {  	[tilespmem:s21+$0xAC20] =	vst v21;
	v21 =	vld [tilespmem:s21+$0x2C70]  }
0xdf: {  	[tilespmem:s21+$0xAC50] =	vst v62  }
0xe0: {  	s26 =	sand.u32 $0x7, s14;
	[tilespmem:s21+$0xAC60] =	vst v63  }
0xe1: {  	s22 =	sshll.u32 s26, $0x7;
	[tilespmem:s21+$0xAC30] =	vst v22  }
0xe2: {  	s22 =	sadd.s32 s22, s19;
	[tilespmem:s21+$0xAC40] =	vst v23  }
0xe3: {  	s23 =	sor.u32 $0x1C00, s22;
	[tilespmem:s21+$0xAC70] =	vst v21  }
0xe4: {  	v21 =	vld [tilespmem:s23+$0x1400];
	_ =	sdelay $0x4  }
0xe5: {  	s24 =	sor.u32 $0x1C10, s22;
	[tilespmem:s23+$0x9400] =	vst v21  }
0xe6: {  	v21 =	vld [tilespmem:s24+$0x1400];
	_ =	sdelay $0x4  }
0xe7: {  	s26 =	sor.u32 $0x1C20, s22;
	[tilespmem:s24+$0x9400] =	vst v21  }
0xe8: {  	v21 =	vld [tilespmem:s26+$0x1400];
	_ =	sdelay $0x4  }
0xe9: {  	s23 =	sor.u32 $0x1C30, s22;
	[tilespmem:s26+$0x9400] =	vst v21  }
0xea: {  	v21 =	vld [tilespmem:s23+$0x1400];
	_ =	sdelay $0x4  }
0xeb: {  	s24 =	sor.u32 $0x1C40, s22;
	[tilespmem:s23+$0x9400] =	vst v21  }
0xec: {  	v21 =	vld [tilespmem:s24+$0x1400];
	_ =	sdelay $0x4  }
0xed: {  	s26 =	sor.u32 $0x1C50, s22;
	[tilespmem:s24+$0x9400] =	vst v21  }
0xee: {  	p1 =	sne.s32 s20, $0x780;
	v21 =	vld [tilespmem:s26+$0x1400]  }
.Ltmp0:
0xef: {  	_ = 	snop;
	(pc) =	sbr.rel @p1 .LBB2_3-.Ltmp0, $3  }
0xf0: {  	_ =	sdelay $0x1  }
0xf1: {  	s14 =	sadd.s32 $0x1, s14  }
0xf2: {  	s18 =	sadd.s32 $0x400, s18;
	s20 =	sadd.s32 $0x80, s20;
	s19 =	sadd.s32 $0x400, s19;
	[tilespmem:s26+$0x9400] =	vst v21  }
0xf3: {  	_ =	sdelay $0x3  }
0xf4: {  	v21 =	vld.idx.msk [tilespmem:v4+s17+$0x0], $0xffff;
	_ =	sdelay $0x4  }
0xf5: {  	[tilespmem:v4+s4+$0x0] =	vst.idx.msk $0xffff, v21  }
0xf6: {  	v21 =	vld.idx.msk [tilespmem:v5+s17+$0x0], $0xffff;
	_ =	sdelay $0x4  }
0xf7: {  	[tilespmem:v5+s4+$0x0] =	vst.idx.msk $0xffff, v21  }
0xf8: {  	v21 =	vld.idx.msk [tilespmem:v6+s17+$0x0], $0xffff;
	_ =	sdelay $0x4  }
0xf9: {  	[tilespmem:v6+s4+$0x0] =	vst.idx.msk $0xffff, v21  }
0xfa: {  	v21 =	vld.idx.msk [tilespmem:v7+s17+$0x0], $0xffff;
	_ =	sdelay $0x4  }
0xfb: {  	[tilespmem:v7+s4+$0x0] =	vst.idx.msk $0xffff, v21  }
0xfc: {  	v21 =	vld.idx.msk [tilespmem:v8+s17+$0x0], $0xffff;
	_ =	sdelay $0x4  }
0xfd: {  	[tilespmem:v8+s4+$0x0] =	vst.idx.msk $0xffff, v21  }
0xfe: {  	v21 =	vld.idx.msk [tilespmem:v9+s17+$0x0], $0xffff;
	_ =	sdelay $0x4  }
0xff: {  	[tilespmem:v9+s4+$0x0] =	vst.idx.msk $0xffff, v21  }
0x100: {  	v21 =	vld.idx.msk [tilespmem:v10+s17+$0x0], $0xffff;
	_ =	sdelay $0x4  }
0x101: {  	[tilespmem:v10+s4+$0x0] =	vst.idx.msk $0xffff, v21  }
0x102: {  	v21 =	vld.idx.msk [tilespmem:v11+s17+$0x0], $0xffff;
	_ =	sdelay $0x4  }
0x103: {  	s14 =	sshll.u32 s13, $0x6;
	[tilespmem:v11+s4+$0x0] =	vst.idx.msk $0xffff, v21  }
0x104: {  	v21 =	vld [tilespmem:s14+$0x800];
	_ =	sdelay $0x3  }
0x105: {  	v23 =	vld [tilespmem:s14+$0x0]  }
0x106: {  	v22 =	vshll.u32 v21, $0x3  }
0x107: {  	v21 =	vand.u32 $0x7F, v21;
	v22 =	vand.u32 $0xFFFFFC00, v22  }
0x108: {  	v21 =	vor.u32 v21, v22  }
0x109: {  	v21 =	vadd.s32 v12, v21;
	_ =	sdelay $0x3  }
0x10a: {  	v22 =	vld.idx.msk [tilespmem:v23+s16+$0x0], $0xffff  }
0x10b: {  	v21 =	vld.idx.msk [tilespmem:v21+s17+$0x0], $0xffff;
	_ =	sdelay $0x1  }
0x10c: {  	v23 =	vld [tilespmem:$0x19400];
	_ =	sdelay $0x2  }
0x10d: {  	v21 =	vsub.f32 v21, v22;
	_ =	sdelay $0x1  }
0x10e: {  	v21 =	vadd.f32 v21, v23;
	_ =	sdelay $0x1  }
0x10f: {  	s18 =	sand.u32 $0x7C0, s14;
	[tilespmem:$0x19400] =	vst v21  }
0x110: {  	v21 =	vld [tilespmem:s18+$0x20];
	_ =	sdelay $0x4  }
0x111: {  	v22 =	vshll.u32 v21, $0x3  }
0x112: {  	v21 =	vand.u32 $0x7, v21;
	v22 =	vand.u32 $0xFFFFFFC0, v22  }
0x113: {  	v21 =	vor.u32 v21, v22  }
0x114: {  	v22 =	vperm.xlane v21, v1;
	_ =	sdelay $0x1  }
0x115: {  	v22 =	vadd.s32 v2, v22;
	_ =	sdelay $0x3  }
0x116: {  	s19 =	simm.s32 $0x0  }
0x117: {  	[tilespmem:s17], [sflag:$0x1] =	stream.indirect_vreg.gather [hbm4b:s0+s19], $0x80, v22, vm0, $0xb8;
	[tilespmem:$0x19480] =	vst v63  }
0x118: {  	s20 =	simm.s32 $0x1C00;
	v21 =	vperm.xlane v21, v3  }
0x119: {  	[tilespmem:s20], [sflag:$0x1] =	stream.indirect_vreg.gather [hbm4b:s8+s19], $0x80, v22, vm0, $0xb8;
	[tilespmem:$0x19480] =	vst v63  }
0x11a: {  	s26 =	simm.s32 $0x2400;
	v21 =	vadd.s32 v2, v21  }
0x11b: {  	[tilespmem:s26], [sflag:$0x1] =	stream.indirect_vreg.gather [hbm4b:s9+s19], $0x80, v22, vm0, $0xb8;
	[tilespmem:$0x19480] =	vst v63  }
0x11c: {  	s21 =	simm.s32 $0x2C00  }
0x11d: {  	[tilespmem:s21], [sflag:$0x1] =	stream.indirect_vreg.gather [hbm4b:s10+s19], $0x80, v22, vm0, $0xb8;
	[tilespmem:$0x19480] =	vst v63  }
0x11e: {  	s22 =	simm.s32 $0x3400  }
0x11f: {  	[tilespmem:s22], [sflag:$0x1] =	stream.indirect_vreg.gather [hbm4b:s0+s19], $0x80, v21, vm0, $0xb8;
	[tilespmem:$0x19480] =	vst v63  }
0x120: {  	s23 =	simm.s32 $0x3C00  }
0x121: {  	[tilespmem:s23], [sflag:$0x1] =	stream.indirect_vreg.gather [hbm4b:s8+s19], $0x80, v21, vm0, $0xb8;
	[tilespmem:$0x19480] =	vst v63  }
0x122: {  	s24 =	simm.s32 $0x4400  }
0x123: {  	[tilespmem:s24], [sflag:$0x1] =	stream.indirect_vreg.gather [hbm4b:s9+s19], $0x80, v21, vm0, $0xb8;
	[tilespmem:$0x19480] =	vst v63  }
0x124: {  	s26 =	simm.s32 $0x4C00  }
0x125: {  	[tilespmem:s26], [sflag:$0x1] =	stream.indirect_vreg.gather [hbm4b:s10+s19], $0x80, v21, vm0, $0xb8;
	[tilespmem:$0x19480] =	vst v63  }
0x126: {  	_ =	swait.ge [sflag:s6], $0x4000  }
0x127: {  	[sflag:s6] =	ssyncset.done $0x0  }
0x128: {  	s20 =	simm.s32 $0x0;
	[sflag:s6] =	ssyncadd.s32 $0xFFFFC000  }
.LBB2_5:
0x129: {  	s21 =	sand.u32 $0x2000, s20;
	s22 =	sand.u32 $0x380, s19  }
0x12a: {  	s21 =	sor.u32 s22, s21  }
0x12b: {  	v21 =	vld [tilespmem:s21+$0x5400]  }
0x12c: {  	v22 =	vld [tilespmem:s21+$0x5410]  }
0x12d: {  	v23 =	vld [tilespmem:s21+$0x5420]  }
0x12e: {  	v24 =	vld [tilespmem:s21+$0x5430]  }
0x12f: {  	v25 =	vld [tilespmem:s21+$0x5440]  }
0x130: {  	[tilespmem:s21+$0xD400] =	vst v21;
	v21 =	vld [tilespmem:s21+$0x5450]  }
0x131: {  	[tilespmem:s21+$0xD410] =	vst v22;
	v22 =	vld [tilespmem:s21+$0x5460]  }
0x132: {  	[tilespmem:s21+$0xD420] =	vst v23;
	v23 =	vld [tilespmem:s21+$0x5470]  }
0x133: {  	[tilespmem:s21+$0xD430] =	vst v24  }
0x134: {  	[tilespmem:s21+$0xD440] =	vst v25  }
0x135: {  	s24 =	sand.u32 $0xFFFFE000, s20;
	[tilespmem:s21+$0xD450] =	vst v21  }
0x136: {  	s22 =	sadd.s32 s24, s19;
	[tilespmem:s21+$0xD460] =	vst v22  }
0x137: {  	s23 =	sor.u32 $0x4400, s22;
	[tilespmem:s21+$0xD470] =	vst v23  }
0x138: {  	v21 =	vld [tilespmem:s23+$0x1400]  }
0x139: {  	v22 =	vld [tilespmem:s23+$0x1410]  }
0x13a: {  	v23 =	vld [tilespmem:s23+$0x1420]  }
0x13b: {  	v24 =	vld [tilespmem:s23+$0x1430]  }
0x13c: {  	v25 =	vld [tilespmem:s23+$0x1440]  }
0x13d: {  	[tilespmem:s23+$0x9400] =	vst v21;
	v21 =	vld [tilespmem:s23+$0x1450]  }
0x13e: {  	[tilespmem:s23+$0x9410] =	vst v22;
	v22 =	vld [tilespmem:s23+$0x1460]  }
0x13f: {  	[tilespmem:s23+$0x9420] =	vst v23;
	v23 =	vld [tilespmem:s23+$0x1470]  }
0x140: {  	[tilespmem:s23+$0x9430] =	vst v24  }
0x141: {  	[tilespmem:s23+$0x9440] =	vst v25  }
0x142: {  	[tilespmem:s23+$0x9450] =	vst v21  }
0x143: {  	[tilespmem:s23+$0x9460] =	vst v22  }
0x144: {  	[tilespmem:s23+$0x9470] =	vst v23  }
0x145: {  	v21 =	vld [tilespmem:s21+$0x5C00]  }
0x146: {  	v22 =	vld [tilespmem:s21+$0x5C10]  }
0x147: {  	v23 =	vld [tilespmem:s21+$0x5C20]  }
0x148: {  	v24 =	vld [tilespmem:s21+$0x5C30]  }
0x149: {  	v25 =	vld [tilespmem:s21+$0x5C40]  }
0x14a: {  	[tilespmem:s21+$0xDC00] =	vst v21;
	v21 =	vld [tilespmem:s21+$0x5C50]  }
0x14b: {  	[tilespmem:s21+$0xDC10] =	vst v22;
	v22 =	vld [tilespmem:s21+$0x5C60]  }
0x14c: {  	[tilespmem:s21+$0xDC20] =	vst v23;
	v23 =	vld [tilespmem:s21+$0x5C70]  }
0x14d: {  	[tilespmem:s21+$0xDC30] =	vst v24  }
0x14e: {  	[tilespmem:s21+$0xDC40] =	vst v25  }
0x14f: {  	[tilespmem:s21+$0xDC50] =	vst v21  }
0x150: {  	[tilespmem:s21+$0xDC60] =	vst v22  }
0x151: {  	s26 =	sor.u32 $0x4C00, s22;
	[tilespmem:s21+$0xDC70] =	vst v23  }
0x152: {  	v21 =	vld [tilespmem:s26+$0x1400]  }
0x153: {  	v22 =	vld [tilespmem:s26+$0x1410]  }
0x154: {  	v23 =	vld [tilespmem:s26+$0x1420]  }
0x155: {  	v24 =	vld [tilespmem:s26+$0x1430]  }
0x156: {  	v25 =	vld [tilespmem:s26+$0x1440]  }
0x157: {  	[tilespmem:s26+$0x9400] =	vst v21;
	v21 =	vld [tilespmem:s26+$0x1450]  }
0x158: {  	[tilespmem:s26+$0x9410] =	vst v22;
	v22 =	vld [tilespmem:s26+$0x1460]  }
0x159: {  	[tilespmem:s26+$0x9420] =	vst v23;
	v23 =	vld [tilespmem:s26+$0x1470]  }
0x15a: {  	[tilespmem:s26+$0x9430] =	vst v24  }
0x15b: {  	[tilespmem:s26+$0x9440] =	vst v25  }
0x15c: {  	[tilespmem:s26+$0x9450] =	vst v21  }
0x15d: {  	[tilespmem:s26+$0x9460] =	vst v22  }
0x15e: {  	[tilespmem:s26+$0x9470] =	vst v23  }
0x15f: {  	v21 =	vld [tilespmem:s21+$0x6400]  }
0x160: {  	v22 =	vld [tilespmem:s21+$0x6410]  }
0x161: {  	v23 =	vld [tilespmem:s21+$0x6420]  }
0x162: {  	v24 =	vld [tilespmem:s21+$0x6430]  }
0x163: {  	v25 =	vld [tilespmem:s21+$0x6440]  }
0x164: {  	[tilespmem:s21+$0xE400] =	vst v21;
	v21 =	vld [tilespmem:s21+$0x6450]  }
0x165: {  	[tilespmem:s21+$0xE410] =	vst v22;
	v22 =	vld [tilespmem:s21+$0x6460]  }
0x166: {  	[tilespmem:s21+$0xE420] =	vst v23;
	v23 =	vld [tilespmem:s21+$0x6470]  }
0x167: {  	[tilespmem:s21+$0xE430] =	vst v24  }
0x168: {  	[tilespmem:s21+$0xE440] =	vst v25  }
0x169: {  	[tilespmem:s21+$0xE450] =	vst v21  }
0x16a: {  	[tilespmem:s21+$0xE460] =	vst v22  }
0x16b: {  	s22 =	sor.u32 $0x5400, s22;
	[tilespmem:s21+$0xE470] =	vst v23  }
0x16c: {  	v21 =	vld [tilespmem:s22+$0x1400]  }
0x16d: {  	v22 =	vld [tilespmem:s22+$0x1410]  }
0x16e: {  	v23 =	vld [tilespmem:s22+$0x1420]  }
0x16f: {  	v24 =	vld [tilespmem:s22+$0x1430]  }
0x170: {  	v25 =	vld [tilespmem:s22+$0x1440]  }
0x171: {  	[tilespmem:s22+$0x9400] =	vst v21;
	v21 =	vld [tilespmem:s22+$0x1450]  }
0x172: {  	[tilespmem:s22+$0x9410] =	vst v22;
	v22 =	vld [tilespmem:s22+$0x1460]  }
0x173: {  	[tilespmem:s22+$0x9420] =	vst v23;
	v23 =	vld [tilespmem:s22+$0x1470]  }
0x174: {  	[tilespmem:s22+$0x9430] =	vst v24  }
0x175: {  	[tilespmem:s22+$0x9440] =	vst v25  }
0x176: {  	[tilespmem:s22+$0x9450] =	vst v21  }
0x177: {  	[tilespmem:s22+$0x9460] =	vst v22  }
0x178: {  	[tilespmem:s22+$0x9470] =	vst v23  }
0x179: {  	v21 =	vld [tilespmem:s21+$0x6C00]  }
0x17a: {  	v22 =	vld [tilespmem:s21+$0x6C10]  }
0x17b: {  	v23 =	vld [tilespmem:s21+$0x6C20]  }
0x17c: {  	v24 =	vld [tilespmem:s21+$0x6C30]  }
0x17d: {  	v25 =	vld [tilespmem:s21+$0x6C40]  }
0x17e: {  	[tilespmem:s21+$0xEC00] =	vst v21;
	v21 =	vld [tilespmem:s21+$0x6C50]  }
0x17f: {  	[tilespmem:s21+$0xEC10] =	vst v22;
	v22 =	vld [tilespmem:s21+$0x6C60]  }
0x180: {  	[tilespmem:s21+$0xEC20] =	vst v23;
	v23 =	vld [tilespmem:s21+$0x6C70]  }
0x181: {  	[tilespmem:s21+$0xEC30] =	vst v24  }
0x182: {  	[tilespmem:s21+$0xEC40] =	vst v25  }
0x183: {  	[tilespmem:s21+$0xEC50] =	vst v21  }
0x184: {  	s24 =	sor.u32 s20, s19;
	[tilespmem:s21+$0xEC60] =	vst v22  }
0x185: {  	s26 =	sor.u32 $0x5C00, s24;
	[tilespmem:s21+$0xEC70] =	vst v23  }
0x186: {  	v21 =	vld [tilespmem:s26+$0x1400]  }
0x187: {  	v22 =	vld [tilespmem:s26+$0x1410]  }
0x188: {  	v23 =	vld [tilespmem:s26+$0x1420]  }
0x189: {  	v24 =	vld [tilespmem:s26+$0x1430]  }
0x18a: {  	v25 =	vld [tilespmem:s26+$0x1440]  }
0x18b: {  	p1 =	sne.s32 s20, $0x3C00;
	[tilespmem:s26+$0x9400] =	vst v21;
	v21 =	vld [tilespmem:s26+$0x1450]  }
.Ltmp1:
0x18c: {  	[tilespmem:s26+$0x9410] =	vst v22;
	(pc) =	sbr.rel @p1 .LBB2_5-.Ltmp1, $4  }
0x18d: {  	[tilespmem:s26+$0x9420] =	vst v23  }
0x18e: {  	[tilespmem:s26+$0x9430] =	vst v24  }
0x18f: {  	[tilespmem:s26+$0x9440] =	vst v25  }
0x190: {  	s19 =	sadd.s32 $0x80, s19;
	s20 =	sadd.s32 $0x400, s20;
	[tilespmem:s26+$0x9450] =	vst v21  }
0x191: {  	_ =	sdelay $0x3  }
0x192: {  	v21 =	vld.idx.msk [tilespmem:v4+s25+$0x0], $0xffff;
	_ =	sdelay $0x4  }
0x193: {  	[tilespmem:v13+s4+$0x0] =	vst.idx.msk $0xffff, v21  }
0x194: {  	v21 =	vld.idx.msk [tilespmem:v5+s25+$0x0], $0xffff;
	_ =	sdelay $0x4  }
0x195: {  	[tilespmem:v14+s4+$0x0] =	vst.idx.msk $0xffff, v21  }
0x196: {  	v21 =	vld.idx.msk [tilespmem:v6+s25+$0x0], $0xffff;
	_ =	sdelay $0x4  }
0x197: {  	[tilespmem:v15+s4+$0x0] =	vst.idx.msk $0xffff, v21  }
0x198: {  	v21 =	vld.idx.msk [tilespmem:v7+s25+$0x0], $0xffff;
	_ =	sdelay $0x4  }
0x199: {  	[tilespmem:v16+s4+$0x0] =	vst.idx.msk $0xffff, v21  }
0x19a: {  	v21 =	vld.idx.msk [tilespmem:v8+s25+$0x0], $0xffff;
	_ =	sdelay $0x4  }
0x19b: {  	[tilespmem:v17+s4+$0x0] =	vst.idx.msk $0xffff, v21  }
0x19c: {  	v21 =	vld.idx.msk [tilespmem:v9+s25+$0x0], $0xffff;
	_ =	sdelay $0x4  }
0x19d: {  	[tilespmem:v18+s4+$0x0] =	vst.idx.msk $0xffff, v21  }
0x19e: {  	v21 =	vld.idx.msk [tilespmem:v10+s25+$0x0], $0xffff;
	_ =	sdelay $0x4  }
0x19f: {  	[tilespmem:v19+s4+$0x0] =	vst.idx.msk $0xffff, v21  }
0x1a0: {  	v21 =	vld.idx.msk [tilespmem:v11+s25+$0x0], $0xffff;
	_ =	sdelay $0x4  }
0x1a1: {  	[tilespmem:v20+s4+$0x0] =	vst.idx.msk $0xffff, v21  }
0x1a2: {  	v21 =	vld [tilespmem:s14+$0x810];
	_ =	sdelay $0x2  }
0x1a3: {  	s19 =	sor.u32 $0x10, s14  }
0x1a4: {  	v23 =	vld [tilespmem:s19+$0x0]  }
0x1a5: {  	v22 =	vshll.u32 v21, $0x3  }
0x1a6: {  	v21 =	vand.u32 $0x7F, v21;
	v22 =	vand.u32 $0xFFFFFC00, v22  }
0x1a7: {  	v21 =	vor.u32 v21, v22  }
0x1a8: {  	v21 =	vadd.s32 v12, v21;
	_ =	sdelay $0x3  }
0x1a9: {  	v22 =	vld.idx.msk [tilespmem:v23+s16+$0x0], $0xffff  }
0x1aa: {  	v21 =	vld.idx.msk [tilespmem:v21+s25+$0x0], $0xffff;
	_ =	sdelay $0x1  }
0x1ab: {  	v23 =	vld [tilespmem:$0x19400];
	_ =	sdelay $0x2  }
0x1ac: {  	v21 =	vsub.f32 v21, v22;
	_ =	sdelay $0x1  }
0x1ad: {  	v21 =	vadd.f32 v21, v23;
	_ =	sdelay $0x1  }
0x1ae: {  	[tilespmem:$0x19400] =	vst v21  }
0x1af: {  	v21 =	vld [tilespmem:s18+$0x30];
	_ =	sdelay $0x4  }
0x1b0: {  	v22 =	vshll.u32 v21, $0x3  }
0x1b1: {  	v21 =	vand.u32 $0x7, v21;
	v22 =	vand.u32 $0xFFFFFFC0, v22  }
0x1b2: {  	v21 =	vor.u32 v21, v22  }
0x1b3: {  	v22 =	vperm.xlane v21, v1;
	_ =	sdelay $0x1  }
0x1b4: {  	v22 =	vadd.s32 v2, v22;
	_ =	sdelay $0x4  }
0x1b5: {  	[tilespmem:s25], [sflag:$0x2] =	stream.indirect_vreg.gather [hbm4b:s0+s3], $0x80, v22, vm0, $0xb8;
	[tilespmem:$0x19480] =	vst v63  }
0x1b6: {  	s23 =	simm.s32 $0x5C00;
	v21 =	vperm.xlane v21, v3  }
0x1b7: {  	[tilespmem:s23], [sflag:$0x2] =	stream.indirect_vreg.gather [hbm4b:s8+s3], $0x80, v22, vm0, $0xb8;
	[tilespmem:$0x19480] =	vst v63  }
0x1b8: {  	v21 =	vadd.s32 v2, v21  }
0x1b9: {  	[tilespmem:s28], [sflag:$0x2] =	stream.indirect_vreg.gather [hbm4b:s9+s3], $0x80, v22, vm0, $0xb8;
	[tilespmem:$0x19480] =	vst v63  }
0x1ba: {  	_ = 	snop  }
0x1bb: {  	[tilespmem:s29], [sflag:$0x2] =	stream.indirect_vreg.gather [hbm4b:s10+s3], $0x80, v22, vm0, $0xb8;
	[tilespmem:$0x19480] =	vst v63  }
0x1bc: {  	_ = 	snop  }
0x1bd: {  	[tilespmem:s30], [sflag:$0x2] =	stream.indirect_vreg.gather [hbm4b:s0+s3], $0x80, v21, vm0, $0xb8;
	[tilespmem:$0x19480] =	vst v63  }
0x1be: {  	s24 =	sshll.u32 s13, $0x10  }
0x1bf: {  	[tilespmem:s31], [sflag:$0x2] =	stream.indirect_vreg.gather [hbm4b:s8+s3], $0x80, v21, vm0, $0xb8;
	[tilespmem:$0x19480] =	vst v63  }
0x1c0: {  	s18 =	sadd.s32 s11, s24  }
0x1c1: {  	[tilespmem:s2], [sflag:$0x2] =	stream.indirect_vreg.gather [hbm4b:s9+s3], $0x80, v21, vm0, $0xb8;
	[tilespmem:$0x19480] =	vst v63  }
0x1c2: {  	s18 =	sshrl.u32 s18, $0x3  }
0x1c3: {  	[tilespmem:s1], [sflag:$0x2] =	stream.indirect_vreg.gather [hbm4b:s10+s3], $0x80, v21, vm0, $0xb8;
	[tilespmem:$0x19480] =	vst v63  }
0x1c4: {  	s18 =	sadd.s32 s5, s18  }
0x1c5: {  	[hbm4b:s18+s3] =	stream.linear.scatter [tilespmem:s4], [sflag:$0x3], $0x8000, $0x38;
	[tilespmem:$0x19480] =	vst v63  }
0x1c6: {  	s18 =	simm.s32 @!p0 $0x4  }
0x1c7: {  	_ =	swait.ge @!p0 [sflag:s18], $0x8000  }
0x1c8: {  	[sflag:s18] =	ssyncset.done @!p0 $0x0  }
0x1c9: {  	[sflag:s18] =	ssyncadd.s32 @!p0 $0xFFFF8000  }
0x1ca: {  	s18 =	simm.s32 $0x0;
	_ =	swait.ge [sflag:s15], $0x4000  }
0x1cb: {  	s26 =	sand.u32 $0x2000, s18;
	s20 =	sand.u32 $0x380, s18;
	[sflag:s15] =	ssyncset.done $0x0  }
0x1cc: {  	s19 =	sor.u32 s20, s26;
	[sflag:s15] =	ssyncadd.s32 $0xFFFFC000  }
0x1cd: {  	v21 =	vld [tilespmem:s19+$0x1470]  }
0x1ce: {  	v22 =	vld [tilespmem:s19+$0x1460]  }
0x1cf: {  	v23 =	vld [tilespmem:s19+$0x1440]  }
0x1d0: {  	v24 =	vld [tilespmem:s19+$0x1410]  }
0x1d1: {  	v25 =	vld [tilespmem:s19+$0x1430]  }
0x1d2: {  	v26 =	vld [tilespmem:s19+$0x1450];
	[tilespmem:s19+$0x11470] =	vst v21  }
0x1d3: {  	v21 =	vld [tilespmem:s19+$0x1420];
	[tilespmem:s19+$0x11460] =	vst v22  }
0x1d4: {  	v22 =	vld [tilespmem:s19+$0x1400];
	[tilespmem:s19+$0x11440] =	vst v23  }
0x1d5: {  	[tilespmem:s19+$0x11410] =	vst v24;
	v23 =	vld [tilespmem:s19+$0x1800]  }
0x1d6: {  	[tilespmem:s19+$0x11430] =	vst v25  }
0x1d7: {  	s21 =	sand.u32 $0xFFFFE000, s18;
	[tilespmem:s19+$0x11450] =	vst v26  }
0x1d8: {  	s20 =	sadd.s32 $0x0, s21;
	[tilespmem:s19+$0x11420] =	vst v21  }
0x1d9: {  	s21 =	sor.u32 $0x8400, s20;
	[tilespmem:s19+$0x11400] =	vst v22  }
0x1da: {  	[tilespmem:s21+$0x9400] =	vst v23  }
0x1db: {  	v21 =	vld [tilespmem:s19+$0x1810];
	_ =	sdelay $0x4  }
0x1dc: {  	[tilespmem:s21+$0x9410] =	vst v21  }
0x1dd: {  	v21 =	vld [tilespmem:s19+$0x1820];
	_ =	sdelay $0x4  }
0x1de: {  	[tilespmem:s21+$0x9420] =	vst v21  }
0x1df: {  	v21 =	vld [tilespmem:s19+$0x1830];
	_ =	sdelay $0x4  }
0x1e0: {  	[tilespmem:s21+$0x9430] =	vst v21  }
0x1e1: {  	v21 =	vld [tilespmem:s19+$0x1840];
	_ =	sdelay $0x4  }
0x1e2: {  	[tilespmem:s21+$0x9440] =	vst v21  }
0x1e3: {  	v21 =	vld [tilespmem:s19+$0x1850];
	_ =	sdelay $0x4  }
0x1e4: {  	[tilespmem:s21+$0x9450] =	vst v21  }
0x1e5: {  	v21 =	vld [tilespmem:s19+$0x1860];
	_ =	sdelay $0x4  }
0x1e6: {  	[tilespmem:s21+$0x9460] =	vst v21  }
0x1e7: {  	v21 =	vld [tilespmem:s19+$0x1870];
	_ =	sdelay $0x4  }
0x1e8: {  	[tilespmem:s21+$0x9470] =	vst v21  }
0x1e9: {  	v21 =	vld [tilespmem:s19+$0x1C30]  }
0x1ea: {  	v22 =	vld [tilespmem:s19+$0x1C60]  }
0x1eb: {  	v23 =	vld [tilespmem:s19+$0x1C50]  }
0x1ec: {  	v55 =	vld [tilespmem:s19+$0x1C40]  }
0x1ed: {  	v56 =	vld [tilespmem:s19+$0x1C70]  }
0x1ee: {  	v57 =	vld [tilespmem:s19+$0x1C10];
	[tilespmem:s19+$0x11C30] =	vst v21  }
0x1ef: {  	v21 =	vld [tilespmem:s19+$0x1C00];
	[tilespmem:s19+$0x11C60] =	vst v22  }
0x1f0: {  	v22 =	vld [tilespmem:s19+$0x1C20];
	[tilespmem:s19+$0x11C50] =	vst v23  }
0x1f1: {  	[tilespmem:s19+$0x11C40] =	vst v55;
	v23 =	vld [tilespmem:s19+$0x2000]  }
0x1f2: {  	[tilespmem:s19+$0x11C70] =	vst v56  }
0x1f3: {  	[tilespmem:s19+$0x11C10] =	vst v57  }
0x1f4: {  	[tilespmem:s19+$0x11C00] =	vst v21  }
0x1f5: {  	s22 =	sor.u32 $0x8C00, s20;
	[tilespmem:s19+$0x11C20] =	vst v22  }
0x1f6: {  	[tilespmem:s22+$0x9400] =	vst v23  }
0x1f7: {  	v21 =	vld [tilespmem:s19+$0x2010];
	_ =	sdelay $0x4  }
0x1f8: {  	[tilespmem:s22+$0x9410] =	vst v21  }
0x1f9: {  	v21 =	vld [tilespmem:s19+$0x2020];
	_ =	sdelay $0x4  }
0x1fa: {  	[tilespmem:s22+$0x9420] =	vst v21  }
0x1fb: {  	v21 =	vld [tilespmem:s19+$0x2030];
	_ =	sdelay $0x4  }
0x1fc: {  	[tilespmem:s22+$0x9430] =	vst v21  }
0x1fd: {  	v21 =	vld [tilespmem:s19+$0x2040];
	_ =	sdelay $0x4  }
0x1fe: {  	[tilespmem:s22+$0x9440] =	vst v21  }
0x1ff: {  	v21 =	vld [tilespmem:s19+$0x2050];
	_ =	sdelay $0x4  }
0x200: {  	[tilespmem:s22+$0x9450] =	vst v21  }
0x201: {  	v21 =	vld [tilespmem:s19+$0x2060];
	_ =	sdelay $0x4  }
0x202: {  	[tilespmem:s22+$0x9460] =	vst v21  }
0x203: {  	v21 =	vld [tilespmem:s19+$0x2070];
	_ =	sdelay $0x4  }
0x204: {  	[tilespmem:s22+$0x9470] =	vst v21  }
0x205: {  	v21 =	vld [tilespmem:s19+$0x2470]  }
0x206: {  	v22 =	vld [tilespmem:s19+$0x2460]  }
0x207: {  	v23 =	vld [tilespmem:s19+$0x2450]  }
0x208: {  	v58 =	vld [tilespmem:s19+$0x2430]  }
0x209: {  	v59 =	vld [tilespmem:s19+$0x2440]  }
0x20a: {  	v60 =	vld [tilespmem:s19+$0x2410];
	[tilespmem:s19+$0x12470] =	vst v21  }
0x20b: {  	v21 =	vld [tilespmem:s19+$0x2400];
	[tilespmem:s19+$0x12460] =	vst v22  }
0x20c: {  	v22 =	vld [tilespmem:s19+$0x2420];
	[tilespmem:s19+$0x12450] =	vst v23  }
0x20d: {  	[tilespmem:s19+$0x12430] =	vst v58;
	v23 =	vld [tilespmem:s19+$0x2800]  }
0x20e: {  	[tilespmem:s19+$0x12440] =	vst v59  }
0x20f: {  	[tilespmem:s19+$0x12410] =	vst v60  }
0x210: {  	[tilespmem:s19+$0x12400] =	vst v21  }
0x211: {  	s20 =	sor.u32 $0x9400, s20;
	[tilespmem:s19+$0x12420] =	vst v22  }
0x212: {  	[tilespmem:s20+$0x9400] =	vst v23  }
0x213: {  	v21 =	vld [tilespmem:s19+$0x2810];
	_ =	sdelay $0x4  }
0x214: {  	[tilespmem:s20+$0x9410] =	vst v21  }
0x215: {  	v21 =	vld [tilespmem:s19+$0x2820];
	_ =	sdelay $0x4  }
0x216: {  	[tilespmem:s20+$0x9420] =	vst v21  }
0x217: {  	v21 =	vld [tilespmem:s19+$0x2830];
	_ =	sdelay $0x4  }
0x218: {  	[tilespmem:s20+$0x9430] =	vst v21  }
0x219: {  	v21 =	vld [tilespmem:s19+$0x2840];
	_ =	sdelay $0x4  }
0x21a: {  	[tilespmem:s20+$0x9440] =	vst v21  }
0x21b: {  	v21 =	vld [tilespmem:s19+$0x2850];
	_ =	sdelay $0x4  }
0x21c: {  	[tilespmem:s20+$0x9450] =	vst v21  }
0x21d: {  	v21 =	vld [tilespmem:s19+$0x2860];
	_ =	sdelay $0x4  }
0x21e: {  	[tilespmem:s20+$0x9460] =	vst v21  }
0x21f: {  	v21 =	vld [tilespmem:s19+$0x2870];
	_ =	sdelay $0x4  }
0x220: {  	[tilespmem:s20+$0x9470] =	vst v21  }
0x221: {  	v21 =	vld [tilespmem:s19+$0x2C00]  }
0x222: {  	v22 =	vld [tilespmem:s19+$0x2C70]  }
0x223: {  	v23 =	vld [tilespmem:s19+$0x2C60]  }
0x224: {  	v61 =	vld [tilespmem:s19+$0x2C50]  }
0x225: {  	v62 =	vld [tilespmem:s19+$0x2C20]  }
0x226: {  	v63 =	vld [tilespmem:s19+$0x2C40];
	[tilespmem:s19+$0x12C00] =	vst v21  }
0x227: {  	v21 =	vld [tilespmem:s19+$0x2C30];
	[tilespmem:s19+$0x12C70] =	vst v22  }
0x228: {  	v22 =	vld [tilespmem:s19+$0x2C10];
	[tilespmem:s19+$0x12C60] =	vst v23  }
0x229: {  	[tilespmem:s19+$0x12C50] =	vst v61  }
0x22a: {  	s23 =	sand.u32 $0x7, s18;
	[tilespmem:s19+$0x12C20] =	vst v62  }
0x22b: {  	s20 =	sshll.u32 s23, $0x7;
	[tilespmem:s19+$0x12C40] =	vst v63  }
0x22c: {  	s23 =	sadd.s32 $0x0, s20;
	[tilespmem:s19+$0x12C30] =	vst v21  }
0x22d: {  	s20 =	sor.u32 $0x1C00, s23;
	[tilespmem:s19+$0x12C10] =	vst v22  }
0x22e: {  	v21 =	vld [tilespmem:s20+$0x1400];
	_ =	sdelay $0x2  }
0x22f: {  	s24 =	sor.u32 s18, s18  }
0x230: {  	s24 =	sor.u32 $0x9C00, s24  }
0x231: {  	s26 =	sor.u32 $0x1C10, s23;
	s19 =	sand.u32 $0x780, s14;
	[tilespmem:s24+$0x9400] =	vst v21  }
0x232: {  	s14 =	sor.u32 $0x1, s12;
	s12 =	simm.s32 $0x400;
	s20 =	simm.s32 $0x0;
	v21 =	vld [tilespmem:s26+$0x1400]  }
.LBB2_7:
0x233: {  	p0 =	sne.s32 s12, $0x3C00;
	s18 =	sadd.s32 $0x80, s18;
	s20 =	sadd.s32 $0x1, s20  }
0x234: {  	s21 =	smov.u32 s12;
	s12 =	sadd.s32 $0x400, s12;
	_ =	sdelay $0x1  }
0x235: {  	s22 =	sor.u32 $0x1C20, s23  }
0x236: {  	[tilespmem:s24+$0x9410] =	vst v21  }
0x237: {  	v21 =	vld [tilespmem:s22+$0x1400];
	_ =	sdelay $0x3  }
0x238: {  	s22 =	sor.u32 $0x1C30, s23  }
0x239: {  	[tilespmem:s24+$0x9420] =	vst v21  }
0x23a: {  	v21 =	vld [tilespmem:s22+$0x1400];
	_ =	sdelay $0x3  }
0x23b: {  	s22 =	sor.u32 $0x1C40, s23  }
0x23c: {  	[tilespmem:s24+$0x9430] =	vst v21  }
0x23d: {  	v21 =	vld [tilespmem:s22+$0x1400];
	_ =	sdelay $0x3  }
0x23e: {  	s22 =	sor.u32 $0x1C50, s23  }
0x23f: {  	[tilespmem:s24+$0x9440] =	vst v21  }
0x240: {  	v21 =	vld [tilespmem:s22+$0x1400];
	_ =	sdelay $0x3  }
0x241: {  	s23 =	sand.u32 $0x380, s18;
	s22 =	sand.u32 $0x2000, s21  }
0x242: {  	s22 =	sor.u32 s23, s22;
	[tilespmem:s24+$0x9450] =	vst v21  }
0x243: {  	v21 =	vld [tilespmem:s22+$0x1470]  }
0x244: {  	v22 =	vld [tilespmem:s22+$0x1460]  }
0x245: {  	v23 =	vld [tilespmem:s22+$0x1440]  }
0x246: {  	v24 =	vld [tilespmem:s22+$0x1410]  }
0x247: {  	v25 =	vld [tilespmem:s22+$0x1430]  }
0x248: {  	v26 =	vld [tilespmem:s22+$0x1450];
	[tilespmem:s22+$0x11470] =	vst v21  }
0x249: {  	v21 =	vld [tilespmem:s22+$0x1420];
	[tilespmem:s22+$0x11460] =	vst v22  }
0x24a: {  	v22 =	vld [tilespmem:s22+$0x1400];
	[tilespmem:s22+$0x11440] =	vst v23  }
0x24b: {  	[tilespmem:s22+$0x11410] =	vst v24;
	v23 =	vld [tilespmem:s22+$0x1800]  }
0x24c: {  	[tilespmem:s22+$0x11430] =	vst v25  }
0x24d: {  	s23 =	sand.u32 $0xFFFFE000, s21;
	[tilespmem:s22+$0x11450] =	vst v26  }
0x24e: {  	s23 =	sadd.s32 s23, s18;
	[tilespmem:s22+$0x11420] =	vst v21  }
0x24f: {  	s24 =	sor.u32 $0x8400, s23;
	[tilespmem:s22+$0x11400] =	vst v22  }
0x250: {  	[tilespmem:s24+$0x9400] =	vst v23  }
0x251: {  	v21 =	vld [tilespmem:s22+$0x1810];
	_ =	sdelay $0x4  }
0x252: {  	[tilespmem:s24+$0x9410] =	vst v21  }
0x253: {  	v21 =	vld [tilespmem:s22+$0x1820];
	_ =	sdelay $0x4  }
0x254: {  	[tilespmem:s24+$0x9420] =	vst v21  }
0x255: {  	v21 =	vld [tilespmem:s22+$0x1830];
	_ =	sdelay $0x4  }
0x256: {  	[tilespmem:s24+$0x9430] =	vst v21  }
0x257: {  	v21 =	vld [tilespmem:s22+$0x1840];
	_ =	sdelay $0x4  }
0x258: {  	[tilespmem:s24+$0x9440] =	vst v21  }
0x259: {  	v21 =	vld [tilespmem:s22+$0x1850];
	_ =	sdelay $0x4  }
0x25a: {  	[tilespmem:s24+$0x9450] =	vst v21  }
0x25b: {  	v21 =	vld [tilespmem:s22+$0x1860];
	_ =	sdelay $0x4  }
0x25c: {  	[tilespmem:s24+$0x9460] =	vst v21  }
0x25d: {  	v21 =	vld [tilespmem:s22+$0x1870];
	_ =	sdelay $0x4  }
0x25e: {  	[tilespmem:s24+$0x9470] =	vst v21  }
0x25f: {  	v21 =	vld [tilespmem:s22+$0x1C30]  }
0x260: {  	v22 =	vld [tilespmem:s22+$0x1C60]  }
0x261: {  	v23 =	vld [tilespmem:s22+$0x1C50]  }
0x262: {  	v24 =	vld [tilespmem:s22+$0x1C40]  }
0x263: {  	v25 =	vld [tilespmem:s22+$0x1C70]  }
0x264: {  	v26 =	vld [tilespmem:s22+$0x1C10];
	[tilespmem:s22+$0x11C30] =	vst v21  }
0x265: {  	v21 =	vld [tilespmem:s22+$0x1C00];
	[tilespmem:s22+$0x11C60] =	vst v22  }
0x266: {  	v22 =	vld [tilespmem:s22+$0x1C20];
	[tilespmem:s22+$0x11C50] =	vst v23  }
0x267: {  	[tilespmem:s22+$0x11C40] =	vst v24;
	v23 =	vld [tilespmem:s22+$0x2000]  }
0x268: {  	[tilespmem:s22+$0x11C70] =	vst v25  }
0x269: {  	[tilespmem:s22+$0x11C10] =	vst v26  }
0x26a: {  	[tilespmem:s22+$0x11C00] =	vst v21  }
0x26b: {  	s24 =	sor.u32 $0x8C00, s23;
	[tilespmem:s22+$0x11C20] =	vst v22  }
0x26c: {  	[tilespmem:s24+$0x9400] =	vst v23  }
0x26d: {  	v21 =	vld [tilespmem:s22+$0x2010];
	_ =	sdelay $0x4  }
0x26e: {  	[tilespmem:s24+$0x9410] =	vst v21  }
0x26f: {  	v21 =	vld [tilespmem:s22+$0x2020];
	_ =	sdelay $0x4  }
0x270: {  	[tilespmem:s24+$0x9420] =	vst v21  }
0x271: {  	v21 =	vld [tilespmem:s22+$0x2030];
	_ =	sdelay $0x4  }
0x272: {  	[tilespmem:s24+$0x9430] =	vst v21  }
0x273: {  	v21 =	vld [tilespmem:s22+$0x2040];
	_ =	sdelay $0x4  }
0x274: {  	[tilespmem:s24+$0x9440] =	vst v21  }
0x275: {  	v21 =	vld [tilespmem:s22+$0x2050];
	_ =	sdelay $0x4  }
0x276: {  	[tilespmem:s24+$0x9450] =	vst v21  }
0x277: {  	v21 =	vld [tilespmem:s22+$0x2060];
	_ =	sdelay $0x4  }
0x278: {  	[tilespmem:s24+$0x9460] =	vst v21  }
0x279: {  	v21 =	vld [tilespmem:s22+$0x2070];
	_ =	sdelay $0x4  }
0x27a: {  	[tilespmem:s24+$0x9470] =	vst v21  }
0x27b: {  	v21 =	vld [tilespmem:s22+$0x2470]  }
0x27c: {  	v22 =	vld [tilespmem:s22+$0x2460]  }
0x27d: {  	v23 =	vld [tilespmem:s22+$0x2450]  }
0x27e: {  	v24 =	vld [tilespmem:s22+$0x2430]  }
0x27f: {  	v25 =	vld [tilespmem:s22+$0x2440]  }
0x280: {  	v26 =	vld [tilespmem:s22+$0x2410];
	[tilespmem:s22+$0x12470] =	vst v21  }
0x281: {  	v21 =	vld [tilespmem:s22+$0x2400];
	[tilespmem:s22+$0x12460] =	vst v22  }
0x282: {  	v22 =	vld [tilespmem:s22+$0x2420];
	[tilespmem:s22+$0x12450] =	vst v23  }
0x283: {  	[tilespmem:s22+$0x12430] =	vst v24;
	v23 =	vld [tilespmem:s22+$0x2800]  }
0x284: {  	[tilespmem:s22+$0x12440] =	vst v25  }
0x285: {  	[tilespmem:s22+$0x12410] =	vst v26  }
0x286: {  	[tilespmem:s22+$0x12400] =	vst v21  }
0x287: {  	s23 =	sor.u32 $0x9400, s23;
	[tilespmem:s22+$0x12420] =	vst v22  }
0x288: {  	[tilespmem:s23+$0x9400] =	vst v23  }
0x289: {  	v21 =	vld [tilespmem:s22+$0x2810];
	_ =	sdelay $0x4  }
0x28a: {  	[tilespmem:s23+$0x9410] =	vst v21  }
0x28b: {  	v21 =	vld [tilespmem:s22+$0x2820];
	_ =	sdelay $0x4  }
0x28c: {  	[tilespmem:s23+$0x9420] =	vst v21  }
0x28d: {  	v21 =	vld [tilespmem:s22+$0x2830];
	_ =	sdelay $0x4  }
0x28e: {  	[tilespmem:s23+$0x9430] =	vst v21  }
0x28f: {  	v21 =	vld [tilespmem:s22+$0x2840];
	_ =	sdelay $0x4  }
0x290: {  	[tilespmem:s23+$0x9440] =	vst v21  }
0x291: {  	v21 =	vld [tilespmem:s22+$0x2850];
	_ =	sdelay $0x4  }
0x292: {  	[tilespmem:s23+$0x9450] =	vst v21  }
0x293: {  	v21 =	vld [tilespmem:s22+$0x2860];
	_ =	sdelay $0x4  }
0x294: {  	[tilespmem:s23+$0x9460] =	vst v21  }
0x295: {  	v21 =	vld [tilespmem:s22+$0x2870];
	_ =	sdelay $0x4  }
0x296: {  	[tilespmem:s23+$0x9470] =	vst v21  }
0x297: {  	v21 =	vld [tilespmem:s22+$0x2C00]  }
0x298: {  	v22 =	vld [tilespmem:s22+$0x2C70]  }
0x299: {  	v23 =	vld [tilespmem:s22+$0x2C60]  }
0x29a: {  	v24 =	vld [tilespmem:s22+$0x2C50]  }
0x29b: {  	v25 =	vld [tilespmem:s22+$0x2C20]  }
0x29c: {  	[tilespmem:s22+$0x12C00] =	vst v21;
	v21 =	vld [tilespmem:s22+$0x2C30]  }
0x29d: {  	v26 =	vld [tilespmem:s22+$0x2C40];
	[tilespmem:s22+$0x12C70] =	vst v22  }
0x29e: {  	v22 =	vld [tilespmem:s22+$0x2C10];
	[tilespmem:s22+$0x12C60] =	vst v23  }
0x29f: {  	s23 =	sand.u32 $0x7, s20;
	[tilespmem:s22+$0x12C50] =	vst v24  }
0x2a0: {  	s23 =	sshll.u32 s23, $0x7;
	[tilespmem:s22+$0x12C20] =	vst v25  }
0x2a1: {  	s23 =	sadd.s32 s23, s21;
	[tilespmem:s22+$0x12C30] =	vst v21  }
0x2a2: {  	s24 =	sor.u32 $0x1C00, s23;
	[tilespmem:s22+$0x12C40] =	vst v26  }
0x2a3: {  	[tilespmem:s22+$0x12C10] =	vst v22  }
0x2a4: {  	v21 =	vld [tilespmem:s24+$0x1400];
	_ =	sdelay $0x1  }
.Ltmp2:
0x2a5: {  	s21 =	sor.u32 s21, s18;
	(pc) =	sbr.rel @p0 .LBB2_7-.Ltmp2, $4  }
0x2a6: {  	s24 =	sor.u32 $0x9C00, s21  }
0x2a7: {  	s21 =	sor.u32 $0x1C10, s23  }
0x2a8: {  	[tilespmem:s24+$0x9400] =	vst v21  }
0x2a9: {  	v21 =	vld [tilespmem:s21+$0x1400]  }
0x2aa: {  	_ =	sdelay $0x3  }
0x2ab: {  	s12 =	sor.u32 $0x1C20, s23;
	[tilespmem:s24+$0x9410] =	vst v21  }
0x2ac: {  	v21 =	vld [tilespmem:s12+$0x1400];
	_ =	sdelay $0x4  }
0x2ad: {  	s18 =	sor.u32 $0x1C30, s23;
	[tilespmem:s24+$0x9420] =	vst v21  }
0x2ae: {  	v21 =	vld [tilespmem:s18+$0x1400];
	_ =	sdelay $0x4  }
0x2af: {  	s20 =	sor.u32 $0x1C40, s23;
	[tilespmem:s24+$0x9430] =	vst v21  }
0x2b0: {  	v21 =	vld [tilespmem:s20+$0x1400];
	_ =	sdelay $0x4  }
0x2b1: {  	s21 =	sor.u32 $0x1C50, s23;
	[tilespmem:s24+$0x9440] =	vst v21  }
0x2b2: {  	v21 =	vld [tilespmem:s21+$0x1400];
	_ =	sdelay $0x4  }
0x2b3: {  	[tilespmem:s24+$0x9450] =	vst v21  }
0x2b4: {  	v21 =	vld.idx.msk [tilespmem:v4+s17+$0x0], $0xffff;
	_ =	sdelay $0x4  }
0x2b5: {  	[tilespmem:v4+s7+$0x0] =	vst.idx.msk $0xffff, v21  }
0x2b6: {  	v21 =	vld.idx.msk [tilespmem:v5+s17+$0x0], $0xffff;
	_ =	sdelay $0x4  }
0x2b7: {  	[tilespmem:v5+s7+$0x0] =	vst.idx.msk $0xffff, v21  }
0x2b8: {  	v21 =	vld.idx.msk [tilespmem:v6+s17+$0x0], $0xffff;
	_ =	sdelay $0x4  }
0x2b9: {  	[tilespmem:v6+s7+$0x0] =	vst.idx.msk $0xffff, v21  }
0x2ba: {  	v21 =	vld.idx.msk [tilespmem:v7+s17+$0x0], $0xffff;
	_ =	sdelay $0x4  }
0x2bb: {  	[tilespmem:v7+s7+$0x0] =	vst.idx.msk $0xffff, v21  }
0x2bc: {  	v21 =	vld.idx.msk [tilespmem:v8+s17+$0x0], $0xffff;
	_ =	sdelay $0x4  }
0x2bd: {  	[tilespmem:v8+s7+$0x0] =	vst.idx.msk $0xffff, v21  }
0x2be: {  	v21 =	vld.idx.msk [tilespmem:v9+s17+$0x0], $0xffff;
	_ =	sdelay $0x4  }
0x2bf: {  	[tilespmem:v9+s7+$0x0] =	vst.idx.msk $0xffff, v21  }
0x2c0: {  	v21 =	vld.idx.msk [tilespmem:v10+s17+$0x0], $0xffff;
	_ =	sdelay $0x4  }
0x2c1: {  	[tilespmem:v10+s7+$0x0] =	vst.idx.msk $0xffff, v21  }
0x2c2: {  	v21 =	vld.idx.msk [tilespmem:v11+s17+$0x0], $0xffff;
	_ =	sdelay $0x2  }
0x2c3: {  	s22 =	sshll.u32 s14, $0x5  }
0x2c4: {  	s12 =	sand.u32 $0x60, s22  }
0x2c5: {  	s12 =	sor.u32 s19, s12;
	[tilespmem:v11+s7+$0x0] =	vst.idx.msk $0xffff, v21  }
0x2c6: {  	v21 =	vld [tilespmem:s12+$0x800];
	_ =	sdelay $0x3  }
0x2c7: {  	v23 =	vld [tilespmem:s12+$0x0]  }
0x2c8: {  	v22 =	vshll.u32 v21, $0x3  }
0x2c9: {  	v21 =	vand.u32 $0x7F, v21;
	v22 =	vand.u32 $0xFFFFFC00, v22  }
0x2ca: {  	v21 =	vor.u32 v21, v22  }
0x2cb: {  	v21 =	vadd.s32 v12, v21;
	_ =	sdelay $0x3  }
0x2cc: {  	v22 =	vld.idx.msk [tilespmem:v23+s16+$0x0], $0xffff  }
0x2cd: {  	v21 =	vld.idx.msk [tilespmem:v21+s17+$0x0], $0xffff;
	_ =	sdelay $0x1  }
0x2ce: {  	v23 =	vld [tilespmem:$0x19400];
	_ =	sdelay $0x2  }
0x2cf: {  	v21 =	vsub.f32 v21, v22  }
0x2d0: {  	p0 =	sgt.u32 s14, $0x30;
	s18 =	sshll.u32 s14, $0x1  }
0x2d1: {  	s18 =	sshll.u32 @!p0 s18, $0x4;
	v21 =	vadd.f32 v21, v23  }
0x2d2: {  	s19 =	sadd.s32 @!p0 $0x20, s18  }
0x2d3: {  	s19 =	sand.u32 @!p0 $0xFC0, s19;
	[tilespmem:$0x19400] =	vst v21  }
0x2d4: {  	v21 =	vld @!p0 [tilespmem:s19+$0x0];
	_ =	sdelay $0x4  }
0x2d5: {  	v22 =	vshll.u32 @!p0 v21, $0x3  }
0x2d6: {  	v23 =	vlaneseq.u32 @!p0;
	v21 =	vand.u32 @!p0 $0x7, v21;
	v22 =	vand.u32 @!p0 $0xFFFFFFC0, v22  }
0x2d7: {  	v24 =	vshrl.u32 @!p0 v23, $0x3;
	v21 =	vor.u32 @!p0 v21, v22;
	v22 =	vand.u32 @!p0 $0x7, v23  }
0x2d8: {  	v24 =	vmul.u32 @!p0 $0x8, v24;
	v22 =	vperm.xlane @!p0 v21, v22;
	_ =	sdelay $0x1  }
0x2d9: {  	v22 =	vadd.s32 @!p0 v24, v22;
	_ =	sdelay $0x3  }
0x2da: {  	vm1 =	vmmov @!p0 $0xffff;
	s20 =	simm.s32 @!p0 $0x1400;
	s19 =	simm.s32 @!p0 $0x0  }
0x2db: {  	v23 =	vor.u32 @!p0 $0x8, v23;
	[tilespmem:s20], [sflag:$0x1] =	stream.indirect_vreg.gather @!p0 [hbm4b:s0+s19], $0x80, v22, vm1, $0xb8;
	[tilespmem:$0x19480] =	vst v63  }
0x2dc: {  	v21 =	vperm.xlane @!p0 v21, v23;
	s20 =	simm.s32 @!p0 $0x1C00  }
0x2dd: {  	[tilespmem:s20], [sflag:$0x1] =	stream.indirect_vreg.gather @!p0 [hbm4b:s8+s19], $0x80, v22, vm1, $0xb8;
	[tilespmem:$0x19480] =	vst v63  }
0x2de: {  	v21 =	vadd.s32 @!p0 v24, v21;
	s20 =	simm.s32 @!p0 $0x2400  }
0x2df: {  	[tilespmem:s20], [sflag:$0x1] =	stream.indirect_vreg.gather @!p0 [hbm4b:s9+s19], $0x80, v22, vm1, $0xb8;
	[tilespmem:$0x19480] =	vst v63  }
0x2e0: {  	s20 =	simm.s32 @!p0 $0x2C00  }
0x2e1: {  	[tilespmem:s20], [sflag:$0x1] =	stream.indirect_vreg.gather @!p0 [hbm4b:s10+s19], $0x80, v22, vm1, $0xb8;
	[tilespmem:$0x19480] =	vst v63  }
0x2e2: {  	s20 =	simm.s32 @!p0 $0x3400  }
0x2e3: {  	[tilespmem:s20], [sflag:$0x1] =	stream.indirect_vreg.gather @!p0 [hbm4b:s0+s19], $0x80, v21, vm1, $0xb8;
	[tilespmem:$0x19480] =	vst v63  }
0x2e4: {  	s20 =	simm.s32 @!p0 $0x3C00  }
0x2e5: {  	[tilespmem:s20], [sflag:$0x1] =	stream.indirect_vreg.gather @!p0 [hbm4b:s8+s19], $0x80, v21, vm1, $0xb8;
	[tilespmem:$0x19480] =	vst v63  }
0x2e6: {  	s20 =	simm.s32 @!p0 $0x4400  }
0x2e7: {  	[tilespmem:s20], [sflag:$0x1] =	stream.indirect_vreg.gather @!p0 [hbm4b:s9+s19], $0x80, v21, vm1, $0xb8;
	[tilespmem:$0x19480] =	vst v63  }
0x2e8: {  	s20 =	simm.s32 @!p0 $0x4C00  }
0x2e9: {  	[tilespmem:s20], [sflag:$0x1] =	stream.indirect_vreg.gather @!p0 [hbm4b:s10+s19], $0x80, v21, vm1, $0xb8;
	[tilespmem:$0x19480] =	vst v63  }
0x2ea: {  	s19 =	simm.s32 $0x0;
	_ =	swait.ge [sflag:s6], $0x4000  }
0x2eb: {  	s23 =	sand.u32 $0x2000, s19;
	s21 =	sand.u32 $0x380, s19;
	[sflag:s6] =	ssyncset.done $0x0  }
0x2ec: {  	s20 =	sor.u32 s21, s23;
	[sflag:s6] =	ssyncadd.s32 $0xFFFFC000  }
0x2ed: {  	v21 =	vld [tilespmem:s20+$0x5470]  }
0x2ee: {  	v22 =	vld [tilespmem:s20+$0x5460]  }
0x2ef: {  	v23 =	vld [tilespmem:s20+$0x5440]  }
0x2f0: {  	v54 =	vld [tilespmem:s20+$0x5410]  }
0x2f1: {  	v25 =	vld [tilespmem:s20+$0x5420]  }
0x2f2: {  	v26 =	vld [tilespmem:s20+$0x5430];
	[tilespmem:s20+$0x15470] =	vst v21  }
0x2f3: {  	v21 =	vld [tilespmem:s20+$0x5450];
	[tilespmem:s20+$0x15460] =	vst v22  }
0x2f4: {  	v22 =	vld [tilespmem:s20+$0x5400];
	[tilespmem:s20+$0x15440] =	vst v23  }
0x2f5: {  	[tilespmem:s20+$0x15410] =	vst v54  }
0x2f6: {  	[tilespmem:s20+$0x15420] =	vst v25  }
0x2f7: {  	s24 =	sand.u32 $0xFFFFE000, s19;
	[tilespmem:s20+$0x15430] =	vst v26  }
0x2f8: {  	s21 =	sadd.s32 $0x0, s24;
	[tilespmem:s20+$0x15450] =	vst v21  }
0x2f9: {  	s22 =	sor.u32 $0x4400, s21;
	[tilespmem:s20+$0x15400] =	vst v22  }
0x2fa: {  	v21 =	vld [tilespmem:s22+$0x1400];
	_ =	sdelay $0x3  }
0x2fb: {  	s26 =	sor.u32 $0xC400, s21  }
0x2fc: {  	[tilespmem:s26+$0x9400] =	vst v21  }
0x2fd: {  	v21 =	vld [tilespmem:s22+$0x1410];
	_ =	sdelay $0x4  }
0x2fe: {  	[tilespmem:s26+$0x9410] =	vst v21  }
0x2ff: {  	v21 =	vld [tilespmem:s22+$0x1420];
	_ =	sdelay $0x4  }
0x300: {  	[tilespmem:s26+$0x9420] =	vst v21  }
0x301: {  	v21 =	vld [tilespmem:s22+$0x1430];
	_ =	sdelay $0x4  }
0x302: {  	[tilespmem:s26+$0x9430] =	vst v21  }
0x303: {  	v21 =	vld [tilespmem:s22+$0x1440];
	_ =	sdelay $0x4  }
0x304: {  	[tilespmem:s26+$0x9440] =	vst v21  }
0x305: {  	v21 =	vld [tilespmem:s22+$0x1450];
	_ =	sdelay $0x4  }
0x306: {  	[tilespmem:s26+$0x9450] =	vst v21  }
0x307: {  	v21 =	vld [tilespmem:s22+$0x1460];
	_ =	sdelay $0x4  }
0x308: {  	[tilespmem:s26+$0x9460] =	vst v21  }
0x309: {  	v21 =	vld [tilespmem:s22+$0x1470];
	_ =	sdelay $0x4  }
0x30a: {  	[tilespmem:s26+$0x9470] =	vst v21  }
0x30b: {  	v21 =	vld [tilespmem:s20+$0x5C70]  }
0x30c: {  	v22 =	vld [tilespmem:s20+$0x5C40]  }
0x30d: {  	v23 =	vld [tilespmem:s20+$0x5C50]  }
0x30e: {  	v55 =	vld [tilespmem:s20+$0x5C60]  }
0x30f: {  	v56 =	vld [tilespmem:s20+$0x5C30]  }
0x310: {  	v57 =	vld [tilespmem:s20+$0x5C10];
	[tilespmem:s20+$0x15C70] =	vst v21  }
0x311: {  	v21 =	vld [tilespmem:s20+$0x5C00];
	[tilespmem:s20+$0x15C40] =	vst v22  }
0x312: {  	v22 =	vld [tilespmem:s20+$0x5C20];
	[tilespmem:s20+$0x15C50] =	vst v23  }
0x313: {  	[tilespmem:s20+$0x15C60] =	vst v55  }
0x314: {  	[tilespmem:s20+$0x15C30] =	vst v56  }
0x315: {  	[tilespmem:s20+$0x15C10] =	vst v57  }
0x316: {  	[tilespmem:s20+$0x15C00] =	vst v21  }
0x317: {  	s24 =	sor.u32 $0x4C00, s21;
	[tilespmem:s20+$0x15C20] =	vst v22  }
0x318: {  	v21 =	vld [tilespmem:s24+$0x1400];
	_ =	sdelay $0x3  }
0x319: {  	s26 =	sor.u32 $0xCC00, s21  }
0x31a: {  	[tilespmem:s26+$0x9400] =	vst v21  }
0x31b: {  	v21 =	vld [tilespmem:s24+$0x1410];
	_ =	sdelay $0x4  }
0x31c: {  	[tilespmem:s26+$0x9410] =	vst v21  }
0x31d: {  	v21 =	vld [tilespmem:s24+$0x1420];
	_ =	sdelay $0x4  }
0x31e: {  	[tilespmem:s26+$0x9420] =	vst v21  }
0x31f: {  	v21 =	vld [tilespmem:s24+$0x1430];
	_ =	sdelay $0x4  }
0x320: {  	[tilespmem:s26+$0x9430] =	vst v21  }
0x321: {  	v21 =	vld [tilespmem:s24+$0x1440];
	_ =	sdelay $0x4  }
0x322: {  	[tilespmem:s26+$0x9440] =	vst v21  }
0x323: {  	v21 =	vld [tilespmem:s24+$0x1450];
	_ =	sdelay $0x4  }
0x324: {  	[tilespmem:s26+$0x9450] =	vst v21  }
0x325: {  	v21 =	vld [tilespmem:s24+$0x1460];
	_ =	sdelay $0x4  }
0x326: {  	[tilespmem:s26+$0x9460] =	vst v21  }
0x327: {  	v21 =	vld [tilespmem:s24+$0x1470];
	_ =	sdelay $0x4  }
0x328: {  	[tilespmem:s26+$0x9470] =	vst v21  }
0x329: {  	v21 =	vld [tilespmem:s20+$0x6470]  }
0x32a: {  	v22 =	vld [tilespmem:s20+$0x6410]  }
0x32b: {  	v23 =	vld [tilespmem:s20+$0x6430]  }
0x32c: {  	v58 =	vld [tilespmem:s20+$0x6450]  }
0x32d: {  	v59 =	vld [tilespmem:s20+$0x6460]  }
0x32e: {  	v60 =	vld [tilespmem:s20+$0x6440];
	[tilespmem:s20+$0x16470] =	vst v21  }
0x32f: {  	[tilespmem:s20+$0x16410] =	vst v22;
	v21 =	vld [tilespmem:s20+$0x6420]  }
0x330: {  	v22 =	vld [tilespmem:s20+$0x6400];
	[tilespmem:s20+$0x16430] =	vst v23  }
0x331: {  	[tilespmem:s20+$0x16450] =	vst v58  }
0x332: {  	[tilespmem:s20+$0x16460] =	vst v59  }
0x333: {  	[tilespmem:s20+$0x16440] =	vst v60  }
0x334: {  	[tilespmem:s20+$0x16420] =	vst v21  }
0x335: {  	s24 =	sor.u32 $0x5400, s21;
	[tilespmem:s20+$0x16400] =	vst v22  }
0x336: {  	v21 =	vld [tilespmem:s24+$0x1400];
	_ =	sdelay $0x3  }
0x337: {  	s21 =	sor.u32 $0xD400, s21  }
0x338: {  	[tilespmem:s21+$0x9400] =	vst v21  }
0x339: {  	v21 =	vld [tilespmem:s24+$0x1410];
	_ =	sdelay $0x4  }
0x33a: {  	[tilespmem:s21+$0x9410] =	vst v21  }
0x33b: {  	v21 =	vld [tilespmem:s24+$0x1420];
	_ =	sdelay $0x4  }
0x33c: {  	[tilespmem:s21+$0x9420] =	vst v21  }
0x33d: {  	v21 =	vld [tilespmem:s24+$0x1430];
	_ =	sdelay $0x4  }
0x33e: {  	[tilespmem:s21+$0x9430] =	vst v21  }
0x33f: {  	v21 =	vld [tilespmem:s24+$0x1440];
	_ =	sdelay $0x4  }
0x340: {  	[tilespmem:s21+$0x9440] =	vst v21  }
0x341: {  	v21 =	vld [tilespmem:s24+$0x1450];
	_ =	sdelay $0x4  }
0x342: {  	[tilespmem:s21+$0x9450] =	vst v21  }
0x343: {  	v21 =	vld [tilespmem:s24+$0x1460];
	_ =	sdelay $0x4  }
0x344: {  	[tilespmem:s21+$0x9460] =	vst v21  }
0x345: {  	v21 =	vld [tilespmem:s24+$0x1470];
	_ =	sdelay $0x4  }
0x346: {  	[tilespmem:s21+$0x9470] =	vst v21  }
0x347: {  	v21 =	vld [tilespmem:s20+$0x6C00]  }
0x348: {  	v22 =	vld [tilespmem:s20+$0x6C10]  }
0x349: {  	v23 =	vld [tilespmem:s20+$0x6C60]  }
0x34a: {  	v61 =	vld [tilespmem:s20+$0x6C40]  }
0x34b: {  	v62 =	vld [tilespmem:s20+$0x6C70]  }
0x34c: {  	v63 =	vld [tilespmem:s20+$0x6C20];
	[tilespmem:s20+$0x16C00] =	vst v21  }
0x34d: {  	v21 =	vld [tilespmem:s20+$0x6C50];
	[tilespmem:s20+$0x16C10] =	vst v22  }
0x34e: {  	v22 =	vld [tilespmem:s20+$0x6C30];
	[tilespmem:s20+$0x16C60] =	vst v23  }
0x34f: {  	[tilespmem:s20+$0x16C40] =	vst v61  }
0x350: {  	[tilespmem:s20+$0x16C70] =	vst v62  }
0x351: {  	[tilespmem:s20+$0x16C20] =	vst v63  }
0x352: {  	s26 =	sor.u32 s19, s19;
	[tilespmem:s20+$0x16C50] =	vst v21  }
0x353: {  	s22 =	sor.u32 $0x5C00, s26;
	[tilespmem:s20+$0x16C30] =	vst v22  }
0x354: {  	v21 =	vld [tilespmem:s22+$0x1400];
	_ =	sdelay $0x3  }
0x355: {  	s23 =	sor.u32 $0xDC00, s26  }
0x356: {  	[tilespmem:s23+$0x9400] =	vst v21  }
0x357: {  	s20 =	simm.s32 $0x400;
	v21 =	vld [tilespmem:s22+$0x1410]  }
.LBB2_9:
0x358: {  	p1 =	sne.s32 s20, $0x3C00  }
0x359: {  	s19 =	sadd.s32 $0x80, s19;
	s21 =	smov.u32 s20;
	s20 =	sadd.s32 $0x400, s20  }
0x35a: {  	_ =	sdelay $0x2  }
0x35b: {  	[tilespmem:s23+$0x9410] =	vst v21  }
0x35c: {  	v21 =	vld [tilespmem:s22+$0x1420];
	_ =	sdelay $0x4  }
0x35d: {  	[tilespmem:s23+$0x9420] =	vst v21  }
0x35e: {  	v21 =	vld [tilespmem:s22+$0x1430];
	_ =	sdelay $0x4  }
0x35f: {  	[tilespmem:s23+$0x9430] =	vst v21  }
0x360: {  	v21 =	vld [tilespmem:s22+$0x1440];
	_ =	sdelay $0x4  }
0x361: {  	[tilespmem:s23+$0x9440] =	vst v21  }
0x362: {  	v21 =	vld [tilespmem:s22+$0x1450];
	_ =	sdelay $0x3  }
0x363: {  	s24 =	sand.u32 $0x380, s19;
	s22 =	sand.u32 $0x2000, s21  }
0x364: {  	s22 =	sor.u32 s24, s22;
	[tilespmem:s23+$0x9450] =	vst v21  }
0x365: {  	v21 =	vld [tilespmem:s22+$0x5470]  }
0x366: {  	v22 =	vld [tilespmem:s22+$0x5460]  }
0x367: {  	v23 =	vld [tilespmem:s22+$0x5440]  }
0x368: {  	v24 =	vld [tilespmem:s22+$0x5410]  }
0x369: {  	v25 =	vld [tilespmem:s22+$0x5420]  }
0x36a: {  	v26 =	vld [tilespmem:s22+$0x5430];
	[tilespmem:s22+$0x15470] =	vst v21  }
0x36b: {  	v21 =	vld [tilespmem:s22+$0x5450];
	[tilespmem:s22+$0x15460] =	vst v22  }
0x36c: {  	v22 =	vld [tilespmem:s22+$0x5400];
	[tilespmem:s22+$0x15440] =	vst v23  }
0x36d: {  	[tilespmem:s22+$0x15410] =	vst v24  }
0x36e: {  	[tilespmem:s22+$0x15420] =	vst v25  }
0x36f: {  	s23 =	sand.u32 $0xFFFFE000, s21;
	[tilespmem:s22+$0x15430] =	vst v26  }
0x370: {  	s23 =	sadd.s32 s23, s19;
	[tilespmem:s22+$0x15450] =	vst v21  }
0x371: {  	s24 =	sor.u32 $0x4400, s23;
	[tilespmem:s22+$0x15400] =	vst v22  }
0x372: {  	v21 =	vld [tilespmem:s24+$0x1400];
	_ =	sdelay $0x3  }
0x373: {  	s26 =	sor.u32 $0xC400, s23  }
0x374: {  	[tilespmem:s26+$0x9400] =	vst v21  }
0x375: {  	v21 =	vld [tilespmem:s24+$0x1410];
	_ =	sdelay $0x4  }
0x376: {  	[tilespmem:s26+$0x9410] =	vst v21  }
0x377: {  	v21 =	vld [tilespmem:s24+$0x1420];
	_ =	sdelay $0x4  }
0x378: {  	[tilespmem:s26+$0x9420] =	vst v21  }
0x379: {  	v21 =	vld [tilespmem:s24+$0x1430];
	_ =	sdelay $0x4  }
0x37a: {  	[tilespmem:s26+$0x9430] =	vst v21  }
0x37b: {  	v21 =	vld [tilespmem:s24+$0x1440];
	_ =	sdelay $0x4  }
0x37c: {  	[tilespmem:s26+$0x9440] =	vst v21  }
0x37d: {  	v21 =	vld [tilespmem:s24+$0x1450];
	_ =	sdelay $0x4  }
0x37e: {  	[tilespmem:s26+$0x9450] =	vst v21  }
0x37f: {  	v21 =	vld [tilespmem:s24+$0x1460];
	_ =	sdelay $0x4  }
0x380: {  	[tilespmem:s26+$0x9460] =	vst v21  }
0x381: {  	v21 =	vld [tilespmem:s24+$0x1470];
	_ =	sdelay $0x4  }
0x382: {  	[tilespmem:s26+$0x9470] =	vst v21  }
0x383: {  	v21 =	vld [tilespmem:s22+$0x5C70]  }
0x384: {  	v22 =	vld [tilespmem:s22+$0x5C40]  }
0x385: {  	v23 =	vld [tilespmem:s22+$0x5C50]  }
0x386: {  	v24 =	vld [tilespmem:s22+$0x5C60]  }
0x387: {  	v25 =	vld [tilespmem:s22+$0x5C30]  }
0x388: {  	v26 =	vld [tilespmem:s22+$0x5C10];
	[tilespmem:s22+$0x15C70] =	vst v21  }
0x389: {  	v21 =	vld [tilespmem:s22+$0x5C00];
	[tilespmem:s22+$0x15C40] =	vst v22  }
0x38a: {  	v22 =	vld [tilespmem:s22+$0x5C20];
	[tilespmem:s22+$0x15C50] =	vst v23  }
0x38b: {  	[tilespmem:s22+$0x15C60] =	vst v24  }
0x38c: {  	[tilespmem:s22+$0x15C30] =	vst v25  }
0x38d: {  	[tilespmem:s22+$0x15C10] =	vst v26  }
0x38e: {  	[tilespmem:s22+$0x15C00] =	vst v21  }
0x38f: {  	s24 =	sor.u32 $0x4C00, s23;
	[tilespmem:s22+$0x15C20] =	vst v22  }
0x390: {  	v21 =	vld [tilespmem:s24+$0x1400];
	_ =	sdelay $0x3  }
0x391: {  	s26 =	sor.u32 $0xCC00, s23  }
0x392: {  	[tilespmem:s26+$0x9400] =	vst v21  }
0x393: {  	v21 =	vld [tilespmem:s24+$0x1410];
	_ =	sdelay $0x4  }
0x394: {  	[tilespmem:s26+$0x9410] =	vst v21  }
0x395: {  	v21 =	vld [tilespmem:s24+$0x1420];
	_ =	sdelay $0x4  }
0x396: {  	[tilespmem:s26+$0x9420] =	vst v21  }
0x397: {  	v21 =	vld [tilespmem:s24+$0x1430];
	_ =	sdelay $0x4  }
0x398: {  	[tilespmem:s26+$0x9430] =	vst v21  }
0x399: {  	v21 =	vld [tilespmem:s24+$0x1440];
	_ =	sdelay $0x4  }
0x39a: {  	[tilespmem:s26+$0x9440] =	vst v21  }
0x39b: {  	v21 =	vld [tilespmem:s24+$0x1450];
	_ =	sdelay $0x4  }
0x39c: {  	[tilespmem:s26+$0x9450] =	vst v21  }
0x39d: {  	v21 =	vld [tilespmem:s24+$0x1460];
	_ =	sdelay $0x4  }
0x39e: {  	[tilespmem:s26+$0x9460] =	vst v21  }
0x39f: {  	v21 =	vld [tilespmem:s24+$0x1470];
	_ =	sdelay $0x4  }
0x3a0: {  	[tilespmem:s26+$0x9470] =	vst v21  }
0x3a1: {  	v21 =	vld [tilespmem:s22+$0x6470]  }
0x3a2: {  	v22 =	vld [tilespmem:s22+$0x6410]  }
0x3a3: {  	v23 =	vld [tilespmem:s22+$0x6430]  }
0x3a4: {  	v24 =	vld [tilespmem:s22+$0x6450]  }
0x3a5: {  	v25 =	vld [tilespmem:s22+$0x6460]  }
0x3a6: {  	v26 =	vld [tilespmem:s22+$0x6440];
	[tilespmem:s22+$0x16470] =	vst v21  }
0x3a7: {  	[tilespmem:s22+$0x16410] =	vst v22;
	v21 =	vld [tilespmem:s22+$0x6420]  }
0x3a8: {  	v22 =	vld [tilespmem:s22+$0x6400];
	[tilespmem:s22+$0x16430] =	vst v23  }
0x3a9: {  	[tilespmem:s22+$0x16450] =	vst v24  }
0x3aa: {  	[tilespmem:s22+$0x16460] =	vst v25  }
0x3ab: {  	[tilespmem:s22+$0x16440] =	vst v26  }
0x3ac: {  	[tilespmem:s22+$0x16420] =	vst v21  }
0x3ad: {  	s24 =	sor.u32 $0x5400, s23;
	[tilespmem:s22+$0x16400] =	vst v22  }
0x3ae: {  	v21 =	vld [tilespmem:s24+$0x1400];
	_ =	sdelay $0x3  }
0x3af: {  	s23 =	sor.u32 $0xD400, s23  }
0x3b0: {  	[tilespmem:s23+$0x9400] =	vst v21  }
0x3b1: {  	v21 =	vld [tilespmem:s24+$0x1410];
	_ =	sdelay $0x4  }
0x3b2: {  	[tilespmem:s23+$0x9410] =	vst v21  }
0x3b3: {  	v21 =	vld [tilespmem:s24+$0x1420];
	_ =	sdelay $0x4  }
0x3b4: {  	[tilespmem:s23+$0x9420] =	vst v21  }
0x3b5: {  	v21 =	vld [tilespmem:s24+$0x1430];
	_ =	sdelay $0x4  }
0x3b6: {  	[tilespmem:s23+$0x9430] =	vst v21  }
0x3b7: {  	v21 =	vld [tilespmem:s24+$0x1440];
	_ =	sdelay $0x4  }
0x3b8: {  	[tilespmem:s23+$0x9440] =	vst v21  }
0x3b9: {  	v21 =	vld [tilespmem:s24+$0x1450];
	_ =	sdelay $0x4  }
0x3ba: {  	[tilespmem:s23+$0x9450] =	vst v21  }
0x3bb: {  	v21 =	vld [tilespmem:s24+$0x1460];
	_ =	sdelay $0x4  }
0x3bc: {  	[tilespmem:s23+$0x9460] =	vst v21  }
0x3bd: {  	v21 =	vld [tilespmem:s24+$0x1470];
	_ =	sdelay $0x4  }
0x3be: {  	[tilespmem:s23+$0x9470] =	vst v21  }
0x3bf: {  	v21 =	vld [tilespmem:s22+$0x6C00]  }
0x3c0: {  	v22 =	vld [tilespmem:s22+$0x6C10]  }
0x3c1: {  	v23 =	vld [tilespmem:s22+$0x6C60]  }
0x3c2: {  	v24 =	vld [tilespmem:s22+$0x6C40]  }
0x3c3: {  	v25 =	vld [tilespmem:s22+$0x6C70]  }
0x3c4: {  	[tilespmem:s22+$0x16C00] =	vst v21;
	v21 =	vld [tilespmem:s22+$0x6C50]  }
0x3c5: {  	[tilespmem:s22+$0x16C10] =	vst v22;
	v22 =	vld [tilespmem:s22+$0x6C30]  }
0x3c6: {  	v26 =	vld [tilespmem:s22+$0x6C20];
	[tilespmem:s22+$0x16C60] =	vst v23  }
0x3c7: {  	[tilespmem:s22+$0x16C40] =	vst v24  }
0x3c8: {  	[tilespmem:s22+$0x16C70] =	vst v25  }
0x3c9: {  	[tilespmem:s22+$0x16C50] =	vst v21  }
0x3ca: {  	s21 =	sor.u32 s19, s21;
	[tilespmem:s22+$0x16C30] =	vst v22  }
0x3cb: {  	[tilespmem:s22+$0x16C20] =	vst v26;
	s22 =	sor.u32 $0x5C00, s21  }
0x3cc: {  	v21 =	vld [tilespmem:s22+$0x1400];
	_ =	sdelay $0x1  }
.Ltmp3:
0x3cd: {  	(pc) =	sbr.rel @p1 .LBB2_9-.Ltmp3, $4  }
0x3ce: {  	_ = 	snop  }
0x3cf: {  	s23 =	sor.u32 $0xDC00, s21  }
0x3d0: {  	[tilespmem:s23+$0x9400] =	vst v21  }
0x3d1: {  	v21 =	vld [tilespmem:s22+$0x1410]  }
0x3d2: {  	_ =	sdelay $0x3  }
0x3d3: {  	[tilespmem:s23+$0x9410] =	vst v21  }
0x3d4: {  	v21 =	vld [tilespmem:s22+$0x1420];
	_ =	sdelay $0x4  }
0x3d5: {  	[tilespmem:s23+$0x9420] =	vst v21  }
0x3d6: {  	v21 =	vld [tilespmem:s22+$0x1430];
	_ =	sdelay $0x4  }
0x3d7: {  	[tilespmem:s23+$0x9430] =	vst v21  }
0x3d8: {  	v21 =	vld [tilespmem:s22+$0x1440];
	_ =	sdelay $0x4  }
0x3d9: {  	[tilespmem:s23+$0x9440] =	vst v21  }
0x3da: {  	v21 =	vld [tilespmem:s22+$0x1450];
	_ =	sdelay $0x4  }
0x3db: {  	[tilespmem:s23+$0x9450] =	vst v21  }
0x3dc: {  	v21 =	vld.idx.msk [tilespmem:v4+s25+$0x0], $0xffff;
	_ =	sdelay $0x4  }
0x3dd: {  	[tilespmem:v13+s7+$0x0] =	vst.idx.msk $0xffff, v21  }
0x3de: {  	v21 =	vld.idx.msk [tilespmem:v5+s25+$0x0], $0xffff;
	_ =	sdelay $0x4  }
0x3df: {  	[tilespmem:v14+s7+$0x0] =	vst.idx.msk $0xffff, v21  }
0x3e0: {  	v21 =	vld.idx.msk [tilespmem:v6+s25+$0x0], $0xffff;
	_ =	sdelay $0x4  }
0x3e1: {  	[tilespmem:v15+s7+$0x0] =	vst.idx.msk $0xffff, v21  }
0x3e2: {  	v21 =	vld.idx.msk [tilespmem:v7+s25+$0x0], $0xffff;
	_ =	sdelay $0x4  }
0x3e3: {  	[tilespmem:v16+s7+$0x0] =	vst.idx.msk $0xffff, v21  }
0x3e4: {  	v21 =	vld.idx.msk [tilespmem:v8+s25+$0x0], $0xffff;
	_ =	sdelay $0x4  }
0x3e5: {  	[tilespmem:v17+s7+$0x0] =	vst.idx.msk $0xffff, v21  }
0x3e6: {  	v21 =	vld.idx.msk [tilespmem:v9+s25+$0x0], $0xffff;
	_ =	sdelay $0x4  }
0x3e7: {  	[tilespmem:v18+s7+$0x0] =	vst.idx.msk $0xffff, v21  }
0x3e8: {  	v21 =	vld.idx.msk [tilespmem:v10+s25+$0x0], $0xffff;
	_ =	sdelay $0x4  }
0x3e9: {  	[tilespmem:v19+s7+$0x0] =	vst.idx.msk $0xffff, v21  }
0x3ea: {  	v21 =	vld.idx.msk [tilespmem:v11+s25+$0x0], $0xffff;
	_ =	sdelay $0x4  }
0x3eb: {  	s19 =	sor.u32 $0x810, s12;
	[tilespmem:v20+s7+$0x0] =	vst.idx.msk $0xffff, v21  }
0x3ec: {  	v21 =	vld [tilespmem:s19+$0x0];
	_ =	sdelay $0x2  }
0x3ed: {  	s24 =	sor.u32 $0x10, s12  }
0x3ee: {  	v23 =	vld [tilespmem:s24+$0x0]  }
0x3ef: {  	v22 =	vshll.u32 v21, $0x3  }
0x3f0: {  	v21 =	vand.u32 $0x7F, v21;
	v22 =	vand.u32 $0xFFFFFC00, v22  }
0x3f1: {  	v21 =	vor.u32 v21, v22  }
0x3f2: {  	v21 =	vadd.s32 v12, v21;
	_ =	sdelay $0x3  }
0x3f3: {  	v22 =	vld.idx.msk [tilespmem:v23+s16+$0x0], $0xffff  }
0x3f4: {  	v21 =	vld.idx.msk [tilespmem:v21+s25+$0x0], $0xffff;
	_ =	sdelay $0x1  }
0x3f5: {  	v23 =	vld [tilespmem:$0x19400];
	_ =	sdelay $0x2  }
0x3f6: {  	v21 =	vsub.f32 v21, v22;
	_ =	sdelay $0x1  }
0x3f7: {  	v21 =	vadd.f32 v21, v23  }
0x3f8: {  	s12 =	sadd.s32 @!p0 $0x30, s18  }
0x3f9: {  	s12 =	sand.u32 @!p0 $0xFD0, s12;
	[tilespmem:$0x19400] =	vst v21  }
0x3fa: {  	v21 =	vld @!p0 [tilespmem:s12+$0x0];
	_ =	sdelay $0x4  }
0x3fb: {  	v22 =	vshll.u32 @!p0 v21, $0x3  }
0x3fc: {  	v23 =	vlaneseq.u32 @!p0;
	v21 =	vand.u32 @!p0 $0x7, v21;
	v22 =	vand.u32 @!p0 $0xFFFFFFC0, v22  }
0x3fd: {  	v24 =	vshrl.u32 @!p0 v23, $0x3;
	v21 =	vor.u32 @!p0 v21, v22;
	v22 =	vand.u32 @!p0 $0x7, v23  }
0x3fe: {  	v24 =	vmul.u32 @!p0 $0x8, v24;
	v22 =	vperm.xlane @!p0 v21, v22;
	_ =	sdelay $0x1  }
0x3ff: {  	v22 =	vadd.s32 @!p0 v24, v22;
	_ =	sdelay $0x3  }
0x400: {  	s18 =	simm.s32 @!p0 $0x5400;
	s12 =	simm.s32 @!p0 $0x0  }
0x401: {  	v23 =	vor.u32 @!p0 $0x8, v23;
	[tilespmem:s18], [sflag:$0x2] =	stream.indirect_vreg.gather @!p0 [hbm4b:s0+s12], $0x80, v22, vm1, $0xb8;
	[tilespmem:$0x19480] =	vst v63  }
0x402: {  	v21 =	vperm.xlane @!p0 v21, v23;
	s18 =	simm.s32 @!p0 $0x5C00  }
0x403: {  	[tilespmem:s18], [sflag:$0x2] =	stream.indirect_vreg.gather @!p0 [hbm4b:s8+s12], $0x80, v22, vm1, $0xb8;
	[tilespmem:$0x19480] =	vst v63  }
0x404: {  	v21 =	vadd.s32 @!p0 v24, v21;
	s18 =	simm.s32 @!p0 $0x6400  }
0x405: {  	[tilespmem:s18], [sflag:$0x2] =	stream.indirect_vreg.gather @!p0 [hbm4b:s9+s12], $0x80, v22, vm1, $0xb8;
	[tilespmem:$0x19480] =	vst v63  }
0x406: {  	s18 =	simm.s32 @!p0 $0x6C00  }
0x407: {  	[tilespmem:s18], [sflag:$0x2] =	stream.indirect_vreg.gather @!p0 [hbm4b:s10+s12], $0x80, v22, vm1, $0xb8;
	[tilespmem:$0x19480] =	vst v63  }
0x408: {  	s18 =	simm.s32 @!p0 $0x7400  }
0x409: {  	[tilespmem:s18], [sflag:$0x2] =	stream.indirect_vreg.gather @!p0 [hbm4b:s0+s12], $0x80, v21, vm1, $0xb8;
	[tilespmem:$0x19480] =	vst v63  }
0x40a: {  	s18 =	simm.s32 @!p0 $0x7C00  }
0x40b: {  	[tilespmem:s18], [sflag:$0x2] =	stream.indirect_vreg.gather @!p0 [hbm4b:s8+s12], $0x80, v21, vm1, $0xb8;
	[tilespmem:$0x19480] =	vst v63  }
0x40c: {  	s18 =	simm.s32 @!p0 $0x8400  }
0x40d: {  	[tilespmem:s18], [sflag:$0x2] =	stream.indirect_vreg.gather @!p0 [hbm4b:s9+s12], $0x80, v21, vm1, $0xb8;
	[tilespmem:$0x19480] =	vst v63  }
0x40e: {  	s13 =	sadd.s32 $0x1, s13;
	s18 =	simm.s32 @!p0 $0x8C00  }
0x40f: {  	[tilespmem:s18], [sflag:$0x2] =	stream.indirect_vreg.gather @!p0 [hbm4b:s10+s12], $0x80, v21, vm1, $0xb8;
	[tilespmem:$0x19480] =	vst v63  }
0x410: {  	p0 =	sne.s32 s13, $0x19  }
.Ltmp4:
0x411: {  	s26 =	sshll.u32 s14, $0xF;
	(pc) =	sbr.rel @p0 .LBB2_2-.Ltmp4, $4  }
0x412: {  	s12 =	sadd.s32 s11, s26  }
0x413: {  	s12 =	sshrl.u32 s12, $0x3  }
0x414: {  	s12 =	sadd.s32 s5, s12  }
0x415: {  	[hbm4b:s12+s3] =	stream.linear.scatter [tilespmem:s7], [sflag:$0x4], $0x8000, $0x38;
	[tilespmem:$0x19480] =	vst v63  }
0x416: {  	s12 =	simm.s32 $0x3  }
0x417: {  	_ =	swait.ge [sflag:s12], $0x8000  }
0x418: {  	[sflag:s12] =	ssyncset.done $0x0  }
0x419: {  	s23 =	simm.s32 $0x4;
	[sflag:s12] =	ssyncadd.s32 $0xFFFF8000  }
0x41a: {  	_ =	swait.ge [sflag:s23], $0x8000  }
0x41b: {  	[sflag:s23] =	ssyncset.done $0x0  }
0x41c: {  	s13 =	simm.s32 $0x19400;
	s24 =	rddreg [dreg:$0x6];
	[sflag:s23] =	ssyncadd.s32 $0xFFFF8000  }
0x41d: {  	[hbm4b:s24+s3] =	stream.linear.scatter [tilespmem:s13], [sflag:$0x5], $0x80, $0x38;
	[tilespmem:$0x19480] =	vst v63  }
0x41e: {  	s13 =	simm.s32 $0x5  }
0x41f: {  	_ =	swait.ge [sflag:s13], $0x80  }
0x420: {  	s14 =	rddreg [dreg:$0x8]  }
0x421: {  	s26 =	rddreg [dreg:$0x7];
	s14 =	sadd.s32 $0x1, s14  }
0x422: {  	p0 =	sne.s32 s14, s26  }
.Ltmp5:
0x423: {  	_ = 	snop;
	(pc) =	sbr.rel @p0 .LBB2_1-.Ltmp5, $3  }
0x424: {  	_ =	sdelay $0x1  }
0x425: {  	[sflag:s13] =	ssyncset.done $0x0  }
0x426: {  	[sflag:s13] =	ssyncadd.s32 $0xFFFFFF80  }
0x427: {  	_ =	sfence.sel $0x180000  }
0x428: {  	[bflag:$0x0] =	sbarrier.arrive $0xFFFF  }
0x429: {  	_ =	strace $0x90000047  }
0x42a: {  	s0 =	stileid.u32;
	[bflag:$0x2] =	sbarrier.arrive $0xFFFF  }
0x42b: {  	p0 =	sne.s32 s0, $0x0;
	s0 =	rddreg [dreg:$0x2]  }
0x42c: {  	s0 =	sadd.s32 @!p0 $0x100000, s0  }
0x42d: {  	[sflag:s0] =	ssyncadd.tile.s32 @!p0 $0x1;
	_ =	shalt  }
.Lfunc_end2:
_tile_overlayer_lowered:
.L_overlay_start_2:
0x42e: {  	(tag) =	ssettag $0x2  }
0x42f: {  	s0 =	rddreg [dreg:$0x0];
	s2 =	stileid.u32  }
0x430: {  	s1 =	rddreg [dreg:$0x1];
	p0 =	sne.s32 s2, $0x0  }
0x431: {  	s3 =	rddreg [dreg:$0x2];
	[bflag:$0x3] =	sbarrier.arrive $0xFFFF;
	s2 =	simm.s32 @!p0 $0x1C05  }
0x432: {  	[timem:s3], [sflag:s2] =	dma.local @!p0 [hbm:s0], s1  }
0x433: {  	s0 =	simm.s32 @!p0 $0x5  }
0x434: {  	_ =	swait.ge @!p0 [sflag:s0], s1  }
0x435: {  	s1 =	ssub.s32 @!p0 $0x0, s1;
	[sflag:s0] =	ssyncset.done @!p0 $0x0  }
0x436: {  	[sflag:s0] =	ssyncadd.s32 @!p0 s1  }
0x437: {  	[bflag:$0x3] =	sbarrier.arrive $0xFFFF  }
0x438: {  	_ =	shalt  }

</sc_bundles>
